<compile_context>
chip_gen: v7x
topology: tpu7x:2x2x1
jax: 0.10.2.dev20260603
libtpu: 0.0.44.dev20260713+nightly
codegen_flags: <defaults>
</compile_context>

<pallas_src>
import functools
import math

import jax
import jax.numpy as jnp
from jax import lax
from jax.experimental import pallas as pl
from jax.experimental.pallas import tpu as pltpu
from jax.experimental.pallas import tpu_sc as plsc

VOCAB = 1000000
EMB_DIM = 64
SCALE = math.sqrt(EMB_DIM)

_NC = 2
_NS = 16
_NW = _NC * _NS

_B_TOTAL = 4096 * 200
_B_PER_W = _B_TOTAL // _NW
_CHUNK = 128
_N_CHUNKS = _B_PER_W // _CHUNK
_NBUF = 8
_LOOKAHEAD = 4
_SLICES = EMB_DIM // 16
_NI = 4096
_NJ = 200
_IBLK = _NI // 128


def _make_sc_gather():
    mesh = plsc.VectorSubcoreMesh(core_axis_name="c", subcore_axis_name="s")

    @functools.partial(
        pl.kernel,
        mesh=mesh,
        out_type=jax.ShapeDtypeStruct((_NI, _NJ, 128), jnp.float32),
        compiler_params=pltpu.CompilerParams(use_tc_tiling_on_sc=False),
        scratch_types=[
            pltpu.VMEM((_N_CHUNKS, _CHUNK), jnp.int32),
            pltpu.VMEM((_NBUF, _CHUNK, EMB_DIM), jnp.float32),
        ]
        + [pltpu.SemaphoreType.DMA] * _NBUF
        + [pltpu.SemaphoreType.DMA] * _NBUF,
    )
    def k(idx_hbm, table_hbm, out_hbm, idx_v, rows_v, *sems):
        gsem = sems[:_NBUF]
        ssem = sems[_NBUF:]
        wid = lax.axis_index("s") * _NC + lax.axis_index("c")
        base = wid * _B_PER_W

        pltpu.sync_copy(idx_hbm.at[pl.ds(wid * _N_CHUNKS, _N_CHUNKS)], idx_v)

        def fire_gather(g, b):
            pltpu.async_copy(table_hbm.at[idx_v.at[g]], rows_v.at[b], gsem[b])

        def wait_gather(g, b):
            pltpu.make_async_copy(
                table_hbm.at[idx_v.at[g]], rows_v.at[b], gsem[b]
            ).wait()

        def _dst(g):
            r = wid * _N_CHUNKS + g
            blkk = r // 8
            jr = r % 8
            jt = blkk // _IBLK
            ib = blkk % _IBLK
            j = jt * 8 + jr
            return out_hbm.at[pl.ds(ib * _CHUNK, _CHUNK), j, pl.ds(0, EMB_DIM)]

        def fire_scatter(g, b):
            pltpu.async_copy(rows_v.at[b], _dst(g), ssem[b])

        def wait_scatter(g, b):
            pltpu.make_async_copy(rows_v.at[b], _dst(g), ssem[b]).wait()

        for b in range(_LOOKAHEAD):
            fire_gather(b, b)

        @pl.loop(0, _N_CHUNKS, step=_NBUF)
        def ring(G):
            for b in range(_NBUF):
                g = G + b
                wait_gather(g, b)

                @pl.loop(0, _CHUNK, unroll=4)
                def scale(r):
                    for j in range(_SLICES):
                        rows_v[b, r, pl.ds(j * 16, 16)] = (
                            rows_v[b, r, pl.ds(j * 16, 16)] * SCALE
                        )

                fire_scatter(g, b)

                bf = (b + _LOOKAHEAD) % _NBUF
                gf = g + _LOOKAHEAD

                @pl.when(gf < _N_CHUNKS)
                def _():
                    @pl.when(gf >= _NBUF)
                    def _():
                        wait_scatter(gf - _NBUF, bf)

                    fire_gather(gf, bf)

        for b in range(_NBUF):
            wait_scatter(_N_CHUNKS - _NBUF + b, b)

    return k


_sc_gather = _make_sc_gather()


def kernel(x, table):
    idx = (
        x.T.reshape(_NJ // 8, 8, _IBLK, _CHUNK)
        .transpose(0, 2, 1, 3)
        .reshape(_B_TOTAL // _CHUNK, _CHUNK)
        .astype(jnp.int32)
    )
    out = _sc_gather(idx, table)
    return out[:, :, :EMB_DIM]

# --- scband reference (transcript-rebuilt; emitter-appended) ---
"""Pipeline reference for scband-embeddings-33097017983194 (READ-ONLY COPY).

The authoritative reference and input builder live on the scoring server;
editing this copy changes nothing except your own understanding.
"""

import jax, jax.numpy as jnp
import numpy as np
import math

VOCAB = 1000000
EMB_DIM = 64
PAD_IDX = 0

def setup_inputs(seed: int = 0) -> dict:
    key = jax.random.key(seed)
    k1, k2 = jax.random.split(key)
    x = jax.random.randint(k1, (4096, 200), 0, VOCAB, dtype=jnp.int64 if jax.config.jax_enable_x64 else jnp.int32)
    table = jax.random.normal(k2, (VOCAB, EMB_DIM), dtype=jnp.float32)
    # nn.Embedding(padding_idx=0) zero-initializes and keeps the pad row at zero
    table = table.at[PAD_IDX].set(0.0)
    return {"x": x, "table": table}

def reference(x, table):
    # Embeddings.forward: self.lut(x) * math.sqrt(self.emb_dim)
    emb = jnp.take(table, x, axis=0)
    return emb * math.sqrt(EMB_DIM)

if __name__ == "__main__":
    import jax
    _d = setup_inputs()
    print(jax.jit(kernel)(*tuple(_d.values())))

</pallas_src>

<mosaic_0001>
#map = affine_map<(d0, d1) -> (0, 0)>
#map1 = affine_map<(d0, d1) -> (0, 0, 0)>
module attributes {stable_mosaic.version = 14 : i64} {
  func.func @k(%arg0: i32, %arg1: i32, %arg2: memref<6400x128xi32, #tpu.memory_space<hbm>>, %arg3: memref<1000000x64xf32, #tpu.memory_space<hbm>>, %arg4: memref<4096x200x128xf32, #tpu.memory_space<hbm>>, %arg5: memref<200x128xi32, #tpu.memory_space<vmem>>, %arg6: memref<8x128x64xf32, #tpu.memory_space<vmem>>, %arg7: memref<!tpu.dma_semaphore, #tpu.memory_space<semaphore_mem>>, %arg8: memref<!tpu.dma_semaphore, #tpu.memory_space<semaphore_mem>>, %arg9: memref<!tpu.dma_semaphore, #tpu.memory_space<semaphore_mem>>, %arg10: memref<!tpu.dma_semaphore, #tpu.memory_space<semaphore_mem>>, %arg11: memref<!tpu.dma_semaphore, #tpu.memory_space<semaphore_mem>>, %arg12: memref<!tpu.dma_semaphore, #tpu.memory_space<semaphore_mem>>, %arg13: memref<!tpu.dma_semaphore, #tpu.memory_space<semaphore_mem>>, %arg14: memref<!tpu.dma_semaphore, #tpu.memory_space<semaphore_mem>>, %arg15: memref<!tpu.dma_semaphore, #tpu.memory_space<semaphore_mem>>, %arg16: memref<!tpu.dma_semaphore, #tpu.memory_space<semaphore_mem>>, %arg17: memref<!tpu.dma_semaphore, #tpu.memory_space<semaphore_mem>>, %arg18: memref<!tpu.dma_semaphore, #tpu.memory_space<semaphore_mem>>, %arg19: memref<!tpu.dma_semaphore, #tpu.memory_space<semaphore_mem>>, %arg20: memref<!tpu.dma_semaphore, #tpu.memory_space<semaphore_mem>>, %arg21: memref<!tpu.dma_semaphore, #tpu.memory_space<semaphore_mem>>, %arg22: memref<!tpu.dma_semaphore, #tpu.memory_space<semaphore_mem>>) attributes {dimension_semantics = [#tpu.dimension_semantics<core_parallel>, #tpu.dimension_semantics<subcore_parallel>], iteration_bounds = array<i64: 2, 16>, scalar_prefetch = 0 : i64, scratch_operands = 18 : i64, tpu.core_type = #tpu.core_type<sc_vector_subcore>, window_params = [{transform_indices = #map}, {transform_indices = #map}, {transform_indices = #map1}]} {
    %mul3A = arith.constant 2 : i32
    %mul3A_0 = arith.muli %arg1, %mul3A : i32
    %add3A = arith.addi %mul3A_0, %arg0 : i32
    %mul3A_1 = arith.constant 25600 : i32
    %mul3A_2 = arith.muli %add3A, %mul3A_1 : i32
    %mul3A_3 = arith.constant 200 : i32
    %mul3A_4 = arith.muli %add3A, %mul3A_3 : i32
    "tpu.region"() ({
      %run_scoped3A = tpu.sem_alloc : memref<!tpu.dma_semaphore, #tpu.memory_space<semaphore_mem>>
      %dma_start3A_877 = arith.constant 0 : i32
      %dma_start3A_878 = tpu.memref_slice %arg2[%mul3A_4, %dma_start3A_877] : memref<6400x128xi32, #tpu.memory_space<hbm>> -> memref<200x128xi32, #tpu.memory_space<hbm>>
      %dma_start3A_879 = arith.constant 0 : i32
      %dma_start3A_880 = tpu.memref_slice %arg2[%mul3A_4, %dma_start3A_879] : memref<6400x128xi32, #tpu.memory_space<hbm>> -> memref<200x128xi32, #tpu.memory_space<hbm>>
      tpu.enqueue_dma source(%dma_start3A_880 : memref<200x128xi32, #tpu.memory_space<hbm>>) target(%arg5 : memref<200x128xi32, #tpu.memory_space<vmem>>) target_semaphore(%run_scoped3A : memref<!tpu.dma_semaphore, #tpu.memory_space<semaphore_mem>>)
      %dma_wait3A_881 = arith.constant 0 : i32
      %dma_wait3A_882 = tpu.memref_slice %arg2[%mul3A_4, %dma_wait3A_881] : memref<6400x128xi32, #tpu.memory_space<hbm>> -> memref<200x128xi32, #tpu.memory_space<hbm>>
      %dma_wait3A_883 = arith.constant 0 : i32
      %dma_wait3A_884 = tpu.memref_slice %arg2[%mul3A_4, %dma_wait3A_883] : memref<6400x128xi32, #tpu.memory_space<hbm>> -> memref<200x128xi32, #tpu.memory_space<hbm>>
      tpu.wait_dma2 semaphore(%run_scoped3A : memref<!tpu.dma_semaphore, #tpu.memory_space<semaphore_mem>>) src(%dma_wait3A_884 : memref<200x128xi32, #tpu.memory_space<hbm>>) dst(%arg5 : memref<200x128xi32, #tpu.memory_space<vmem>>)
      tpu.yield
    }) : () -> ()
    %dma_start3A = arith.constant 0 : i32
    %dma_start3A_5 = arith.constant 0 : i32
    %dma_start3A_6 = arith.constant 0 : i32
    %dma_start3A_7 = arith.constant 0 : i32
    %dma_start3A_8 = tpu.memref_slice %arg6[%dma_start3A_5, %dma_start3A_6, %dma_start3A_7] : memref<8x128x64xf32, #tpu.memory_space<vmem>> -> memref<1x128x64xf32, #tpu.memory_space<vmem>>
    %dma_start3A_9 = tpu.memref_squeeze %dma_start3A_8 : memref<1x128x64xf32, #tpu.memory_space<vmem>> -> memref<128x64xf32, #tpu.memory_space<vmem>>
    %dma_start3A_10 = arith.constant 0 : i32
    %dma_start3A_11 = tpu.memref_slice %arg5[%dma_start3A, %dma_start3A_10] : memref<200x128xi32, #tpu.memory_space<vmem>> -> memref<1x128xi32, #tpu.memory_space<vmem>>
    %dma_start3A_12 = tpu.memref_squeeze %dma_start3A_11 : memref<1x128xi32, #tpu.memory_space<vmem>> -> memref<128xi32, #tpu.memory_space<vmem>>
    %dma_start3A_13 = arith.constant 0 : i32
    %dma_start3A_14 = arith.constant 0 : i32
    %dma_start3A_15 = tpu.memref_slice %arg3[%dma_start3A_13, %dma_start3A_14] : memref<1000000x64xf32, #tpu.memory_space<hbm>> -> memref<1000000x64xf32, #tpu.memory_space<hbm>>
    tpu.enqueue_indirect_dma source(%dma_start3A_15 : memref<1000000x64xf32, #tpu.memory_space<hbm>>) target(%dma_start3A_9 : memref<128x64xf32, #tpu.memory_space<vmem>>) offsets(%dma_start3A_12 : memref<128xi32, #tpu.memory_space<vmem>>) semaphore(%arg7 : memref<!tpu.dma_semaphore, #tpu.memory_space<semaphore_mem>>)
    %dma_start3A_16 = arith.constant 1 : i32
    %dma_start3A_17 = arith.constant 1 : i32
    %dma_start3A_18 = arith.constant 0 : i32
    %dma_start3A_19 = arith.constant 0 : i32
    %dma_start3A_20 = tpu.memref_slice %arg6[%dma_start3A_17, %dma_start3A_18, %dma_start3A_19] : memref<8x128x64xf32, #tpu.memory_space<vmem>> -> memref<1x128x64xf32, #tpu.memory_space<vmem>>
    %dma_start3A_21 = tpu.memref_squeeze %dma_start3A_20 : memref<1x128x64xf32, #tpu.memory_space<vmem>> -> memref<128x64xf32, #tpu.memory_space<vmem>>
    %dma_start3A_22 = arith.constant 0 : i32
    %dma_start3A_23 = tpu.memref_slice %arg5[%dma_start3A_16, %dma_start3A_22] : memref<200x128xi32, #tpu.memory_space<vmem>> -> memref<1x128xi32, #tpu.memory_space<vmem>>
    %dma_start3A_24 = tpu.memref_squeeze %dma_start3A_23 : memref<1x128xi32, #tpu.memory_space<vmem>> -> memref<128xi32, #tpu.memory_space<vmem>>
    %dma_start3A_25 = arith.constant 0 : i32
    %dma_start3A_26 = arith.constant 0 : i32
    %dma_start3A_27 = tpu.memref_slice %arg3[%dma_start3A_25, %dma_start3A_26] : memref<1000000x64xf32, #tpu.memory_space<hbm>> -> memref<1000000x64xf32, #tpu.memory_space<hbm>>
    tpu.enqueue_indirect_dma source(%dma_start3A_27 : memref<1000000x64xf32, #tpu.memory_space<hbm>>) target(%dma_start3A_21 : memref<128x64xf32, #tpu.memory_space<vmem>>) offsets(%dma_start3A_24 : memref<128xi32, #tpu.memory_space<vmem>>) semaphore(%arg8 : memref<!tpu.dma_semaphore, #tpu.memory_space<semaphore_mem>>)
    %dma_start3A_28 = arith.constant 2 : i32
    %dma_start3A_29 = arith.constant 2 : i32
    %dma_start3A_30 = arith.constant 0 : i32
    %dma_start3A_31 = arith.constant 0 : i32
    %dma_start3A_32 = tpu.memref_slice %arg6[%dma_start3A_29, %dma_start3A_30, %dma_start3A_31] : memref<8x128x64xf32, #tpu.memory_space<vmem>> -> memref<1x128x64xf32, #tpu.memory_space<vmem>>
    %dma_start3A_33 = tpu.memref_squeeze %dma_start3A_32 : memref<1x128x64xf32, #tpu.memory_space<vmem>> -> memref<128x64xf32, #tpu.memory_space<vmem>>
    %dma_start3A_34 = arith.constant 0 : i32
    %dma_start3A_35 = tpu.memref_slice %arg5[%dma_start3A_28, %dma_start3A_34] : memref<200x128xi32, #tpu.memory_space<vmem>> -> memref<1x128xi32, #tpu.memory_space<vmem>>
    %dma_start3A_36 = tpu.memref_squeeze %dma_start3A_35 : memref<1x128xi32, #tpu.memory_space<vmem>> -> memref<128xi32, #tpu.memory_space<vmem>>
    %dma_start3A_37 = arith.constant 0 : i32
    %dma_start3A_38 = arith.constant 0 : i32
    %dma_start3A_39 = tpu.memref_slice %arg3[%dma_start3A_37, %dma_start3A_38] : memref<1000000x64xf32, #tpu.memory_space<hbm>> -> memref<1000000x64xf32, #tpu.memory_space<hbm>>
    tpu.enqueue_indirect_dma source(%dma_start3A_39 : memref<1000000x64xf32, #tpu.memory_space<hbm>>) target(%dma_start3A_33 : memref<128x64xf32, #tpu.memory_space<vmem>>) offsets(%dma_start3A_36 : memref<128xi32, #tpu.memory_space<vmem>>) semaphore(%arg9 : memref<!tpu.dma_semaphore, #tpu.memory_space<semaphore_mem>>)
    %dma_start3A_40 = arith.constant 3 : i32
    %dma_start3A_41 = arith.constant 3 : i32
    %dma_start3A_42 = arith.constant 0 : i32
    %dma_start3A_43 = arith.constant 0 : i32
    %dma_start3A_44 = tpu.memref_slice %arg6[%dma_start3A_41, %dma_start3A_42, %dma_start3A_43] : memref<8x128x64xf32, #tpu.memory_space<vmem>> -> memref<1x128x64xf32, #tpu.memory_space<vmem>>
    %dma_start3A_45 = tpu.memref_squeeze %dma_start3A_44 : memref<1x128x64xf32, #tpu.memory_space<vmem>> -> memref<128x64xf32, #tpu.memory_space<vmem>>
    %dma_start3A_46 = arith.constant 0 : i32
    %dma_start3A_47 = tpu.memref_slice %arg5[%dma_start3A_40, %dma_start3A_46] : memref<200x128xi32, #tpu.memory_space<vmem>> -> memref<1x128xi32, #tpu.memory_space<vmem>>
    %dma_start3A_48 = tpu.memref_squeeze %dma_start3A_47 : memref<1x128xi32, #tpu.memory_space<vmem>> -> memref<128xi32, #tpu.memory_space<vmem>>
    %dma_start3A_49 = arith.constant 0 : i32
    %dma_start3A_50 = arith.constant 0 : i32
    %dma_start3A_51 = tpu.memref_slice %arg3[%dma_start3A_49, %dma_start3A_50] : memref<1000000x64xf32, #tpu.memory_space<hbm>> -> memref<1000000x64xf32, #tpu.memory_space<hbm>>
    tpu.enqueue_indirect_dma source(%dma_start3A_51 : memref<1000000x64xf32, #tpu.memory_space<hbm>>) target(%dma_start3A_45 : memref<128x64xf32, #tpu.memory_space<vmem>>) offsets(%dma_start3A_48 : memref<128xi32, #tpu.memory_space<vmem>>) semaphore(%arg10 : memref<!tpu.dma_semaphore, #tpu.memory_space<semaphore_mem>>)
    %scan3A = arith.constant 0 : i32
    %scan3A_52 = arith.constant 25 : i32
    %scan3A_53 = arith.addi %scan3A, %scan3A_52 : i32
    %scan3A_54 = arith.constant 1 : i32
    scf.for %scan3A_877 = %scan3A to %scan3A_53 step %scan3A_54  : i32 {
      %mul3A_878 = arith.constant 8 : i32
      %mul3A_879 = arith.muli %scan3A_877, %mul3A_878 : i32
      %add3A_880 = arith.constant 0 : i32
      %add3A_881 = arith.addi %add3A_880, %mul3A_879 : i32
      %add3A_882 = arith.constant 0 : i32
      %add3A_883 = arith.addi %add3A_881, %add3A_882 : i32
      %dma_wait3A_884 = arith.constant 0 : i32
      %dma_wait3A_885 = arith.constant 0 : i32
      %dma_wait3A_886 = arith.constant 0 : i32
      %dma_wait3A_887 = tpu.memref_slice %arg6[%dma_wait3A_884, %dma_wait3A_885, %dma_wait3A_886] : memref<8x128x64xf32, #tpu.memory_space<vmem>> -> memref<1x128x64xf32, #tpu.memory_space<vmem>>
      %dma_wait3A_888 = tpu.memref_squeeze %dma_wait3A_887 : memref<1x128x64xf32, #tpu.memory_space<vmem>> -> memref<128x64xf32, #tpu.memory_space<vmem>>
      %dma_wait3A_889 = arith.constant 0 : i32
      %dma_wait3A_890 = tpu.memref_slice %arg5[%add3A_883, %dma_wait3A_889] : memref<200x128xi32, #tpu.memory_space<vmem>> -> memref<1x128xi32, #tpu.memory_space<vmem>>
      %dma_wait3A_891 = tpu.memref_squeeze %dma_wait3A_890 : memref<1x128xi32, #tpu.memory_space<vmem>> -> memref<128xi32, #tpu.memory_space<vmem>>
      %dma_wait3A_892 = arith.constant 0 : i32
      %dma_wait3A_893 = arith.constant 0 : i32
      %dma_wait3A_894 = tpu.memref_slice %arg3[%dma_wait3A_892, %dma_wait3A_893] : memref<1000000x64xf32, #tpu.memory_space<hbm>> -> memref<1000000x64xf32, #tpu.memory_space<hbm>>
      tpu.wait_indirect_dma semaphore(%arg7 : memref<!tpu.dma_semaphore, #tpu.memory_space<semaphore_mem>>) src(%dma_wait3A_894 : memref<1000000x64xf32, #tpu.memory_space<hbm>>) dst(%dma_wait3A_888 : memref<128x64xf32, #tpu.memory_space<vmem>>)
      %scan3A_895 = arith.constant 0 : i32
      %scan3A_896 = arith.constant 128 : i32
      %scan3A_897 = arith.addi %scan3A_895, %scan3A_896 : i32
      %scan3A_898 = arith.constant 4 : i32
      scf.for %scan3A_1904 = %scan3A_895 to %scan3A_897 step %scan3A_898  : i32 {
        %mul3A_1905 = arith.constant 1 : i32
        %mul3A_1906 = arith.muli %scan3A_1904, %mul3A_1905 : i32
        %add3A_1907 = arith.constant 0 : i32
        %add3A_1908 = arith.addi %add3A_1907, %mul3A_1906 : i32
        %get3A = arith.constant 0 : i32
        %get3A_1909 = arith.index_cast %get3A : i32 to index
        %get3A_1910 = arith.index_cast %add3A_1908 : i32 to index
        %get3A_1911 = arith.constant 0 : index
        %get3A_1912 = tpu.vector_load %arg6[%get3A_1909, %get3A_1910, %get3A_1911] {strides = array<i32>} : memref<8x128x64xf32, #tpu.memory_space<vmem>>, vector<1x1x16xf32>,
        %get3A_1913 = vector.shape_cast %get3A_1912 : vector<1x1x16xf32> to vector<16xf32>
        %mul3A_1914 = arith.constant 8.000000e+00 : f32
        %mul3A_1915 = vector.broadcast %mul3A_1914 : f32 to vector<16xf32>
        %mul3A_1916 = arith.mulf %get3A_1913, %mul3A_1915 : vector<16xf32>
        %swap3A = arith.constant 0 : i32
        %swap3A_1917 = arith.index_cast %swap3A : i32 to index
        %swap3A_1918 = arith.index_cast %add3A_1908 : i32 to index
        %swap3A_1919 = arith.constant 0 : index
        %swap3A_1920 = tpu.vector_load %arg6[%swap3A_1917, %swap3A_1918, %swap3A_1919] {strides = array<i32>} : memref<8x128x64xf32, #tpu.memory_space<vmem>>, vector<1x1x16xf32>,
        %swap3A_1921 = vector.shape_cast %swap3A_1920 : vector<1x1x16xf32> to vector<16xf32>
        %swap3A_1922 = vector.shape_cast %mul3A_1916 : vector<16xf32> to vector<1x1x16xf32>
        tpu.vector_store %arg6[%swap3A_1917, %swap3A_1918, %swap3A_1919], %swap3A_1922 {strides = array<i32>} : memref<8x128x64xf32, #tpu.memory_space<vmem>>, vector<1x1x16xf32>,
        %get3A_1923 = arith.constant 0 : i32
        %get3A_1924 = arith.index_cast %get3A_1923 : i32 to index
        %get3A_1925 = arith.index_cast %add3A_1908 : i32 to index
        %get3A_1926 = arith.constant 16 : index
        %get3A_1927 = tpu.vector_load %arg6[%get3A_1924, %get3A_1925, %get3A_1926] {strides = array<i32>} : memref<8x128x64xf32, #tpu.memory_space<vmem>>, vector<1x1x16xf32>,
        %get3A_1928 = vector.shape_cast %get3A_1927 : vector<1x1x16xf32> to vector<16xf32>
        %mul3A_1929 = arith.constant 8.000000e+00 : f32
        %mul3A_1930 = vector.broadcast %mul3A_1929 : f32 to vector<16xf32>
        %mul3A_1931 = arith.mulf %get3A_1928, %mul3A_1930 : vector<16xf32>
        %swap3A_1932 = arith.constant 0 : i32
        %swap3A_1933 = arith.index_cast %swap3A_1932 : i32 to index
        %swap3A_1934 = arith.index_cast %add3A_1908 : i32 to index
        %swap3A_1935 = arith.constant 16 : index
        %swap3A_1936 = tpu.vector_load %arg6[%swap3A_1933, %swap3A_1934, %swap3A_1935] {strides = array<i32>} : memref<8x128x64xf32, #tpu.memory_space<vmem>>, vector<1x1x16xf32>,
        %swap3A_1937 = vector.shape_cast %swap3A_1936 : vector<1x1x16xf32> to vector<16xf32>
        %swap3A_1938 = vector.shape_cast %mul3A_1931 : vector<16xf32> to vector<1x1x16xf32>
        tpu.vector_store %arg6[%swap3A_1933, %swap3A_1934, %swap3A_1935], %swap3A_1938 {strides = array<i32>} : memref<8x128x64xf32, #tpu.memory_space<vmem>>, vector<1x1x16xf32>,
        %get3A_1939 = arith.constant 0 : i32
        %get3A_1940 = arith.index_cast %get3A_1939 : i32 to index
        %get3A_1941 = arith.index_cast %add3A_1908 : i32 to index
        %get3A_1942 = arith.constant 32 : index
        %get3A_1943 = tpu.vector_load %arg6[%get3A_1940, %get3A_1941, %get3A_1942] {strides = array<i32>} : memref<8x128x64xf32, #tpu.memory_space<vmem>>, vector<1x1x16xf32>,
        %get3A_1944 = vector.shape_cast %get3A_1943 : vector<1x1x16xf32> to vector<16xf32>
        %mul3A_1945 = arith.constant 8.000000e+00 : f32
        %mul3A_1946 = vector.broadcast %mul3A_1945 : f32 to vector<16xf32>
        %mul3A_1947 = arith.mulf %get3A_1944, %mul3A_1946 : vector<16xf32>
        %swap3A_1948 = arith.constant 0 : i32
        %swap3A_1949 = arith.index_cast %swap3A_1948 : i32 to index
        %swap3A_1950 = arith.index_cast %add3A_1908 : i32 to index
        %swap3A_1951 = arith.constant 32 : index
        %swap3A_1952 = tpu.vector_load %arg6[%swap3A_1949, %swap3A_1950, %swap3A_1951] {strides = array<i32>} : memref<8x128x64xf32, #tpu.memory_space<vmem>>, vector<1x1x16xf32>,
        %swap3A_1953 = vector.shape_cast %swap3A_1952 : vector<1x1x16xf32> to vector<16xf32>
        %swap3A_1954 = vector.shape_cast %mul3A_1947 : vector<16xf32> to vector<1x1x16xf32>
        tpu.vector_store %arg6[%swap3A_1949, %swap3A_1950, %swap3A_1951], %swap3A_1954 {strides = array<i32>} : memref<8x128x64xf32, #tpu.memory_space<vmem>>, vector<1x1x16xf32>,
        %get3A_1955 = arith.constant 0 : i32
        %get3A_1956 = arith.index_cast %get3A_1955 : i32 to index
        %get3A_1957 = arith.index_cast %add3A_1908 : i32 to index
        %get3A_1958 = arith.constant 48 : index
        %get3A_1959 = tpu.vector_load %arg6[%get3A_1956, %get3A_1957, %get3A_1958] {strides = array<i32>} : memref<8x128x64xf32, #tpu.memory_space<vmem>>, vector<1x1x16xf32>,
        %get3A_1960 = vector.shape_cast %get3A_1959 : vector<1x1x16xf32> to vector<16xf32>
        %mul3A_1961 = arith.constant 8.000000e+00 : f32
        %mul3A_1962 = vector.broadcast %mul3A_1961 : f32 to vector<16xf32>
        %mul3A_1963 = arith.mulf %get3A_1960, %mul3A_1962 : vector<16xf32>
        %swap3A_1964 = arith.constant 0 : i32
        %swap3A_1965 = arith.index_cast %swap3A_1964 : i32 to index
        %swap3A_1966 = arith.index_cast %add3A_1908 : i32 to index
        %swap3A_1967 = arith.constant 48 : index
        %swap3A_1968 = tpu.vector_load %arg6[%swap3A_1965, %swap3A_1966, %swap3A_1967] {strides = array<i32>} : memref<8x128x64xf32, #tpu.memory_space<vmem>>, vector<1x1x16xf32>,
        %swap3A_1969 = vector.shape_cast %swap3A_1968 : vector<1x1x16xf32> to vector<16xf32>
        %swap3A_1970 = vector.shape_cast %mul3A_1963 : vector<16xf32> to vector<1x1x16xf32>
        tpu.vector_store %arg6[%swap3A_1965, %swap3A_1966, %swap3A_1967], %swap3A_1970 {strides = array<i32>} : memref<8x128x64xf32, #tpu.memory_space<vmem>>, vector<1x1x16xf32>,
        %scan3A_1971 = arith.constant 1 : i32
        %scan3A_1972 = arith.addi %scan3A_1904, %scan3A_1971 : i32
        %mul3A_1973 = arith.constant 1 : i32
        %mul3A_1974 = arith.muli %scan3A_1972, %mul3A_1973 : i32
        %add3A_1975 = arith.constant 0 : i32
        %add3A_1976 = arith.addi %add3A_1975, %mul3A_1974 : i32
        %get3A_1977 = arith.constant 0 : i32
        %get3A_1978 = arith.index_cast %get3A_1977 : i32 to index
        %get3A_1979 = arith.index_cast %add3A_1976 : i32 to index
        %get3A_1980 = arith.constant 0 : index
        %get3A_1981 = tpu.vector_load %arg6[%get3A_1978, %get3A_1979, %get3A_1980] {strides = array<i32>} : memref<8x128x64xf32, #tpu.memory_space<vmem>>, vector<1x1x16xf32>,
        %get3A_1982 = vector.shape_cast %get3A_1981 : vector<1x1x16xf32> to vector<16xf32>
        %mul3A_1983 = arith.constant 8.000000e+00 : f32
        %mul3A_1984 = vector.broadcast %mul3A_1983 : f32 to vector<16xf32>
        %mul3A_1985 = arith.mulf %get3A_1982, %mul3A_1984 : vector<16xf32>
        %swap3A_1986 = arith.constant 0 : i32
        %swap3A_1987 = arith.index_cast %swap3A_1986 : i32 to index
        %swap3A_1988 = arith.index_cast %add3A_1976 : i32 to index
        %swap3A_1989 = arith.constant 0 : index
        %swap3A_1990 = tpu.vector_load %arg6[%swap3A_1987, %swap3A_1988, %swap3A_1989] {strides = array<i32>} : memref<8x128x64xf32, #tpu.memory_space<vmem>>, vector<1x1x16xf32>,
        %swap3A_1991 = vector.shape_cast %swap3A_1990 : vector<1x1x16xf32> to vector<16xf32>
        %swap3A_1992 = vector.shape_cast %mul3A_1985 : vector<16xf32> to vector<1x1x16xf32>
        tpu.vector_store %arg6[%swap3A_1987, %swap3A_1988, %swap3A_1989], %swap3A_1992 {strides = array<i32>} : memref<8x128x64xf32, #tpu.memory_space<vmem>>, vector<1x1x16xf32>,
        %get3A_1993 = arith.constant 0 : i32
        %get3A_1994 = arith.index_cast %get3A_1993 : i32 to index
        %get3A_1995 = arith.index_cast %add3A_1976 : i32 to index
        %get3A_1996 = arith.constant 16 : index
        %get3A_1997 = tpu.vector_load %arg6[%get3A_1994, %get3A_1995, %get3A_1996] {strides = array<i32>} : memref<8x128x64xf32, #tpu.memory_space<vmem>>, vector<1x1x16xf32>,
        %get3A_1998 = vector.shape_cast %get3A_1997 : vector<1x1x16xf32> to vector<16xf32>
        %mul3A_1999 = arith.constant 8.000000e+00 : f32
        %mul3A_2000 = vector.broadcast %mul3A_1999 : f32 to vector<16xf32>
        %mul3A_2001 = arith.mulf %get3A_1998, %mul3A_2000 : vector<16xf32>
        %swap3A_2002 = arith.constant 0 : i32
        %swap3A_2003 = arith.index_cast %swap3A_2002 : i32 to index
        %swap3A_2004 = arith.index_cast %add3A_1976 : i32 to index
        %swap3A_2005 = arith.constant 16 : index
        %swap3A_2006 = tpu.vector_load %arg6[%swap3A_2003, %swap3A_2004, %swap3A_2005] {strides = array<i32>} : memref<8x128x64xf32, #tpu.memory_space<vmem>>, vector<1x1x16xf32>,
        %swap3A_2007 = vector.shape_cast %swap3A_2006 : vector<1x1x16xf32> to vector<16xf32>
        %swap3A_2008 = vector.shape_cast %mul3A_2001 : vector<16xf32> to vector<1x1x16xf32>
        tpu.vector_store %arg6[%swap3A_2003, %swap3A_2004, %swap3A_2005], %swap3A_2008 {strides = array<i32>} : memref<8x128x64xf32, #tpu.memory_space<vmem>>, vector<1x1x16xf32>,
        %get3A_2009 = arith.constant 0 : i32
        %get3A_2010 = arith.index_cast %get3A_2009 : i32 to index
        %get3A_2011 = arith.index_cast %add3A_1976 : i32 to index
        %get3A_2012 = arith.constant 32 : index
        %get3A_2013 = tpu.vector_load %arg6[%get3A_2010, %get3A_2011, %get3A_2012] {strides = array<i32>} : memref<8x128x64xf32, #tpu.memory_space<vmem>>, vector<1x1x16xf32>,
        %get3A_2014 = vector.shape_cast %get3A_2013 : vector<1x1x16xf32> to vector<16xf32>
        %mul3A_2015 = arith.constant 8.000000e+00 : f32
        %mul3A_2016 = vector.broadcast %mul3A_2015 : f32 to vector<16xf32>
        %mul3A_2017 = arith.mulf %get3A_2014, %mul3A_2016 : vector<16xf32>
        %swap3A_2018 = arith.constant 0 : i32
        %swap3A_2019 = arith.index_cast %swap3A_2018 : i32 to index
        %swap3A_2020 = arith.index_cast %add3A_1976 : i32 to index
        %swap3A_2021 = arith.constant 32 : index
        %swap3A_2022 = tpu.vector_load %arg6[%swap3A_2019, %swap3A_2020, %swap3A_2021] {strides = array<i32>} : memref<8x128x64xf32, #tpu.memory_space<vmem>>, vector<1x1x16xf32>,
        %swap3A_2023 = vector.shape_cast %swap3A_2022 : vector<1x1x16xf32> to vector<16xf32>
        %swap3A_2024 = vector.shape_cast %mul3A_2017 : vector<16xf32> to vector<1x1x16xf32>
        tpu.vector_store %arg6[%swap3A_2019, %swap3A_2020, %swap3A_2021], %swap3A_2024 {strides = array<i32>} : memref<8x128x64xf32, #tpu.memory_space<vmem>>, vector<1x1x16xf32>,
        %get3A_2025 = arith.constant 0 : i32
        %get3A_2026 = arith.index_cast %get3A_2025 : i32 to index
        %get3A_2027 = arith.index_cast %add3A_1976 : i32 to index
        %get3A_2028 = arith.constant 48 : index
        %get3A_2029 = tpu.vector_load %arg6[%get3A_2026, %get3A_2027, %get3A_2028] {strides = array<i32>} : memref<8x128x64xf32, #tpu.memory_space<vmem>>, vector<1x1x16xf32>,
        %get3A_2030 = vector.shape_cast %get3A_2029 : vector<1x1x16xf32> to vector<16xf32>
        %mul3A_2031 = arith.constant 8.000000e+00 : f32
        %mul3A_2032 = vector.broadcast %mul3A_2031 : f32 to vector<16xf32>
        %mul3A_2033 = arith.mulf %get3A_2030, %mul3A_2032 : vector<16xf32>
        %swap3A_2034 = arith.constant 0 : i32
        %swap3A_2035 = arith.index_cast %swap3A_2034 : i32 to index
        %swap3A_2036 = arith.index_cast %add3A_1976 : i32 to index
        %swap3A_2037 = arith.constant 48 : index
        %swap3A_2038 = tpu.vector_load %arg6[%swap3A_2035, %swap3A_2036, %swap3A_2037] {strides = array<i32>} : memref<8x128x64xf32, #tpu.memory_space<vmem>>, vector<1x1x16xf32>,
        %swap3A_2039 = vector.shape_cast %swap3A_2038 : vector<1x1x16xf32> to vector<16xf32>
        %swap3A_2040 = vector.shape_cast %mul3A_2033 : vector<16xf32> to vector<1x1x16xf32>
        tpu.vector_store %arg6[%swap3A_2035, %swap3A_2036, %swap3A_2037], %swap3A_2040 {strides = array<i32>} : memref<8x128x64xf32, #tpu.memory_space<vmem>>, vector<1x1x16xf32>,
        %scan3A_2041 = arith.constant 2 : i32
        %scan3A_2042 = arith.addi %scan3A_1904, %scan3A_2041 : i32
        %mul3A_2043 = arith.constant 1 : i32
        %mul3A_2044 = arith.muli %scan3A_2042, %mul3A_2043 : i32
        %add3A_2045 = arith.constant 0 : i32
        %add3A_2046 = arith.addi %add3A_2045, %mul3A_2044 : i32
        %get3A_2047 = arith.constant 0 : i32
        %get3A_2048 = arith.index_cast %get3A_2047 : i32 to index
        %get3A_2049 = arith.index_cast %add3A_2046 : i32 to index
        %get3A_2050 = arith.constant 0 : index
        %get3A_2051 = tpu.vector_load %arg6[%get3A_2048, %get3A_2049, %get3A_2050] {strides = array<i32>} : memref<8x128x64xf32, #tpu.memory_space<vmem>>, vector<1x1x16xf32>,
        %get3A_2052 = vector.shape_cast %get3A_2051 : vector<1x1x16xf32> to vector<16xf32>
        %mul3A_2053 = arith.constant 8.000000e+00 : f32
        %mul3A_2054 = vector.broadcast %mul3A_2053 : f32 to vector<16xf32>
        %mul3A_2055 = arith.mulf %get3A_2052, %mul3A_2054 : vector<16xf32>
        %swap3A_2056 = arith.constant 0 : i32
        %swap3A_2057 = arith.index_cast %swap3A_2056 : i32 to index
        %swap3A_2058 = arith.index_cast %add3A_2046 : i32 to index
        %swap3A_2059 = arith.constant 0 : index
        %swap3A_2060 = tpu.vector_load %arg6[%swap3A_2057, %swap3A_2058, %swap3A_2059] {strides = array<i32>} : memref<8x128x64xf32, #tpu.memory_space<vmem>>, vector<1x1x16xf32>,
        %swap3A_2061 = vector.shape_cast %swap3A_2060 : vector<1x1x16xf32> to vector<16xf32>
        %swap3A_2062 = vector.shape_cast %mul3A_2055 : vector<16xf32> to vector<1x1x16xf32>
        tpu.vector_store %arg6[%swap3A_2057, %swap3A_2058, %swap3A_2059], %swap3A_2062 {strides = array<i32>} : memref<8x128x64xf32, #tpu.memory_space<vmem>>, vector<1x1x16xf32>,
        %get3A_2063 = arith.constant 0 : i32
        %get3A_2064 = arith.index_cast %get3A_2063 : i32 to index
        %get3A_2065 = arith.index_cast %add3A_2046 : i32 to index
        %get3A_2066 = arith.constant 16 : index
        %get3A_2067 = tpu.vector_load %arg6[%get3A_2064, %get3A_2065, %get3A_2066] {strides = array<i32>} : memref<8x128x64xf32, #tpu.memory_space<vmem>>, vector<1x1x16xf32>,
        %get3A_2068 = vector.shape_cast %get3A_2067 : vector<1x1x16xf32> to vector<16xf32>
        %mul3A_2069 = arith.constant 8.000000e+00 : f32
        %mul3A_2070 = vector.broadcast %mul3A_2069 : f32 to vector<16xf32>
        %mul3A_2071 = arith.mulf %get3A_2068, %mul3A_2070 : vector<16xf32>
        %swap3A_2072 = arith.constant 0 : i32
        %swap3A_2073 = arith.index_cast %swap3A_2072 : i32 to index
        %swap3A_2074 = arith.index_cast %add3A_2046 : i32 to index
        %swap3A_2075 = arith.constant 16 : index
        %swap3A_2076 = tpu.vector_load %arg6[%swap3A_2073, %swap3A_2074, %swap3A_2075] {strides = array<i32>} : memref<8x128x64xf32, #tpu.memory_space<vmem>>, vector<1x1x16xf32>,
        %swap3A_2077 = vector.shape_cast %swap3A_2076 : vector<1x1x16xf32> to vector<16xf32>
        %swap3A_2078 = vector.shape_cast %mul3A_2071 : vector<16xf32> to vector<1x1x16xf32>
        tpu.vector_store %arg6[%swap3A_2073, %swap3A_2074, %swap3A_2075], %swap3A_2078 {strides = array<i32>} : memref<8x128x64xf32, #tpu.memory_space<vmem>>, vector<1x1x16xf32>,
        %get3A_2079 = arith.constant 0 : i32
        %get3A_2080 = arith.index_cast %get3A_2079 : i32 to index
        %get3A_2081 = arith.index_cast %add3A_2046 : i32 to index
        %get3A_2082 = arith.constant 32 : index
        %get3A_2083 = tpu.vector_load %arg6[%get3A_2080, %get3A_2081, %get3A_2082] {strides = array<i32>} : memref<8x128x64xf32, #tpu.memory_space<vmem>>, vector<1x1x16xf32>,
        %get3A_2084 = vector.shape_cast %get3A_2083 : vector<1x1x16xf32> to vector<16xf32>
        %mul3A_2085 = arith.constant 8.000000e+00 : f32
        %mul3A_2086 = vector.broadcast %mul3A_2085 : f32 to vector<16xf32>
        %mul3A_2087 = arith.mulf %get3A_2084, %mul3A_2086 : vector<16xf32>
        %swap3A_2088 = arith.constant 0 : i32
        %swap3A_2089 = arith.index_cast %swap3A_2088 : i32 to index
        %swap3A_2090 = arith.index_cast %add3A_2046 : i32 to index
        %swap3A_2091 = arith.constant 32 : index
        %swap3A_2092 = tpu.vector_load %arg6[%swap3A_2089, %swap3A_2090, %swap3A_2091] {strides = array<i32>} : memref<8x128x64xf32, #tpu.memory_space<vmem>>, vector<1x1x16xf32>,
        %swap3A_2093 = vector.shape_cast %swap3A_2092 : vector<1x1x16xf32> to vector<16xf32>
        %swap3A_2094 = vector.shape_cast %mul3A_2087 : vector<16xf32> to vector<1x1x16xf32>
        tpu.vector_store %arg6[%swap3A_2089, %swap3A_2090, %swap3A_2091], %swap3A_2094 {strides = array<i32>} : memref<8x128x64xf32, #tpu.memory_space<vmem>>, vector<1x1x16xf32>,
        %get3A_2095 = arith.constant 0 : i32
        %get3A_2096 = arith.index_cast %get3A_2095 : i32 to index
        %get3A_2097 = arith.index_cast %add3A_2046 : i32 to index
        %get3A_2098 = arith.constant 48 : index
        %get3A_2099 = tpu.vector_load %arg6[%get3A_2096, %get3A_2097, %get3A_2098] {strides = array<i32>} : memref<8x128x64xf32, #tpu.memory_space<vmem>>, vector<1x1x16xf32>,
        %get3A_2100 = vector.shape_cast %get3A_2099 : vector<1x1x16xf32> to vector<16xf32>
        %mul3A_2101 = arith.constant 8.000000e+00 : f32
        %mul3A_2102 = vector.broadcast %mul3A_2101 : f32 to vector<16xf32>
        %mul3A_2103 = arith.mulf %get3A_2100, %mul3A_2102 : vector<16xf32>
        %swap3A_2104 = arith.constant 0 : i32
        %swap3A_2105 = arith.index_cast %swap3A_2104 : i32 to index
        %swap3A_2106 = arith.index_cast %add3A_2046 : i32 to index
        %swap3A_2107 = arith.constant 48 : index
        %swap3A_2108 = tpu.vector_load %arg6[%swap3A_2105, %swap3A_2106, %swap3A_2107] {strides = array<i32>} : memref<8x128x64xf32, #tpu.memory_space<vmem>>, vector<1x1x16xf32>,
        %swap3A_2109 = vector.shape_cast %swap3A_2108 : vector<1x1x16xf32> to vector<16xf32>
        %swap3A_2110 = vector.shape_cast %mul3A_2103 : vector<16xf32> to vector<1x1x16xf32>
        tpu.vector_store %arg6[%swap3A_2105, %swap3A_2106, %swap3A_2107], %swap3A_2110 {strides = array<i32>} : memref<8x128x64xf32, #tpu.memory_space<vmem>>, vector<1x1x16xf32>,
        %scan3A_2111 = arith.constant 3 : i32
        %scan3A_2112 = arith.addi %scan3A_1904, %scan3A_2111 : i32
        %mul3A_2113 = arith.constant 1 : i32
        %mul3A_2114 = arith.muli %scan3A_2112, %mul3A_2113 : i32
        %add3A_2115 = arith.constant 0 : i32
        %add3A_2116 = arith.addi %add3A_2115, %mul3A_2114 : i32
        %get3A_2117 = arith.constant 0 : i32
        %get3A_2118 = arith.index_cast %get3A_2117 : i32 to index
        %get3A_2119 = arith.index_cast %add3A_2116 : i32 to index
        %get3A_2120 = arith.constant 0 : index
        %get3A_2121 = tpu.vector_load %arg6[%get3A_2118, %get3A_2119, %get3A_2120] {strides = array<i32>} : memref<8x128x64xf32, #tpu.memory_space<vmem>>, vector<1x1x16xf32>,
        %get3A_2122 = vector.shape_cast %get3A_2121 : vector<1x1x16xf32> to vector<16xf32>
        %mul3A_2123 = arith.constant 8.000000e+00 : f32
        %mul3A_2124 = vector.broadcast %mul3A_2123 : f32 to vector<16xf32>
        %mul3A_2125 = arith.mulf %get3A_2122, %mul3A_2124 : vector<16xf32>
        %swap3A_2126 = arith.constant 0 : i32
        %swap3A_2127 = arith.index_cast %swap3A_2126 : i32 to index
        %swap3A_2128 = arith.index_cast %add3A_2116 : i32 to index
        %swap3A_2129 = arith.constant 0 : index
        %swap3A_2130 = tpu.vector_load %arg6[%swap3A_2127, %swap3A_2128, %swap3A_2129] {strides = array<i32>} : memref<8x128x64xf32, #tpu.memory_space<vmem>>, vector<1x1x16xf32>,
        %swap3A_2131 = vector.shape_cast %swap3A_2130 : vector<1x1x16xf32> to vector<16xf32>
        %swap3A_2132 = vector.shape_cast %mul3A_2125 : vector<16xf32> to vector<1x1x16xf32>
        tpu.vector_store %arg6[%swap3A_2127, %swap3A_2128, %swap3A_2129], %swap3A_2132 {strides = array<i32>} : memref<8x128x64xf32, #tpu.memory_space<vmem>>, vector<1x1x16xf32>,
        %get3A_2133 = arith.constant 0 : i32
        %get3A_2134 = arith.index_cast %get3A_2133 : i32 to index
        %get3A_2135 = arith.index_cast %add3A_2116 : i32 to index
        %get3A_2136 = arith.constant 16 : index
        %get3A_2137 = tpu.vector_load %arg6[%get3A_2134, %get3A_2135, %get3A_2136] {strides = array<i32>} : memref<8x128x64xf32, #tpu.memory_space<vmem>>, vector<1x1x16xf32>,
        %get3A_2138 = vector.shape_cast %get3A_2137 : vector<1x1x16xf32> to vector<16xf32>
        %mul3A_2139 = arith.constant 8.000000e+00 : f32
        %mul3A_2140 = vector.broadcast %mul3A_2139 : f32 to vector<16xf32>
        %mul3A_2141 = arith.mulf %get3A_2138, %mul3A_2140 : vector<16xf32>
        %swap3A_2142 = arith.constant 0 : i32
        %swap3A_2143 = arith.index_cast %swap3A_2142 : i32 to index
        %swap3A_2144 = arith.index_cast %add3A_2116 : i32 to index
        %swap3A_2145 = arith.constant 16 : index
        %swap3A_2146 = tpu.vector_load %arg6[%swap3A_2143, %swap3A_2144, %swap3A_2145] {strides = array<i32>} : memref<8x128x64xf32, #tpu.memory_space<vmem>>, vector<1x1x16xf32>,
        %swap3A_2147 = vector.shape_cast %swap3A_2146 : vector<1x1x16xf32> to vector<16xf32>
        %swap3A_2148 = vector.shape_cast %mul3A_2141 : vector<16xf32> to vector<1x1x16xf32>
        tpu.vector_store %arg6[%swap3A_2143, %swap3A_2144, %swap3A_2145], %swap3A_2148 {strides = array<i32>} : memref<8x128x64xf32, #tpu.memory_space<vmem>>, vector<1x1x16xf32>,
        %get3A_2149 = arith.constant 0 : i32
        %get3A_2150 = arith.index_cast %get3A_2149 : i32 to index
        %get3A_2151 = arith.index_cast %add3A_2116 : i32 to index
        %get3A_2152 = arith.constant 32 : index
        %get3A_2153 = tpu.vector_load %arg6[%get3A_2150, %get3A_2151, %get3A_2152] {strides = array<i32>} : memref<8x128x64xf32, #tpu.memory_space<vmem>>, vector<1x1x16xf32>,
        %get3A_2154 = vector.shape_cast %get3A_2153 : vector<1x1x16xf32> to vector<16xf32>
        %mul3A_2155 = arith.constant 8.000000e+00 : f32
        %mul3A_2156 = vector.broadcast %mul3A_2155 : f32 to vector<16xf32>
        %mul3A_2157 = arith.mulf %get3A_2154, %mul3A_2156 : vector<16xf32>
        %swap3A_2158 = arith.constant 0 : i32
        %swap3A_2159 = arith.index_cast %swap3A_2158 : i32 to index
        %swap3A_2160 = arith.index_cast %add3A_2116 : i32 to index
        %swap3A_2161 = arith.constant 32 : index
        %swap3A_2162 = tpu.vector_load %arg6[%swap3A_2159, %swap3A_2160, %swap3A_2161] {strides = array<i32>} : memref<8x128x64xf32, #tpu.memory_space<vmem>>, vector<1x1x16xf32>,
        %swap3A_2163 = vector.shape_cast %swap3A_2162 : vector<1x1x16xf32> to vector<16xf32>
        %swap3A_2164 = vector.shape_cast %mul3A_2157 : vector<16xf32> to vector<1x1x16xf32>
        tpu.vector_store %arg6[%swap3A_2159, %swap3A_2160, %swap3A_2161], %swap3A_2164 {strides = array<i32>} : memref<8x128x64xf32, #tpu.memory_space<vmem>>, vector<1x1x16xf32>,
        %get3A_2165 = arith.constant 0 : i32
        %get3A_2166 = arith.index_cast %get3A_2165 : i32 to index
        %get3A_2167 = arith.index_cast %add3A_2116 : i32 to index
        %get3A_2168 = arith.constant 48 : index
        %get3A_2169 = tpu.vector_load %arg6[%get3A_2166, %get3A_2167, %get3A_2168] {strides = array<i32>} : memref<8x128x64xf32, #tpu.memory_space<vmem>>, vector<1x1x16xf32>,
        %get3A_2170 = vector.shape_cast %get3A_2169 : vector<1x1x16xf32> to vector<16xf32>
        %mul3A_2171 = arith.constant 8.000000e+00 : f32
        %mul3A_2172 = vector.broadcast %mul3A_2171 : f32 to vector<16xf32>
        %mul3A_2173 = arith.mulf %get3A_2170, %mul3A_2172 : vector<16xf32>
        %swap3A_2174 = arith.constant 0 : i32
        %swap3A_2175 = arith.index_cast %swap3A_2174 : i32 to index
        %swap3A_2176 = arith.index_cast %add3A_2116 : i32 to index
        %swap3A_2177 = arith.constant 48 : index
        %swap3A_2178 = tpu.vector_load %arg6[%swap3A_2175, %swap3A_2176, %swap3A_2177] {strides = array<i32>} : memref<8x128x64xf32, #tpu.memory_space<vmem>>, vector<1x1x16xf32>,
        %swap3A_2179 = vector.shape_cast %swap3A_2178 : vector<1x1x16xf32> to vector<16xf32>
        %swap3A_2180 = vector.shape_cast %mul3A_2173 : vector<16xf32> to vector<1x1x16xf32>
        tpu.vector_store %arg6[%swap3A_2175, %swap3A_2176, %swap3A_2177], %swap3A_2180 {strides = array<i32>} : memref<8x128x64xf32, #tpu.memory_space<vmem>>, vector<1x1x16xf32>,
      }
      %scan3A_899 = arith.constant 128 : i32
      %mul3A_900 = arith.constant 200 : i32
      %mul3A_901 = arith.muli %add3A, %mul3A_900 : i32
      %add3A_902 = arith.addi %mul3A_901, %add3A_883 : i32
      %jit3A_903 = arith.constant 8 : i32
      %div3A_904 = arith.divsi %add3A_902, %jit3A_903 : i32
      %sign3A_905 = arith.constant 0 : i32
      %sign3A_906 = arith.cmpi sgt, %add3A_902, %sign3A_905 : i32
      %sign3A_907 = arith.extui %sign3A_906 : i1 to i32
      %sign3A_908 = arith.constant 0 : i32
      %sign3A_909 = arith.cmpi slt, %add3A_902, %sign3A_908 : i32
      %sign3A_910 = arith.extui %sign3A_909 : i1 to i32
      %sign3A_911 = arith.subi %sign3A_907, %sign3A_910 : i32
      %sign3A_912 = arith.constant 0 : i32
      %sign3A_913 = arith.cmpi sgt, %jit3A_903, %sign3A_912 : i32
      %sign3A_914 = arith.extui %sign3A_913 : i1 to i32
      %sign3A_915 = arith.constant 0 : i32
      %sign3A_916 = arith.cmpi slt, %jit3A_903, %sign3A_915 : i32
      %sign3A_917 = arith.extui %sign3A_916 : i1 to i32
      %sign3A_918 = arith.subi %sign3A_914, %sign3A_917 : i32
      %ne3A_919 = arith.cmpi ne, %sign3A_911, %sign3A_918 : i32
      %rem3A_920 = arith.remsi %add3A_902, %jit3A_903 : i32
      %ne3A_921 = arith.constant 0 : i32
      %ne3A_922 = arith.cmpi ne, %rem3A_920, %ne3A_921 : i32
      %and3A_923 = arith.andi %ne3A_919, %ne3A_922 : i1
      %sub3A_924 = arith.constant 1 : i32
      %sub3A_925 = arith.subi %div3A_904, %sub3A_924 : i32
      %select_n3A_926 = arith.select %and3A_923, %sub3A_925, %div3A_904 : i32
      %jit3A_927 = arith.constant 8 : i32
      %eq3A_928 = arith.constant 0 : i32
      %eq3A_929 = arith.cmpi eq, %jit3A_927, %eq3A_928 : i32
      %jit3A_930 = arith.constant 1 : i32
      %select_n3A_931 = arith.select %eq3A_929, %jit3A_930, %jit3A_927 : i32
      %rem3A_932 = arith.remsi %add3A_902, %select_n3A_931 : i32
      %ne3A_933 = arith.constant 0 : i32
      %ne3A_934 = arith.cmpi ne, %rem3A_932, %ne3A_933 : i32
      %lt3A_935 = arith.constant 0 : i32
      %lt3A_936 = arith.cmpi slt, %rem3A_932, %lt3A_935 : i32
      %lt3A_937 = arith.constant 0 : i32
      %lt3A_938 = arith.cmpi slt, %select_n3A_931, %lt3A_937 : i32
      %ne3A_939 = arith.xori %lt3A_936, %lt3A_938 : i1
      %and3A_940 = arith.andi %ne3A_939, %ne3A_934 : i1
      %add3A_941 = arith.addi %rem3A_932, %select_n3A_931 : i32
      %select_n3A_942 = arith.select %and3A_940, %add3A_941, %rem3A_932 : i32
      %jit3A_943 = arith.constant 32 : i32
      %div3A_944 = arith.divsi %select_n3A_926, %jit3A_943 : i32
      %sign3A_945 = arith.constant 0 : i32
      %sign3A_946 = arith.cmpi sgt, %select_n3A_926, %sign3A_945 : i32
      %sign3A_947 = arith.extui %sign3A_946 : i1 to i32
      %sign3A_948 = arith.constant 0 : i32
      %sign3A_949 = arith.cmpi slt, %select_n3A_926, %sign3A_948 : i32
      %sign3A_950 = arith.extui %sign3A_949 : i1 to i32
      %sign3A_951 = arith.subi %sign3A_947, %sign3A_950 : i32
      %sign3A_952 = arith.constant 0 : i32
      %sign3A_953 = arith.cmpi sgt, %jit3A_943, %sign3A_952 : i32
      %sign3A_954 = arith.extui %sign3A_953 : i1 to i32
      %sign3A_955 = arith.constant 0 : i32
      %sign3A_956 = arith.cmpi slt, %jit3A_943, %sign3A_955 : i32
      %sign3A_957 = arith.extui %sign3A_956 : i1 to i32
      %sign3A_958 = arith.subi %sign3A_954, %sign3A_957 : i32
      %ne3A_959 = arith.cmpi ne, %sign3A_951, %sign3A_958 : i32
      %rem3A_960 = arith.remsi %select_n3A_926, %jit3A_943 : i32
      %ne3A_961 = arith.constant 0 : i32
      %ne3A_962 = arith.cmpi ne, %rem3A_960, %ne3A_961 : i32
      %and3A_963 = arith.andi %ne3A_959, %ne3A_962 : i1
      %sub3A_964 = arith.constant 1 : i32
      %sub3A_965 = arith.subi %div3A_944, %sub3A_964 : i32
      %select_n3A_966 = arith.select %and3A_963, %sub3A_965, %div3A_944 : i32
      %jit3A_967 = arith.constant 32 : i32
      %eq3A_968 = arith.constant 0 : i32
      %eq3A_969 = arith.cmpi eq, %jit3A_967, %eq3A_968 : i32
      %jit3A_970 = arith.constant 1 : i32
      %select_n3A_971 = arith.select %eq3A_969, %jit3A_970, %jit3A_967 : i32
      %rem3A_972 = arith.remsi %select_n3A_926, %select_n3A_971 : i32
      %ne3A_973 = arith.constant 0 : i32
      %ne3A_974 = arith.cmpi ne, %rem3A_972, %ne3A_973 : i32
      %lt3A_975 = arith.constant 0 : i32
      %lt3A_976 = arith.cmpi slt, %rem3A_972, %lt3A_975 : i32
      %lt3A_977 = arith.constant 0 : i32
      %lt3A_978 = arith.cmpi slt, %select_n3A_971, %lt3A_977 : i32
      %ne3A_979 = arith.xori %lt3A_976, %lt3A_978 : i1
      %and3A_980 = arith.andi %ne3A_979, %ne3A_974 : i1
      %add3A_981 = arith.addi %rem3A_972, %select_n3A_971 : i32
      %select_n3A_982 = arith.select %and3A_980, %add3A_981, %rem3A_972 : i32
      %mul3A_983 = arith.constant 8 : i32
      %mul3A_984 = arith.muli %select_n3A_966, %mul3A_983 : i32
      %add3A_985 = arith.addi %mul3A_984, %select_n3A_942 : i32
      %mul3A_986 = arith.constant 128 : i32
      %mul3A_987 = arith.muli %select_n3A_982, %mul3A_986 : i32
      %dma_start3A_988 = arith.constant 0 : i32
      %dma_start3A_989 = arith.constant 0 : i32
      %dma_start3A_990 = arith.constant 0 : i32
      %dma_start3A_991 = tpu.memref_slice %arg6[%dma_start3A_988, %dma_start3A_989, %dma_start3A_990] : memref<8x128x64xf32, #tpu.memory_space<vmem>> -> memref<1x128x64xf32, #tpu.memory_space<vmem>>
      %dma_start3A_992 = tpu.memref_squeeze %dma_start3A_991 : memref<1x128x64xf32, #tpu.memory_space<vmem>> -> memref<128x64xf32, #tpu.memory_space<vmem>>
      %dma_start3A_993 = arith.constant 0 : i32
      %dma_start3A_994 = tpu.memref_slice %arg4[%mul3A_987, %add3A_985, %dma_start3A_993] : memref<4096x200x128xf32, #tpu.memory_space<hbm>> -> memref<128x1x64xf32, #tpu.memory_space<hbm>>
      %dma_start3A_995 = tpu.memref_squeeze %dma_start3A_994 : memref<128x1x64xf32, #tpu.memory_space<hbm>> -> memref<128x64xf32, #tpu.memory_space<hbm>>
      %dma_start3A_996 = arith.constant 0 : i32
      %dma_start3A_997 = tpu.memref_slice %arg4[%mul3A_987, %add3A_985, %dma_start3A_996] : memref<4096x200x128xf32, #tpu.memory_space<hbm>> -> memref<128x1x64xf32, #tpu.memory_space<hbm>>
      %dma_start3A_998 = tpu.memref_squeeze %dma_start3A_997 : memref<128x1x64xf32, #tpu.memory_space<hbm>> -> memref<128x64xf32, #tpu.memory_space<hbm>>
      %dma_start3A_999 = arith.constant 0 : i32
      %dma_start3A_1000 = arith.constant 0 : i32
      %dma_start3A_1001 = tpu.memref_slice %arg6[%dma_start3A_988, %dma_start3A_999, %dma_start3A_1000] : memref<8x128x64xf32, #tpu.memory_space<vmem>> -> memref<1x128x64xf32, #tpu.memory_space<vmem>>
      %dma_start3A_1002 = tpu.memref_squeeze %dma_start3A_1001 : memref<1x128x64xf32, #tpu.memory_space<vmem>> -> memref<128x64xf32, #tpu.memory_space<vmem>>
      tpu.enqueue_dma source(%dma_start3A_1002 : memref<128x64xf32, #tpu.memory_space<vmem>>) target(%dma_start3A_998 : memref<128x64xf32, #tpu.memory_space<hbm>>) target_semaphore(%arg15 : memref<!tpu.dma_semaphore, #tpu.memory_space<semaphore_mem>>)
      %add3A_1003 = arith.constant 4 : i32
      %add3A_1004 = arith.addi %add3A_883, %add3A_1003 : i32
      %lt3A_1005 = arith.constant 200 : i32
      %lt3A_1006 = arith.cmpi slt, %add3A_1004, %lt3A_1005 : i32
      %convert_element_type3A = arith.extui %lt3A_1006 : i1 to i32
      %cond3A = arith.constant 0 : i32
      %cond3A_1007 = arith.cmpi ne, %convert_element_type3A, %cond3A : i32
      scf.if %cond3A_1007 {
        %ge3A = arith.constant 8 : i32
        %ge3A_1904 = arith.cmpi sge, %add3A_1004, %ge3A : i32
        %convert_element_type3A_1905 = arith.extui %ge3A_1904 : i1 to i32
        %cond3A_1906 = arith.constant 0 : i32
        %cond3A_1907 = arith.cmpi ne, %convert_element_type3A_1905, %cond3A_1906 : i32
        scf.if %cond3A_1907 {
          %sub3A_1919 = arith.constant 8 : i32
          %sub3A_1920 = arith.subi %add3A_1004, %sub3A_1919 : i32
          %mul3A_1921 = arith.constant 200 : i32
          %mul3A_1922 = arith.muli %add3A, %mul3A_1921 : i32
          %add3A_1923 = arith.addi %mul3A_1922, %sub3A_1920 : i32
          %jit3A_1924 = arith.constant 8 : i32
          %div3A_1925 = arith.divsi %add3A_1923, %jit3A_1924 : i32
          %sign3A_1926 = arith.constant 0 : i32
          %sign3A_1927 = arith.cmpi sgt, %add3A_1923, %sign3A_1926 : i32
          %sign3A_1928 = arith.extui %sign3A_1927 : i1 to i32
          %sign3A_1929 = arith.constant 0 : i32
          %sign3A_1930 = arith.cmpi slt, %add3A_1923, %sign3A_1929 : i32
          %sign3A_1931 = arith.extui %sign3A_1930 : i1 to i32
          %sign3A_1932 = arith.subi %sign3A_1928, %sign3A_1931 : i32
          %sign3A_1933 = arith.constant 0 : i32
          %sign3A_1934 = arith.cmpi sgt, %jit3A_1924, %sign3A_1933 : i32
          %sign3A_1935 = arith.extui %sign3A_1934 : i1 to i32
          %sign3A_1936 = arith.constant 0 : i32
          %sign3A_1937 = arith.cmpi slt, %jit3A_1924, %sign3A_1936 : i32
          %sign3A_1938 = arith.extui %sign3A_1937 : i1 to i32
          %sign3A_1939 = arith.subi %sign3A_1935, %sign3A_1938 : i32
          %ne3A_1940 = arith.cmpi ne, %sign3A_1932, %sign3A_1939 : i32
          %rem3A_1941 = arith.remsi %add3A_1923, %jit3A_1924 : i32
          %ne3A_1942 = arith.constant 0 : i32
          %ne3A_1943 = arith.cmpi ne, %rem3A_1941, %ne3A_1942 : i32
          %and3A_1944 = arith.andi %ne3A_1940, %ne3A_1943 : i1
          %sub3A_1945 = arith.constant 1 : i32
          %sub3A_1946 = arith.subi %div3A_1925, %sub3A_1945 : i32
          %select_n3A_1947 = arith.select %and3A_1944, %sub3A_1946, %div3A_1925 : i32
          %jit3A_1948 = arith.constant 8 : i32
          %eq3A_1949 = arith.constant 0 : i32
          %eq3A_1950 = arith.cmpi eq, %jit3A_1948, %eq3A_1949 : i32
          %jit3A_1951 = arith.constant 1 : i32
          %select_n3A_1952 = arith.select %eq3A_1950, %jit3A_1951, %jit3A_1948 : i32
          %rem3A_1953 = arith.remsi %add3A_1923, %select_n3A_1952 : i32
          %ne3A_1954 = arith.constant 0 : i32
          %ne3A_1955 = arith.cmpi ne, %rem3A_1953, %ne3A_1954 : i32
          %lt3A_1956 = arith.constant 0 : i32
          %lt3A_1957 = arith.cmpi slt, %rem3A_1953, %lt3A_1956 : i32
          %lt3A_1958 = arith.constant 0 : i32
          %lt3A_1959 = arith.cmpi slt, %select_n3A_1952, %lt3A_1958 : i32
          %ne3A_1960 = arith.xori %lt3A_1957, %lt3A_1959 : i1
          %and3A_1961 = arith.andi %ne3A_1960, %ne3A_1955 : i1
          %add3A_1962 = arith.addi %rem3A_1953, %select_n3A_1952 : i32
          %select_n3A_1963 = arith.select %and3A_1961, %add3A_1962, %rem3A_1953 : i32
          %jit3A_1964 = arith.constant 32 : i32
          %div3A_1965 = arith.divsi %select_n3A_1947, %jit3A_1964 : i32
          %sign3A_1966 = arith.constant 0 : i32
          %sign3A_1967 = arith.cmpi sgt, %select_n3A_1947, %sign3A_1966 : i32
          %sign3A_1968 = arith.extui %sign3A_1967 : i1 to i32
          %sign3A_1969 = arith.constant 0 : i32
          %sign3A_1970 = arith.cmpi slt, %select_n3A_1947, %sign3A_1969 : i32
          %sign3A_1971 = arith.extui %sign3A_1970 : i1 to i32
          %sign3A_1972 = arith.subi %sign3A_1968, %sign3A_1971 : i32
          %sign3A_1973 = arith.constant 0 : i32
          %sign3A_1974 = arith.cmpi sgt, %jit3A_1964, %sign3A_1973 : i32
          %sign3A_1975 = arith.extui %sign3A_1974 : i1 to i32
          %sign3A_1976 = arith.constant 0 : i32
          %sign3A_1977 = arith.cmpi slt, %jit3A_1964, %sign3A_1976 : i32
          %sign3A_1978 = arith.extui %sign3A_1977 : i1 to i32
          %sign3A_1979 = arith.subi %sign3A_1975, %sign3A_1978 : i32
          %ne3A_1980 = arith.cmpi ne, %sign3A_1972, %sign3A_1979 : i32
          %rem3A_1981 = arith.remsi %select_n3A_1947, %jit3A_1964 : i32
          %ne3A_1982 = arith.constant 0 : i32
          %ne3A_1983 = arith.cmpi ne, %rem3A_1981, %ne3A_1982 : i32
          %and3A_1984 = arith.andi %ne3A_1980, %ne3A_1983 : i1
          %sub3A_1985 = arith.constant 1 : i32
          %sub3A_1986 = arith.subi %div3A_1965, %sub3A_1985 : i32
          %select_n3A_1987 = arith.select %and3A_1984, %sub3A_1986, %div3A_1965 : i32
          %jit3A_1988 = arith.constant 32 : i32
          %eq3A_1989 = arith.constant 0 : i32
          %eq3A_1990 = arith.cmpi eq, %jit3A_1988, %eq3A_1989 : i32
          %jit3A_1991 = arith.constant 1 : i32
          %select_n3A_1992 = arith.select %eq3A_1990, %jit3A_1991, %jit3A_1988 : i32
          %rem3A_1993 = arith.remsi %select_n3A_1947, %select_n3A_1992 : i32
          %ne3A_1994 = arith.constant 0 : i32
          %ne3A_1995 = arith.cmpi ne, %rem3A_1993, %ne3A_1994 : i32
          %lt3A_1996 = arith.constant 0 : i32
          %lt3A_1997 = arith.cmpi slt, %rem3A_1993, %lt3A_1996 : i32
          %lt3A_1998 = arith.constant 0 : i32
          %lt3A_1999 = arith.cmpi slt, %select_n3A_1992, %lt3A_1998 : i32
          %ne3A_2000 = arith.xori %lt3A_1997, %lt3A_1999 : i1
          %and3A_2001 = arith.andi %ne3A_2000, %ne3A_1995 : i1
          %add3A_2002 = arith.addi %rem3A_1993, %select_n3A_1992 : i32
          %select_n3A_2003 = arith.select %and3A_2001, %add3A_2002, %rem3A_1993 : i32
          %mul3A_2004 = arith.constant 8 : i32
          %mul3A_2005 = arith.muli %select_n3A_1987, %mul3A_2004 : i32
          %add3A_2006 = arith.addi %mul3A_2005, %select_n3A_1963 : i32
          %mul3A_2007 = arith.constant 128 : i32
          %mul3A_2008 = arith.muli %select_n3A_2003, %mul3A_2007 : i32
          %dma_wait3A_2009 = arith.constant 4 : i32
          %dma_wait3A_2010 = arith.constant 0 : i32
          %dma_wait3A_2011 = arith.constant 0 : i32
          %dma_wait3A_2012 = tpu.memref_slice %arg6[%dma_wait3A_2009, %dma_wait3A_2010, %dma_wait3A_2011] : memref<8x128x64xf32, #tpu.memory_space<vmem>> -> memref<1x128x64xf32, #tpu.memory_space<vmem>>
          %dma_wait3A_2013 = tpu.memref_squeeze %dma_wait3A_2012 : memref<1x128x64xf32, #tpu.memory_space<vmem>> -> memref<128x64xf32, #tpu.memory_space<vmem>>
          %dma_wait3A_2014 = arith.constant 0 : i32
          %dma_wait3A_2015 = tpu.memref_slice %arg4[%mul3A_2008, %add3A_2006, %dma_wait3A_2014] : memref<4096x200x128xf32, #tpu.memory_space<hbm>> -> memref<128x1x64xf32, #tpu.memory_space<hbm>>
          %dma_wait3A_2016 = tpu.memref_squeeze %dma_wait3A_2015 : memref<128x1x64xf32, #tpu.memory_space<hbm>> -> memref<128x64xf32, #tpu.memory_space<hbm>>
          %dma_wait3A_2017 = arith.constant 0 : i32
          %dma_wait3A_2018 = tpu.memref_slice %arg4[%mul3A_2008, %add3A_2006, %dma_wait3A_2017] : memref<4096x200x128xf32, #tpu.memory_space<hbm>> -> memref<128x1x64xf32, #tpu.memory_space<hbm>>
          %dma_wait3A_2019 = tpu.memref_squeeze %dma_wait3A_2018 : memref<128x1x64xf32, #tpu.memory_space<hbm>> -> memref<128x64xf32, #tpu.memory_space<hbm>>
          %dma_wait3A_2020 = arith.constant 0 : i32
          %dma_wait3A_2021 = arith.constant 0 : i32
          %dma_wait3A_2022 = tpu.memref_slice %arg6[%dma_wait3A_2009, %dma_wait3A_2020, %dma_wait3A_2021] : memref<8x128x64xf32, #tpu.memory_space<vmem>> -> memref<1x128x64xf32, #tpu.memory_space<vmem>>
          %dma_wait3A_2023 = tpu.memref_squeeze %dma_wait3A_2022 : memref<1x128x64xf32, #tpu.memory_space<vmem>> -> memref<128x64xf32, #tpu.memory_space<vmem>>
          tpu.wait_dma2 semaphore(%arg19 : memref<!tpu.dma_semaphore, #tpu.memory_space<semaphore_mem>>) src(%dma_wait3A_2023 : memref<128x64xf32, #tpu.memory_space<vmem>>) dst(%dma_wait3A_2019 : memref<128x64xf32, #tpu.memory_space<hbm>>)
        } else {
        }
        %dma_start3A_1908 = arith.constant 4 : i32
        %dma_start3A_1909 = arith.constant 0 : i32
        %dma_start3A_1910 = arith.constant 0 : i32
        %dma_start3A_1911 = tpu.memref_slice %arg6[%dma_start3A_1908, %dma_start3A_1909, %dma_start3A_1910] : memref<8x128x64xf32, #tpu.memory_space<vmem>> -> memref<1x128x64xf32, #tpu.memory_space<vmem>>
        %dma_start3A_1912 = tpu.memref_squeeze %dma_start3A_1911 : memref<1x128x64xf32, #tpu.memory_space<vmem>> -> memref<128x64xf32, #tpu.memory_space<vmem>>
        %dma_start3A_1913 = arith.constant 0 : i32
        %dma_start3A_1914 = tpu.memref_slice %arg5[%add3A_1004, %dma_start3A_1913] : memref<200x128xi32, #tpu.memory_space<vmem>> -> memref<1x128xi32, #tpu.memory_space<vmem>>
        %dma_start3A_1915 = tpu.memref_squeeze %dma_start3A_1914 : memref<1x128xi32, #tpu.memory_space<vmem>> -> memref<128xi32, #tpu.memory_space<vmem>>
        %dma_start3A_1916 = arith.constant 0 : i32
        %dma_start3A_1917 = arith.constant 0 : i32
        %dma_start3A_1918 = tpu.memref_slice %arg3[%dma_start3A_1916, %dma_start3A_1917] : memref<1000000x64xf32, #tpu.memory_space<hbm>> -> memref<1000000x64xf32, #tpu.memory_space<hbm>>
        tpu.enqueue_indirect_dma source(%dma_start3A_1918 : memref<1000000x64xf32, #tpu.memory_space<hbm>>) target(%dma_start3A_1912 : memref<128x64xf32, #tpu.memory_space<vmem>>) offsets(%dma_start3A_1915 : memref<128xi32, #tpu.memory_space<vmem>>) semaphore(%arg11 : memref<!tpu.dma_semaphore, #tpu.memory_space<semaphore_mem>>)
      } else {
      }
      %add3A_1008 = arith.constant 1 : i32
      %add3A_1009 = arith.addi %add3A_881, %add3A_1008 : i32
      %dma_wait3A_1010 = arith.constant 1 : i32
      %dma_wait3A_1011 = arith.constant 0 : i32
      %dma_wait3A_1012 = arith.constant 0 : i32
      %dma_wait3A_1013 = tpu.memref_slice %arg6[%dma_wait3A_1010, %dma_wait3A_1011, %dma_wait3A_1012] : memref<8x128x64xf32, #tpu.memory_space<vmem>> -> memref<1x128x64xf32, #tpu.memory_space<vmem>>
      %dma_wait3A_1014 = tpu.memref_squeeze %dma_wait3A_1013 : memref<1x128x64xf32, #tpu.memory_space<vmem>> -> memref<128x64xf32, #tpu.memory_space<vmem>>
      %dma_wait3A_1015 = arith.constant 0 : i32
      %dma_wait3A_1016 = tpu.memref_slice %arg5[%add3A_1009, %dma_wait3A_1015] : memref<200x128xi32, #tpu.memory_space<vmem>> -> memref<1x128xi32, #tpu.memory_space<vmem>>
      %dma_wait3A_1017 = tpu.memref_squeeze %dma_wait3A_1016 : memref<1x128xi32, #tpu.memory_space<vmem>> -> memref<128xi32, #tpu.memory_space<vmem>>
      %dma_wait3A_1018 = arith.constant 0 : i32
      %dma_wait3A_1019 = arith.constant 0 : i32
      %dma_wait3A_1020 = tpu.memref_slice %arg3[%dma_wait3A_1018, %dma_wait3A_1019] : memref<1000000x64xf32, #tpu.memory_space<hbm>> -> memref<1000000x64xf32, #tpu.memory_space<hbm>>
      tpu.wait_indirect_dma semaphore(%arg8 : memref<!tpu.dma_semaphore, #tpu.memory_space<semaphore_mem>>) src(%dma_wait3A_1020 : memref<1000000x64xf32, #tpu.memory_space<hbm>>) dst(%dma_wait3A_1014 : memref<128x64xf32, #tpu.memory_space<vmem>>)
      %scan3A_1021 = arith.constant 0 : i32
      %scan3A_1022 = arith.constant 128 : i32
      %scan3A_1023 = arith.addi %scan3A_1021, %scan3A_1022 : i32
      %scan3A_1024 = arith.constant 4 : i32
      scf.for %scan3A_1904 = %scan3A_1021 to %scan3A_1023 step %scan3A_1024  : i32 {
        %mul3A_1905 = arith.constant 1 : i32
        %mul3A_1906 = arith.muli %scan3A_1904, %mul3A_1905 : i32
        %add3A_1907 = arith.constant 0 : i32
        %add3A_1908 = arith.addi %add3A_1907, %mul3A_1906 : i32
        %get3A = arith.constant 1 : i32
        %get3A_1909 = arith.index_cast %get3A : i32 to index
        %get3A_1910 = arith.index_cast %add3A_1908 : i32 to index
        %get3A_1911 = arith.constant 0 : index
        %get3A_1912 = tpu.vector_load %arg6[%get3A_1909, %get3A_1910, %get3A_1911] {strides = array<i32>} : memref<8x128x64xf32, #tpu.memory_space<vmem>>, vector<1x1x16xf32>,
        %get3A_1913 = vector.shape_cast %get3A_1912 : vector<1x1x16xf32> to vector<16xf32>
        %mul3A_1914 = arith.constant 8.000000e+00 : f32
        %mul3A_1915 = vector.broadcast %mul3A_1914 : f32 to vector<16xf32>
        %mul3A_1916 = arith.mulf %get3A_1913, %mul3A_1915 : vector<16xf32>
        %swap3A = arith.constant 1 : i32
        %swap3A_1917 = arith.index_cast %swap3A : i32 to index
        %swap3A_1918 = arith.index_cast %add3A_1908 : i32 to index
        %swap3A_1919 = arith.constant 0 : index
        %swap3A_1920 = tpu.vector_load %arg6[%swap3A_1917, %swap3A_1918, %swap3A_1919] {strides = array<i32>} : memref<8x128x64xf32, #tpu.memory_space<vmem>>, vector<1x1x16xf32>,
        %swap3A_1921 = vector.shape_cast %swap3A_1920 : vector<1x1x16xf32> to vector<16xf32>
        %swap3A_1922 = vector.shape_cast %mul3A_1916 : vector<16xf32> to vector<1x1x16xf32>
        tpu.vector_store %arg6[%swap3A_1917, %swap3A_1918, %swap3A_1919], %swap3A_1922 {strides = array<i32>} : memref<8x128x64xf32, #tpu.memory_space<vmem>>, vector<1x1x16xf32>,
        %get3A_1923 = arith.constant 1 : i32
        %get3A_1924 = arith.index_cast %get3A_1923 : i32 to index
        %get3A_1925 = arith.index_cast %add3A_1908 : i32 to index
        %get3A_1926 = arith.constant 16 : index
        %get3A_1927 = tpu.vector_load %arg6[%get3A_1924, %get3A_1925, %get3A_1926] {strides = array<i32>} : memref<8x128x64xf32, #tpu.memory_space<vmem>>, vector<1x1x16xf32>,
        %get3A_1928 = vector.shape_cast %get3A_1927 : vector<1x1x16xf32> to vector<16xf32>
        %mul3A_1929 = arith.constant 8.000000e+00 : f32
        %mul3A_1930 = vector.broadcast %mul3A_1929 : f32 to vector<16xf32>
        %mul3A_1931 = arith.mulf %get3A_1928, %mul3A_1930 : vector<16xf32>
        %swap3A_1932 = arith.constant 1 : i32
        %swap3A_1933 = arith.index_cast %swap3A_1932 : i32 to index
        %swap3A_1934 = arith.index_cast %add3A_1908 : i32 to index
        %swap3A_1935 = arith.constant 16 : index
        %swap3A_1936 = tpu.vector_load %arg6[%swap3A_1933, %swap3A_1934, %swap3A_1935] {strides = array<i32>} : memref<8x128x64xf32, #tpu.memory_space<vmem>>, vector<1x1x16xf32>,
        %swap3A_1937 = vector.shape_cast %swap3A_1936 : vector<1x1x16xf32> to vector<16xf32>
        %swap3A_1938 = vector.shape_cast %mul3A_1931 : vector<16xf32> to vector<1x1x16xf32>
        tpu.vector_store %arg6[%swap3A_1933, %swap3A_1934, %swap3A_1935], %swap3A_1938 {strides = array<i32>} : memref<8x128x64xf32, #tpu.memory_space<vmem>>, vector<1x1x16xf32>,
        %get3A_1939 = arith.constant 1 : i32
        %get3A_1940 = arith.index_cast %get3A_1939 : i32 to index
        %get3A_1941 = arith.index_cast %add3A_1908 : i32 to index
        %get3A_1942 = arith.constant 32 : index
        %get3A_1943 = tpu.vector_load %arg6[%get3A_1940, %get3A_1941, %get3A_1942] {strides = array<i32>} : memref<8x128x64xf32, #tpu.memory_space<vmem>>, vector<1x1x16xf32>,
        %get3A_1944 = vector.shape_cast %get3A_1943 : vector<1x1x16xf32> to vector<16xf32>
        %mul3A_1945 = arith.constant 8.000000e+00 : f32
        %mul3A_1946 = vector.broadcast %mul3A_1945 : f32 to vector<16xf32>
        %mul3A_1947 = arith.mulf %get3A_1944, %mul3A_1946 : vector<16xf32>
        %swap3A_1948 = arith.constant 1 : i32
        %swap3A_1949 = arith.index_cast %swap3A_1948 : i32 to index
        %swap3A_1950 = arith.index_cast %add3A_1908 : i32 to index
        %swap3A_1951 = arith.constant 32 : index
        %swap3A_1952 = tpu.vector_load %arg6[%swap3A_1949, %swap3A_1950, %swap3A_1951] {strides = array<i32>} : memref<8x128x64xf32, #tpu.memory_space<vmem>>, vector<1x1x16xf32>,
        %swap3A_1953 = vector.shape_cast %swap3A_1952 : vector<1x1x16xf32> to vector<16xf32>
        %swap3A_1954 = vector.shape_cast %mul3A_1947 : vector<16xf32> to vector<1x1x16xf32>
        tpu.vector_store %arg6[%swap3A_1949, %swap3A_1950, %swap3A_1951], %swap3A_1954 {strides = array<i32>} : memref<8x128x64xf32, #tpu.memory_space<vmem>>, vector<1x1x16xf32>,
        %get3A_1955 = arith.constant 1 : i32
        %get3A_1956 = arith.index_cast %get3A_1955 : i32 to index
        %get3A_1957 = arith.index_cast %add3A_1908 : i32 to index
        %get3A_1958 = arith.constant 48 : index
        %get3A_1959 = tpu.vector_load %arg6[%get3A_1956, %get3A_1957, %get3A_1958] {strides = array<i32>} : memref<8x128x64xf32, #tpu.memory_space<vmem>>, vector<1x1x16xf32>,
        %get3A_1960 = vector.shape_cast %get3A_1959 : vector<1x1x16xf32> to vector<16xf32>
        %mul3A_1961 = arith.constant 8.000000e+00 : f32
        %mul3A_1962 = vector.broadcast %mul3A_1961 : f32 to vector<16xf32>
        %mul3A_1963 = arith.mulf %get3A_1960, %mul3A_1962 : vector<16xf32>
        %swap3A_1964 = arith.constant 1 : i32
        %swap3A_1965 = arith.index_cast %swap3A_1964 : i32 to index
        %swap3A_1966 = arith.index_cast %add3A_1908 : i32 to index
        %swap3A_1967 = arith.constant 48 : index
        %swap3A_1968 = tpu.vector_load %arg6[%swap3A_1965, %swap3A_1966, %swap3A_1967] {strides = array<i32>} : memref<8x128x64xf32, #tpu.memory_space<vmem>>, vector<1x1x16xf32>,
        %swap3A_1969 = vector.shape_cast %swap3A_1968 : vector<1x1x16xf32> to vector<16xf32>
        %swap3A_1970 = vector.shape_cast %mul3A_1963 : vector<16xf32> to vector<1x1x16xf32>
        tpu.vector_store %arg6[%swap3A_1965, %swap3A_1966, %swap3A_1967], %swap3A_1970 {strides = array<i32>} : memref<8x128x64xf32, #tpu.memory_space<vmem>>, vector<1x1x16xf32>,
        %scan3A_1971 = arith.constant 1 : i32
        %scan3A_1972 = arith.addi %scan3A_1904, %scan3A_1971 : i32
        %mul3A_1973 = arith.constant 1 : i32
        %mul3A_1974 = arith.muli %scan3A_1972, %mul3A_1973 : i32
        %add3A_1975 = arith.constant 0 : i32
        %add3A_1976 = arith.addi %add3A_1975, %mul3A_1974 : i32
        %get3A_1977 = arith.constant 1 : i32
        %get3A_1978 = arith.index_cast %get3A_1977 : i32 to index
        %get3A_1979 = arith.index_cast %add3A_1976 : i32 to index
        %get3A_1980 = arith.constant 0 : index
        %get3A_1981 = tpu.vector_load %arg6[%get3A_1978, %get3A_1979, %get3A_1980] {strides = array<i32>} : memref<8x128x64xf32, #tpu.memory_space<vmem>>, vector<1x1x16xf32>,
        %get3A_1982 = vector.shape_cast %get3A_1981 : vector<1x1x16xf32> to vector<16xf32>
        %mul3A_1983 = arith.constant 8.000000e+00 : f32
        %mul3A_1984 = vector.broadcast %mul3A_1983 : f32 to vector<16xf32>
        %mul3A_1985 = arith.mulf %get3A_1982, %mul3A_1984 : vector<16xf32>
        %swap3A_1986 = arith.constant 1 : i32
        %swap3A_1987 = arith.index_cast %swap3A_1986 : i32 to index
        %swap3A_1988 = arith.index_cast %add3A_1976 : i32 to index
        %swap3A_1989 = arith.constant 0 : index
        %swap3A_1990 = tpu.vector_load %arg6[%swap3A_1987, %swap3A_1988, %swap3A_1989] {strides = array<i32>} : memref<8x128x64xf32, #tpu.memory_space<vmem>>, vector<1x1x16xf32>,
        %swap3A_1991 = vector.shape_cast %swap3A_1990 : vector<1x1x16xf32> to vector<16xf32>
        %swap3A_1992 = vector.shape_cast %mul3A_1985 : vector<16xf32> to vector<1x1x16xf32>
        tpu.vector_store %arg6[%swap3A_1987, %swap3A_1988, %swap3A_1989], %swap3A_1992 {strides = array<i32>} : memref<8x128x64xf32, #tpu.memory_space<vmem>>, vector<1x1x16xf32>,
        %get3A_1993 = arith.constant 1 : i32
        %get3A_1994 = arith.index_cast %get3A_1993 : i32 to index
        %get3A_1995 = arith.index_cast %add3A_1976 : i32 to index
        %get3A_1996 = arith.constant 16 : index
        %get3A_1997 = tpu.vector_load %arg6[%get3A_1994, %get3A_1995, %get3A_1996] {strides = array<i32>} : memref<8x128x64xf32, #tpu.memory_space<vmem>>, vector<1x1x16xf32>,
        %get3A_1998 = vector.shape_cast %get3A_1997 : vector<1x1x16xf32> to vector<16xf32>
        %mul3A_1999 = arith.constant 8.000000e+00 : f32
        %mul3A_2000 = vector.broadcast %mul3A_1999 : f32 to vector<16xf32>
        %mul3A_2001 = arith.mulf %get3A_1998, %mul3A_2000 : vector<16xf32>
        %swap3A_2002 = arith.constant 1 : i32
        %swap3A_2003 = arith.index_cast %swap3A_2002 : i32 to index
        %swap3A_2004 = arith.index_cast %add3A_1976 : i32 to index
        %swap3A_2005 = arith.constant 16 : index
        %swap3A_2006 = tpu.vector_load %arg6[%swap3A_2003, %swap3A_2004, %swap3A_2005] {strides = array<i32>} : memref<8x128x64xf32, #tpu.memory_space<vmem>>, vector<1x1x16xf32>,
        %swap3A_2007 = vector.shape_cast %swap3A_2006 : vector<1x1x16xf32> to vector<16xf32>
        %swap3A_2008 = vector.shape_cast %mul3A_2001 : vector<16xf32> to vector<1x1x16xf32>
        tpu.vector_store %arg6[%swap3A_2003, %swap3A_2004, %swap3A_2005], %swap3A_2008 {strides = array<i32>} : memref<8x128x64xf32, #tpu.memory_space<vmem>>, vector<1x1x16xf32>,
        %get3A_2009 = arith.constant 1 : i32
        %get3A_2010 = arith.index_cast %get3A_2009 : i32 to index
        %get3A_2011 = arith.index_cast %add3A_1976 : i32 to index
        %get3A_2012 = arith.constant 32 : index
        %get3A_2013 = tpu.vector_load %arg6[%get3A_2010, %get3A_2011, %get3A_2012] {strides = array<i32>} : memref<8x128x64xf32, #tpu.memory_space<vmem>>, vector<1x1x16xf32>,
        %get3A_2014 = vector.shape_cast %get3A_2013 : vector<1x1x16xf32> to vector<16xf32>
        %mul3A_2015 = arith.constant 8.000000e+00 : f32
        %mul3A_2016 = vector.broadcast %mul3A_2015 : f32 to vector<16xf32>
        %mul3A_2017 = arith.mulf %get3A_2014, %mul3A_2016 : vector<16xf32>
        %swap3A_2018 = arith.constant 1 : i32
        %swap3A_2019 = arith.index_cast %swap3A_2018 : i32 to index
        %swap3A_2020 = arith.index_cast %add3A_1976 : i32 to index
        %swap3A_2021 = arith.constant 32 : index
        %swap3A_2022 = tpu.vector_load %arg6[%swap3A_2019, %swap3A_2020, %swap3A_2021] {strides = array<i32>} : memref<8x128x64xf32, #tpu.memory_space<vmem>>, vector<1x1x16xf32>,
        %swap3A_2023 = vector.shape_cast %swap3A_2022 : vector<1x1x16xf32> to vector<16xf32>
        %swap3A_2024 = vector.shape_cast %mul3A_2017 : vector<16xf32> to vector<1x1x16xf32>
        tpu.vector_store %arg6[%swap3A_2019, %swap3A_2020, %swap3A_2021], %swap3A_2024 {strides = array<i32>} : memref<8x128x64xf32, #tpu.memory_space<vmem>>, vector<1x1x16xf32>,
        %get3A_2025 = arith.constant 1 : i32
        %get3A_2026 = arith.index_cast %get3A_2025 : i32 to index
        %get3A_2027 = arith.index_cast %add3A_1976 : i32 to index
        %get3A_2028 = arith.constant 48 : index
        %get3A_2029 = tpu.vector_load %arg6[%get3A_2026, %get3A_2027, %get3A_2028] {strides = array<i32>} : memref<8x128x64xf32, #tpu.memory_space<vmem>>, vector<1x1x16xf32>,
        %get3A_2030 = vector.shape_cast %get3A_2029 : vector<1x1x16xf32> to vector<16xf32>
        %mul3A_2031 = arith.constant 8.000000e+00 : f32
        %mul3A_2032 = vector.broadcast %mul3A_2031 : f32 to vector<16xf32>
        %mul3A_2033 = arith.mulf %get3A_2030, %mul3A_2032 : vector<16xf32>
        %swap3A_2034 = arith.constant 1 : i32
        %swap3A_2035 = arith.index_cast %swap3A_2034 : i32 to index
        %swap3A_2036 = arith.index_cast %add3A_1976 : i32 to index
        %swap3A_2037 = arith.constant 48 : index
        %swap3A_2038 = tpu.vector_load %arg6[%swap3A_2035, %swap3A_2036, %swap3A_2037] {strides = array<i32>} : memref<8x128x64xf32, #tpu.memory_space<vmem>>, vector<1x1x16xf32>,
        %swap3A_2039 = vector.shape_cast %swap3A_2038 : vector<1x1x16xf32> to vector<16xf32>
        %swap3A_2040 = vector.shape_cast %mul3A_2033 : vector<16xf32> to vector<1x1x16xf32>
        tpu.vector_store %arg6[%swap3A_2035, %swap3A_2036, %swap3A_2037], %swap3A_2040 {strides = array<i32>} : memref<8x128x64xf32, #tpu.memory_space<vmem>>, vector<1x1x16xf32>,
        %scan3A_2041 = arith.constant 2 : i32
        %scan3A_2042 = arith.addi %scan3A_1904, %scan3A_2041 : i32
        %mul3A_2043 = arith.constant 1 : i32
        %mul3A_2044 = arith.muli %scan3A_2042, %mul3A_2043 : i32
        %add3A_2045 = arith.constant 0 : i32
        %add3A_2046 = arith.addi %add3A_2045, %mul3A_2044 : i32
        %get3A_2047 = arith.constant 1 : i32
        %get3A_2048 = arith.index_cast %get3A_2047 : i32 to index
        %get3A_2049 = arith.index_cast %add3A_2046 : i32 to index
        %get3A_2050 = arith.constant 0 : index
        %get3A_2051 = tpu.vector_load %arg6[%get3A_2048, %get3A_2049, %get3A_2050] {strides = array<i32>} : memref<8x128x64xf32, #tpu.memory_space<vmem>>, vector<1x1x16xf32>,
        %get3A_2052 = vector.shape_cast %get3A_2051 : vector<1x1x16xf32> to vector<16xf32>
        %mul3A_2053 = arith.constant 8.000000e+00 : f32
        %mul3A_2054 = vector.broadcast %mul3A_2053 : f32 to vector<16xf32>
        %mul3A_2055 = arith.mulf %get3A_2052, %mul3A_2054 : vector<16xf32>
        %swap3A_2056 = arith.constant 1 : i32
        %swap3A_2057 = arith.index_cast %swap3A_2056 : i32 to index
        %swap3A_2058 = arith.index_cast %add3A_2046 : i32 to index
        %swap3A_2059 = arith.constant 0 : index
        %swap3A_2060 = tpu.vector_load %arg6[%swap3A_2057, %swap3A_2058, %swap3A_2059] {strides = array<i32>} : memref<8x128x64xf32, #tpu.memory_space<vmem>>, vector<1x1x16xf32>,
        %swap3A_2061 = vector.shape_cast %swap3A_2060 : vector<1x1x16xf32> to vector<16xf32>
        %swap3A_2062 = vector.shape_cast %mul3A_2055 : vector<16xf32> to vector<1x1x16xf32>
        tpu.vector_store %arg6[%swap3A_2057, %swap3A_2058, %swap3A_2059], %swap3A_2062 {strides = array<i32>} : memref<8x128x64xf32, #tpu.memory_space<vmem>>, vector<1x1x16xf32>,
        %get3A_2063 = arith.constant 1 : i32
        %get3A_2064 = arith.index_cast %get3A_2063 : i32 to index
        %get3A_2065 = arith.index_cast %add3A_2046 : i32 to index
        %get3A_2066 = arith.constant 16 : index
        %get3A_2067 = tpu.vector_load %arg6[%get3A_2064, %get3A_2065, %get3A_2066] {strides = array<i32>} : memref<8x128x64xf32, #tpu.memory_space<vmem>>, vector<1x1x16xf32>,
        %get3A_2068 = vector.shape_cast %get3A_2067 : vector<1x1x16xf32> to vector<16xf32>
        %mul3A_2069 = arith.constant 8.000000e+00 : f32
        %mul3A_2070 = vector.broadcast %mul3A_2069 : f32 to vector<16xf32>
        %mul3A_2071 = arith.mulf %get3A_2068, %mul3A_2070 : vector<16xf32>
        %swap3A_2072 = arith.constant 1 : i32
        %swap3A_2073 = arith.index_cast %swap3A_2072 : i32 to index
        %swap3A_2074 = arith.index_cast %add3A_2046 : i32 to index
        %swap3A_2075 = arith.constant 16 : index
        %swap3A_2076 = tpu.vector_load %arg6[%swap3A_2073, %swap3A_2074, %swap3A_2075] {strides = array<i32>} : memref<8x128x64xf32, #tpu.memory_space<vmem>>, vector<1x1x16xf32>,
        %swap3A_2077 = vector.shape_cast %swap3A_2076 : vector<1x1x16xf32> to vector<16xf32>
        %swap3A_2078 = vector.shape_cast %mul3A_2071 : vector<16xf32> to vector<1x1x16xf32>
        tpu.vector_store %arg6[%swap3A_2073, %swap3A_2074, %swap3A_2075], %swap3A_2078 {strides = array<i32>} : memref<8x128x64xf32, #tpu.memory_space<vmem>>, vector<1x1x16xf32>,
        %get3A_2079 = arith.constant 1 : i32
        %get3A_2080 = arith.index_cast %get3A_2079 : i32 to index
        %get3A_2081 = arith.index_cast %add3A_2046 : i32 to index
        %get3A_2082 = arith.constant 32 : index
        %get3A_2083 = tpu.vector_load %arg6[%get3A_2080, %get3A_2081, %get3A_2082] {strides = array<i32>} : memref<8x128x64xf32, #tpu.memory_space<vmem>>, vector<1x1x16xf32>,
        %get3A_2084 = vector.shape_cast %get3A_2083 : vector<1x1x16xf32> to vector<16xf32>
        %mul3A_2085 = arith.constant 8.000000e+00 : f32
        %mul3A_2086 = vector.broadcast %mul3A_2085 : f32 to vector<16xf32>
        %mul3A_2087 = arith.mulf %get3A_2084, %mul3A_2086 : vector<16xf32>
        %swap3A_2088 = arith.constant 1 : i32
        %swap3A_2089 = arith.index_cast %swap3A_2088 : i32 to index
        %swap3A_2090 = arith.index_cast %add3A_2046 : i32 to index
        %swap3A_2091 = arith.constant 32 : index
        %swap3A_2092 = tpu.vector_load %arg6[%swap3A_2089, %swap3A_2090, %swap3A_2091] {strides = array<i32>} : memref<8x128x64xf32, #tpu.memory_space<vmem>>, vector<1x1x16xf32>,
        %swap3A_2093 = vector.shape_cast %swap3A_2092 : vector<1x1x16xf32> to vector<16xf32>
        %swap3A_2094 = vector.shape_cast %mul3A_2087 : vector<16xf32> to vector<1x1x16xf32>
        tpu.vector_store %arg6[%swap3A_2089, %swap3A_2090, %swap3A_2091], %swap3A_2094 {strides = array<i32>} : memref<8x128x64xf32, #tpu.memory_space<vmem>>, vector<1x1x16xf32>,
        %get3A_2095 = arith.constant 1 : i32
        %get3A_2096 = arith.index_cast %get3A_2095 : i32 to index
        %get3A_2097 = arith.index_cast %add3A_2046 : i32 to index
        %get3A_2098 = arith.constant 48 : index
        %get3A_2099 = tpu.vector_load %arg6[%get3A_2096, %get3A_2097, %get3A_2098] {strides = array<i32>} : memref<8x128x64xf32, #tpu.memory_space<vmem>>, vector<1x1x16xf32>,
        %get3A_2100 = vector.shape_cast %get3A_2099 : vector<1x1x16xf32> to vector<16xf32>
        %mul3A_2101 = arith.constant 8.000000e+00 : f32
        %mul3A_2102 = vector.broadcast %mul3A_2101 : f32 to vector<16xf32>
        %mul3A_2103 = arith.mulf %get3A_2100, %mul3A_2102 : vector<16xf32>
        %swap3A_2104 = arith.constant 1 : i32
        %swap3A_2105 = arith.index_cast %swap3A_2104 : i32 to index
        %swap3A_2106 = arith.index_cast %add3A_2046 : i32 to index
        %swap3A_2107 = arith.constant 48 : index
        %swap3A_2108 = tpu.vector_load %arg6[%swap3A_2105, %swap3A_2106, %swap3A_2107] {strides = array<i32>} : memref<8x128x64xf32, #tpu.memory_space<vmem>>, vector<1x1x16xf32>,
        %swap3A_2109 = vector.shape_cast %swap3A_2108 : vector<1x1x16xf32> to vector<16xf32>
        %swap3A_2110 = vector.shape_cast %mul3A_2103 : vector<16xf32> to vector<1x1x16xf32>
        tpu.vector_store %arg6[%swap3A_2105, %swap3A_2106, %swap3A_2107], %swap3A_2110 {strides = array<i32>} : memref<8x128x64xf32, #tpu.memory_space<vmem>>, vector<1x1x16xf32>,
        %scan3A_2111 = arith.constant 3 : i32
        %scan3A_2112 = arith.addi %scan3A_1904, %scan3A_2111 : i32
        %mul3A_2113 = arith.constant 1 : i32
        %mul3A_2114 = arith.muli %scan3A_2112, %mul3A_2113 : i32
        %add3A_2115 = arith.constant 0 : i32
        %add3A_2116 = arith.addi %add3A_2115, %mul3A_2114 : i32
        %get3A_2117 = arith.constant 1 : i32
        %get3A_2118 = arith.index_cast %get3A_2117 : i32 to index
        %get3A_2119 = arith.index_cast %add3A_2116 : i32 to index
        %get3A_2120 = arith.constant 0 : index
        %get3A_2121 = tpu.vector_load %arg6[%get3A_2118, %get3A_2119, %get3A_2120] {strides = array<i32>} : memref<8x128x64xf32, #tpu.memory_space<vmem>>, vector<1x1x16xf32>,
        %get3A_2122 = vector.shape_cast %get3A_2121 : vector<1x1x16xf32> to vector<16xf32>
        %mul3A_2123 = arith.constant 8.000000e+00 : f32
        %mul3A_2124 = vector.broadcast %mul3A_2123 : f32 to vector<16xf32>
        %mul3A_2125 = arith.mulf %get3A_2122, %mul3A_2124 : vector<16xf32>
        %swap3A_2126 = arith.constant 1 : i32
        %swap3A_2127 = arith.index_cast %swap3A_2126 : i32 to index
        %swap3A_2128 = arith.index_cast %add3A_2116 : i32 to index
        %swap3A_2129 = arith.constant 0 : index
        %swap3A_2130 = tpu.vector_load %arg6[%swap3A_2127, %swap3A_2128, %swap3A_2129] {strides = array<i32>} : memref<8x128x64xf32, #tpu.memory_space<vmem>>, vector<1x1x16xf32>,
        %swap3A_2131 = vector.shape_cast %swap3A_2130 : vector<1x1x16xf32> to vector<16xf32>
        %swap3A_2132 = vector.shape_cast %mul3A_2125 : vector<16xf32> to vector<1x1x16xf32>
        tpu.vector_store %arg6[%swap3A_2127, %swap3A_2128, %swap3A_2129], %swap3A_2132 {strides = array<i32>} : memref<8x128x64xf32, #tpu.memory_space<vmem>>, vector<1x1x16xf32>,
        %get3A_2133 = arith.constant 1 : i32
        %get3A_2134 = arith.index_cast %get3A_2133 : i32 to index
        %get3A_2135 = arith.index_cast %add3A_2116 : i32 to index
        %get3A_2136 = arith.constant 16 : index
        %get3A_2137 = tpu.vector_load %arg6[%get3A_2134, %get3A_2135, %get3A_2136] {strides = array<i32>} : memref<8x128x64xf32, #tpu.memory_space<vmem>>, vector<1x1x16xf32>,
        %get3A_2138 = vector.shape_cast %get3A_2137 : vector<1x1x16xf32> to vector<16xf32>
        %mul3A_2139 = arith.constant 8.000000e+00 : f32
        %mul3A_2140 = vector.broadcast %mul3A_2139 : f32 to vector<16xf32>
        %mul3A_2141 = arith.mulf %get3A_2138, %mul3A_2140 : vector<16xf32>
        %swap3A_2142 = arith.constant 1 : i32
        %swap3A_2143 = arith.index_cast %swap3A_2142 : i32 to index
        %swap3A_2144 = arith.index_cast %add3A_2116 : i32 to index
        %swap3A_2145 = arith.constant 16 : index
        %swap3A_2146 = tpu.vector_load %arg6[%swap3A_2143, %swap3A_2144, %swap3A_2145] {strides = array<i32>} : memref<8x128x64xf32, #tpu.memory_space<vmem>>, vector<1x1x16xf32>,
        %swap3A_2147 = vector.shape_cast %swap3A_2146 : vector<1x1x16xf32> to vector<16xf32>
        %swap3A_2148 = vector.shape_cast %mul3A_2141 : vector<16xf32> to vector<1x1x16xf32>
        tpu.vector_store %arg6[%swap3A_2143, %swap3A_2144, %swap3A_2145], %swap3A_2148 {strides = array<i32>} : memref<8x128x64xf32, #tpu.memory_space<vmem>>, vector<1x1x16xf32>,
        %get3A_2149 = arith.constant 1 : i32
        %get3A_2150 = arith.index_cast %get3A_2149 : i32 to index
        %get3A_2151 = arith.index_cast %add3A_2116 : i32 to index
        %get3A_2152 = arith.constant 32 : index
        %get3A_2153 = tpu.vector_load %arg6[%get3A_2150, %get3A_2151, %get3A_2152] {strides = array<i32>} : memref<8x128x64xf32, #tpu.memory_space<vmem>>, vector<1x1x16xf32>,
        %get3A_2154 = vector.shape_cast %get3A_2153 : vector<1x1x16xf32> to vector<16xf32>
        %mul3A_2155 = arith.constant 8.000000e+00 : f32
        %mul3A_2156 = vector.broadcast %mul3A_2155 : f32 to vector<16xf32>
        %mul3A_2157 = arith.mulf %get3A_2154, %mul3A_2156 : vector<16xf32>
        %swap3A_2158 = arith.constant 1 : i32
        %swap3A_2159 = arith.index_cast %swap3A_2158 : i32 to index
        %swap3A_2160 = arith.index_cast %add3A_2116 : i32 to index
        %swap3A_2161 = arith.constant 32 : index
        %swap3A_2162 = tpu.vector_load %arg6[%swap3A_2159, %swap3A_2160, %swap3A_2161] {strides = array<i32>} : memref<8x128x64xf32, #tpu.memory_space<vmem>>, vector<1x1x16xf32>,
        %swap3A_2163 = vector.shape_cast %swap3A_2162 : vector<1x1x16xf32> to vector<16xf32>
        %swap3A_2164 = vector.shape_cast %mul3A_2157 : vector<16xf32> to vector<1x1x16xf32>
        tpu.vector_store %arg6[%swap3A_2159, %swap3A_2160, %swap3A_2161], %swap3A_2164 {strides = array<i32>} : memref<8x128x64xf32, #tpu.memory_space<vmem>>, vector<1x1x16xf32>,
        %get3A_2165 = arith.constant 1 : i32
        %get3A_2166 = arith.index_cast %get3A_2165 : i32 to index
        %get3A_2167 = arith.index_cast %add3A_2116 : i32 to index
        %get3A_2168 = arith.constant 48 : index
        %get3A_2169 = tpu.vector_load %arg6[%get3A_2166, %get3A_2167, %get3A_2168] {strides = array<i32>} : memref<8x128x64xf32, #tpu.memory_space<vmem>>, vector<1x1x16xf32>,
        %get3A_2170 = vector.shape_cast %get3A_2169 : vector<1x1x16xf32> to vector<16xf32>
        %mul3A_2171 = arith.constant 8.000000e+00 : f32
        %mul3A_2172 = vector.broadcast %mul3A_2171 : f32 to vector<16xf32>
        %mul3A_2173 = arith.mulf %get3A_2170, %mul3A_2172 : vector<16xf32>
        %swap3A_2174 = arith.constant 1 : i32
        %swap3A_2175 = arith.index_cast %swap3A_2174 : i32 to index
        %swap3A_2176 = arith.index_cast %add3A_2116 : i32 to index
        %swap3A_2177 = arith.constant 48 : index
        %swap3A_2178 = tpu.vector_load %arg6[%swap3A_2175, %swap3A_2176, %swap3A_2177] {strides = array<i32>} : memref<8x128x64xf32, #tpu.memory_space<vmem>>, vector<1x1x16xf32>,
        %swap3A_2179 = vector.shape_cast %swap3A_2178 : vector<1x1x16xf32> to vector<16xf32>
        %swap3A_2180 = vector.shape_cast %mul3A_2173 : vector<16xf32> to vector<1x1x16xf32>
        tpu.vector_store %arg6[%swap3A_2175, %swap3A_2176, %swap3A_2177], %swap3A_2180 {strides = array<i32>} : memref<8x128x64xf32, #tpu.memory_space<vmem>>, vector<1x1x16xf32>,
      }
      %scan3A_1025 = arith.constant 128 : i32
      %mul3A_1026 = arith.constant 200 : i32
      %mul3A_1027 = arith.muli %add3A, %mul3A_1026 : i32
      %add3A_1028 = arith.addi %mul3A_1027, %add3A_1009 : i32
      %jit3A_1029 = arith.constant 8 : i32
      %div3A_1030 = arith.divsi %add3A_1028, %jit3A_1029 : i32
      %sign3A_1031 = arith.constant 0 : i32
      %sign3A_1032 = arith.cmpi sgt, %add3A_1028, %sign3A_1031 : i32
      %sign3A_1033 = arith.extui %sign3A_1032 : i1 to i32
      %sign3A_1034 = arith.constant 0 : i32
      %sign3A_1035 = arith.cmpi slt, %add3A_1028, %sign3A_1034 : i32
      %sign3A_1036 = arith.extui %sign3A_1035 : i1 to i32
      %sign3A_1037 = arith.subi %sign3A_1033, %sign3A_1036 : i32
      %sign3A_1038 = arith.constant 0 : i32
      %sign3A_1039 = arith.cmpi sgt, %jit3A_1029, %sign3A_1038 : i32
      %sign3A_1040 = arith.extui %sign3A_1039 : i1 to i32
      %sign3A_1041 = arith.constant 0 : i32
      %sign3A_1042 = arith.cmpi slt, %jit3A_1029, %sign3A_1041 : i32
      %sign3A_1043 = arith.extui %sign3A_1042 : i1 to i32
      %sign3A_1044 = arith.subi %sign3A_1040, %sign3A_1043 : i32
      %ne3A_1045 = arith.cmpi ne, %sign3A_1037, %sign3A_1044 : i32
      %rem3A_1046 = arith.remsi %add3A_1028, %jit3A_1029 : i32
      %ne3A_1047 = arith.constant 0 : i32
      %ne3A_1048 = arith.cmpi ne, %rem3A_1046, %ne3A_1047 : i32
      %and3A_1049 = arith.andi %ne3A_1045, %ne3A_1048 : i1
      %sub3A_1050 = arith.constant 1 : i32
      %sub3A_1051 = arith.subi %div3A_1030, %sub3A_1050 : i32
      %select_n3A_1052 = arith.select %and3A_1049, %sub3A_1051, %div3A_1030 : i32
      %jit3A_1053 = arith.constant 8 : i32
      %eq3A_1054 = arith.constant 0 : i32
      %eq3A_1055 = arith.cmpi eq, %jit3A_1053, %eq3A_1054 : i32
      %jit3A_1056 = arith.constant 1 : i32
      %select_n3A_1057 = arith.select %eq3A_1055, %jit3A_1056, %jit3A_1053 : i32
      %rem3A_1058 = arith.remsi %add3A_1028, %select_n3A_1057 : i32
      %ne3A_1059 = arith.constant 0 : i32
      %ne3A_1060 = arith.cmpi ne, %rem3A_1058, %ne3A_1059 : i32
      %lt3A_1061 = arith.constant 0 : i32
      %lt3A_1062 = arith.cmpi slt, %rem3A_1058, %lt3A_1061 : i32
      %lt3A_1063 = arith.constant 0 : i32
      %lt3A_1064 = arith.cmpi slt, %select_n3A_1057, %lt3A_1063 : i32
      %ne3A_1065 = arith.xori %lt3A_1062, %lt3A_1064 : i1
      %and3A_1066 = arith.andi %ne3A_1065, %ne3A_1060 : i1
      %add3A_1067 = arith.addi %rem3A_1058, %select_n3A_1057 : i32
      %select_n3A_1068 = arith.select %and3A_1066, %add3A_1067, %rem3A_1058 : i32
      %jit3A_1069 = arith.constant 32 : i32
      %div3A_1070 = arith.divsi %select_n3A_1052, %jit3A_1069 : i32
      %sign3A_1071 = arith.constant 0 : i32
      %sign3A_1072 = arith.cmpi sgt, %select_n3A_1052, %sign3A_1071 : i32
      %sign3A_1073 = arith.extui %sign3A_1072 : i1 to i32
      %sign3A_1074 = arith.constant 0 : i32
      %sign3A_1075 = arith.cmpi slt, %select_n3A_1052, %sign3A_1074 : i32
      %sign3A_1076 = arith.extui %sign3A_1075 : i1 to i32
      %sign3A_1077 = arith.subi %sign3A_1073, %sign3A_1076 : i32
      %sign3A_1078 = arith.constant 0 : i32
      %sign3A_1079 = arith.cmpi sgt, %jit3A_1069, %sign3A_1078 : i32
      %sign3A_1080 = arith.extui %sign3A_1079 : i1 to i32
      %sign3A_1081 = arith.constant 0 : i32
      %sign3A_1082 = arith.cmpi slt, %jit3A_1069, %sign3A_1081 : i32
      %sign3A_1083 = arith.extui %sign3A_1082 : i1 to i32
      %sign3A_1084 = arith.subi %sign3A_1080, %sign3A_1083 : i32
      %ne3A_1085 = arith.cmpi ne, %sign3A_1077, %sign3A_1084 : i32
      %rem3A_1086 = arith.remsi %select_n3A_1052, %jit3A_1069 : i32
      %ne3A_1087 = arith.constant 0 : i32
      %ne3A_1088 = arith.cmpi ne, %rem3A_1086, %ne3A_1087 : i32
      %and3A_1089 = arith.andi %ne3A_1085, %ne3A_1088 : i1
      %sub3A_1090 = arith.constant 1 : i32
      %sub3A_1091 = arith.subi %div3A_1070, %sub3A_1090 : i32
      %select_n3A_1092 = arith.select %and3A_1089, %sub3A_1091, %div3A_1070 : i32
      %jit3A_1093 = arith.constant 32 : i32
      %eq3A_1094 = arith.constant 0 : i32
      %eq3A_1095 = arith.cmpi eq, %jit3A_1093, %eq3A_1094 : i32
      %jit3A_1096 = arith.constant 1 : i32
      %select_n3A_1097 = arith.select %eq3A_1095, %jit3A_1096, %jit3A_1093 : i32
      %rem3A_1098 = arith.remsi %select_n3A_1052, %select_n3A_1097 : i32
      %ne3A_1099 = arith.constant 0 : i32
      %ne3A_1100 = arith.cmpi ne, %rem3A_1098, %ne3A_1099 : i32
      %lt3A_1101 = arith.constant 0 : i32
      %lt3A_1102 = arith.cmpi slt, %rem3A_1098, %lt3A_1101 : i32
      %lt3A_1103 = arith.constant 0 : i32
      %lt3A_1104 = arith.cmpi slt, %select_n3A_1097, %lt3A_1103 : i32
      %ne3A_1105 = arith.xori %lt3A_1102, %lt3A_1104 : i1
      %and3A_1106 = arith.andi %ne3A_1105, %ne3A_1100 : i1
      %add3A_1107 = arith.addi %rem3A_1098, %select_n3A_1097 : i32
      %select_n3A_1108 = arith.select %and3A_1106, %add3A_1107, %rem3A_1098 : i32
      %mul3A_1109 = arith.constant 8 : i32
      %mul3A_1110 = arith.muli %select_n3A_1092, %mul3A_1109 : i32
      %add3A_1111 = arith.addi %mul3A_1110, %select_n3A_1068 : i32
      %mul3A_1112 = arith.constant 128 : i32
      %mul3A_1113 = arith.muli %select_n3A_1108, %mul3A_1112 : i32
      %dma_start3A_1114 = arith.constant 1 : i32
      %dma_start3A_1115 = arith.constant 0 : i32
      %dma_start3A_1116 = arith.constant 0 : i32
      %dma_start3A_1117 = tpu.memref_slice %arg6[%dma_start3A_1114, %dma_start3A_1115, %dma_start3A_1116] : memref<8x128x64xf32, #tpu.memory_space<vmem>> -> memref<1x128x64xf32, #tpu.memory_space<vmem>>
      %dma_start3A_1118 = tpu.memref_squeeze %dma_start3A_1117 : memref<1x128x64xf32, #tpu.memory_space<vmem>> -> memref<128x64xf32, #tpu.memory_space<vmem>>
      %dma_start3A_1119 = arith.constant 0 : i32
      %dma_start3A_1120 = tpu.memref_slice %arg4[%mul3A_1113, %add3A_1111, %dma_start3A_1119] : memref<4096x200x128xf32, #tpu.memory_space<hbm>> -> memref<128x1x64xf32, #tpu.memory_space<hbm>>
      %dma_start3A_1121 = tpu.memref_squeeze %dma_start3A_1120 : memref<128x1x64xf32, #tpu.memory_space<hbm>> -> memref<128x64xf32, #tpu.memory_space<hbm>>
      %dma_start3A_1122 = arith.constant 0 : i32
      %dma_start3A_1123 = tpu.memref_slice %arg4[%mul3A_1113, %add3A_1111, %dma_start3A_1122] : memref<4096x200x128xf32, #tpu.memory_space<hbm>> -> memref<128x1x64xf32, #tpu.memory_space<hbm>>
      %dma_start3A_1124 = tpu.memref_squeeze %dma_start3A_1123 : memref<128x1x64xf32, #tpu.memory_space<hbm>> -> memref<128x64xf32, #tpu.memory_space<hbm>>
      %dma_start3A_1125 = arith.constant 0 : i32
      %dma_start3A_1126 = arith.constant 0 : i32
      %dma_start3A_1127 = tpu.memref_slice %arg6[%dma_start3A_1114, %dma_start3A_1125, %dma_start3A_1126] : memref<8x128x64xf32, #tpu.memory_space<vmem>> -> memref<1x128x64xf32, #tpu.memory_space<vmem>>
      %dma_start3A_1128 = tpu.memref_squeeze %dma_start3A_1127 : memref<1x128x64xf32, #tpu.memory_space<vmem>> -> memref<128x64xf32, #tpu.memory_space<vmem>>
      tpu.enqueue_dma source(%dma_start3A_1128 : memref<128x64xf32, #tpu.memory_space<vmem>>) target(%dma_start3A_1124 : memref<128x64xf32, #tpu.memory_space<hbm>>) target_semaphore(%arg16 : memref<!tpu.dma_semaphore, #tpu.memory_space<semaphore_mem>>)
      %add3A_1129 = arith.constant 4 : i32
      %add3A_1130 = arith.addi %add3A_1009, %add3A_1129 : i32
      %lt3A_1131 = arith.constant 200 : i32
      %lt3A_1132 = arith.cmpi slt, %add3A_1130, %lt3A_1131 : i32
      %convert_element_type3A_1133 = arith.extui %lt3A_1132 : i1 to i32
      %cond3A_1134 = arith.constant 0 : i32
      %cond3A_1135 = arith.cmpi ne, %convert_element_type3A_1133, %cond3A_1134 : i32
      scf.if %cond3A_1135 {
        %ge3A = arith.constant 8 : i32
        %ge3A_1904 = arith.cmpi sge, %add3A_1130, %ge3A : i32
        %convert_element_type3A_1905 = arith.extui %ge3A_1904 : i1 to i32
        %cond3A_1906 = arith.constant 0 : i32
        %cond3A_1907 = arith.cmpi ne, %convert_element_type3A_1905, %cond3A_1906 : i32
        scf.if %cond3A_1907 {
          %sub3A_1919 = arith.constant 8 : i32
          %sub3A_1920 = arith.subi %add3A_1130, %sub3A_1919 : i32
          %mul3A_1921 = arith.constant 200 : i32
          %mul3A_1922 = arith.muli %add3A, %mul3A_1921 : i32
          %add3A_1923 = arith.addi %mul3A_1922, %sub3A_1920 : i32
          %jit3A_1924 = arith.constant 8 : i32
          %div3A_1925 = arith.divsi %add3A_1923, %jit3A_1924 : i32
          %sign3A_1926 = arith.constant 0 : i32
          %sign3A_1927 = arith.cmpi sgt, %add3A_1923, %sign3A_1926 : i32
          %sign3A_1928 = arith.extui %sign3A_1927 : i1 to i32
          %sign3A_1929 = arith.constant 0 : i32
          %sign3A_1930 = arith.cmpi slt, %add3A_1923, %sign3A_1929 : i32
          %sign3A_1931 = arith.extui %sign3A_1930 : i1 to i32
          %sign3A_1932 = arith.subi %sign3A_1928, %sign3A_1931 : i32
          %sign3A_1933 = arith.constant 0 : i32
          %sign3A_1934 = arith.cmpi sgt, %jit3A_1924, %sign3A_1933 : i32
          %sign3A_1935 = arith.extui %sign3A_1934 : i1 to i32
          %sign3A_1936 = arith.constant 0 : i32
          %sign3A_1937 = arith.cmpi slt, %jit3A_1924, %sign3A_1936 : i32
          %sign3A_1938 = arith.extui %sign3A_1937 : i1 to i32
          %sign3A_1939 = arith.subi %sign3A_1935, %sign3A_1938 : i32
          %ne3A_1940 = arith.cmpi ne, %sign3A_1932, %sign3A_1939 : i32
          %rem3A_1941 = arith.remsi %add3A_1923, %jit3A_1924 : i32
          %ne3A_1942 = arith.constant 0 : i32
          %ne3A_1943 = arith.cmpi ne, %rem3A_1941, %ne3A_1942 : i32
          %and3A_1944 = arith.andi %ne3A_1940, %ne3A_1943 : i1
          %sub3A_1945 = arith.constant 1 : i32
          %sub3A_1946 = arith.subi %div3A_1925, %sub3A_1945 : i32
          %select_n3A_1947 = arith.select %and3A_1944, %sub3A_1946, %div3A_1925 : i32
          %jit3A_1948 = arith.constant 8 : i32
          %eq3A_1949 = arith.constant 0 : i32
          %eq3A_1950 = arith.cmpi eq, %jit3A_1948, %eq3A_1949 : i32
          %jit3A_1951 = arith.constant 1 : i32
          %select_n3A_1952 = arith.select %eq3A_1950, %jit3A_1951, %jit3A_1948 : i32
          %rem3A_1953 = arith.remsi %add3A_1923, %select_n3A_1952 : i32
          %ne3A_1954 = arith.constant 0 : i32
          %ne3A_1955 = arith.cmpi ne, %rem3A_1953, %ne3A_1954 : i32
          %lt3A_1956 = arith.constant 0 : i32
          %lt3A_1957 = arith.cmpi slt, %rem3A_1953, %lt3A_1956 : i32
          %lt3A_1958 = arith.constant 0 : i32
          %lt3A_1959 = arith.cmpi slt, %select_n3A_1952, %lt3A_1958 : i32
          %ne3A_1960 = arith.xori %lt3A_1957, %lt3A_1959 : i1
          %and3A_1961 = arith.andi %ne3A_1960, %ne3A_1955 : i1
          %add3A_1962 = arith.addi %rem3A_1953, %select_n3A_1952 : i32
          %select_n3A_1963 = arith.select %and3A_1961, %add3A_1962, %rem3A_1953 : i32
          %jit3A_1964 = arith.constant 32 : i32
          %div3A_1965 = arith.divsi %select_n3A_1947, %jit3A_1964 : i32
          %sign3A_1966 = arith.constant 0 : i32
          %sign3A_1967 = arith.cmpi sgt, %select_n3A_1947, %sign3A_1966 : i32
          %sign3A_1968 = arith.extui %sign3A_1967 : i1 to i32
          %sign3A_1969 = arith.constant 0 : i32
          %sign3A_1970 = arith.cmpi slt, %select_n3A_1947, %sign3A_1969 : i32
          %sign3A_1971 = arith.extui %sign3A_1970 : i1 to i32
          %sign3A_1972 = arith.subi %sign3A_1968, %sign3A_1971 : i32
          %sign3A_1973 = arith.constant 0 : i32
          %sign3A_1974 = arith.cmpi sgt, %jit3A_1964, %sign3A_1973 : i32
          %sign3A_1975 = arith.extui %sign3A_1974 : i1 to i32
          %sign3A_1976 = arith.constant 0 : i32
          %sign3A_1977 = arith.cmpi slt, %jit3A_1964, %sign3A_1976 : i32
          %sign3A_1978 = arith.extui %sign3A_1977 : i1 to i32
          %sign3A_1979 = arith.subi %sign3A_1975, %sign3A_1978 : i32
          %ne3A_1980 = arith.cmpi ne, %sign3A_1972, %sign3A_1979 : i32
          %rem3A_1981 = arith.remsi %select_n3A_1947, %jit3A_1964 : i32
          %ne3A_1982 = arith.constant 0 : i32
          %ne3A_1983 = arith.cmpi ne, %rem3A_1981, %ne3A_1982 : i32
          %and3A_1984 = arith.andi %ne3A_1980, %ne3A_1983 : i1
          %sub3A_1985 = arith.constant 1 : i32
          %sub3A_1986 = arith.subi %div3A_1965, %sub3A_1985 : i32
          %select_n3A_1987 = arith.select %and3A_1984, %sub3A_1986, %div3A_1965 : i32
          %jit3A_1988 = arith.constant 32 : i32
          %eq3A_1989 = arith.constant 0 : i32
          %eq3A_1990 = arith.cmpi eq, %jit3A_1988, %eq3A_1989 : i32
          %jit3A_1991 = arith.constant 1 : i32
          %select_n3A_1992 = arith.select %eq3A_1990, %jit3A_1991, %jit3A_1988 : i32
          %rem3A_1993 = arith.remsi %select_n3A_1947, %select_n3A_1992 : i32
          %ne3A_1994 = arith.constant 0 : i32
          %ne3A_1995 = arith.cmpi ne, %rem3A_1993, %ne3A_1994 : i32
          %lt3A_1996 = arith.constant 0 : i32
          %lt3A_1997 = arith.cmpi slt, %rem3A_1993, %lt3A_1996 : i32
          %lt3A_1998 = arith.constant 0 : i32
          %lt3A_1999 = arith.cmpi slt, %select_n3A_1992, %lt3A_1998 : i32
          %ne3A_2000 = arith.xori %lt3A_1997, %lt3A_1999 : i1
          %and3A_2001 = arith.andi %ne3A_2000, %ne3A_1995 : i1
          %add3A_2002 = arith.addi %rem3A_1993, %select_n3A_1992 : i32
          %select_n3A_2003 = arith.select %and3A_2001, %add3A_2002, %rem3A_1993 : i32
          %mul3A_2004 = arith.constant 8 : i32
          %mul3A_2005 = arith.muli %select_n3A_1987, %mul3A_2004 : i32
          %add3A_2006 = arith.addi %mul3A_2005, %select_n3A_1963 : i32
          %mul3A_2007 = arith.constant 128 : i32
          %mul3A_2008 = arith.muli %select_n3A_2003, %mul3A_2007 : i32
          %dma_wait3A_2009 = arith.constant 5 : i32
          %dma_wait3A_2010 = arith.constant 0 : i32
          %dma_wait3A_2011 = arith.constant 0 : i32
          %dma_wait3A_2012 = tpu.memref_slice %arg6[%dma_wait3A_2009, %dma_wait3A_2010, %dma_wait3A_2011] : memref<8x128x64xf32, #tpu.memory_space<vmem>> -> memref<1x128x64xf32, #tpu.memory_space<vmem>>
          %dma_wait3A_2013 = tpu.memref_squeeze %dma_wait3A_2012 : memref<1x128x64xf32, #tpu.memory_space<vmem>> -> memref<128x64xf32, #tpu.memory_space<vmem>>
          %dma_wait3A_2014 = arith.constant 0 : i32
          %dma_wait3A_2015 = tpu.memref_slice %arg4[%mul3A_2008, %add3A_2006, %dma_wait3A_2014] : memref<4096x200x128xf32, #tpu.memory_space<hbm>> -> memref<128x1x64xf32, #tpu.memory_space<hbm>>
          %dma_wait3A_2016 = tpu.memref_squeeze %dma_wait3A_2015 : memref<128x1x64xf32, #tpu.memory_space<hbm>> -> memref<128x64xf32, #tpu.memory_space<hbm>>
          %dma_wait3A_2017 = arith.constant 0 : i32
          %dma_wait3A_2018 = tpu.memref_slice %arg4[%mul3A_2008, %add3A_2006, %dma_wait3A_2017] : memref<4096x200x128xf32, #tpu.memory_space<hbm>> -> memref<128x1x64xf32, #tpu.memory_space<hbm>>
          %dma_wait3A_2019 = tpu.memref_squeeze %dma_wait3A_2018 : memref<128x1x64xf32, #tpu.memory_space<hbm>> -> memref<128x64xf32, #tpu.memory_space<hbm>>
          %dma_wait3A_2020 = arith.constant 0 : i32
          %dma_wait3A_2021 = arith.constant 0 : i32
          %dma_wait3A_2022 = tpu.memref_slice %arg6[%dma_wait3A_2009, %dma_wait3A_2020, %dma_wait3A_2021] : memref<8x128x64xf32, #tpu.memory_space<vmem>> -> memref<1x128x64xf32, #tpu.memory_space<vmem>>
          %dma_wait3A_2023 = tpu.memref_squeeze %dma_wait3A_2022 : memref<1x128x64xf32, #tpu.memory_space<vmem>> -> memref<128x64xf32, #tpu.memory_space<vmem>>
          tpu.wait_dma2 semaphore(%arg20 : memref<!tpu.dma_semaphore, #tpu.memory_space<semaphore_mem>>) src(%dma_wait3A_2023 : memref<128x64xf32, #tpu.memory_space<vmem>>) dst(%dma_wait3A_2019 : memref<128x64xf32, #tpu.memory_space<hbm>>)
        } else {
        }
        %dma_start3A_1908 = arith.constant 5 : i32
        %dma_start3A_1909 = arith.constant 0 : i32
        %dma_start3A_1910 = arith.constant 0 : i32
        %dma_start3A_1911 = tpu.memref_slice %arg6[%dma_start3A_1908, %dma_start3A_1909, %dma_start3A_1910] : memref<8x128x64xf32, #tpu.memory_space<vmem>> -> memref<1x128x64xf32, #tpu.memory_space<vmem>>
        %dma_start3A_1912 = tpu.memref_squeeze %dma_start3A_1911 : memref<1x128x64xf32, #tpu.memory_space<vmem>> -> memref<128x64xf32, #tpu.memory_space<vmem>>
        %dma_start3A_1913 = arith.constant 0 : i32
        %dma_start3A_1914 = tpu.memref_slice %arg5[%add3A_1130, %dma_start3A_1913] : memref<200x128xi32, #tpu.memory_space<vmem>> -> memref<1x128xi32, #tpu.memory_space<vmem>>
        %dma_start3A_1915 = tpu.memref_squeeze %dma_start3A_1914 : memref<1x128xi32, #tpu.memory_space<vmem>> -> memref<128xi32, #tpu.memory_space<vmem>>
        %dma_start3A_1916 = arith.constant 0 : i32
        %dma_start3A_1917 = arith.constant 0 : i32
        %dma_start3A_1918 = tpu.memref_slice %arg3[%dma_start3A_1916, %dma_start3A_1917] : memref<1000000x64xf32, #tpu.memory_space<hbm>> -> memref<1000000x64xf32, #tpu.memory_space<hbm>>
        tpu.enqueue_indirect_dma source(%dma_start3A_1918 : memref<1000000x64xf32, #tpu.memory_space<hbm>>) target(%dma_start3A_1912 : memref<128x64xf32, #tpu.memory_space<vmem>>) offsets(%dma_start3A_1915 : memref<128xi32, #tpu.memory_space<vmem>>) semaphore(%arg12 : memref<!tpu.dma_semaphore, #tpu.memory_space<semaphore_mem>>)
      } else {
      }
      %add3A_1136 = arith.constant 2 : i32
      %add3A_1137 = arith.addi %add3A_881, %add3A_1136 : i32
      %dma_wait3A_1138 = arith.constant 2 : i32
      %dma_wait3A_1139 = arith.constant 0 : i32
      %dma_wait3A_1140 = arith.constant 0 : i32
      %dma_wait3A_1141 = tpu.memref_slice %arg6[%dma_wait3A_1138, %dma_wait3A_1139, %dma_wait3A_1140] : memref<8x128x64xf32, #tpu.memory_space<vmem>> -> memref<1x128x64xf32, #tpu.memory_space<vmem>>
      %dma_wait3A_1142 = tpu.memref_squeeze %dma_wait3A_1141 : memref<1x128x64xf32, #tpu.memory_space<vmem>> -> memref<128x64xf32, #tpu.memory_space<vmem>>
      %dma_wait3A_1143 = arith.constant 0 : i32
      %dma_wait3A_1144 = tpu.memref_slice %arg5[%add3A_1137, %dma_wait3A_1143] : memref<200x128xi32, #tpu.memory_space<vmem>> -> memref<1x128xi32, #tpu.memory_space<vmem>>
      %dma_wait3A_1145 = tpu.memref_squeeze %dma_wait3A_1144 : memref<1x128xi32, #tpu.memory_space<vmem>> -> memref<128xi32, #tpu.memory_space<vmem>>
      %dma_wait3A_1146 = arith.constant 0 : i32
      %dma_wait3A_1147 = arith.constant 0 : i32
      %dma_wait3A_1148 = tpu.memref_slice %arg3[%dma_wait3A_1146, %dma_wait3A_1147] : memref<1000000x64xf32, #tpu.memory_space<hbm>> -> memref<1000000x64xf32, #tpu.memory_space<hbm>>
      tpu.wait_indirect_dma semaphore(%arg9 : memref<!tpu.dma_semaphore, #tpu.memory_space<semaphore_mem>>) src(%dma_wait3A_1148 : memref<1000000x64xf32, #tpu.memory_space<hbm>>) dst(%dma_wait3A_1142 : memref<128x64xf32, #tpu.memory_space<vmem>>)
      %scan3A_1149 = arith.constant 0 : i32
      %scan3A_1150 = arith.constant 128 : i32
      %scan3A_1151 = arith.addi %scan3A_1149, %scan3A_1150 : i32
      %scan3A_1152 = arith.constant 4 : i32
      scf.for %scan3A_1904 = %scan3A_1149 to %scan3A_1151 step %scan3A_1152  : i32 {
        %mul3A_1905 = arith.constant 1 : i32
        %mul3A_1906 = arith.muli %scan3A_1904, %mul3A_1905 : i32
        %add3A_1907 = arith.constant 0 : i32
        %add3A_1908 = arith.addi %add3A_1907, %mul3A_1906 : i32
        %get3A = arith.constant 2 : i32
        %get3A_1909 = arith.index_cast %get3A : i32 to index
        %get3A_1910 = arith.index_cast %add3A_1908 : i32 to index
        %get3A_1911 = arith.constant 0 : index
        %get3A_1912 = tpu.vector_load %arg6[%get3A_1909, %get3A_1910, %get3A_1911] {strides = array<i32>} : memref<8x128x64xf32, #tpu.memory_space<vmem>>, vector<1x1x16xf32>,
        %get3A_1913 = vector.shape_cast %get3A_1912 : vector<1x1x16xf32> to vector<16xf32>
        %mul3A_1914 = arith.constant 8.000000e+00 : f32
        %mul3A_1915 = vector.broadcast %mul3A_1914 : f32 to vector<16xf32>
        %mul3A_1916 = arith.mulf %get3A_1913, %mul3A_1915 : vector<16xf32>
        %swap3A = arith.constant 2 : i32
        %swap3A_1917 = arith.index_cast %swap3A : i32 to index
        %swap3A_1918 = arith.index_cast %add3A_1908 : i32 to index
        %swap3A_1919 = arith.constant 0 : index
        %swap3A_1920 = tpu.vector_load %arg6[%swap3A_1917, %swap3A_1918, %swap3A_1919] {strides = array<i32>} : memref<8x128x64xf32, #tpu.memory_space<vmem>>, vector<1x1x16xf32>,
        %swap3A_1921 = vector.shape_cast %swap3A_1920 : vector<1x1x16xf32> to vector<16xf32>
        %swap3A_1922 = vector.shape_cast %mul3A_1916 : vector<16xf32> to vector<1x1x16xf32>
        tpu.vector_store %arg6[%swap3A_1917, %swap3A_1918, %swap3A_1919], %swap3A_1922 {strides = array<i32>} : memref<8x128x64xf32, #tpu.memory_space<vmem>>, vector<1x1x16xf32>,
        %get3A_1923 = arith.constant 2 : i32
        %get3A_1924 = arith.index_cast %get3A_1923 : i32 to index
        %get3A_1925 = arith.index_cast %add3A_1908 : i32 to index
        %get3A_1926 = arith.constant 16 : index
        %get3A_1927 = tpu.vector_load %arg6[%get3A_1924, %get3A_1925, %get3A_1926] {strides = array<i32>} : memref<8x128x64xf32, #tpu.memory_space<vmem>>, vector<1x1x16xf32>,
        %get3A_1928 = vector.shape_cast %get3A_1927 : vector<1x1x16xf32> to vector<16xf32>
        %mul3A_1929 = arith.constant 8.000000e+00 : f32
        %mul3A_1930 = vector.broadcast %mul3A_1929 : f32 to vector<16xf32>
        %mul3A_1931 = arith.mulf %get3A_1928, %mul3A_1930 : vector<16xf32>
        %swap3A_1932 = arith.constant 2 : i32
        %swap3A_1933 = arith.index_cast %swap3A_1932 : i32 to index
        %swap3A_1934 = arith.index_cast %add3A_1908 : i32 to index
        %swap3A_1935 = arith.constant 16 : index
        %swap3A_1936 = tpu.vector_load %arg6[%swap3A_1933, %swap3A_1934, %swap3A_1935] {strides = array<i32>} : memref<8x128x64xf32, #tpu.memory_space<vmem>>, vector<1x1x16xf32>,
        %swap3A_1937 = vector.shape_cast %swap3A_1936 : vector<1x1x16xf32> to vector<16xf32>
        %swap3A_1938 = vector.shape_cast %mul3A_1931 : vector<16xf32> to vector<1x1x16xf32>
        tpu.vector_store %arg6[%swap3A_1933, %swap3A_1934, %swap3A_1935], %swap3A_1938 {strides = array<i32>} : memref<8x128x64xf32, #tpu.memory_space<vmem>>, vector<1x1x16xf32>,
        %get3A_1939 = arith.constant 2 : i32
        %get3A_1940 = arith.index_cast %get3A_1939 : i32 to index
        %get3A_1941 = arith.index_cast %add3A_1908 : i32 to index
        %get3A_1942 = arith.constant 32 : index
        %get3A_1943 = tpu.vector_load %arg6[%get3A_1940, %get3A_1941, %get3A_1942] {strides = array<i32>} : memref<8x128x64xf32, #tpu.memory_space<vmem>>, vector<1x1x16xf32>,
        %get3A_1944 = vector.shape_cast %get3A_1943 : vector<1x1x16xf32> to vector<16xf32>
        %mul3A_1945 = arith.constant 8.000000e+00 : f32
        %mul3A_1946 = vector.broadcast %mul3A_1945 : f32 to vector<16xf32>
        %mul3A_1947 = arith.mulf %get3A_1944, %mul3A_1946 : vector<16xf32>
        %swap3A_1948 = arith.constant 2 : i32
        %swap3A_1949 = arith.index_cast %swap3A_1948 : i32 to index
        %swap3A_1950 = arith.index_cast %add3A_1908 : i32 to index
        %swap3A_1951 = arith.constant 32 : index
        %swap3A_1952 = tpu.vector_load %arg6[%swap3A_1949, %swap3A_1950, %swap3A_1951] {strides = array<i32>} : memref<8x128x64xf32, #tpu.memory_space<vmem>>, vector<1x1x16xf32>,
        %swap3A_1953 = vector.shape_cast %swap3A_1952 : vector<1x1x16xf32> to vector<16xf32>
        %swap3A_1954 = vector.shape_cast %mul3A_1947 : vector<16xf32> to vector<1x1x16xf32>
        tpu.vector_store %arg6[%swap3A_1949, %swap3A_1950, %swap3A_1951], %swap3A_1954 {strides = array<i32>} : memref<8x128x64xf32, #tpu.memory_space<vmem>>, vector<1x1x16xf32>,
        %get3A_1955 = arith.constant 2 : i32
        %get3A_1956 = arith.index_cast %get3A_1955 : i32 to index
        %get3A_1957 = arith.index_cast %add3A_1908 : i32 to index
        %get3A_1958 = arith.constant 48 : index
        %get3A_1959 = tpu.vector_load %arg6[%get3A_1956, %get3A_1957, %get3A_1958] {strides = array<i32>} : memref<8x128x64xf32, #tpu.memory_space<vmem>>, vector<1x1x16xf32>,
        %get3A_1960 = vector.shape_cast %get3A_1959 : vector<1x1x16xf32> to vector<16xf32>
        %mul3A_1961 = arith.constant 8.000000e+00 : f32
        %mul3A_1962 = vector.broadcast %mul3A_1961 : f32 to vector<16xf32>
        %mul3A_1963 = arith.mulf %get3A_1960, %mul3A_1962 : vector<16xf32>
        %swap3A_1964 = arith.constant 2 : i32
        %swap3A_1965 = arith.index_cast %swap3A_1964 : i32 to index
        %swap3A_1966 = arith.index_cast %add3A_1908 : i32 to index
        %swap3A_1967 = arith.constant 48 : index
        %swap3A_1968 = tpu.vector_load %arg6[%swap3A_1965, %swap3A_1966, %swap3A_1967] {strides = array<i32>} : memref<8x128x64xf32, #tpu.memory_space<vmem>>, vector<1x1x16xf32>,
        %swap3A_1969 = vector.shape_cast %swap3A_1968 : vector<1x1x16xf32> to vector<16xf32>
        %swap3A_1970 = vector.shape_cast %mul3A_1963 : vector<16xf32> to vector<1x1x16xf32>
        tpu.vector_store %arg6[%swap3A_1965, %swap3A_1966, %swap3A_1967], %swap3A_1970 {strides = array<i32>} : memref<8x128x64xf32, #tpu.memory_space<vmem>>, vector<1x1x16xf32>,
        %scan3A_1971 = arith.constant 1 : i32
        %scan3A_1972 = arith.addi %scan3A_1904, %scan3A_1971 : i32
        %mul3A_1973 = arith.constant 1 : i32
        %mul3A_1974 = arith.muli %scan3A_1972, %mul3A_1973 : i32
        %add3A_1975 = arith.constant 0 : i32
        %add3A_1976 = arith.addi %add3A_1975, %mul3A_1974 : i32
        %get3A_1977 = arith.constant 2 : i32
        %get3A_1978 = arith.index_cast %get3A_1977 : i32 to index
        %get3A_1979 = arith.index_cast %add3A_1976 : i32 to index
        %get3A_1980 = arith.constant 0 : index
        %get3A_1981 = tpu.vector_load %arg6[%get3A_1978, %get3A_1979, %get3A_1980] {strides = array<i32>} : memref<8x128x64xf32, #tpu.memory_space<vmem>>, vector<1x1x16xf32>,
        %get3A_1982 = vector.shape_cast %get3A_1981 : vector<1x1x16xf32> to vector<16xf32>
        %mul3A_1983 = arith.constant 8.000000e+00 : f32
        %mul3A_1984 = vector.broadcast %mul3A_1983 : f32 to vector<16xf32>
        %mul3A_1985 = arith.mulf %get3A_1982, %mul3A_1984 : vector<16xf32>
        %swap3A_1986 = arith.constant 2 : i32
        %swap3A_1987 = arith.index_cast %swap3A_1986 : i32 to index
        %swap3A_1988 = arith.index_cast %add3A_1976 : i32 to index
        %swap3A_1989 = arith.constant 0 : index
        %swap3A_1990 = tpu.vector_load %arg6[%swap3A_1987, %swap3A_1988, %swap3A_1989] {strides = array<i32>} : memref<8x128x64xf32, #tpu.memory_space<vmem>>, vector<1x1x16xf32>,
        %swap3A_1991 = vector.shape_cast %swap3A_1990 : vector<1x1x16xf32> to vector<16xf32>
        %swap3A_1992 = vector.shape_cast %mul3A_1985 : vector<16xf32> to vector<1x1x16xf32>
        tpu.vector_store %arg6[%swap3A_1987, %swap3A_1988, %swap3A_1989], %swap3A_1992 {strides = array<i32>} : memref<8x128x64xf32, #tpu.memory_space<vmem>>, vector<1x1x16xf32>,
        %get3A_1993 = arith.constant 2 : i32
        %get3A_1994 = arith.index_cast %get3A_1993 : i32 to index
        %get3A_1995 = arith.index_cast %add3A_1976 : i32 to index
        %get3A_1996 = arith.constant 16 : index
        %get3A_1997 = tpu.vector_load %arg6[%get3A_1994, %get3A_1995, %get3A_1996] {strides = array<i32>} : memref<8x128x64xf32, #tpu.memory_space<vmem>>, vector<1x1x16xf32>,
        %get3A_1998 = vector.shape_cast %get3A_1997 : vector<1x1x16xf32> to vector<16xf32>
        %mul3A_1999 = arith.constant 8.000000e+00 : f32
        %mul3A_2000 = vector.broadcast %mul3A_1999 : f32 to vector<16xf32>
        %mul3A_2001 = arith.mulf %get3A_1998, %mul3A_2000 : vector<16xf32>
        %swap3A_2002 = arith.constant 2 : i32
        %swap3A_2003 = arith.index_cast %swap3A_2002 : i32 to index
        %swap3A_2004 = arith.index_cast %add3A_1976 : i32 to index
        %swap3A_2005 = arith.constant 16 : index
        %swap3A_2006 = tpu.vector_load %arg6[%swap3A_2003, %swap3A_2004, %swap3A_2005] {strides = array<i32>} : memref<8x128x64xf32, #tpu.memory_space<vmem>>, vector<1x1x16xf32>,
        %swap3A_2007 = vector.shape_cast %swap3A_2006 : vector<1x1x16xf32> to vector<16xf32>
        %swap3A_2008 = vector.shape_cast %mul3A_2001 : vector<16xf32> to vector<1x1x16xf32>
        tpu.vector_store %arg6[%swap3A_2003, %swap3A_2004, %swap3A_2005], %swap3A_2008 {strides = array<i32>} : memref<8x128x64xf32, #tpu.memory_space<vmem>>, vector<1x1x16xf32>,
        %get3A_2009 = arith.constant 2 : i32
        %get3A_2010 = arith.index_cast %get3A_2009 : i32 to index
        %get3A_2011 = arith.index_cast %add3A_1976 : i32 to index
        %get3A_2012 = arith.constant 32 : index
        %get3A_2013 = tpu.vector_load %arg6[%get3A_2010, %get3A_2011, %get3A_2012] {strides = array<i32>} : memref<8x128x64xf32, #tpu.memory_space<vmem>>, vector<1x1x16xf32>,
        %get3A_2014 = vector.shape_cast %get3A_2013 : vector<1x1x16xf32> to vector<16xf32>
        %mul3A_2015 = arith.constant 8.000000e+00 : f32
        %mul3A_2016 = vector.broadcast %mul3A_2015 : f32 to vector<16xf32>
        %mul3A_2017 = arith.mulf %get3A_2014, %mul3A_2016 : vector<16xf32>
        %swap3A_2018 = arith.constant 2 : i32
        %swap3A_2019 = arith.index_cast %swap3A_2018 : i32 to index
        %swap3A_2020 = arith.index_cast %add3A_1976 : i32 to index
        %swap3A_2021 = arith.constant 32 : index
        %swap3A_2022 = tpu.vector_load %arg6[%swap3A_2019, %swap3A_2020, %swap3A_2021] {strides = array<i32>} : memref<8x128x64xf32, #tpu.memory_space<vmem>>, vector<1x1x16xf32>,
        %swap3A_2023 = vector.shape_cast %swap3A_2022 : vector<1x1x16xf32> to vector<16xf32>
        %swap3A_2024 = vector.shape_cast %mul3A_2017 : vector<16xf32> to vector<1x1x16xf32>
        tpu.vector_store %arg6[%swap3A_2019, %swap3A_2020, %swap3A_2021], %swap3A_2024 {strides = array<i32>} : memref<8x128x64xf32, #tpu.memory_space<vmem>>, vector<1x1x16xf32>,
        %get3A_2025 = arith.constant 2 : i32
        %get3A_2026 = arith.index_cast %get3A_2025 : i32 to index
        %get3A_2027 = arith.index_cast %add3A_1976 : i32 to index
        %get3A_2028 = arith.constant 48 : index
        %get3A_2029 = tpu.vector_load %arg6[%get3A_2026, %get3A_2027, %get3A_2028] {strides = array<i32>} : memref<8x128x64xf32, #tpu.memory_space<vmem>>, vector<1x1x16xf32>,
        %get3A_2030 = vector.shape_cast %get3A_2029 : vector<1x1x16xf32> to vector<16xf32>
        %mul3A_2031 = arith.constant 8.000000e+00 : f32
        %mul3A_2032 = vector.broadcast %mul3A_2031 : f32 to vector<16xf32>
        %mul3A_2033 = arith.mulf %get3A_2030, %mul3A_2032 : vector<16xf32>
        %swap3A_2034 = arith.constant 2 : i32
        %swap3A_2035 = arith.index_cast %swap3A_2034 : i32 to index
        %swap3A_2036 = arith.index_cast %add3A_1976 : i32 to index
        %swap3A_2037 = arith.constant 48 : index
        %swap3A_2038 = tpu.vector_load %arg6[%swap3A_2035, %swap3A_2036, %swap3A_2037] {strides = array<i32>} : memref<8x128x64xf32, #tpu.memory_space<vmem>>, vector<1x1x16xf32>,
        %swap3A_2039 = vector.shape_cast %swap3A_2038 : vector<1x1x16xf32> to vector<16xf32>
        %swap3A_2040 = vector.shape_cast %mul3A_2033 : vector<16xf32> to vector<1x1x16xf32>
        tpu.vector_store %arg6[%swap3A_2035, %swap3A_2036, %swap3A_2037], %swap3A_2040 {strides = array<i32>} : memref<8x128x64xf32, #tpu.memory_space<vmem>>, vector<1x1x16xf32>,
        %scan3A_2041 = arith.constant 2 : i32
        %scan3A_2042 = arith.addi %scan3A_1904, %scan3A_2041 : i32
        %mul3A_2043 = arith.constant 1 : i32
        %mul3A_2044 = arith.muli %scan3A_2042, %mul3A_2043 : i32
        %add3A_2045 = arith.constant 0 : i32
        %add3A_2046 = arith.addi %add3A_2045, %mul3A_2044 : i32
        %get3A_2047 = arith.constant 2 : i32
        %get3A_2048 = arith.index_cast %get3A_2047 : i32 to index
        %get3A_2049 = arith.index_cast %add3A_2046 : i32 to index
        %get3A_2050 = arith.constant 0 : index
        %get3A_2051 = tpu.vector_load %arg6[%get3A_2048, %get3A_2049, %get3A_2050] {strides = array<i32>} : memref<8x128x64xf32, #tpu.memory_space<vmem>>, vector<1x1x16xf32>,
        %get3A_2052 = vector.shape_cast %get3A_2051 : vector<1x1x16xf32> to vector<16xf32>
        %mul3A_2053 = arith.constant 8.000000e+00 : f32
        %mul3A_2054 = vector.broadcast %mul3A_2053 : f32 to vector<16xf32>
        %mul3A_2055 = arith.mulf %get3A_2052, %mul3A_2054 : vector<16xf32>
        %swap3A_2056 = arith.constant 2 : i32
        %swap3A_2057 = arith.index_cast %swap3A_2056 : i32 to index
        %swap3A_2058 = arith.index_cast %add3A_2046 : i32 to index
        %swap3A_2059 = arith.constant 0 : index
        %swap3A_2060 = tpu.vector_load %arg6[%swap3A_2057, %swap3A_2058, %swap3A_2059] {strides = array<i32>} : memref<8x128x64xf32, #tpu.memory_space<vmem>>, vector<1x1x16xf32>,
        %swap3A_2061 = vector.shape_cast %swap3A_2060 : vector<1x1x16xf32> to vector<16xf32>
        %swap3A_2062 = vector.shape_cast %mul3A_2055 : vector<16xf32> to vector<1x1x16xf32>
        tpu.vector_store %arg6[%swap3A_2057, %swap3A_2058, %swap3A_2059], %swap3A_2062 {strides = array<i32>} : memref<8x128x64xf32, #tpu.memory_space<vmem>>, vector<1x1x16xf32>,
        %get3A_2063 = arith.constant 2 : i32
        %get3A_2064 = arith.index_cast %get3A_2063 : i32 to index
        %get3A_2065 = arith.index_cast %add3A_2046 : i32 to index
        %get3A_2066 = arith.constant 16 : index
        %get3A_2067 = tpu.vector_load %arg6[%get3A_2064, %get3A_2065, %get3A_2066] {strides = array<i32>} : memref<8x128x64xf32, #tpu.memory_space<vmem>>, vector<1x1x16xf32>,
        %get3A_2068 = vector.shape_cast %get3A_2067 : vector<1x1x16xf32> to vector<16xf32>
        %mul3A_2069 = arith.constant 8.000000e+00 : f32
        %mul3A_2070 = vector.broadcast %mul3A_2069 : f32 to vector<16xf32>
        %mul3A_2071 = arith.mulf %get3A_2068, %mul3A_2070 : vector<16xf32>
        %swap3A_2072 = arith.constant 2 : i32
        %swap3A_2073 = arith.index_cast %swap3A_2072 : i32 to index
        %swap3A_2074 = arith.index_cast %add3A_2046 : i32 to index
        %swap3A_2075 = arith.constant 16 : index
        %swap3A_2076 = tpu.vector_load %arg6[%swap3A_2073, %swap3A_2074, %swap3A_2075] {strides = array<i32>} : memref<8x128x64xf32, #tpu.memory_space<vmem>>, vector<1x1x16xf32>,
        %swap3A_2077 = vector.shape_cast %swap3A_2076 : vector<1x1x16xf32> to vector<16xf32>
        %swap3A_2078 = vector.shape_cast %mul3A_2071 : vector<16xf32> to vector<1x1x16xf32>
        tpu.vector_store %arg6[%swap3A_2073, %swap3A_2074, %swap3A_2075], %swap3A_2078 {strides = array<i32>} : memref<8x128x64xf32, #tpu.memory_space<vmem>>, vector<1x1x16xf32>,
        %get3A_2079 = arith.constant 2 : i32
        %get3A_2080 = arith.index_cast %get3A_2079 : i32 to index
        %get3A_2081 = arith.index_cast %add3A_2046 : i32 to index
        %get3A_2082 = arith.constant 32 : index
        %get3A_2083 = tpu.vector_load %arg6[%get3A_2080, %get3A_2081, %get3A_2082] {strides = array<i32>} : memref<8x128x64xf32, #tpu.memory_space<vmem>>, vector<1x1x16xf32>,
        %get3A_2084 = vector.shape_cast %get3A_2083 : vector<1x1x16xf32> to vector<16xf32>
        %mul3A_2085 = arith.constant 8.000000e+00 : f32
        %mul3A_2086 = vector.broadcast %mul3A_2085 : f32 to vector<16xf32>
        %mul3A_2087 = arith.mulf %get3A_2084, %mul3A_2086 : vector<16xf32>
        %swap3A_2088 = arith.constant 2 : i32
        %swap3A_2089 = arith.index_cast %swap3A_2088 : i32 to index
        %swap3A_2090 = arith.index_cast %add3A_2046 : i32 to index
        %swap3A_2091 = arith.constant 32 : index
        %swap3A_2092 = tpu.vector_load %arg6[%swap3A_2089, %swap3A_2090, %swap3A_2091] {strides = array<i32>} : memref<8x128x64xf32, #tpu.memory_space<vmem>>, vector<1x1x16xf32>,
        %swap3A_2093 = vector.shape_cast %swap3A_2092 : vector<1x1x16xf32> to vector<16xf32>
        %swap3A_2094 = vector.shape_cast %mul3A_2087 : vector<16xf32> to vector<1x1x16xf32>
        tpu.vector_store %arg6[%swap3A_2089, %swap3A_2090, %swap3A_2091], %swap3A_2094 {strides = array<i32>} : memref<8x128x64xf32, #tpu.memory_space<vmem>>, vector<1x1x16xf32>,
        %get3A_2095 = arith.constant 2 : i32
        %get3A_2096 = arith.index_cast %get3A_2095 : i32 to index
        %get3A_2097 = arith.index_cast %add3A_2046 : i32 to index
        %get3A_2098 = arith.constant 48 : index
        %get3A_2099 = tpu.vector_load %arg6[%get3A_2096, %get3A_2097, %get3A_2098] {strides = array<i32>} : memref<8x128x64xf32, #tpu.memory_space<vmem>>, vector<1x1x16xf32>,
        %get3A_2100 = vector.shape_cast %get3A_2099 : vector<1x1x16xf32> to vector<16xf32>
        %mul3A_2101 = arith.constant 8.000000e+00 : f32
        %mul3A_2102 = vector.broadcast %mul3A_2101 : f32 to vector<16xf32>
        %mul3A_2103 = arith.mulf %get3A_2100, %mul3A_2102 : vector<16xf32>
        %swap3A_2104 = arith.constant 2 : i32
        %swap3A_2105 = arith.index_cast %swap3A_2104 : i32 to index
        %swap3A_2106 = arith.index_cast %add3A_2046 : i32 to index
        %swap3A_2107 = arith.constant 48 : index
        %swap3A_2108 = tpu.vector_load %arg6[%swap3A_2105, %swap3A_2106, %swap3A_2107] {strides = array<i32>} : memref<8x128x64xf32, #tpu.memory_space<vmem>>, vector<1x1x16xf32>,
        %swap3A_2109 = vector.shape_cast %swap3A_2108 : vector<1x1x16xf32> to vector<16xf32>
        %swap3A_2110 = vector.shape_cast %mul3A_2103 : vector<16xf32> to vector<1x1x16xf32>
        tpu.vector_store %arg6[%swap3A_2105, %swap3A_2106, %swap3A_2107], %swap3A_2110 {strides = array<i32>} : memref<8x128x64xf32, #tpu.memory_space<vmem>>, vector<1x1x16xf32>,
        %scan3A_2111 = arith.constant 3 : i32
        %scan3A_2112 = arith.addi %scan3A_1904, %scan3A_2111 : i32
        %mul3A_2113 = arith.constant 1 : i32
        %mul3A_2114 = arith.muli %scan3A_2112, %mul3A_2113 : i32
        %add3A_2115 = arith.constant 0 : i32
        %add3A_2116 = arith.addi %add3A_2115, %mul3A_2114 : i32
        %get3A_2117 = arith.constant 2 : i32
        %get3A_2118 = arith.index_cast %get3A_2117 : i32 to index
        %get3A_2119 = arith.index_cast %add3A_2116 : i32 to index
        %get3A_2120 = arith.constant 0 : index
        %get3A_2121 = tpu.vector_load %arg6[%get3A_2118, %get3A_2119, %get3A_2120] {strides = array<i32>} : memref<8x128x64xf32, #tpu.memory_space<vmem>>, vector<1x1x16xf32>,
        %get3A_2122 = vector.shape_cast %get3A_2121 : vector<1x1x16xf32> to vector<16xf32>
        %mul3A_2123 = arith.constant 8.000000e+00 : f32
        %mul3A_2124 = vector.broadcast %mul3A_2123 : f32 to vector<16xf32>
        %mul3A_2125 = arith.mulf %get3A_2122, %mul3A_2124 : vector<16xf32>
        %swap3A_2126 = arith.constant 2 : i32
        %swap3A_2127 = arith.index_cast %swap3A_2126 : i32 to index
        %swap3A_2128 = arith.index_cast %add3A_2116 : i32 to index
        %swap3A_2129 = arith.constant 0 : index
        %swap3A_2130 = tpu.vector_load %arg6[%swap3A_2127, %swap3A_2128, %swap3A_2129] {strides = array<i32>} : memref<8x128x64xf32, #tpu.memory_space<vmem>>, vector<1x1x16xf32>,
        %swap3A_2131 = vector.shape_cast %swap3A_2130 : vector<1x1x16xf32> to vector<16xf32>
        %swap3A_2132 = vector.shape_cast %mul3A_2125 : vector<16xf32> to vector<1x1x16xf32>
        tpu.vector_store %arg6[%swap3A_2127, %swap3A_2128, %swap3A_2129], %swap3A_2132 {strides = array<i32>} : memref<8x128x64xf32, #tpu.memory_space<vmem>>, vector<1x1x16xf32>,
        %get3A_2133 = arith.constant 2 : i32
        %get3A_2134 = arith.index_cast %get3A_2133 : i32 to index
        %get3A_2135 = arith.index_cast %add3A_2116 : i32 to index
        %get3A_2136 = arith.constant 16 : index
        %get3A_2137 = tpu.vector_load %arg6[%get3A_2134, %get3A_2135, %get3A_2136] {strides = array<i32>} : memref<8x128x64xf32, #tpu.memory_space<vmem>>, vector<1x1x16xf32>,
        %get3A_2138 = vector.shape_cast %get3A_2137 : vector<1x1x16xf32> to vector<16xf32>
        %mul3A_2139 = arith.constant 8.000000e+00 : f32
        %mul3A_2140 = vector.broadcast %mul3A_2139 : f32 to vector<16xf32>
        %mul3A_2141 = arith.mulf %get3A_2138, %mul3A_2140 : vector<16xf32>
        %swap3A_2142 = arith.constant 2 : i32
        %swap3A_2143 = arith.index_cast %swap3A_2142 : i32 to index
        %swap3A_2144 = arith.index_cast %add3A_2116 : i32 to index
        %swap3A_2145 = arith.constant 16 : index
        %swap3A_2146 = tpu.vector_load %arg6[%swap3A_2143, %swap3A_2144, %swap3A_2145] {strides = array<i32>} : memref<8x128x64xf32, #tpu.memory_space<vmem>>, vector<1x1x16xf32>,
        %swap3A_2147 = vector.shape_cast %swap3A_2146 : vector<1x1x16xf32> to vector<16xf32>
        %swap3A_2148 = vector.shape_cast %mul3A_2141 : vector<16xf32> to vector<1x1x16xf32>
        tpu.vector_store %arg6[%swap3A_2143, %swap3A_2144, %swap3A_2145], %swap3A_2148 {strides = array<i32>} : memref<8x128x64xf32, #tpu.memory_space<vmem>>, vector<1x1x16xf32>,
        %get3A_2149 = arith.constant 2 : i32
        %get3A_2150 = arith.index_cast %get3A_2149 : i32 to index
        %get3A_2151 = arith.index_cast %add3A_2116 : i32 to index
        %get3A_2152 = arith.constant 32 : index
        %get3A_2153 = tpu.vector_load %arg6[%get3A_2150, %get3A_2151, %get3A_2152] {strides = array<i32>} : memref<8x128x64xf32, #tpu.memory_space<vmem>>, vector<1x1x16xf32>,
        %get3A_2154 = vector.shape_cast %get3A_2153 : vector<1x1x16xf32> to vector<16xf32>
        %mul3A_2155 = arith.constant 8.000000e+00 : f32
        %mul3A_2156 = vector.broadcast %mul3A_2155 : f32 to vector<16xf32>
        %mul3A_2157 = arith.mulf %get3A_2154, %mul3A_2156 : vector<16xf32>
        %swap3A_2158 = arith.constant 2 : i32
        %swap3A_2159 = arith.index_cast %swap3A_2158 : i32 to index
        %swap3A_2160 = arith.index_cast %add3A_2116 : i32 to index
        %swap3A_2161 = arith.constant 32 : index
        %swap3A_2162 = tpu.vector_load %arg6[%swap3A_2159, %swap3A_2160, %swap3A_2161] {strides = array<i32>} : memref<8x128x64xf32, #tpu.memory_space<vmem>>, vector<1x1x16xf32>,
        %swap3A_2163 = vector.shape_cast %swap3A_2162 : vector<1x1x16xf32> to vector<16xf32>
        %swap3A_2164 = vector.shape_cast %mul3A_2157 : vector<16xf32> to vector<1x1x16xf32>
        tpu.vector_store %arg6[%swap3A_2159, %swap3A_2160, %swap3A_2161], %swap3A_2164 {strides = array<i32>} : memref<8x128x64xf32, #tpu.memory_space<vmem>>, vector<1x1x16xf32>,
        %get3A_2165 = arith.constant 2 : i32
        %get3A_2166 = arith.index_cast %get3A_2165 : i32 to index
        %get3A_2167 = arith.index_cast %add3A_2116 : i32 to index
        %get3A_2168 = arith.constant 48 : index
        %get3A_2169 = tpu.vector_load %arg6[%get3A_2166, %get3A_2167, %get3A_2168] {strides = array<i32>} : memref<8x128x64xf32, #tpu.memory_space<vmem>>, vector<1x1x16xf32>,
        %get3A_2170 = vector.shape_cast %get3A_2169 : vector<1x1x16xf32> to vector<16xf32>
        %mul3A_2171 = arith.constant 8.000000e+00 : f32
        %mul3A_2172 = vector.broadcast %mul3A_2171 : f32 to vector<16xf32>
        %mul3A_2173 = arith.mulf %get3A_2170, %mul3A_2172 : vector<16xf32>
        %swap3A_2174 = arith.constant 2 : i32
        %swap3A_2175 = arith.index_cast %swap3A_2174 : i32 to index
        %swap3A_2176 = arith.index_cast %add3A_2116 : i32 to index
        %swap3A_2177 = arith.constant 48 : index
        %swap3A_2178 = tpu.vector_load %arg6[%swap3A_2175, %swap3A_2176, %swap3A_2177] {strides = array<i32>} : memref<8x128x64xf32, #tpu.memory_space<vmem>>, vector<1x1x16xf32>,
        %swap3A_2179 = vector.shape_cast %swap3A_2178 : vector<1x1x16xf32> to vector<16xf32>
        %swap3A_2180 = vector.shape_cast %mul3A_2173 : vector<16xf32> to vector<1x1x16xf32>
        tpu.vector_store %arg6[%swap3A_2175, %swap3A_2176, %swap3A_2177], %swap3A_2180 {strides = array<i32>} : memref<8x128x64xf32, #tpu.memory_space<vmem>>, vector<1x1x16xf32>,
      }
      %scan3A_1153 = arith.constant 128 : i32
      %mul3A_1154 = arith.constant 200 : i32
      %mul3A_1155 = arith.muli %add3A, %mul3A_1154 : i32
      %add3A_1156 = arith.addi %mul3A_1155, %add3A_1137 : i32
      %jit3A_1157 = arith.constant 8 : i32
      %div3A_1158 = arith.divsi %add3A_1156, %jit3A_1157 : i32
      %sign3A_1159 = arith.constant 0 : i32
      %sign3A_1160 = arith.cmpi sgt, %add3A_1156, %sign3A_1159 : i32
      %sign3A_1161 = arith.extui %sign3A_1160 : i1 to i32
      %sign3A_1162 = arith.constant 0 : i32
      %sign3A_1163 = arith.cmpi slt, %add3A_1156, %sign3A_1162 : i32
      %sign3A_1164 = arith.extui %sign3A_1163 : i1 to i32
      %sign3A_1165 = arith.subi %sign3A_1161, %sign3A_1164 : i32
      %sign3A_1166 = arith.constant 0 : i32
      %sign3A_1167 = arith.cmpi sgt, %jit3A_1157, %sign3A_1166 : i32
      %sign3A_1168 = arith.extui %sign3A_1167 : i1 to i32
      %sign3A_1169 = arith.constant 0 : i32
      %sign3A_1170 = arith.cmpi slt, %jit3A_1157, %sign3A_1169 : i32
      %sign3A_1171 = arith.extui %sign3A_1170 : i1 to i32
      %sign3A_1172 = arith.subi %sign3A_1168, %sign3A_1171 : i32
      %ne3A_1173 = arith.cmpi ne, %sign3A_1165, %sign3A_1172 : i32
      %rem3A_1174 = arith.remsi %add3A_1156, %jit3A_1157 : i32
      %ne3A_1175 = arith.constant 0 : i32
      %ne3A_1176 = arith.cmpi ne, %rem3A_1174, %ne3A_1175 : i32
      %and3A_1177 = arith.andi %ne3A_1173, %ne3A_1176 : i1
      %sub3A_1178 = arith.constant 1 : i32
      %sub3A_1179 = arith.subi %div3A_1158, %sub3A_1178 : i32
      %select_n3A_1180 = arith.select %and3A_1177, %sub3A_1179, %div3A_1158 : i32
      %jit3A_1181 = arith.constant 8 : i32
      %eq3A_1182 = arith.constant 0 : i32
      %eq3A_1183 = arith.cmpi eq, %jit3A_1181, %eq3A_1182 : i32
      %jit3A_1184 = arith.constant 1 : i32
      %select_n3A_1185 = arith.select %eq3A_1183, %jit3A_1184, %jit3A_1181 : i32
      %rem3A_1186 = arith.remsi %add3A_1156, %select_n3A_1185 : i32
      %ne3A_1187 = arith.constant 0 : i32
      %ne3A_1188 = arith.cmpi ne, %rem3A_1186, %ne3A_1187 : i32
      %lt3A_1189 = arith.constant 0 : i32
      %lt3A_1190 = arith.cmpi slt, %rem3A_1186, %lt3A_1189 : i32
      %lt3A_1191 = arith.constant 0 : i32
      %lt3A_1192 = arith.cmpi slt, %select_n3A_1185, %lt3A_1191 : i32
      %ne3A_1193 = arith.xori %lt3A_1190, %lt3A_1192 : i1
      %and3A_1194 = arith.andi %ne3A_1193, %ne3A_1188 : i1
      %add3A_1195 = arith.addi %rem3A_1186, %select_n3A_1185 : i32
      %select_n3A_1196 = arith.select %and3A_1194, %add3A_1195, %rem3A_1186 : i32
      %jit3A_1197 = arith.constant 32 : i32
      %div3A_1198 = arith.divsi %select_n3A_1180, %jit3A_1197 : i32
      %sign3A_1199 = arith.constant 0 : i32
      %sign3A_1200 = arith.cmpi sgt, %select_n3A_1180, %sign3A_1199 : i32
      %sign3A_1201 = arith.extui %sign3A_1200 : i1 to i32
      %sign3A_1202 = arith.constant 0 : i32
      %sign3A_1203 = arith.cmpi slt, %select_n3A_1180, %sign3A_1202 : i32
      %sign3A_1204 = arith.extui %sign3A_1203 : i1 to i32
      %sign3A_1205 = arith.subi %sign3A_1201, %sign3A_1204 : i32
      %sign3A_1206 = arith.constant 0 : i32
      %sign3A_1207 = arith.cmpi sgt, %jit3A_1197, %sign3A_1206 : i32
      %sign3A_1208 = arith.extui %sign3A_1207 : i1 to i32
      %sign3A_1209 = arith.constant 0 : i32
      %sign3A_1210 = arith.cmpi slt, %jit3A_1197, %sign3A_1209 : i32
      %sign3A_1211 = arith.extui %sign3A_1210 : i1 to i32
      %sign3A_1212 = arith.subi %sign3A_1208, %sign3A_1211 : i32
      %ne3A_1213 = arith.cmpi ne, %sign3A_1205, %sign3A_1212 : i32
      %rem3A_1214 = arith.remsi %select_n3A_1180, %jit3A_1197 : i32
      %ne3A_1215 = arith.constant 0 : i32
      %ne3A_1216 = arith.cmpi ne, %rem3A_1214, %ne3A_1215 : i32
      %and3A_1217 = arith.andi %ne3A_1213, %ne3A_1216 : i1
      %sub3A_1218 = arith.constant 1 : i32
      %sub3A_1219 = arith.subi %div3A_1198, %sub3A_1218 : i32
      %select_n3A_1220 = arith.select %and3A_1217, %sub3A_1219, %div3A_1198 : i32
      %jit3A_1221 = arith.constant 32 : i32
      %eq3A_1222 = arith.constant 0 : i32
      %eq3A_1223 = arith.cmpi eq, %jit3A_1221, %eq3A_1222 : i32
      %jit3A_1224 = arith.constant 1 : i32
      %select_n3A_1225 = arith.select %eq3A_1223, %jit3A_1224, %jit3A_1221 : i32
      %rem3A_1226 = arith.remsi %select_n3A_1180, %select_n3A_1225 : i32
      %ne3A_1227 = arith.constant 0 : i32
      %ne3A_1228 = arith.cmpi ne, %rem3A_1226, %ne3A_1227 : i32
      %lt3A_1229 = arith.constant 0 : i32
      %lt3A_1230 = arith.cmpi slt, %rem3A_1226, %lt3A_1229 : i32
      %lt3A_1231 = arith.constant 0 : i32
      %lt3A_1232 = arith.cmpi slt, %select_n3A_1225, %lt3A_1231 : i32
      %ne3A_1233 = arith.xori %lt3A_1230, %lt3A_1232 : i1
      %and3A_1234 = arith.andi %ne3A_1233, %ne3A_1228 : i1
      %add3A_1235 = arith.addi %rem3A_1226, %select_n3A_1225 : i32
      %select_n3A_1236 = arith.select %and3A_1234, %add3A_1235, %rem3A_1226 : i32
      %mul3A_1237 = arith.constant 8 : i32
      %mul3A_1238 = arith.muli %select_n3A_1220, %mul3A_1237 : i32
      %add3A_1239 = arith.addi %mul3A_1238, %select_n3A_1196 : i32
      %mul3A_1240 = arith.constant 128 : i32
      %mul3A_1241 = arith.muli %select_n3A_1236, %mul3A_1240 : i32
      %dma_start3A_1242 = arith.constant 2 : i32
      %dma_start3A_1243 = arith.constant 0 : i32
      %dma_start3A_1244 = arith.constant 0 : i32
      %dma_start3A_1245 = tpu.memref_slice %arg6[%dma_start3A_1242, %dma_start3A_1243, %dma_start3A_1244] : memref<8x128x64xf32, #tpu.memory_space<vmem>> -> memref<1x128x64xf32, #tpu.memory_space<vmem>>
      %dma_start3A_1246 = tpu.memref_squeeze %dma_start3A_1245 : memref<1x128x64xf32, #tpu.memory_space<vmem>> -> memref<128x64xf32, #tpu.memory_space<vmem>>
      %dma_start3A_1247 = arith.constant 0 : i32
      %dma_start3A_1248 = tpu.memref_slice %arg4[%mul3A_1241, %add3A_1239, %dma_start3A_1247] : memref<4096x200x128xf32, #tpu.memory_space<hbm>> -> memref<128x1x64xf32, #tpu.memory_space<hbm>>
      %dma_start3A_1249 = tpu.memref_squeeze %dma_start3A_1248 : memref<128x1x64xf32, #tpu.memory_space<hbm>> -> memref<128x64xf32, #tpu.memory_space<hbm>>
      %dma_start3A_1250 = arith.constant 0 : i32
      %dma_start3A_1251 = tpu.memref_slice %arg4[%mul3A_1241, %add3A_1239, %dma_start3A_1250] : memref<4096x200x128xf32, #tpu.memory_space<hbm>> -> memref<128x1x64xf32, #tpu.memory_space<hbm>>
      %dma_start3A_1252 = tpu.memref_squeeze %dma_start3A_1251 : memref<128x1x64xf32, #tpu.memory_space<hbm>> -> memref<128x64xf32, #tpu.memory_space<hbm>>
      %dma_start3A_1253 = arith.constant 0 : i32
      %dma_start3A_1254 = arith.constant 0 : i32
      %dma_start3A_1255 = tpu.memref_slice %arg6[%dma_start3A_1242, %dma_start3A_1253, %dma_start3A_1254] : memref<8x128x64xf32, #tpu.memory_space<vmem>> -> memref<1x128x64xf32, #tpu.memory_space<vmem>>
      %dma_start3A_1256 = tpu.memref_squeeze %dma_start3A_1255 : memref<1x128x64xf32, #tpu.memory_space<vmem>> -> memref<128x64xf32, #tpu.memory_space<vmem>>
      tpu.enqueue_dma source(%dma_start3A_1256 : memref<128x64xf32, #tpu.memory_space<vmem>>) target(%dma_start3A_1252 : memref<128x64xf32, #tpu.memory_space<hbm>>) target_semaphore(%arg17 : memref<!tpu.dma_semaphore, #tpu.memory_space<semaphore_mem>>)
      %add3A_1257 = arith.constant 4 : i32
      %add3A_1258 = arith.addi %add3A_1137, %add3A_1257 : i32
      %lt3A_1259 = arith.constant 200 : i32
      %lt3A_1260 = arith.cmpi slt, %add3A_1258, %lt3A_1259 : i32
      %convert_element_type3A_1261 = arith.extui %lt3A_1260 : i1 to i32
      %cond3A_1262 = arith.constant 0 : i32
      %cond3A_1263 = arith.cmpi ne, %convert_element_type3A_1261, %cond3A_1262 : i32
      scf.if %cond3A_1263 {
        %ge3A = arith.constant 8 : i32
        %ge3A_1904 = arith.cmpi sge, %add3A_1258, %ge3A : i32
        %convert_element_type3A_1905 = arith.extui %ge3A_1904 : i1 to i32
        %cond3A_1906 = arith.constant 0 : i32
        %cond3A_1907 = arith.cmpi ne, %convert_element_type3A_1905, %cond3A_1906 : i32
        scf.if %cond3A_1907 {
          %sub3A_1919 = arith.constant 8 : i32
          %sub3A_1920 = arith.subi %add3A_1258, %sub3A_1919 : i32
          %mul3A_1921 = arith.constant 200 : i32
          %mul3A_1922 = arith.muli %add3A, %mul3A_1921 : i32
          %add3A_1923 = arith.addi %mul3A_1922, %sub3A_1920 : i32
          %jit3A_1924 = arith.constant 8 : i32
          %div3A_1925 = arith.divsi %add3A_1923, %jit3A_1924 : i32
          %sign3A_1926 = arith.constant 0 : i32
          %sign3A_1927 = arith.cmpi sgt, %add3A_1923, %sign3A_1926 : i32
          %sign3A_1928 = arith.extui %sign3A_1927 : i1 to i32
          %sign3A_1929 = arith.constant 0 : i32
          %sign3A_1930 = arith.cmpi slt, %add3A_1923, %sign3A_1929 : i32
          %sign3A_1931 = arith.extui %sign3A_1930 : i1 to i32
          %sign3A_1932 = arith.subi %sign3A_1928, %sign3A_1931 : i32
          %sign3A_1933 = arith.constant 0 : i32
          %sign3A_1934 = arith.cmpi sgt, %jit3A_1924, %sign3A_1933 : i32
          %sign3A_1935 = arith.extui %sign3A_1934 : i1 to i32
          %sign3A_1936 = arith.constant 0 : i32
          %sign3A_1937 = arith.cmpi slt, %jit3A_1924, %sign3A_1936 : i32
          %sign3A_1938 = arith.extui %sign3A_1937 : i1 to i32
          %sign3A_1939 = arith.subi %sign3A_1935, %sign3A_1938 : i32
          %ne3A_1940 = arith.cmpi ne, %sign3A_1932, %sign3A_1939 : i32
          %rem3A_1941 = arith.remsi %add3A_1923, %jit3A_1924 : i32
          %ne3A_1942 = arith.constant 0 : i32
          %ne3A_1943 = arith.cmpi ne, %rem3A_1941, %ne3A_1942 : i32
          %and3A_1944 = arith.andi %ne3A_1940, %ne3A_1943 : i1
          %sub3A_1945 = arith.constant 1 : i32
          %sub3A_1946 = arith.subi %div3A_1925, %sub3A_1945 : i32
          %select_n3A_1947 = arith.select %and3A_1944, %sub3A_1946, %div3A_1925 : i32
          %jit3A_1948 = arith.constant 8 : i32
          %eq3A_1949 = arith.constant 0 : i32
          %eq3A_1950 = arith.cmpi eq, %jit3A_1948, %eq3A_1949 : i32
          %jit3A_1951 = arith.constant 1 : i32
          %select_n3A_1952 = arith.select %eq3A_1950, %jit3A_1951, %jit3A_1948 : i32
          %rem3A_1953 = arith.remsi %add3A_1923, %select_n3A_1952 : i32
          %ne3A_1954 = arith.constant 0 : i32
          %ne3A_1955 = arith.cmpi ne, %rem3A_1953, %ne3A_1954 : i32
          %lt3A_1956 = arith.constant 0 : i32
          %lt3A_1957 = arith.cmpi slt, %rem3A_1953, %lt3A_1956 : i32
          %lt3A_1958 = arith.constant 0 : i32
          %lt3A_1959 = arith.cmpi slt, %select_n3A_1952, %lt3A_1958 : i32
          %ne3A_1960 = arith.xori %lt3A_1957, %lt3A_1959 : i1
          %and3A_1961 = arith.andi %ne3A_1960, %ne3A_1955 : i1
          %add3A_1962 = arith.addi %rem3A_1953, %select_n3A_1952 : i32
          %select_n3A_1963 = arith.select %and3A_1961, %add3A_1962, %rem3A_1953 : i32
          %jit3A_1964 = arith.constant 32 : i32
          %div3A_1965 = arith.divsi %select_n3A_1947, %jit3A_1964 : i32
          %sign3A_1966 = arith.constant 0 : i32
          %sign3A_1967 = arith.cmpi sgt, %select_n3A_1947, %sign3A_1966 : i32
          %sign3A_1968 = arith.extui %sign3A_1967 : i1 to i32
          %sign3A_1969 = arith.constant 0 : i32
          %sign3A_1970 = arith.cmpi slt, %select_n3A_1947, %sign3A_1969 : i32
          %sign3A_1971 = arith.extui %sign3A_1970 : i1 to i32
          %sign3A_1972 = arith.subi %sign3A_1968, %sign3A_1971 : i32
          %sign3A_1973 = arith.constant 0 : i32
          %sign3A_1974 = arith.cmpi sgt, %jit3A_1964, %sign3A_1973 : i32
          %sign3A_1975 = arith.extui %sign3A_1974 : i1 to i32
          %sign3A_1976 = arith.constant 0 : i32
          %sign3A_1977 = arith.cmpi slt, %jit3A_1964, %sign3A_1976 : i32
          %sign3A_1978 = arith.extui %sign3A_1977 : i1 to i32
          %sign3A_1979 = arith.subi %sign3A_1975, %sign3A_1978 : i32
          %ne3A_1980 = arith.cmpi ne, %sign3A_1972, %sign3A_1979 : i32
          %rem3A_1981 = arith.remsi %select_n3A_1947, %jit3A_1964 : i32
          %ne3A_1982 = arith.constant 0 : i32
          %ne3A_1983 = arith.cmpi ne, %rem3A_1981, %ne3A_1982 : i32
          %and3A_1984 = arith.andi %ne3A_1980, %ne3A_1983 : i1
          %sub3A_1985 = arith.constant 1 : i32
          %sub3A_1986 = arith.subi %div3A_1965, %sub3A_1985 : i32
          %select_n3A_1987 = arith.select %and3A_1984, %sub3A_1986, %div3A_1965 : i32
          %jit3A_1988 = arith.constant 32 : i32
          %eq3A_1989 = arith.constant 0 : i32
          %eq3A_1990 = arith.cmpi eq, %jit3A_1988, %eq3A_1989 : i32
          %jit3A_1991 = arith.constant 1 : i32
          %select_n3A_1992 = arith.select %eq3A_1990, %jit3A_1991, %jit3A_1988 : i32
          %rem3A_1993 = arith.remsi %select_n3A_1947, %select_n3A_1992 : i32
          %ne3A_1994 = arith.constant 0 : i32
          %ne3A_1995 = arith.cmpi ne, %rem3A_1993, %ne3A_1994 : i32
          %lt3A_1996 = arith.constant 0 : i32
          %lt3A_1997 = arith.cmpi slt, %rem3A_1993, %lt3A_1996 : i32
          %lt3A_1998 = arith.constant 0 : i32
          %lt3A_1999 = arith.cmpi slt, %select_n3A_1992, %lt3A_1998 : i32
          %ne3A_2000 = arith.xori %lt3A_1997, %lt3A_1999 : i1
          %and3A_2001 = arith.andi %ne3A_2000, %ne3A_1995 : i1
          %add3A_2002 = arith.addi %rem3A_1993, %select_n3A_1992 : i32
          %select_n3A_2003 = arith.select %and3A_2001, %add3A_2002, %rem3A_1993 : i32
          %mul3A_2004 = arith.constant 8 : i32
          %mul3A_2005 = arith.muli %select_n3A_1987, %mul3A_2004 : i32
          %add3A_2006 = arith.addi %mul3A_2005, %select_n3A_1963 : i32
          %mul3A_2007 = arith.constant 128 : i32
          %mul3A_2008 = arith.muli %select_n3A_2003, %mul3A_2007 : i32
          %dma_wait3A_2009 = arith.constant 6 : i32
          %dma_wait3A_2010 = arith.constant 0 : i32
          %dma_wait3A_2011 = arith.constant 0 : i32
          %dma_wait3A_2012 = tpu.memref_slice %arg6[%dma_wait3A_2009, %dma_wait3A_2010, %dma_wait3A_2011] : memref<8x128x64xf32, #tpu.memory_space<vmem>> -> memref<1x128x64xf32, #tpu.memory_space<vmem>>
          %dma_wait3A_2013 = tpu.memref_squeeze %dma_wait3A_2012 : memref<1x128x64xf32, #tpu.memory_space<vmem>> -> memref<128x64xf32, #tpu.memory_space<vmem>>
          %dma_wait3A_2014 = arith.constant 0 : i32
          %dma_wait3A_2015 = tpu.memref_slice %arg4[%mul3A_2008, %add3A_2006, %dma_wait3A_2014] : memref<4096x200x128xf32, #tpu.memory_space<hbm>> -> memref<128x1x64xf32, #tpu.memory_space<hbm>>
          %dma_wait3A_2016 = tpu.memref_squeeze %dma_wait3A_2015 : memref<128x1x64xf32, #tpu.memory_space<hbm>> -> memref<128x64xf32, #tpu.memory_space<hbm>>
          %dma_wait3A_2017 = arith.constant 0 : i32
          %dma_wait3A_2018 = tpu.memref_slice %arg4[%mul3A_2008, %add3A_2006, %dma_wait3A_2017] : memref<4096x200x128xf32, #tpu.memory_space<hbm>> -> memref<128x1x64xf32, #tpu.memory_space<hbm>>
          %dma_wait3A_2019 = tpu.memref_squeeze %dma_wait3A_2018 : memref<128x1x64xf32, #tpu.memory_space<hbm>> -> memref<128x64xf32, #tpu.memory_space<hbm>>
          %dma_wait3A_2020 = arith.constant 0 : i32
          %dma_wait3A_2021 = arith.constant 0 : i32
          %dma_wait3A_2022 = tpu.memref_slice %arg6[%dma_wait3A_2009, %dma_wait3A_2020, %dma_wait3A_2021] : memref<8x128x64xf32, #tpu.memory_space<vmem>> -> memref<1x128x64xf32, #tpu.memory_space<vmem>>
          %dma_wait3A_2023 = tpu.memref_squeeze %dma_wait3A_2022 : memref<1x128x64xf32, #tpu.memory_space<vmem>> -> memref<128x64xf32, #tpu.memory_space<vmem>>
          tpu.wait_dma2 semaphore(%arg21 : memref<!tpu.dma_semaphore, #tpu.memory_space<semaphore_mem>>) src(%dma_wait3A_2023 : memref<128x64xf32, #tpu.memory_space<vmem>>) dst(%dma_wait3A_2019 : memref<128x64xf32, #tpu.memory_space<hbm>>)
        } else {
        }
        %dma_start3A_1908 = arith.constant 6 : i32
        %dma_start3A_1909 = arith.constant 0 : i32
        %dma_start3A_1910 = arith.constant 0 : i32
        %dma_start3A_1911 = tpu.memref_slice %arg6[%dma_start3A_1908, %dma_start3A_1909, %dma_start3A_1910] : memref<8x128x64xf32, #tpu.memory_space<vmem>> -> memref<1x128x64xf32, #tpu.memory_space<vmem>>
        %dma_start3A_1912 = tpu.memref_squeeze %dma_start3A_1911 : memref<1x128x64xf32, #tpu.memory_space<vmem>> -> memref<128x64xf32, #tpu.memory_space<vmem>>
        %dma_start3A_1913 = arith.constant 0 : i32
        %dma_start3A_1914 = tpu.memref_slice %arg5[%add3A_1258, %dma_start3A_1913] : memref<200x128xi32, #tpu.memory_space<vmem>> -> memref<1x128xi32, #tpu.memory_space<vmem>>
        %dma_start3A_1915 = tpu.memref_squeeze %dma_start3A_1914 : memref<1x128xi32, #tpu.memory_space<vmem>> -> memref<128xi32, #tpu.memory_space<vmem>>
        %dma_start3A_1916 = arith.constant 0 : i32
        %dma_start3A_1917 = arith.constant 0 : i32
        %dma_start3A_1918 = tpu.memref_slice %arg3[%dma_start3A_1916, %dma_start3A_1917] : memref<1000000x64xf32, #tpu.memory_space<hbm>> -> memref<1000000x64xf32, #tpu.memory_space<hbm>>
        tpu.enqueue_indirect_dma source(%dma_start3A_1918 : memref<1000000x64xf32, #tpu.memory_space<hbm>>) target(%dma_start3A_1912 : memref<128x64xf32, #tpu.memory_space<vmem>>) offsets(%dma_start3A_1915 : memref<128xi32, #tpu.memory_space<vmem>>) semaphore(%arg13 : memref<!tpu.dma_semaphore, #tpu.memory_space<semaphore_mem>>)
      } else {
      }
      %add3A_1264 = arith.constant 3 : i32
      %add3A_1265 = arith.addi %add3A_881, %add3A_1264 : i32
      %dma_wait3A_1266 = arith.constant 3 : i32
      %dma_wait3A_1267 = arith.constant 0 : i32
      %dma_wait3A_1268 = arith.constant 0 : i32
      %dma_wait3A_1269 = tpu.memref_slice %arg6[%dma_wait3A_1266, %dma_wait3A_1267, %dma_wait3A_1268] : memref<8x128x64xf32, #tpu.memory_space<vmem>> -> memref<1x128x64xf32, #tpu.memory_space<vmem>>
      %dma_wait3A_1270 = tpu.memref_squeeze %dma_wait3A_1269 : memref<1x128x64xf32, #tpu.memory_space<vmem>> -> memref<128x64xf32, #tpu.memory_space<vmem>>
      %dma_wait3A_1271 = arith.constant 0 : i32
      %dma_wait3A_1272 = tpu.memref_slice %arg5[%add3A_1265, %dma_wait3A_1271] : memref<200x128xi32, #tpu.memory_space<vmem>> -> memref<1x128xi32, #tpu.memory_space<vmem>>
      %dma_wait3A_1273 = tpu.memref_squeeze %dma_wait3A_1272 : memref<1x128xi32, #tpu.memory_space<vmem>> -> memref<128xi32, #tpu.memory_space<vmem>>
      %dma_wait3A_1274 = arith.constant 0 : i32
      %dma_wait3A_1275 = arith.constant 0 : i32
      %dma_wait3A_1276 = tpu.memref_slice %arg3[%dma_wait3A_1274, %dma_wait3A_1275] : memref<1000000x64xf32, #tpu.memory_space<hbm>> -> memref<1000000x64xf32, #tpu.memory_space<hbm>>
      tpu.wait_indirect_dma semaphore(%arg10 : memref<!tpu.dma_semaphore, #tpu.memory_space<semaphore_mem>>) src(%dma_wait3A_1276 : memref<1000000x64xf32, #tpu.memory_space<hbm>>) dst(%dma_wait3A_1270 : memref<128x64xf32, #tpu.memory_space<vmem>>)
      %scan3A_1277 = arith.constant 0 : i32
      %scan3A_1278 = arith.constant 128 : i32
      %scan3A_1279 = arith.addi %scan3A_1277, %scan3A_1278 : i32
      %scan3A_1280 = arith.constant 4 : i32
      scf.for %scan3A_1904 = %scan3A_1277 to %scan3A_1279 step %scan3A_1280  : i32 {
        %mul3A_1905 = arith.constant 1 : i32
        %mul3A_1906 = arith.muli %scan3A_1904, %mul3A_1905 : i32
        %add3A_1907 = arith.constant 0 : i32
        %add3A_1908 = arith.addi %add3A_1907, %mul3A_1906 : i32
        %get3A = arith.constant 3 : i32
        %get3A_1909 = arith.index_cast %get3A : i32 to index
        %get3A_1910 = arith.index_cast %add3A_1908 : i32 to index
        %get3A_1911 = arith.constant 0 : index
        %get3A_1912 = tpu.vector_load %arg6[%get3A_1909, %get3A_1910, %get3A_1911] {strides = array<i32>} : memref<8x128x64xf32, #tpu.memory_space<vmem>>, vector<1x1x16xf32>,
        %get3A_1913 = vector.shape_cast %get3A_1912 : vector<1x1x16xf32> to vector<16xf32>
        %mul3A_1914 = arith.constant 8.000000e+00 : f32
        %mul3A_1915 = vector.broadcast %mul3A_1914 : f32 to vector<16xf32>
        %mul3A_1916 = arith.mulf %get3A_1913, %mul3A_1915 : vector<16xf32>
        %swap3A = arith.constant 3 : i32
        %swap3A_1917 = arith.index_cast %swap3A : i32 to index
        %swap3A_1918 = arith.index_cast %add3A_1908 : i32 to index
        %swap3A_1919 = arith.constant 0 : index
        %swap3A_1920 = tpu.vector_load %arg6[%swap3A_1917, %swap3A_1918, %swap3A_1919] {strides = array<i32>} : memref<8x128x64xf32, #tpu.memory_space<vmem>>, vector<1x1x16xf32>,
        %swap3A_1921 = vector.shape_cast %swap3A_1920 : vector<1x1x16xf32> to vector<16xf32>
        %swap3A_1922 = vector.shape_cast %mul3A_1916 : vector<16xf32> to vector<1x1x16xf32>
        tpu.vector_store %arg6[%swap3A_1917, %swap3A_1918, %swap3A_1919], %swap3A_1922 {strides = array<i32>} : memref<8x128x64xf32, #tpu.memory_space<vmem>>, vector<1x1x16xf32>,
        %get3A_1923 = arith.constant 3 : i32
        %get3A_1924 = arith.index_cast %get3A_1923 : i32 to index
        %get3A_1925 = arith.index_cast %add3A_1908 : i32 to index
        %get3A_1926 = arith.constant 16 : index
        %get3A_1927 = tpu.vector_load %arg6[%get3A_1924, %get3A_1925, %get3A_1926] {strides = array<i32>} : memref<8x128x64xf32, #tpu.memory_space<vmem>>, vector<1x1x16xf32>,
        %get3A_1928 = vector.shape_cast %get3A_1927 : vector<1x1x16xf32> to vector<16xf32>
        %mul3A_1929 = arith.constant 8.000000e+00 : f32
        %mul3A_1930 = vector.broadcast %mul3A_1929 : f32 to vector<16xf32>
        %mul3A_1931 = arith.mulf %get3A_1928, %mul3A_1930 : vector<16xf32>
        %swap3A_1932 = arith.constant 3 : i32
        %swap3A_1933 = arith.index_cast %swap3A_1932 : i32 to index
        %swap3A_1934 = arith.index_cast %add3A_1908 : i32 to index
        %swap3A_1935 = arith.constant 16 : index
        %swap3A_1936 = tpu.vector_load %arg6[%swap3A_1933, %swap3A_1934, %swap3A_1935] {strides = array<i32>} : memref<8x128x64xf32, #tpu.memory_space<vmem>>, vector<1x1x16xf32>,
        %swap3A_1937 = vector.shape_cast %swap3A_1936 : vector<1x1x16xf32> to vector<16xf32>
        %swap3A_1938 = vector.shape_cast %mul3A_1931 : vector<16xf32> to vector<1x1x16xf32>
        tpu.vector_store %arg6[%swap3A_1933, %swap3A_1934, %swap3A_1935], %swap3A_1938 {strides = array<i32>} : memref<8x128x64xf32, #tpu.memory_space<vmem>>, vector<1x1x16xf32>,
        %get3A_1939 = arith.constant 3 : i32
        %get3A_1940 = arith.index_cast %get3A_1939 : i32 to index
        %get3A_1941 = arith.index_cast %add3A_1908 : i32 to index
        %get3A_1942 = arith.constant 32 : index
        %get3A_1943 = tpu.vector_load %arg6[%get3A_1940, %get3A_1941, %get3A_1942] {strides = array<i32>} : memref<8x128x64xf32, #tpu.memory_space<vmem>>, vector<1x1x16xf32>,
        %get3A_1944 = vector.shape_cast %get3A_1943 : vector<1x1x16xf32> to vector<16xf32>
        %mul3A_1945 = arith.constant 8.000000e+00 : f32
        %mul3A_1946 = vector.broadcast %mul3A_1945 : f32 to vector<16xf32>
        %mul3A_1947 = arith.mulf %get3A_1944, %mul3A_1946 : vector<16xf32>
        %swap3A_1948 = arith.constant 3 : i32
        %swap3A_1949 = arith.index_cast %swap3A_1948 : i32 to index
        %swap3A_1950 = arith.index_cast %add3A_1908 : i32 to index
        %swap3A_1951 = arith.constant 32 : index
        %swap3A_1952 = tpu.vector_load %arg6[%swap3A_1949, %swap3A_1950, %swap3A_1951] {strides = array<i32>} : memref<8x128x64xf32, #tpu.memory_space<vmem>>, vector<1x1x16xf32>,
        %swap3A_1953 = vector.shape_cast %swap3A_1952 : vector<1x1x16xf32> to vector<16xf32>
        %swap3A_1954 = vector.shape_cast %mul3A_1947 : vector<16xf32> to vector<1x1x16xf32>
        tpu.vector_store %arg6[%swap3A_1949, %swap3A_1950, %swap3A_1951], %swap3A_1954 {strides = array<i32>} : memref<8x128x64xf32, #tpu.memory_space<vmem>>, vector<1x1x16xf32>,
        %get3A_1955 = arith.constant 3 : i32
        %get3A_1956 = arith.index_cast %get3A_1955 : i32 to index
        %get3A_1957 = arith.index_cast %add3A_1908 : i32 to index
        %get3A_1958 = arith.constant 48 : index
        %get3A_1959 = tpu.vector_load %arg6[%get3A_1956, %get3A_1957, %get3A_1958] {strides = array<i32>} : memref<8x128x64xf32, #tpu.memory_space<vmem>>, vector<1x1x16xf32>,
        %get3A_1960 = vector.shape_cast %get3A_1959 : vector<1x1x16xf32> to vector<16xf32>
        %mul3A_1961 = arith.constant 8.000000e+00 : f32
        %mul3A_1962 = vector.broadcast %mul3A_1961 : f32 to vector<16xf32>
        %mul3A_1963 = arith.mulf %get3A_1960, %mul3A_1962 : vector<16xf32>
        %swap3A_1964 = arith.constant 3 : i32
        %swap3A_1965 = arith.index_cast %swap3A_1964 : i32 to index
        %swap3A_1966 = arith.index_cast %add3A_1908 : i32 to index
        %swap3A_1967 = arith.constant 48 : index
        %swap3A_1968 = tpu.vector_load %arg6[%swap3A_1965, %swap3A_1966, %swap3A_1967] {strides = array<i32>} : memref<8x128x64xf32, #tpu.memory_space<vmem>>, vector<1x1x16xf32>,
        %swap3A_1969 = vector.shape_cast %swap3A_1968 : vector<1x1x16xf32> to vector<16xf32>
        %swap3A_1970 = vector.shape_cast %mul3A_1963 : vector<16xf32> to vector<1x1x16xf32>
        tpu.vector_store %arg6[%swap3A_1965, %swap3A_1966, %swap3A_1967], %swap3A_1970 {strides = array<i32>} : memref<8x128x64xf32, #tpu.memory_space<vmem>>, vector<1x1x16xf32>,
        %scan3A_1971 = arith.constant 1 : i32
        %scan3A_1972 = arith.addi %scan3A_1904, %scan3A_1971 : i32
        %mul3A_1973 = arith.constant 1 : i32
        %mul3A_1974 = arith.muli %scan3A_1972, %mul3A_1973 : i32
        %add3A_1975 = arith.constant 0 : i32
        %add3A_1976 = arith.addi %add3A_1975, %mul3A_1974 : i32
        %get3A_1977 = arith.constant 3 : i32
        %get3A_1978 = arith.index_cast %get3A_1977 : i32 to index
        %get3A_1979 = arith.index_cast %add3A_1976 : i32 to index
        %get3A_1980 = arith.constant 0 : index
        %get3A_1981 = tpu.vector_load %arg6[%get3A_1978, %get3A_1979, %get3A_1980] {strides = array<i32>} : memref<8x128x64xf32, #tpu.memory_space<vmem>>, vector<1x1x16xf32>,
        %get3A_1982 = vector.shape_cast %get3A_1981 : vector<1x1x16xf32> to vector<16xf32>
        %mul3A_1983 = arith.constant 8.000000e+00 : f32
        %mul3A_1984 = vector.broadcast %mul3A_1983 : f32 to vector<16xf32>
        %mul3A_1985 = arith.mulf %get3A_1982, %mul3A_1984 : vector<16xf32>
        %swap3A_1986 = arith.constant 3 : i32
        %swap3A_1987 = arith.index_cast %swap3A_1986 : i32 to index
        %swap3A_1988 = arith.index_cast %add3A_1976 : i32 to index
        %swap3A_1989 = arith.constant 0 : index
        %swap3A_1990 = tpu.vector_load %arg6[%swap3A_1987, %swap3A_1988, %swap3A_1989] {strides = array<i32>} : memref<8x128x64xf32, #tpu.memory_space<vmem>>, vector<1x1x16xf32>,
        %swap3A_1991 = vector.shape_cast %swap3A_1990 : vector<1x1x16xf32> to vector<16xf32>
        %swap3A_1992 = vector.shape_cast %mul3A_1985 : vector<16xf32> to vector<1x1x16xf32>
        tpu.vector_store %arg6[%swap3A_1987, %swap3A_1988, %swap3A_1989], %swap3A_1992 {strides = array<i32>} : memref<8x128x64xf32, #tpu.memory_space<vmem>>, vector<1x1x16xf32>,
        %get3A_1993 = arith.constant 3 : i32
        %get3A_1994 = arith.index_cast %get3A_1993 : i32 to index
        %get3A_1995 = arith.index_cast %add3A_1976 : i32 to index
        %get3A_1996 = arith.constant 16 : index
        %get3A_1997 = tpu.vector_load %arg6[%get3A_1994, %get3A_1995, %get3A_1996] {strides = array<i32>} : memref<8x128x64xf32, #tpu.memory_space<vmem>>, vector<1x1x16xf32>,
        %get3A_1998 = vector.shape_cast %get3A_1997 : vector<1x1x16xf32> to vector<16xf32>
        %mul3A_1999 = arith.constant 8.000000e+00 : f32
        %mul3A_2000 = vector.broadcast %mul3A_1999 : f32 to vector<16xf32>
        %mul3A_2001 = arith.mulf %get3A_1998, %mul3A_2000 : vector<16xf32>
        %swap3A_2002 = arith.constant 3 : i32
        %swap3A_2003 = arith.index_cast %swap3A_2002 : i32 to index
        %swap3A_2004 = arith.index_cast %add3A_1976 : i32 to index
        %swap3A_2005 = arith.constant 16 : index
        %swap3A_2006 = tpu.vector_load %arg6[%swap3A_2003, %swap3A_2004, %swap3A_2005] {strides = array<i32>} : memref<8x128x64xf32, #tpu.memory_space<vmem>>, vector<1x1x16xf32>,
        %swap3A_2007 = vector.shape_cast %swap3A_2006 : vector<1x1x16xf32> to vector<16xf32>
        %swap3A_2008 = vector.shape_cast %mul3A_2001 : vector<16xf32> to vector<1x1x16xf32>
        tpu.vector_store %arg6[%swap3A_2003, %swap3A_2004, %swap3A_2005], %swap3A_2008 {strides = array<i32>} : memref<8x128x64xf32, #tpu.memory_space<vmem>>, vector<1x1x16xf32>,
        %get3A_2009 = arith.constant 3 : i32
        %get3A_2010 = arith.index_cast %get3A_2009 : i32 to index
        %get3A_2011 = arith.index_cast %add3A_1976 : i32 to index
        %get3A_2012 = arith.constant 32 : index
        %get3A_2013 = tpu.vector_load %arg6[%get3A_2010, %get3A_2011, %get3A_2012] {strides = array<i32>} : memref<8x128x64xf32, #tpu.memory_space<vmem>>, vector<1x1x16xf32>,
        %get3A_2014 = vector.shape_cast %get3A_2013 : vector<1x1x16xf32> to vector<16xf32>
        %mul3A_2015 = arith.constant 8.000000e+00 : f32
        %mul3A_2016 = vector.broadcast %mul3A_2015 : f32 to vector<16xf32>
        %mul3A_2017 = arith.mulf %get3A_2014, %mul3A_2016 : vector<16xf32>
        %swap3A_2018 = arith.constant 3 : i32
        %swap3A_2019 = arith.index_cast %swap3A_2018 : i32 to index
        %swap3A_2020 = arith.index_cast %add3A_1976 : i32 to index
        %swap3A_2021 = arith.constant 32 : index
        %swap3A_2022 = tpu.vector_load %arg6[%swap3A_2019, %swap3A_2020, %swap3A_2021] {strides = array<i32>} : memref<8x128x64xf32, #tpu.memory_space<vmem>>, vector<1x1x16xf32>,
        %swap3A_2023 = vector.shape_cast %swap3A_2022 : vector<1x1x16xf32> to vector<16xf32>
        %swap3A_2024 = vector.shape_cast %mul3A_2017 : vector<16xf32> to vector<1x1x16xf32>
        tpu.vector_store %arg6[%swap3A_2019, %swap3A_2020, %swap3A_2021], %swap3A_2024 {strides = array<i32>} : memref<8x128x64xf32, #tpu.memory_space<vmem>>, vector<1x1x16xf32>,
        %get3A_2025 = arith.constant 3 : i32
        %get3A_2026 = arith.index_cast %get3A_2025 : i32 to index
        %get3A_2027 = arith.index_cast %add3A_1976 : i32 to index
        %get3A_2028 = arith.constant 48 : index
        %get3A_2029 = tpu.vector_load %arg6[%get3A_2026, %get3A_2027, %get3A_2028] {strides = array<i32>} : memref<8x128x64xf32, #tpu.memory_space<vmem>>, vector<1x1x16xf32>,
        %get3A_2030 = vector.shape_cast %get3A_2029 : vector<1x1x16xf32> to vector<16xf32>
        %mul3A_2031 = arith.constant 8.000000e+00 : f32
        %mul3A_2032 = vector.broadcast %mul3A_2031 : f32 to vector<16xf32>
        %mul3A_2033 = arith.mulf %get3A_2030, %mul3A_2032 : vector<16xf32>
        %swap3A_2034 = arith.constant 3 : i32
        %swap3A_2035 = arith.index_cast %swap3A_2034 : i32 to index
        %swap3A_2036 = arith.index_cast %add3A_1976 : i32 to index
        %swap3A_2037 = arith.constant 48 : index
        %swap3A_2038 = tpu.vector_load %arg6[%swap3A_2035, %swap3A_2036, %swap3A_2037] {strides = array<i32>} : memref<8x128x64xf32, #tpu.memory_space<vmem>>, vector<1x1x16xf32>,
        %swap3A_2039 = vector.shape_cast %swap3A_2038 : vector<1x1x16xf32> to vector<16xf32>
        %swap3A_2040 = vector.shape_cast %mul3A_2033 : vector<16xf32> to vector<1x1x16xf32>
        tpu.vector_store %arg6[%swap3A_2035, %swap3A_2036, %swap3A_2037], %swap3A_2040 {strides = array<i32>} : memref<8x128x64xf32, #tpu.memory_space<vmem>>, vector<1x1x16xf32>,
        %scan3A_2041 = arith.constant 2 : i32
        %scan3A_2042 = arith.addi %scan3A_1904, %scan3A_2041 : i32
        %mul3A_2043 = arith.constant 1 : i32
        %mul3A_2044 = arith.muli %scan3A_2042, %mul3A_2043 : i32
        %add3A_2045 = arith.constant 0 : i32
        %add3A_2046 = arith.addi %add3A_2045, %mul3A_2044 : i32
        %get3A_2047 = arith.constant 3 : i32
        %get3A_2048 = arith.index_cast %get3A_2047 : i32 to index
        %get3A_2049 = arith.index_cast %add3A_2046 : i32 to index
        %get3A_2050 = arith.constant 0 : index
        %get3A_2051 = tpu.vector_load %arg6[%get3A_2048, %get3A_2049, %get3A_2050] {strides = array<i32>} : memref<8x128x64xf32, #tpu.memory_space<vmem>>, vector<1x1x16xf32>,
        %get3A_2052 = vector.shape_cast %get3A_2051 : vector<1x1x16xf32> to vector<16xf32>
        %mul3A_2053 = arith.constant 8.000000e+00 : f32
        %mul3A_2054 = vector.broadcast %mul3A_2053 : f32 to vector<16xf32>
        %mul3A_2055 = arith.mulf %get3A_2052, %mul3A_2054 : vector<16xf32>
        %swap3A_2056 = arith.constant 3 : i32
        %swap3A_2057 = arith.index_cast %swap3A_2056 : i32 to index
        %swap3A_2058 = arith.index_cast %add3A_2046 : i32 to index
        %swap3A_2059 = arith.constant 0 : index
        %swap3A_2060 = tpu.vector_load %arg6[%swap3A_2057, %swap3A_2058, %swap3A_2059] {strides = array<i32>} : memref<8x128x64xf32, #tpu.memory_space<vmem>>, vector<1x1x16xf32>,
        %swap3A_2061 = vector.shape_cast %swap3A_2060 : vector<1x1x16xf32> to vector<16xf32>
        %swap3A_2062 = vector.shape_cast %mul3A_2055 : vector<16xf32> to vector<1x1x16xf32>
        tpu.vector_store %arg6[%swap3A_2057, %swap3A_2058, %swap3A_2059], %swap3A_2062 {strides = array<i32>} : memref<8x128x64xf32, #tpu.memory_space<vmem>>, vector<1x1x16xf32>,
        %get3A_2063 = arith.constant 3 : i32
        %get3A_2064 = arith.index_cast %get3A_2063 : i32 to index
        %get3A_2065 = arith.index_cast %add3A_2046 : i32 to index
        %get3A_2066 = arith.constant 16 : index
        %get3A_2067 = tpu.vector_load %arg6[%get3A_2064, %get3A_2065, %get3A_2066] {strides = array<i32>} : memref<8x128x64xf32, #tpu.memory_space<vmem>>, vector<1x1x16xf32>,
        %get3A_2068 = vector.shape_cast %get3A_2067 : vector<1x1x16xf32> to vector<16xf32>
        %mul3A_2069 = arith.constant 8.000000e+00 : f32
        %mul3A_2070 = vector.broadcast %mul3A_2069 : f32 to vector<16xf32>
        %mul3A_2071 = arith.mulf %get3A_2068, %mul3A_2070 : vector<16xf32>
        %swap3A_2072 = arith.constant 3 : i32
        %swap3A_2073 = arith.index_cast %swap3A_2072 : i32 to index
        %swap3A_2074 = arith.index_cast %add3A_2046 : i32 to index
        %swap3A_2075 = arith.constant 16 : index
        %swap3A_2076 = tpu.vector_load %arg6[%swap3A_2073, %swap3A_2074, %swap3A_2075] {strides = array<i32>} : memref<8x128x64xf32, #tpu.memory_space<vmem>>, vector<1x1x16xf32>,
        %swap3A_2077 = vector.shape_cast %swap3A_2076 : vector<1x1x16xf32> to vector<16xf32>
        %swap3A_2078 = vector.shape_cast %mul3A_2071 : vector<16xf32> to vector<1x1x16xf32>
        tpu.vector_store %arg6[%swap3A_2073, %swap3A_2074, %swap3A_2075], %swap3A_2078 {strides = array<i32>} : memref<8x128x64xf32, #tpu.memory_space<vmem>>, vector<1x1x16xf32>,
        %get3A_2079 = arith.constant 3 : i32
        %get3A_2080 = arith.index_cast %get3A_2079 : i32 to index
        %get3A_2081 = arith.index_cast %add3A_2046 : i32 to index
        %get3A_2082 = arith.constant 32 : index
        %get3A_2083 = tpu.vector_load %arg6[%get3A_2080, %get3A_2081, %get3A_2082] {strides = array<i32>} : memref<8x128x64xf32, #tpu.memory_space<vmem>>, vector<1x1x16xf32>,
        %get3A_2084 = vector.shape_cast %get3A_2083 : vector<1x1x16xf32> to vector<16xf32>
        %mul3A_2085 = arith.constant 8.000000e+00 : f32
        %mul3A_2086 = vector.broadcast %mul3A_2085 : f32 to vector<16xf32>
        %mul3A_2087 = arith.mulf %get3A_2084, %mul3A_2086 : vector<16xf32>
        %swap3A_2088 = arith.constant 3 : i32
        %swap3A_2089 = arith.index_cast %swap3A_2088 : i32 to index
        %swap3A_2090 = arith.index_cast %add3A_2046 : i32 to index
        %swap3A_2091 = arith.constant 32 : index
        %swap3A_2092 = tpu.vector_load %arg6[%swap3A_2089, %swap3A_2090, %swap3A_2091] {strides = array<i32>} : memref<8x128x64xf32, #tpu.memory_space<vmem>>, vector<1x1x16xf32>,
        %swap3A_2093 = vector.shape_cast %swap3A_2092 : vector<1x1x16xf32> to vector<16xf32>
        %swap3A_2094 = vector.shape_cast %mul3A_2087 : vector<16xf32> to vector<1x1x16xf32>
        tpu.vector_store %arg6[%swap3A_2089, %swap3A_2090, %swap3A_2091], %swap3A_2094 {strides = array<i32>} : memref<8x128x64xf32, #tpu.memory_space<vmem>>, vector<1x1x16xf32>,
        %get3A_2095 = arith.constant 3 : i32
        %get3A_2096 = arith.index_cast %get3A_2095 : i32 to index
        %get3A_2097 = arith.index_cast %add3A_2046 : i32 to index
        %get3A_2098 = arith.constant 48 : index
        %get3A_2099 = tpu.vector_load %arg6[%get3A_2096, %get3A_2097, %get3A_2098] {strides = array<i32>} : memref<8x128x64xf32, #tpu.memory_space<vmem>>, vector<1x1x16xf32>,
        %get3A_2100 = vector.shape_cast %get3A_2099 : vector<1x1x16xf32> to vector<16xf32>
        %mul3A_2101 = arith.constant 8.000000e+00 : f32
        %mul3A_2102 = vector.broadcast %mul3A_2101 : f32 to vector<16xf32>
        %mul3A_2103 = arith.mulf %get3A_2100, %mul3A_2102 : vector<16xf32>
        %swap3A_2104 = arith.constant 3 : i32
        %swap3A_2105 = arith.index_cast %swap3A_2104 : i32 to index
        %swap3A_2106 = arith.index_cast %add3A_2046 : i32 to index
        %swap3A_2107 = arith.constant 48 : index
        %swap3A_2108 = tpu.vector_load %arg6[%swap3A_2105, %swap3A_2106, %swap3A_2107] {strides = array<i32>} : memref<8x128x64xf32, #tpu.memory_space<vmem>>, vector<1x1x16xf32>,
        %swap3A_2109 = vector.shape_cast %swap3A_2108 : vector<1x1x16xf32> to vector<16xf32>
        %swap3A_2110 = vector.shape_cast %mul3A_2103 : vector<16xf32> to vector<1x1x16xf32>
        tpu.vector_store %arg6[%swap3A_2105, %swap3A_2106, %swap3A_2107], %swap3A_2110 {strides = array<i32>} : memref<8x128x64xf32, #tpu.memory_space<vmem>>, vector<1x1x16xf32>,
        %scan3A_2111 = arith.constant 3 : i32
        %scan3A_2112 = arith.addi %scan3A_1904, %scan3A_2111 : i32
        %mul3A_2113 = arith.constant 1 : i32
        %mul3A_2114 = arith.muli %scan3A_2112, %mul3A_2113 : i32
        %add3A_2115 = arith.constant 0 : i32
        %add3A_2116 = arith.addi %add3A_2115, %mul3A_2114 : i32
        %get3A_2117 = arith.constant 3 : i32
        %get3A_2118 = arith.index_cast %get3A_2117 : i32 to index
        %get3A_2119 = arith.index_cast %add3A_2116 : i32 to index
        %get3A_2120 = arith.constant 0 : index
        %get3A_2121 = tpu.vector_load %arg6[%get3A_2118, %get3A_2119, %get3A_2120] {strides = array<i32>} : memref<8x128x64xf32, #tpu.memory_space<vmem>>, vector<1x1x16xf32>,
        %get3A_2122 = vector.shape_cast %get3A_2121 : vector<1x1x16xf32> to vector<16xf32>
        %mul3A_2123 = arith.constant 8.000000e+00 : f32
        %mul3A_2124 = vector.broadcast %mul3A_2123 : f32 to vector<16xf32>
        %mul3A_2125 = arith.mulf %get3A_2122, %mul3A_2124 : vector<16xf32>
        %swap3A_2126 = arith.constant 3 : i32
        %swap3A_2127 = arith.index_cast %swap3A_2126 : i32 to index
        %swap3A_2128 = arith.index_cast %add3A_2116 : i32 to index
        %swap3A_2129 = arith.constant 0 : index
        %swap3A_2130 = tpu.vector_load %arg6[%swap3A_2127, %swap3A_2128, %swap3A_2129] {strides = array<i32>} : memref<8x128x64xf32, #tpu.memory_space<vmem>>, vector<1x1x16xf32>,
        %swap3A_2131 = vector.shape_cast %swap3A_2130 : vector<1x1x16xf32> to vector<16xf32>
        %swap3A_2132 = vector.shape_cast %mul3A_2125 : vector<16xf32> to vector<1x1x16xf32>
        tpu.vector_store %arg6[%swap3A_2127, %swap3A_2128, %swap3A_2129], %swap3A_2132 {strides = array<i32>} : memref<8x128x64xf32, #tpu.memory_space<vmem>>, vector<1x1x16xf32>,
        %get3A_2133 = arith.constant 3 : i32
        %get3A_2134 = arith.index_cast %get3A_2133 : i32 to index
        %get3A_2135 = arith.index_cast %add3A_2116 : i32 to index
        %get3A_2136 = arith.constant 16 : index
        %get3A_2137 = tpu.vector_load %arg6[%get3A_2134, %get3A_2135, %get3A_2136] {strides = array<i32>} : memref<8x128x64xf32, #tpu.memory_space<vmem>>, vector<1x1x16xf32>,
        %get3A_2138 = vector.shape_cast %get3A_2137 : vector<1x1x16xf32> to vector<16xf32>
        %mul3A_2139 = arith.constant 8.000000e+00 : f32
        %mul3A_2140 = vector.broadcast %mul3A_2139 : f32 to vector<16xf32>
        %mul3A_2141 = arith.mulf %get3A_2138, %mul3A_2140 : vector<16xf32>
        %swap3A_2142 = arith.constant 3 : i32
        %swap3A_2143 = arith.index_cast %swap3A_2142 : i32 to index
        %swap3A_2144 = arith.index_cast %add3A_2116 : i32 to index
        %swap3A_2145 = arith.constant 16 : index
        %swap3A_2146 = tpu.vector_load %arg6[%swap3A_2143, %swap3A_2144, %swap3A_2145] {strides = array<i32>} : memref<8x128x64xf32, #tpu.memory_space<vmem>>, vector<1x1x16xf32>,
        %swap3A_2147 = vector.shape_cast %swap3A_2146 : vector<1x1x16xf32> to vector<16xf32>
        %swap3A_2148 = vector.shape_cast %mul3A_2141 : vector<16xf32> to vector<1x1x16xf32>
        tpu.vector_store %arg6[%swap3A_2143, %swap3A_2144, %swap3A_2145], %swap3A_2148 {strides = array<i32>} : memref<8x128x64xf32, #tpu.memory_space<vmem>>, vector<1x1x16xf32>,
        %get3A_2149 = arith.constant 3 : i32
        %get3A_2150 = arith.index_cast %get3A_2149 : i32 to index
        %get3A_2151 = arith.index_cast %add3A_2116 : i32 to index
        %get3A_2152 = arith.constant 32 : index
        %get3A_2153 = tpu.vector_load %arg6[%get3A_2150, %get3A_2151, %get3A_2152] {strides = array<i32>} : memref<8x128x64xf32, #tpu.memory_space<vmem>>, vector<1x1x16xf32>,
        %get3A_2154 = vector.shape_cast %get3A_2153 : vector<1x1x16xf32> to vector<16xf32>
        %mul3A_2155 = arith.constant 8.000000e+00 : f32
        %mul3A_2156 = vector.broadcast %mul3A_2155 : f32 to vector<16xf32>
        %mul3A_2157 = arith.mulf %get3A_2154, %mul3A_2156 : vector<16xf32>
        %swap3A_2158 = arith.constant 3 : i32
        %swap3A_2159 = arith.index_cast %swap3A_2158 : i32 to index
        %swap3A_2160 = arith.index_cast %add3A_2116 : i32 to index
        %swap3A_2161 = arith.constant 32 : index
        %swap3A_2162 = tpu.vector_load %arg6[%swap3A_2159, %swap3A_2160, %swap3A_2161] {strides = array<i32>} : memref<8x128x64xf32, #tpu.memory_space<vmem>>, vector<1x1x16xf32>,
        %swap3A_2163 = vector.shape_cast %swap3A_2162 : vector<1x1x16xf32> to vector<16xf32>
        %swap3A_2164 = vector.shape_cast %mul3A_2157 : vector<16xf32> to vector<1x1x16xf32>
        tpu.vector_store %arg6[%swap3A_2159, %swap3A_2160, %swap3A_2161], %swap3A_2164 {strides = array<i32>} : memref<8x128x64xf32, #tpu.memory_space<vmem>>, vector<1x1x16xf32>,
        %get3A_2165 = arith.constant 3 : i32
        %get3A_2166 = arith.index_cast %get3A_2165 : i32 to index
        %get3A_2167 = arith.index_cast %add3A_2116 : i32 to index
        %get3A_2168 = arith.constant 48 : index
        %get3A_2169 = tpu.vector_load %arg6[%get3A_2166, %get3A_2167, %get3A_2168] {strides = array<i32>} : memref<8x128x64xf32, #tpu.memory_space<vmem>>, vector<1x1x16xf32>,
        %get3A_2170 = vector.shape_cast %get3A_2169 : vector<1x1x16xf32> to vector<16xf32>
        %mul3A_2171 = arith.constant 8.000000e+00 : f32
        %mul3A_2172 = vector.broadcast %mul3A_2171 : f32 to vector<16xf32>
        %mul3A_2173 = arith.mulf %get3A_2170, %mul3A_2172 : vector<16xf32>
        %swap3A_2174 = arith.constant 3 : i32
        %swap3A_2175 = arith.index_cast %swap3A_2174 : i32 to index
        %swap3A_2176 = arith.index_cast %add3A_2116 : i32 to index
        %swap3A_2177 = arith.constant 48 : index
        %swap3A_2178 = tpu.vector_load %arg6[%swap3A_2175, %swap3A_2176, %swap3A_2177] {strides = array<i32>} : memref<8x128x64xf32, #tpu.memory_space<vmem>>, vector<1x1x16xf32>,
        %swap3A_2179 = vector.shape_cast %swap3A_2178 : vector<1x1x16xf32> to vector<16xf32>
        %swap3A_2180 = vector.shape_cast %mul3A_2173 : vector<16xf32> to vector<1x1x16xf32>
        tpu.vector_store %arg6[%swap3A_2175, %swap3A_2176, %swap3A_2177], %swap3A_2180 {strides = array<i32>} : memref<8x128x64xf32, #tpu.memory_space<vmem>>, vector<1x1x16xf32>,
      }
      %scan3A_1281 = arith.constant 128 : i32
      %mul3A_1282 = arith.constant 200 : i32
      %mul3A_1283 = arith.muli %add3A, %mul3A_1282 : i32
      %add3A_1284 = arith.addi %mul3A_1283, %add3A_1265 : i32
      %jit3A_1285 = arith.constant 8 : i32
      %div3A_1286 = arith.divsi %add3A_1284, %jit3A_1285 : i32
      %sign3A_1287 = arith.constant 0 : i32
      %sign3A_1288 = arith.cmpi sgt, %add3A_1284, %sign3A_1287 : i32
      %sign3A_1289 = arith.extui %sign3A_1288 : i1 to i32
      %sign3A_1290 = arith.constant 0 : i32
      %sign3A_1291 = arith.cmpi slt, %add3A_1284, %sign3A_1290 : i32
      %sign3A_1292 = arith.extui %sign3A_1291 : i1 to i32
      %sign3A_1293 = arith.subi %sign3A_1289, %sign3A_1292 : i32
      %sign3A_1294 = arith.constant 0 : i32
      %sign3A_1295 = arith.cmpi sgt, %jit3A_1285, %sign3A_1294 : i32
      %sign3A_1296 = arith.extui %sign3A_1295 : i1 to i32
      %sign3A_1297 = arith.constant 0 : i32
      %sign3A_1298 = arith.cmpi slt, %jit3A_1285, %sign3A_1297 : i32
      %sign3A_1299 = arith.extui %sign3A_1298 : i1 to i32
      %sign3A_1300 = arith.subi %sign3A_1296, %sign3A_1299 : i32
      %ne3A_1301 = arith.cmpi ne, %sign3A_1293, %sign3A_1300 : i32
      %rem3A_1302 = arith.remsi %add3A_1284, %jit3A_1285 : i32
      %ne3A_1303 = arith.constant 0 : i32
      %ne3A_1304 = arith.cmpi ne, %rem3A_1302, %ne3A_1303 : i32
      %and3A_1305 = arith.andi %ne3A_1301, %ne3A_1304 : i1
      %sub3A_1306 = arith.constant 1 : i32
      %sub3A_1307 = arith.subi %div3A_1286, %sub3A_1306 : i32
      %select_n3A_1308 = arith.select %and3A_1305, %sub3A_1307, %div3A_1286 : i32
      %jit3A_1309 = arith.constant 8 : i32
      %eq3A_1310 = arith.constant 0 : i32
      %eq3A_1311 = arith.cmpi eq, %jit3A_1309, %eq3A_1310 : i32
      %jit3A_1312 = arith.constant 1 : i32
      %select_n3A_1313 = arith.select %eq3A_1311, %jit3A_1312, %jit3A_1309 : i32
      %rem3A_1314 = arith.remsi %add3A_1284, %select_n3A_1313 : i32
      %ne3A_1315 = arith.constant 0 : i32
      %ne3A_1316 = arith.cmpi ne, %rem3A_1314, %ne3A_1315 : i32
      %lt3A_1317 = arith.constant 0 : i32
      %lt3A_1318 = arith.cmpi slt, %rem3A_1314, %lt3A_1317 : i32
      %lt3A_1319 = arith.constant 0 : i32
      %lt3A_1320 = arith.cmpi slt, %select_n3A_1313, %lt3A_1319 : i32
      %ne3A_1321 = arith.xori %lt3A_1318, %lt3A_1320 : i1
      %and3A_1322 = arith.andi %ne3A_1321, %ne3A_1316 : i1
      %add3A_1323 = arith.addi %rem3A_1314, %select_n3A_1313 : i32
      %select_n3A_1324 = arith.select %and3A_1322, %add3A_1323, %rem3A_1314 : i32
      %jit3A_1325 = arith.constant 32 : i32
      %div3A_1326 = arith.divsi %select_n3A_1308, %jit3A_1325 : i32
      %sign3A_1327 = arith.constant 0 : i32
      %sign3A_1328 = arith.cmpi sgt, %select_n3A_1308, %sign3A_1327 : i32
      %sign3A_1329 = arith.extui %sign3A_1328 : i1 to i32
      %sign3A_1330 = arith.constant 0 : i32
      %sign3A_1331 = arith.cmpi slt, %select_n3A_1308, %sign3A_1330 : i32
      %sign3A_1332 = arith.extui %sign3A_1331 : i1 to i32
      %sign3A_1333 = arith.subi %sign3A_1329, %sign3A_1332 : i32
      %sign3A_1334 = arith.constant 0 : i32
      %sign3A_1335 = arith.cmpi sgt, %jit3A_1325, %sign3A_1334 : i32
      %sign3A_1336 = arith.extui %sign3A_1335 : i1 to i32
      %sign3A_1337 = arith.constant 0 : i32
      %sign3A_1338 = arith.cmpi slt, %jit3A_1325, %sign3A_1337 : i32
      %sign3A_1339 = arith.extui %sign3A_1338 : i1 to i32
      %sign3A_1340 = arith.subi %sign3A_1336, %sign3A_1339 : i32
      %ne3A_1341 = arith.cmpi ne, %sign3A_1333, %sign3A_1340 : i32
      %rem3A_1342 = arith.remsi %select_n3A_1308, %jit3A_1325 : i32
      %ne3A_1343 = arith.constant 0 : i32
      %ne3A_1344 = arith.cmpi ne, %rem3A_1342, %ne3A_1343 : i32
      %and3A_1345 = arith.andi %ne3A_1341, %ne3A_1344 : i1
      %sub3A_1346 = arith.constant 1 : i32
      %sub3A_1347 = arith.subi %div3A_1326, %sub3A_1346 : i32
      %select_n3A_1348 = arith.select %and3A_1345, %sub3A_1347, %div3A_1326 : i32
      %jit3A_1349 = arith.constant 32 : i32
      %eq3A_1350 = arith.constant 0 : i32
      %eq3A_1351 = arith.cmpi eq, %jit3A_1349, %eq3A_1350 : i32
      %jit3A_1352 = arith.constant 1 : i32
      %select_n3A_1353 = arith.select %eq3A_1351, %jit3A_1352, %jit3A_1349 : i32
      %rem3A_1354 = arith.remsi %select_n3A_1308, %select_n3A_1353 : i32
      %ne3A_1355 = arith.constant 0 : i32
      %ne3A_1356 = arith.cmpi ne, %rem3A_1354, %ne3A_1355 : i32
      %lt3A_1357 = arith.constant 0 : i32
      %lt3A_1358 = arith.cmpi slt, %rem3A_1354, %lt3A_1357 : i32
      %lt3A_1359 = arith.constant 0 : i32
      %lt3A_1360 = arith.cmpi slt, %select_n3A_1353, %lt3A_1359 : i32
      %ne3A_1361 = arith.xori %lt3A_1358, %lt3A_1360 : i1
      %and3A_1362 = arith.andi %ne3A_1361, %ne3A_1356 : i1
      %add3A_1363 = arith.addi %rem3A_1354, %select_n3A_1353 : i32
      %select_n3A_1364 = arith.select %and3A_1362, %add3A_1363, %rem3A_1354 : i32
      %mul3A_1365 = arith.constant 8 : i32
      %mul3A_1366 = arith.muli %select_n3A_1348, %mul3A_1365 : i32
      %add3A_1367 = arith.addi %mul3A_1366, %select_n3A_1324 : i32
      %mul3A_1368 = arith.constant 128 : i32
      %mul3A_1369 = arith.muli %select_n3A_1364, %mul3A_1368 : i32
      %dma_start3A_1370 = arith.constant 3 : i32
      %dma_start3A_1371 = arith.constant 0 : i32
      %dma_start3A_1372 = arith.constant 0 : i32
      %dma_start3A_1373 = tpu.memref_slice %arg6[%dma_start3A_1370, %dma_start3A_1371, %dma_start3A_1372] : memref<8x128x64xf32, #tpu.memory_space<vmem>> -> memref<1x128x64xf32, #tpu.memory_space<vmem>>
      %dma_start3A_1374 = tpu.memref_squeeze %dma_start3A_1373 : memref<1x128x64xf32, #tpu.memory_space<vmem>> -> memref<128x64xf32, #tpu.memory_space<vmem>>
      %dma_start3A_1375 = arith.constant 0 : i32
      %dma_start3A_1376 = tpu.memref_slice %arg4[%mul3A_1369, %add3A_1367, %dma_start3A_1375] : memref<4096x200x128xf32, #tpu.memory_space<hbm>> -> memref<128x1x64xf32, #tpu.memory_space<hbm>>
      %dma_start3A_1377 = tpu.memref_squeeze %dma_start3A_1376 : memref<128x1x64xf32, #tpu.memory_space<hbm>> -> memref<128x64xf32, #tpu.memory_space<hbm>>
      %dma_start3A_1378 = arith.constant 0 : i32
      %dma_start3A_1379 = tpu.memref_slice %arg4[%mul3A_1369, %add3A_1367, %dma_start3A_1378] : memref<4096x200x128xf32, #tpu.memory_space<hbm>> -> memref<128x1x64xf32, #tpu.memory_space<hbm>>
      %dma_start3A_1380 = tpu.memref_squeeze %dma_start3A_1379 : memref<128x1x64xf32, #tpu.memory_space<hbm>> -> memref<128x64xf32, #tpu.memory_space<hbm>>
      %dma_start3A_1381 = arith.constant 0 : i32
      %dma_start3A_1382 = arith.constant 0 : i32
      %dma_start3A_1383 = tpu.memref_slice %arg6[%dma_start3A_1370, %dma_start3A_1381, %dma_start3A_1382] : memref<8x128x64xf32, #tpu.memory_space<vmem>> -> memref<1x128x64xf32, #tpu.memory_space<vmem>>
      %dma_start3A_1384 = tpu.memref_squeeze %dma_start3A_1383 : memref<1x128x64xf32, #tpu.memory_space<vmem>> -> memref<128x64xf32, #tpu.memory_space<vmem>>
      tpu.enqueue_dma source(%dma_start3A_1384 : memref<128x64xf32, #tpu.memory_space<vmem>>) target(%dma_start3A_1380 : memref<128x64xf32, #tpu.memory_space<hbm>>) target_semaphore(%arg18 : memref<!tpu.dma_semaphore, #tpu.memory_space<semaphore_mem>>)
      %add3A_1385 = arith.constant 4 : i32
      %add3A_1386 = arith.addi %add3A_1265, %add3A_1385 : i32
      %lt3A_1387 = arith.constant 200 : i32
      %lt3A_1388 = arith.cmpi slt, %add3A_1386, %lt3A_1387 : i32
      %convert_element_type3A_1389 = arith.extui %lt3A_1388 : i1 to i32
      %cond3A_1390 = arith.constant 0 : i32
      %cond3A_1391 = arith.cmpi ne, %convert_element_type3A_1389, %cond3A_1390 : i32
      scf.if %cond3A_1391 {
        %ge3A = arith.constant 8 : i32
        %ge3A_1904 = arith.cmpi sge, %add3A_1386, %ge3A : i32
        %convert_element_type3A_1905 = arith.extui %ge3A_1904 : i1 to i32
        %cond3A_1906 = arith.constant 0 : i32
        %cond3A_1907 = arith.cmpi ne, %convert_element_type3A_1905, %cond3A_1906 : i32
        scf.if %cond3A_1907 {
          %sub3A_1919 = arith.constant 8 : i32
          %sub3A_1920 = arith.subi %add3A_1386, %sub3A_1919 : i32
          %mul3A_1921 = arith.constant 200 : i32
          %mul3A_1922 = arith.muli %add3A, %mul3A_1921 : i32
          %add3A_1923 = arith.addi %mul3A_1922, %sub3A_1920 : i32
          %jit3A_1924 = arith.constant 8 : i32
          %div3A_1925 = arith.divsi %add3A_1923, %jit3A_1924 : i32
          %sign3A_1926 = arith.constant 0 : i32
          %sign3A_1927 = arith.cmpi sgt, %add3A_1923, %sign3A_1926 : i32
          %sign3A_1928 = arith.extui %sign3A_1927 : i1 to i32
          %sign3A_1929 = arith.constant 0 : i32
          %sign3A_1930 = arith.cmpi slt, %add3A_1923, %sign3A_1929 : i32
          %sign3A_1931 = arith.extui %sign3A_1930 : i1 to i32
          %sign3A_1932 = arith.subi %sign3A_1928, %sign3A_1931 : i32
          %sign3A_1933 = arith.constant 0 : i32
          %sign3A_1934 = arith.cmpi sgt, %jit3A_1924, %sign3A_1933 : i32
          %sign3A_1935 = arith.extui %sign3A_1934 : i1 to i32
          %sign3A_1936 = arith.constant 0 : i32
          %sign3A_1937 = arith.cmpi slt, %jit3A_1924, %sign3A_1936 : i32
          %sign3A_1938 = arith.extui %sign3A_1937 : i1 to i32
          %sign3A_1939 = arith.subi %sign3A_1935, %sign3A_1938 : i32
          %ne3A_1940 = arith.cmpi ne, %sign3A_1932, %sign3A_1939 : i32
          %rem3A_1941 = arith.remsi %add3A_1923, %jit3A_1924 : i32
          %ne3A_1942 = arith.constant 0 : i32
          %ne3A_1943 = arith.cmpi ne, %rem3A_1941, %ne3A_1942 : i32
          %and3A_1944 = arith.andi %ne3A_1940, %ne3A_1943 : i1
          %sub3A_1945 = arith.constant 1 : i32
          %sub3A_1946 = arith.subi %div3A_1925, %sub3A_1945 : i32
          %select_n3A_1947 = arith.select %and3A_1944, %sub3A_1946, %div3A_1925 : i32
          %jit3A_1948 = arith.constant 8 : i32
          %eq3A_1949 = arith.constant 0 : i32
          %eq3A_1950 = arith.cmpi eq, %jit3A_1948, %eq3A_1949 : i32
          %jit3A_1951 = arith.constant 1 : i32
          %select_n3A_1952 = arith.select %eq3A_1950, %jit3A_1951, %jit3A_1948 : i32
          %rem3A_1953 = arith.remsi %add3A_1923, %select_n3A_1952 : i32
          %ne3A_1954 = arith.constant 0 : i32
          %ne3A_1955 = arith.cmpi ne, %rem3A_1953, %ne3A_1954 : i32
          %lt3A_1956 = arith.constant 0 : i32
          %lt3A_1957 = arith.cmpi slt, %rem3A_1953, %lt3A_1956 : i32
          %lt3A_1958 = arith.constant 0 : i32
          %lt3A_1959 = arith.cmpi slt, %select_n3A_1952, %lt3A_1958 : i32
          %ne3A_1960 = arith.xori %lt3A_1957, %lt3A_1959 : i1
          %and3A_1961 = arith.andi %ne3A_1960, %ne3A_1955 : i1
          %add3A_1962 = arith.addi %rem3A_1953, %select_n3A_1952 : i32
          %select_n3A_1963 = arith.select %and3A_1961, %add3A_1962, %rem3A_1953 : i32
          %jit3A_1964 = arith.constant 32 : i32
          %div3A_1965 = arith.divsi %select_n3A_1947, %jit3A_1964 : i32
          %sign3A_1966 = arith.constant 0 : i32
          %sign3A_1967 = arith.cmpi sgt, %select_n3A_1947, %sign3A_1966 : i32
          %sign3A_1968 = arith.extui %sign3A_1967 : i1 to i32
          %sign3A_1969 = arith.constant 0 : i32
          %sign3A_1970 = arith.cmpi slt, %select_n3A_1947, %sign3A_1969 : i32
          %sign3A_1971 = arith.extui %sign3A_1970 : i1 to i32
          %sign3A_1972 = arith.subi %sign3A_1968, %sign3A_1971 : i32
          %sign3A_1973 = arith.constant 0 : i32
          %sign3A_1974 = arith.cmpi sgt, %jit3A_1964, %sign3A_1973 : i32
          %sign3A_1975 = arith.extui %sign3A_1974 : i1 to i32
          %sign3A_1976 = arith.constant 0 : i32
          %sign3A_1977 = arith.cmpi slt, %jit3A_1964, %sign3A_1976 : i32
          %sign3A_1978 = arith.extui %sign3A_1977 : i1 to i32
          %sign3A_1979 = arith.subi %sign3A_1975, %sign3A_1978 : i32
          %ne3A_1980 = arith.cmpi ne, %sign3A_1972, %sign3A_1979 : i32
          %rem3A_1981 = arith.remsi %select_n3A_1947, %jit3A_1964 : i32
          %ne3A_1982 = arith.constant 0 : i32
          %ne3A_1983 = arith.cmpi ne, %rem3A_1981, %ne3A_1982 : i32
          %and3A_1984 = arith.andi %ne3A_1980, %ne3A_1983 : i1
          %sub3A_1985 = arith.constant 1 : i32
          %sub3A_1986 = arith.subi %div3A_1965, %sub3A_1985 : i32
          %select_n3A_1987 = arith.select %and3A_1984, %sub3A_1986, %div3A_1965 : i32
          %jit3A_1988 = arith.constant 32 : i32
          %eq3A_1989 = arith.constant 0 : i32
          %eq3A_1990 = arith.cmpi eq, %jit3A_1988, %eq3A_1989 : i32
          %jit3A_1991 = arith.constant 1 : i32
          %select_n3A_1992 = arith.select %eq3A_1990, %jit3A_1991, %jit3A_1988 : i32
          %rem3A_1993 = arith.remsi %select_n3A_1947, %select_n3A_1992 : i32
          %ne3A_1994 = arith.constant 0 : i32
          %ne3A_1995 = arith.cmpi ne, %rem3A_1993, %ne3A_1994 : i32
          %lt3A_1996 = arith.constant 0 : i32
          %lt3A_1997 = arith.cmpi slt, %rem3A_1993, %lt3A_1996 : i32
          %lt3A_1998 = arith.constant 0 : i32
          %lt3A_1999 = arith.cmpi slt, %select_n3A_1992, %lt3A_1998 : i32
          %ne3A_2000 = arith.xori %lt3A_1997, %lt3A_1999 : i1
          %and3A_2001 = arith.andi %ne3A_2000, %ne3A_1995 : i1
          %add3A_2002 = arith.addi %rem3A_1993, %select_n3A_1992 : i32
          %select_n3A_2003 = arith.select %and3A_2001, %add3A_2002, %rem3A_1993 : i32
          %mul3A_2004 = arith.constant 8 : i32
          %mul3A_2005 = arith.muli %select_n3A_1987, %mul3A_2004 : i32
          %add3A_2006 = arith.addi %mul3A_2005, %select_n3A_1963 : i32
          %mul3A_2007 = arith.constant 128 : i32
          %mul3A_2008 = arith.muli %select_n3A_2003, %mul3A_2007 : i32
          %dma_wait3A_2009 = arith.constant 7 : i32
          %dma_wait3A_2010 = arith.constant 0 : i32
          %dma_wait3A_2011 = arith.constant 0 : i32
          %dma_wait3A_2012 = tpu.memref_slice %arg6[%dma_wait3A_2009, %dma_wait3A_2010, %dma_wait3A_2011] : memref<8x128x64xf32, #tpu.memory_space<vmem>> -> memref<1x128x64xf32, #tpu.memory_space<vmem>>
          %dma_wait3A_2013 = tpu.memref_squeeze %dma_wait3A_2012 : memref<1x128x64xf32, #tpu.memory_space<vmem>> -> memref<128x64xf32, #tpu.memory_space<vmem>>
          %dma_wait3A_2014 = arith.constant 0 : i32
          %dma_wait3A_2015 = tpu.memref_slice %arg4[%mul3A_2008, %add3A_2006, %dma_wait3A_2014] : memref<4096x200x128xf32, #tpu.memory_space<hbm>> -> memref<128x1x64xf32, #tpu.memory_space<hbm>>
          %dma_wait3A_2016 = tpu.memref_squeeze %dma_wait3A_2015 : memref<128x1x64xf32, #tpu.memory_space<hbm>> -> memref<128x64xf32, #tpu.memory_space<hbm>>
          %dma_wait3A_2017 = arith.constant 0 : i32
          %dma_wait3A_2018 = tpu.memref_slice %arg4[%mul3A_2008, %add3A_2006, %dma_wait3A_2017] : memref<4096x200x128xf32, #tpu.memory_space<hbm>> -> memref<128x1x64xf32, #tpu.memory_space<hbm>>
          %dma_wait3A_2019 = tpu.memref_squeeze %dma_wait3A_2018 : memref<128x1x64xf32, #tpu.memory_space<hbm>> -> memref<128x64xf32, #tpu.memory_space<hbm>>
          %dma_wait3A_2020 = arith.constant 0 : i32
          %dma_wait3A_2021 = arith.constant 0 : i32
          %dma_wait3A_2022 = tpu.memref_slice %arg6[%dma_wait3A_2009, %dma_wait3A_2020, %dma_wait3A_2021] : memref<8x128x64xf32, #tpu.memory_space<vmem>> -> memref<1x128x64xf32, #tpu.memory_space<vmem>>
          %dma_wait3A_2023 = tpu.memref_squeeze %dma_wait3A_2022 : memref<1x128x64xf32, #tpu.memory_space<vmem>> -> memref<128x64xf32, #tpu.memory_space<vmem>>
          tpu.wait_dma2 semaphore(%arg22 : memref<!tpu.dma_semaphore, #tpu.memory_space<semaphore_mem>>) src(%dma_wait3A_2023 : memref<128x64xf32, #tpu.memory_space<vmem>>) dst(%dma_wait3A_2019 : memref<128x64xf32, #tpu.memory_space<hbm>>)
        } else {
        }
        %dma_start3A_1908 = arith.constant 7 : i32
        %dma_start3A_1909 = arith.constant 0 : i32
        %dma_start3A_1910 = arith.constant 0 : i32
        %dma_start3A_1911 = tpu.memref_slice %arg6[%dma_start3A_1908, %dma_start3A_1909, %dma_start3A_1910] : memref<8x128x64xf32, #tpu.memory_space<vmem>> -> memref<1x128x64xf32, #tpu.memory_space<vmem>>
        %dma_start3A_1912 = tpu.memref_squeeze %dma_start3A_1911 : memref<1x128x64xf32, #tpu.memory_space<vmem>> -> memref<128x64xf32, #tpu.memory_space<vmem>>
        %dma_start3A_1913 = arith.constant 0 : i32
        %dma_start3A_1914 = tpu.memref_slice %arg5[%add3A_1386, %dma_start3A_1913] : memref<200x128xi32, #tpu.memory_space<vmem>> -> memref<1x128xi32, #tpu.memory_space<vmem>>
        %dma_start3A_1915 = tpu.memref_squeeze %dma_start3A_1914 : memref<1x128xi32, #tpu.memory_space<vmem>> -> memref<128xi32, #tpu.memory_space<vmem>>
        %dma_start3A_1916 = arith.constant 0 : i32
        %dma_start3A_1917 = arith.constant 0 : i32
        %dma_start3A_1918 = tpu.memref_slice %arg3[%dma_start3A_1916, %dma_start3A_1917] : memref<1000000x64xf32, #tpu.memory_space<hbm>> -> memref<1000000x64xf32, #tpu.memory_space<hbm>>
        tpu.enqueue_indirect_dma source(%dma_start3A_1918 : memref<1000000x64xf32, #tpu.memory_space<hbm>>) target(%dma_start3A_1912 : memref<128x64xf32, #tpu.memory_space<vmem>>) offsets(%dma_start3A_1915 : memref<128xi32, #tpu.memory_space<vmem>>) semaphore(%arg14 : memref<!tpu.dma_semaphore, #tpu.memory_space<semaphore_mem>>)
      } else {
      }
      %add3A_1392 = arith.constant 4 : i32
      %add3A_1393 = arith.addi %add3A_881, %add3A_1392 : i32
      %dma_wait3A_1394 = arith.constant 4 : i32
      %dma_wait3A_1395 = arith.constant 0 : i32
      %dma_wait3A_1396 = arith.constant 0 : i32
      %dma_wait3A_1397 = tpu.memref_slice %arg6[%dma_wait3A_1394, %dma_wait3A_1395, %dma_wait3A_1396] : memref<8x128x64xf32, #tpu.memory_space<vmem>> -> memref<1x128x64xf32, #tpu.memory_space<vmem>>
      %dma_wait3A_1398 = tpu.memref_squeeze %dma_wait3A_1397 : memref<1x128x64xf32, #tpu.memory_space<vmem>> -> memref<128x64xf32, #tpu.memory_space<vmem>>
      %dma_wait3A_1399 = arith.constant 0 : i32
      %dma_wait3A_1400 = tpu.memref_slice %arg5[%add3A_1393, %dma_wait3A_1399] : memref<200x128xi32, #tpu.memory_space<vmem>> -> memref<1x128xi32, #tpu.memory_space<vmem>>
      %dma_wait3A_1401 = tpu.memref_squeeze %dma_wait3A_1400 : memref<1x128xi32, #tpu.memory_space<vmem>> -> memref<128xi32, #tpu.memory_space<vmem>>
      %dma_wait3A_1402 = arith.constant 0 : i32
      %dma_wait3A_1403 = arith.constant 0 : i32
      %dma_wait3A_1404 = tpu.memref_slice %arg3[%dma_wait3A_1402, %dma_wait3A_1403] : memref<1000000x64xf32, #tpu.memory_space<hbm>> -> memref<1000000x64xf32, #tpu.memory_space<hbm>>
      tpu.wait_indirect_dma semaphore(%arg11 : memref<!tpu.dma_semaphore, #tpu.memory_space<semaphore_mem>>) src(%dma_wait3A_1404 : memref<1000000x64xf32, #tpu.memory_space<hbm>>) dst(%dma_wait3A_1398 : memref<128x64xf32, #tpu.memory_space<vmem>>)
      %scan3A_1405 = arith.constant 0 : i32
      %scan3A_1406 = arith.constant 128 : i32
      %scan3A_1407 = arith.addi %scan3A_1405, %scan3A_1406 : i32
      %scan3A_1408 = arith.constant 4 : i32
      scf.for %scan3A_1904 = %scan3A_1405 to %scan3A_1407 step %scan3A_1408  : i32 {
        %mul3A_1905 = arith.constant 1 : i32
        %mul3A_1906 = arith.muli %scan3A_1904, %mul3A_1905 : i32
        %add3A_1907 = arith.constant 0 : i32
        %add3A_1908 = arith.addi %add3A_1907, %mul3A_1906 : i32
        %get3A = arith.constant 4 : i32
        %get3A_1909 = arith.index_cast %get3A : i32 to index
        %get3A_1910 = arith.index_cast %add3A_1908 : i32 to index
        %get3A_1911 = arith.constant 0 : index
        %get3A_1912 = tpu.vector_load %arg6[%get3A_1909, %get3A_1910, %get3A_1911] {strides = array<i32>} : memref<8x128x64xf32, #tpu.memory_space<vmem>>, vector<1x1x16xf32>,
        %get3A_1913 = vector.shape_cast %get3A_1912 : vector<1x1x16xf32> to vector<16xf32>
        %mul3A_1914 = arith.constant 8.000000e+00 : f32
        %mul3A_1915 = vector.broadcast %mul3A_1914 : f32 to vector<16xf32>
        %mul3A_1916 = arith.mulf %get3A_1913, %mul3A_1915 : vector<16xf32>
        %swap3A = arith.constant 4 : i32
        %swap3A_1917 = arith.index_cast %swap3A : i32 to index
        %swap3A_1918 = arith.index_cast %add3A_1908 : i32 to index
        %swap3A_1919 = arith.constant 0 : index
        %swap3A_1920 = tpu.vector_load %arg6[%swap3A_1917, %swap3A_1918, %swap3A_1919] {strides = array<i32>} : memref<8x128x64xf32, #tpu.memory_space<vmem>>, vector<1x1x16xf32>,
        %swap3A_1921 = vector.shape_cast %swap3A_1920 : vector<1x1x16xf32> to vector<16xf32>
        %swap3A_1922 = vector.shape_cast %mul3A_1916 : vector<16xf32> to vector<1x1x16xf32>
        tpu.vector_store %arg6[%swap3A_1917, %swap3A_1918, %swap3A_1919], %swap3A_1922 {strides = array<i32>} : memref<8x128x64xf32, #tpu.memory_space<vmem>>, vector<1x1x16xf32>,
        %get3A_1923 = arith.constant 4 : i32
        %get3A_1924 = arith.index_cast %get3A_1923 : i32 to index
        %get3A_1925 = arith.index_cast %add3A_1908 : i32 to index
        %get3A_1926 = arith.constant 16 : index
        %get3A_1927 = tpu.vector_load %arg6[%get3A_1924, %get3A_1925, %get3A_1926] {strides = array<i32>} : memref<8x128x64xf32, #tpu.memory_space<vmem>>, vector<1x1x16xf32>,
        %get3A_1928 = vector.shape_cast %get3A_1927 : vector<1x1x16xf32> to vector<16xf32>
        %mul3A_1929 = arith.constant 8.000000e+00 : f32
        %mul3A_1930 = vector.broadcast %mul3A_1929 : f32 to vector<16xf32>
        %mul3A_1931 = arith.mulf %get3A_1928, %mul3A_1930 : vector<16xf32>
        %swap3A_1932 = arith.constant 4 : i32
        %swap3A_1933 = arith.index_cast %swap3A_1932 : i32 to index
        %swap3A_1934 = arith.index_cast %add3A_1908 : i32 to index
        %swap3A_1935 = arith.constant 16 : index
        %swap3A_1936 = tpu.vector_load %arg6[%swap3A_1933, %swap3A_1934, %swap3A_1935] {strides = array<i32>} : memref<8x128x64xf32, #tpu.memory_space<vmem>>, vector<1x1x16xf32>,
        %swap3A_1937 = vector.shape_cast %swap3A_1936 : vector<1x1x16xf32> to vector<16xf32>
        %swap3A_1938 = vector.shape_cast %mul3A_1931 : vector<16xf32> to vector<1x1x16xf32>
        tpu.vector_store %arg6[%swap3A_1933, %swap3A_1934, %swap3A_1935], %swap3A_1938 {strides = array<i32>} : memref<8x128x64xf32, #tpu.memory_space<vmem>>, vector<1x1x16xf32>,
        %get3A_1939 = arith.constant 4 : i32
        %get3A_1940 = arith.index_cast %get3A_1939 : i32 to index
        %get3A_1941 = arith.index_cast %add3A_1908 : i32 to index
        %get3A_1942 = arith.constant 32 : index
        %get3A_1943 = tpu.vector_load %arg6[%get3A_1940, %get3A_1941, %get3A_1942] {strides = array<i32>} : memref<8x128x64xf32, #tpu.memory_space<vmem>>, vector<1x1x16xf32>,
        %get3A_1944 = vector.shape_cast %get3A_1943 : vector<1x1x16xf32> to vector<16xf32>
        %mul3A_1945 = arith.constant 8.000000e+00 : f32
        %mul3A_1946 = vector.broadcast %mul3A_1945 : f32 to vector<16xf32>
        %mul3A_1947 = arith.mulf %get3A_1944, %mul3A_1946 : vector<16xf32>
        %swap3A_1948 = arith.constant 4 : i32
        %swap3A_1949 = arith.index_cast %swap3A_1948 : i32 to index
        %swap3A_1950 = arith.index_cast %add3A_1908 : i32 to index
        %swap3A_1951 = arith.constant 32 : index
        %swap3A_1952 = tpu.vector_load %arg6[%swap3A_1949, %swap3A_1950, %swap3A_1951] {strides = array<i32>} : memref<8x128x64xf32, #tpu.memory_space<vmem>>, vector<1x1x16xf32>,
        %swap3A_1953 = vector.shape_cast %swap3A_1952 : vector<1x1x16xf32> to vector<16xf32>
        %swap3A_1954 = vector.shape_cast %mul3A_1947 : vector<16xf32> to vector<1x1x16xf32>
        tpu.vector_store %arg6[%swap3A_1949, %swap3A_1950, %swap3A_1951], %swap3A_1954 {strides = array<i32>} : memref<8x128x64xf32, #tpu.memory_space<vmem>>, vector<1x1x16xf32>,
        %get3A_1955 = arith.constant 4 : i32
        %get3A_1956 = arith.index_cast %get3A_1955 : i32 to index
        %get3A_1957 = arith.index_cast %add3A_1908 : i32 to index
        %get3A_1958 = arith.constant 48 : index
        %get3A_1959 = tpu.vector_load %arg6[%get3A_1956, %get3A_1957, %get3A_1958] {strides = array<i32>} : memref<8x128x64xf32, #tpu.memory_space<vmem>>, vector<1x1x16xf32>,
        %get3A_1960 = vector.shape_cast %get3A_1959 : vector<1x1x16xf32> to vector<16xf32>
        %mul3A_1961 = arith.constant 8.000000e+00 : f32
        %mul3A_1962 = vector.broadcast %mul3A_1961 : f32 to vector<16xf32>
        %mul3A_1963 = arith.mulf %get3A_1960, %mul3A_1962 : vector<16xf32>
        %swap3A_1964 = arith.constant 4 : i32
        %swap3A_1965 = arith.index_cast %swap3A_1964 : i32 to index
        %swap3A_1966 = arith.index_cast %add3A_1908 : i32 to index
        %swap3A_1967 = arith.constant 48 : index
        %swap3A_1968 = tpu.vector_load %arg6[%swap3A_1965, %swap3A_1966, %swap3A_1967] {strides = array<i32>} : memref<8x128x64xf32, #tpu.memory_space<vmem>>, vector<1x1x16xf32>,
        %swap3A_1969 = vector.shape_cast %swap3A_1968 : vector<1x1x16xf32> to vector<16xf32>
        %swap3A_1970 = vector.shape_cast %mul3A_1963 : vector<16xf32> to vector<1x1x16xf32>
        tpu.vector_store %arg6[%swap3A_1965, %swap3A_1966, %swap3A_1967], %swap3A_1970 {strides = array<i32>} : memref<8x128x64xf32, #tpu.memory_space<vmem>>, vector<1x1x16xf32>,
        %scan3A_1971 = arith.constant 1 : i32
        %scan3A_1972 = arith.addi %scan3A_1904, %scan3A_1971 : i32
        %mul3A_1973 = arith.constant 1 : i32
        %mul3A_1974 = arith.muli %scan3A_1972, %mul3A_1973 : i32
        %add3A_1975 = arith.constant 0 : i32
        %add3A_1976 = arith.addi %add3A_1975, %mul3A_1974 : i32
        %get3A_1977 = arith.constant 4 : i32
        %get3A_1978 = arith.index_cast %get3A_1977 : i32 to index
        %get3A_1979 = arith.index_cast %add3A_1976 : i32 to index
        %get3A_1980 = arith.constant 0 : index
        %get3A_1981 = tpu.vector_load %arg6[%get3A_1978, %get3A_1979, %get3A_1980] {strides = array<i32>} : memref<8x128x64xf32, #tpu.memory_space<vmem>>, vector<1x1x16xf32>,
        %get3A_1982 = vector.shape_cast %get3A_1981 : vector<1x1x16xf32> to vector<16xf32>
        %mul3A_1983 = arith.constant 8.000000e+00 : f32
        %mul3A_1984 = vector.broadcast %mul3A_1983 : f32 to vector<16xf32>
        %mul3A_1985 = arith.mulf %get3A_1982, %mul3A_1984 : vector<16xf32>
        %swap3A_1986 = arith.constant 4 : i32
        %swap3A_1987 = arith.index_cast %swap3A_1986 : i32 to index
        %swap3A_1988 = arith.index_cast %add3A_1976 : i32 to index
        %swap3A_1989 = arith.constant 0 : index
        %swap3A_1990 = tpu.vector_load %arg6[%swap3A_1987, %swap3A_1988, %swap3A_1989] {strides = array<i32>} : memref<8x128x64xf32, #tpu.memory_space<vmem>>, vector<1x1x16xf32>,
        %swap3A_1991 = vector.shape_cast %swap3A_1990 : vector<1x1x16xf32> to vector<16xf32>
        %swap3A_1992 = vector.shape_cast %mul3A_1985 : vector<16xf32> to vector<1x1x16xf32>
        tpu.vector_store %arg6[%swap3A_1987, %swap3A_1988, %swap3A_1989], %swap3A_1992 {strides = array<i32>} : memref<8x128x64xf32, #tpu.memory_space<vmem>>, vector<1x1x16xf32>,
        %get3A_1993 = arith.constant 4 : i32
        %get3A_1994 = arith.index_cast %get3A_1993 : i32 to index
        %get3A_1995 = arith.index_cast %add3A_1976 : i32 to index
        %get3A_1996 = arith.constant 16 : index
        %get3A_1997 = tpu.vector_load %arg6[%get3A_1994, %get3A_1995, %get3A_1996] {strides = array<i32>} : memref<8x128x64xf32, #tpu.memory_space<vmem>>, vector<1x1x16xf32>,
        %get3A_1998 = vector.shape_cast %get3A_1997 : vector<1x1x16xf32> to vector<16xf32>
        %mul3A_1999 = arith.constant 8.000000e+00 : f32
        %mul3A_2000 = vector.broadcast %mul3A_1999 : f32 to vector<16xf32>
        %mul3A_2001 = arith.mulf %get3A_1998, %mul3A_2000 : vector<16xf32>
        %swap3A_2002 = arith.constant 4 : i32
        %swap3A_2003 = arith.index_cast %swap3A_2002 : i32 to index
        %swap3A_2004 = arith.index_cast %add3A_1976 : i32 to index
        %swap3A_2005 = arith.constant 16 : index
        %swap3A_2006 = tpu.vector_load %arg6[%swap3A_2003, %swap3A_2004, %swap3A_2005] {strides = array<i32>} : memref<8x128x64xf32, #tpu.memory_space<vmem>>, vector<1x1x16xf32>,
        %swap3A_2007 = vector.shape_cast %swap3A_2006 : vector<1x1x16xf32> to vector<16xf32>
        %swap3A_2008 = vector.shape_cast %mul3A_2001 : vector<16xf32> to vector<1x1x16xf32>
        tpu.vector_store %arg6[%swap3A_2003, %swap3A_2004, %swap3A_2005], %swap3A_2008 {strides = array<i32>} : memref<8x128x64xf32, #tpu.memory_space<vmem>>, vector<1x1x16xf32>,
        %get3A_2009 = arith.constant 4 : i32
        %get3A_2010 = arith.index_cast %get3A_2009 : i32 to index
        %get3A_2011 = arith.index_cast %add3A_1976 : i32 to index
        %get3A_2012 = arith.constant 32 : index
        %get3A_2013 = tpu.vector_load %arg6[%get3A_2010, %get3A_2011, %get3A_2012] {strides = array<i32>} : memref<8x128x64xf32, #tpu.memory_space<vmem>>, vector<1x1x16xf32>,
        %get3A_2014 = vector.shape_cast %get3A_2013 : vector<1x1x16xf32> to vector<16xf32>
        %mul3A_2015 = arith.constant 8.000000e+00 : f32
        %mul3A_2016 = vector.broadcast %mul3A_2015 : f32 to vector<16xf32>
        %mul3A_2017 = arith.mulf %get3A_2014, %mul3A_2016 : vector<16xf32>
        %swap3A_2018 = arith.constant 4 : i32
        %swap3A_2019 = arith.index_cast %swap3A_2018 : i32 to index
        %swap3A_2020 = arith.index_cast %add3A_1976 : i32 to index
        %swap3A_2021 = arith.constant 32 : index
        %swap3A_2022 = tpu.vector_load %arg6[%swap3A_2019, %swap3A_2020, %swap3A_2021] {strides = array<i32>} : memref<8x128x64xf32, #tpu.memory_space<vmem>>, vector<1x1x16xf32>,
        %swap3A_2023 = vector.shape_cast %swap3A_2022 : vector<1x1x16xf32> to vector<16xf32>
        %swap3A_2024 = vector.shape_cast %mul3A_2017 : vector<16xf32> to vector<1x1x16xf32>
        tpu.vector_store %arg6[%swap3A_2019, %swap3A_2020, %swap3A_2021], %swap3A_2024 {strides = array<i32>} : memref<8x128x64xf32, #tpu.memory_space<vmem>>, vector<1x1x16xf32>,
        %get3A_2025 = arith.constant 4 : i32
        %get3A_2026 = arith.index_cast %get3A_2025 : i32 to index
        %get3A_2027 = arith.index_cast %add3A_1976 : i32 to index
        %get3A_2028 = arith.constant 48 : index
        %get3A_2029 = tpu.vector_load %arg6[%get3A_2026, %get3A_2027, %get3A_2028] {strides = array<i32>} : memref<8x128x64xf32, #tpu.memory_space<vmem>>, vector<1x1x16xf32>,
        %get3A_2030 = vector.shape_cast %get3A_2029 : vector<1x1x16xf32> to vector<16xf32>
        %mul3A_2031 = arith.constant 8.000000e+00 : f32
        %mul3A_2032 = vector.broadcast %mul3A_2031 : f32 to vector<16xf32>
        %mul3A_2033 = arith.mulf %get3A_2030, %mul3A_2032 : vector<16xf32>
        %swap3A_2034 = arith.constant 4 : i32
        %swap3A_2035 = arith.index_cast %swap3A_2034 : i32 to index
        %swap3A_2036 = arith.index_cast %add3A_1976 : i32 to index
        %swap3A_2037 = arith.constant 48 : index
        %swap3A_2038 = tpu.vector_load %arg6[%swap3A_2035, %swap3A_2036, %swap3A_2037] {strides = array<i32>} : memref<8x128x64xf32, #tpu.memory_space<vmem>>, vector<1x1x16xf32>,
        %swap3A_2039 = vector.shape_cast %swap3A_2038 : vector<1x1x16xf32> to vector<16xf32>
        %swap3A_2040 = vector.shape_cast %mul3A_2033 : vector<16xf32> to vector<1x1x16xf32>
        tpu.vector_store %arg6[%swap3A_2035, %swap3A_2036, %swap3A_2037], %swap3A_2040 {strides = array<i32>} : memref<8x128x64xf32, #tpu.memory_space<vmem>>, vector<1x1x16xf32>,
        %scan3A_2041 = arith.constant 2 : i32
        %scan3A_2042 = arith.addi %scan3A_1904, %scan3A_2041 : i32
        %mul3A_2043 = arith.constant 1 : i32
        %mul3A_2044 = arith.muli %scan3A_2042, %mul3A_2043 : i32
        %add3A_2045 = arith.constant 0 : i32
        %add3A_2046 = arith.addi %add3A_2045, %mul3A_2044 : i32
        %get3A_2047 = arith.constant 4 : i32
        %get3A_2048 = arith.index_cast %get3A_2047 : i32 to index
        %get3A_2049 = arith.index_cast %add3A_2046 : i32 to index
        %get3A_2050 = arith.constant 0 : index
        %get3A_2051 = tpu.vector_load %arg6[%get3A_2048, %get3A_2049, %get3A_2050] {strides = array<i32>} : memref<8x128x64xf32, #tpu.memory_space<vmem>>, vector<1x1x16xf32>,
        %get3A_2052 = vector.shape_cast %get3A_2051 : vector<1x1x16xf32> to vector<16xf32>
        %mul3A_2053 = arith.constant 8.000000e+00 : f32
        %mul3A_2054 = vector.broadcast %mul3A_2053 : f32 to vector<16xf32>
        %mul3A_2055 = arith.mulf %get3A_2052, %mul3A_2054 : vector<16xf32>
        %swap3A_2056 = arith.constant 4 : i32
        %swap3A_2057 = arith.index_cast %swap3A_2056 : i32 to index
        %swap3A_2058 = arith.index_cast %add3A_2046 : i32 to index
        %swap3A_2059 = arith.constant 0 : index
        %swap3A_2060 = tpu.vector_load %arg6[%swap3A_2057, %swap3A_2058, %swap3A_2059] {strides = array<i32>} : memref<8x128x64xf32, #tpu.memory_space<vmem>>, vector<1x1x16xf32>,
        %swap3A_2061 = vector.shape_cast %swap3A_2060 : vector<1x1x16xf32> to vector<16xf32>
        %swap3A_2062 = vector.shape_cast %mul3A_2055 : vector<16xf32> to vector<1x1x16xf32>
        tpu.vector_store %arg6[%swap3A_2057, %swap3A_2058, %swap3A_2059], %swap3A_2062 {strides = array<i32>} : memref<8x128x64xf32, #tpu.memory_space<vmem>>, vector<1x1x16xf32>,
        %get3A_2063 = arith.constant 4 : i32
        %get3A_2064 = arith.index_cast %get3A_2063 : i32 to index
        %get3A_2065 = arith.index_cast %add3A_2046 : i32 to index
        %get3A_2066 = arith.constant 16 : index
        %get3A_2067 = tpu.vector_load %arg6[%get3A_2064, %get3A_2065, %get3A_2066] {strides = array<i32>} : memref<8x128x64xf32, #tpu.memory_space<vmem>>, vector<1x1x16xf32>,
        %get3A_2068 = vector.shape_cast %get3A_2067 : vector<1x1x16xf32> to vector<16xf32>
        %mul3A_2069 = arith.constant 8.000000e+00 : f32
        %mul3A_2070 = vector.broadcast %mul3A_2069 : f32 to vector<16xf32>
        %mul3A_2071 = arith.mulf %get3A_2068, %mul3A_2070 : vector<16xf32>
        %swap3A_2072 = arith.constant 4 : i32
        %swap3A_2073 = arith.index_cast %swap3A_2072 : i32 to index
        %swap3A_2074 = arith.index_cast %add3A_2046 : i32 to index
        %swap3A_2075 = arith.constant 16 : index
        %swap3A_2076 = tpu.vector_load %arg6[%swap3A_2073, %swap3A_2074, %swap3A_2075] {strides = array<i32>} : memref<8x128x64xf32, #tpu.memory_space<vmem>>, vector<1x1x16xf32>,
        %swap3A_2077 = vector.shape_cast %swap3A_2076 : vector<1x1x16xf32> to vector<16xf32>
        %swap3A_2078 = vector.shape_cast %mul3A_2071 : vector<16xf32> to vector<1x1x16xf32>
        tpu.vector_store %arg6[%swap3A_2073, %swap3A_2074, %swap3A_2075], %swap3A_2078 {strides = array<i32>} : memref<8x128x64xf32, #tpu.memory_space<vmem>>, vector<1x1x16xf32>,
        %get3A_2079 = arith.constant 4 : i32
        %get3A_2080 = arith.index_cast %get3A_2079 : i32 to index
        %get3A_2081 = arith.index_cast %add3A_2046 : i32 to index
        %get3A_2082 = arith.constant 32 : index
        %get3A_2083 = tpu.vector_load %arg6[%get3A_2080, %get3A_2081, %get3A_2082] {strides = array<i32>} : memref<8x128x64xf32, #tpu.memory_space<vmem>>, vector<1x1x16xf32>,
        %get3A_2084 = vector.shape_cast %get3A_2083 : vector<1x1x16xf32> to vector<16xf32>
        %mul3A_2085 = arith.constant 8.000000e+00 : f32
        %mul3A_2086 = vector.broadcast %mul3A_2085 : f32 to vector<16xf32>
        %mul3A_2087 = arith.mulf %get3A_2084, %mul3A_2086 : vector<16xf32>
        %swap3A_2088 = arith.constant 4 : i32
        %swap3A_2089 = arith.index_cast %swap3A_2088 : i32 to index
        %swap3A_2090 = arith.index_cast %add3A_2046 : i32 to index
        %swap3A_2091 = arith.constant 32 : index
        %swap3A_2092 = tpu.vector_load %arg6[%swap3A_2089, %swap3A_2090, %swap3A_2091] {strides = array<i32>} : memref<8x128x64xf32, #tpu.memory_space<vmem>>, vector<1x1x16xf32>,
        %swap3A_2093 = vector.shape_cast %swap3A_2092 : vector<1x1x16xf32> to vector<16xf32>
        %swap3A_2094 = vector.shape_cast %mul3A_2087 : vector<16xf32> to vector<1x1x16xf32>
        tpu.vector_store %arg6[%swap3A_2089, %swap3A_2090, %swap3A_2091], %swap3A_2094 {strides = array<i32>} : memref<8x128x64xf32, #tpu.memory_space<vmem>>, vector<1x1x16xf32>,
        %get3A_2095 = arith.constant 4 : i32
        %get3A_2096 = arith.index_cast %get3A_2095 : i32 to index
        %get3A_2097 = arith.index_cast %add3A_2046 : i32 to index
        %get3A_2098 = arith.constant 48 : index
        %get3A_2099 = tpu.vector_load %arg6[%get3A_2096, %get3A_2097, %get3A_2098] {strides = array<i32>} : memref<8x128x64xf32, #tpu.memory_space<vmem>>, vector<1x1x16xf32>,
        %get3A_2100 = vector.shape_cast %get3A_2099 : vector<1x1x16xf32> to vector<16xf32>
        %mul3A_2101 = arith.constant 8.000000e+00 : f32
        %mul3A_2102 = vector.broadcast %mul3A_2101 : f32 to vector<16xf32>
        %mul3A_2103 = arith.mulf %get3A_2100, %mul3A_2102 : vector<16xf32>
        %swap3A_2104 = arith.constant 4 : i32
        %swap3A_2105 = arith.index_cast %swap3A_2104 : i32 to index
        %swap3A_2106 = arith.index_cast %add3A_2046 : i32 to index
        %swap3A_2107 = arith.constant 48 : index
        %swap3A_2108 = tpu.vector_load %arg6[%swap3A_2105, %swap3A_2106, %swap3A_2107] {strides = array<i32>} : memref<8x128x64xf32, #tpu.memory_space<vmem>>, vector<1x1x16xf32>,
        %swap3A_2109 = vector.shape_cast %swap3A_2108 : vector<1x1x16xf32> to vector<16xf32>
        %swap3A_2110 = vector.shape_cast %mul3A_2103 : vector<16xf32> to vector<1x1x16xf32>
        tpu.vector_store %arg6[%swap3A_2105, %swap3A_2106, %swap3A_2107], %swap3A_2110 {strides = array<i32>} : memref<8x128x64xf32, #tpu.memory_space<vmem>>, vector<1x1x16xf32>,
        %scan3A_2111 = arith.constant 3 : i32
        %scan3A_2112 = arith.addi %scan3A_1904, %scan3A_2111 : i32
        %mul3A_2113 = arith.constant 1 : i32
        %mul3A_2114 = arith.muli %scan3A_2112, %mul3A_2113 : i32
        %add3A_2115 = arith.constant 0 : i32
        %add3A_2116 = arith.addi %add3A_2115, %mul3A_2114 : i32
        %get3A_2117 = arith.constant 4 : i32
        %get3A_2118 = arith.index_cast %get3A_2117 : i32 to index
        %get3A_2119 = arith.index_cast %add3A_2116 : i32 to index
        %get3A_2120 = arith.constant 0 : index
        %get3A_2121 = tpu.vector_load %arg6[%get3A_2118, %get3A_2119, %get3A_2120] {strides = array<i32>} : memref<8x128x64xf32, #tpu.memory_space<vmem>>, vector<1x1x16xf32>,
        %get3A_2122 = vector.shape_cast %get3A_2121 : vector<1x1x16xf32> to vector<16xf32>
        %mul3A_2123 = arith.constant 8.000000e+00 : f32
        %mul3A_2124 = vector.broadcast %mul3A_2123 : f32 to vector<16xf32>
        %mul3A_2125 = arith.mulf %get3A_2122, %mul3A_2124 : vector<16xf32>
        %swap3A_2126 = arith.constant 4 : i32
        %swap3A_2127 = arith.index_cast %swap3A_2126 : i32 to index
        %swap3A_2128 = arith.index_cast %add3A_2116 : i32 to index
        %swap3A_2129 = arith.constant 0 : index
        %swap3A_2130 = tpu.vector_load %arg6[%swap3A_2127, %swap3A_2128, %swap3A_2129] {strides = array<i32>} : memref<8x128x64xf32, #tpu.memory_space<vmem>>, vector<1x1x16xf32>,
        %swap3A_2131 = vector.shape_cast %swap3A_2130 : vector<1x1x16xf32> to vector<16xf32>
        %swap3A_2132 = vector.shape_cast %mul3A_2125 : vector<16xf32> to vector<1x1x16xf32>
        tpu.vector_store %arg6[%swap3A_2127, %swap3A_2128, %swap3A_2129], %swap3A_2132 {strides = array<i32>} : memref<8x128x64xf32, #tpu.memory_space<vmem>>, vector<1x1x16xf32>,
        %get3A_2133 = arith.constant 4 : i32
        %get3A_2134 = arith.index_cast %get3A_2133 : i32 to index
        %get3A_2135 = arith.index_cast %add3A_2116 : i32 to index
        %get3A_2136 = arith.constant 16 : index
        %get3A_2137 = tpu.vector_load %arg6[%get3A_2134, %get3A_2135, %get3A_2136] {strides = array<i32>} : memref<8x128x64xf32, #tpu.memory_space<vmem>>, vector<1x1x16xf32>,
        %get3A_2138 = vector.shape_cast %get3A_2137 : vector<1x1x16xf32> to vector<16xf32>
        %mul3A_2139 = arith.constant 8.000000e+00 : f32
        %mul3A_2140 = vector.broadcast %mul3A_2139 : f32 to vector<16xf32>
        %mul3A_2141 = arith.mulf %get3A_2138, %mul3A_2140 : vector<16xf32>
        %swap3A_2142 = arith.constant 4 : i32
        %swap3A_2143 = arith.index_cast %swap3A_2142 : i32 to index
        %swap3A_2144 = arith.index_cast %add3A_2116 : i32 to index
        %swap3A_2145 = arith.constant 16 : index
        %swap3A_2146 = tpu.vector_load %arg6[%swap3A_2143, %swap3A_2144, %swap3A_2145] {strides = array<i32>} : memref<8x128x64xf32, #tpu.memory_space<vmem>>, vector<1x1x16xf32>,
        %swap3A_2147 = vector.shape_cast %swap3A_2146 : vector<1x1x16xf32> to vector<16xf32>
        %swap3A_2148 = vector.shape_cast %mul3A_2141 : vector<16xf32> to vector<1x1x16xf32>
        tpu.vector_store %arg6[%swap3A_2143, %swap3A_2144, %swap3A_2145], %swap3A_2148 {strides = array<i32>} : memref<8x128x64xf32, #tpu.memory_space<vmem>>, vector<1x1x16xf32>,
        %get3A_2149 = arith.constant 4 : i32
        %get3A_2150 = arith.index_cast %get3A_2149 : i32 to index
        %get3A_2151 = arith.index_cast %add3A_2116 : i32 to index
        %get3A_2152 = arith.constant 32 : index
        %get3A_2153 = tpu.vector_load %arg6[%get3A_2150, %get3A_2151, %get3A_2152] {strides = array<i32>} : memref<8x128x64xf32, #tpu.memory_space<vmem>>, vector<1x1x16xf32>,
        %get3A_2154 = vector.shape_cast %get3A_2153 : vector<1x1x16xf32> to vector<16xf32>
        %mul3A_2155 = arith.constant 8.000000e+00 : f32
        %mul3A_2156 = vector.broadcast %mul3A_2155 : f32 to vector<16xf32>
        %mul3A_2157 = arith.mulf %get3A_2154, %mul3A_2156 : vector<16xf32>
        %swap3A_2158 = arith.constant 4 : i32
        %swap3A_2159 = arith.index_cast %swap3A_2158 : i32 to index
        %swap3A_2160 = arith.index_cast %add3A_2116 : i32 to index
        %swap3A_2161 = arith.constant 32 : index
        %swap3A_2162 = tpu.vector_load %arg6[%swap3A_2159, %swap3A_2160, %swap3A_2161] {strides = array<i32>} : memref<8x128x64xf32, #tpu.memory_space<vmem>>, vector<1x1x16xf32>,
        %swap3A_2163 = vector.shape_cast %swap3A_2162 : vector<1x1x16xf32> to vector<16xf32>
        %swap3A_2164 = vector.shape_cast %mul3A_2157 : vector<16xf32> to vector<1x1x16xf32>
        tpu.vector_store %arg6[%swap3A_2159, %swap3A_2160, %swap3A_2161], %swap3A_2164 {strides = array<i32>} : memref<8x128x64xf32, #tpu.memory_space<vmem>>, vector<1x1x16xf32>,
        %get3A_2165 = arith.constant 4 : i32
        %get3A_2166 = arith.index_cast %get3A_2165 : i32 to index
        %get3A_2167 = arith.index_cast %add3A_2116 : i32 to index
        %get3A_2168 = arith.constant 48 : index
        %get3A_2169 = tpu.vector_load %arg6[%get3A_2166, %get3A_2167, %get3A_2168] {strides = array<i32>} : memref<8x128x64xf32, #tpu.memory_space<vmem>>, vector<1x1x16xf32>,
        %get3A_2170 = vector.shape_cast %get3A_2169 : vector<1x1x16xf32> to vector<16xf32>
        %mul3A_2171 = arith.constant 8.000000e+00 : f32
        %mul3A_2172 = vector.broadcast %mul3A_2171 : f32 to vector<16xf32>
        %mul3A_2173 = arith.mulf %get3A_2170, %mul3A_2172 : vector<16xf32>
        %swap3A_2174 = arith.constant 4 : i32
        %swap3A_2175 = arith.index_cast %swap3A_2174 : i32 to index
        %swap3A_2176 = arith.index_cast %add3A_2116 : i32 to index
        %swap3A_2177 = arith.constant 48 : index
        %swap3A_2178 = tpu.vector_load %arg6[%swap3A_2175, %swap3A_2176, %swap3A_2177] {strides = array<i32>} : memref<8x128x64xf32, #tpu.memory_space<vmem>>, vector<1x1x16xf32>,
        %swap3A_2179 = vector.shape_cast %swap3A_2178 : vector<1x1x16xf32> to vector<16xf32>
        %swap3A_2180 = vector.shape_cast %mul3A_2173 : vector<16xf32> to vector<1x1x16xf32>
        tpu.vector_store %arg6[%swap3A_2175, %swap3A_2176, %swap3A_2177], %swap3A_2180 {strides = array<i32>} : memref<8x128x64xf32, #tpu.memory_space<vmem>>, vector<1x1x16xf32>,
      }
      %scan3A_1409 = arith.constant 128 : i32
      %mul3A_1410 = arith.constant 200 : i32
      %mul3A_1411 = arith.muli %add3A, %mul3A_1410 : i32
      %add3A_1412 = arith.addi %mul3A_1411, %add3A_1393 : i32
      %jit3A_1413 = arith.constant 8 : i32
      %div3A_1414 = arith.divsi %add3A_1412, %jit3A_1413 : i32
      %sign3A_1415 = arith.constant 0 : i32
      %sign3A_1416 = arith.cmpi sgt, %add3A_1412, %sign3A_1415 : i32
      %sign3A_1417 = arith.extui %sign3A_1416 : i1 to i32
      %sign3A_1418 = arith.constant 0 : i32
      %sign3A_1419 = arith.cmpi slt, %add3A_1412, %sign3A_1418 : i32
      %sign3A_1420 = arith.extui %sign3A_1419 : i1 to i32
      %sign3A_1421 = arith.subi %sign3A_1417, %sign3A_1420 : i32
      %sign3A_1422 = arith.constant 0 : i32
      %sign3A_1423 = arith.cmpi sgt, %jit3A_1413, %sign3A_1422 : i32
      %sign3A_1424 = arith.extui %sign3A_1423 : i1 to i32
      %sign3A_1425 = arith.constant 0 : i32
      %sign3A_1426 = arith.cmpi slt, %jit3A_1413, %sign3A_1425 : i32
      %sign3A_1427 = arith.extui %sign3A_1426 : i1 to i32
      %sign3A_1428 = arith.subi %sign3A_1424, %sign3A_1427 : i32
      %ne3A_1429 = arith.cmpi ne, %sign3A_1421, %sign3A_1428 : i32
      %rem3A_1430 = arith.remsi %add3A_1412, %jit3A_1413 : i32
      %ne3A_1431 = arith.constant 0 : i32
      %ne3A_1432 = arith.cmpi ne, %rem3A_1430, %ne3A_1431 : i32
      %and3A_1433 = arith.andi %ne3A_1429, %ne3A_1432 : i1
      %sub3A_1434 = arith.constant 1 : i32
      %sub3A_1435 = arith.subi %div3A_1414, %sub3A_1434 : i32
      %select_n3A_1436 = arith.select %and3A_1433, %sub3A_1435, %div3A_1414 : i32
      %jit3A_1437 = arith.constant 8 : i32
      %eq3A_1438 = arith.constant 0 : i32
      %eq3A_1439 = arith.cmpi eq, %jit3A_1437, %eq3A_1438 : i32
      %jit3A_1440 = arith.constant 1 : i32
      %select_n3A_1441 = arith.select %eq3A_1439, %jit3A_1440, %jit3A_1437 : i32
      %rem3A_1442 = arith.remsi %add3A_1412, %select_n3A_1441 : i32
      %ne3A_1443 = arith.constant 0 : i32
      %ne3A_1444 = arith.cmpi ne, %rem3A_1442, %ne3A_1443 : i32
      %lt3A_1445 = arith.constant 0 : i32
      %lt3A_1446 = arith.cmpi slt, %rem3A_1442, %lt3A_1445 : i32
      %lt3A_1447 = arith.constant 0 : i32
      %lt3A_1448 = arith.cmpi slt, %select_n3A_1441, %lt3A_1447 : i32
      %ne3A_1449 = arith.xori %lt3A_1446, %lt3A_1448 : i1
      %and3A_1450 = arith.andi %ne3A_1449, %ne3A_1444 : i1
      %add3A_1451 = arith.addi %rem3A_1442, %select_n3A_1441 : i32
      %select_n3A_1452 = arith.select %and3A_1450, %add3A_1451, %rem3A_1442 : i32
      %jit3A_1453 = arith.constant 32 : i32
      %div3A_1454 = arith.divsi %select_n3A_1436, %jit3A_1453 : i32
      %sign3A_1455 = arith.constant 0 : i32
      %sign3A_1456 = arith.cmpi sgt, %select_n3A_1436, %sign3A_1455 : i32
      %sign3A_1457 = arith.extui %sign3A_1456 : i1 to i32
      %sign3A_1458 = arith.constant 0 : i32
      %sign3A_1459 = arith.cmpi slt, %select_n3A_1436, %sign3A_1458 : i32
      %sign3A_1460 = arith.extui %sign3A_1459 : i1 to i32
      %sign3A_1461 = arith.subi %sign3A_1457, %sign3A_1460 : i32
      %sign3A_1462 = arith.constant 0 : i32
      %sign3A_1463 = arith.cmpi sgt, %jit3A_1453, %sign3A_1462 : i32
      %sign3A_1464 = arith.extui %sign3A_1463 : i1 to i32
      %sign3A_1465 = arith.constant 0 : i32
      %sign3A_1466 = arith.cmpi slt, %jit3A_1453, %sign3A_1465 : i32
      %sign3A_1467 = arith.extui %sign3A_1466 : i1 to i32
      %sign3A_1468 = arith.subi %sign3A_1464, %sign3A_1467 : i32
      %ne3A_1469 = arith.cmpi ne, %sign3A_1461, %sign3A_1468 : i32
      %rem3A_1470 = arith.remsi %select_n3A_1436, %jit3A_1453 : i32
      %ne3A_1471 = arith.constant 0 : i32
      %ne3A_1472 = arith.cmpi ne, %rem3A_1470, %ne3A_1471 : i32
      %and3A_1473 = arith.andi %ne3A_1469, %ne3A_1472 : i1
      %sub3A_1474 = arith.constant 1 : i32
      %sub3A_1475 = arith.subi %div3A_1454, %sub3A_1474 : i32
      %select_n3A_1476 = arith.select %and3A_1473, %sub3A_1475, %div3A_1454 : i32
      %jit3A_1477 = arith.constant 32 : i32
      %eq3A_1478 = arith.constant 0 : i32
      %eq3A_1479 = arith.cmpi eq, %jit3A_1477, %eq3A_1478 : i32
      %jit3A_1480 = arith.constant 1 : i32
      %select_n3A_1481 = arith.select %eq3A_1479, %jit3A_1480, %jit3A_1477 : i32
      %rem3A_1482 = arith.remsi %select_n3A_1436, %select_n3A_1481 : i32
      %ne3A_1483 = arith.constant 0 : i32
      %ne3A_1484 = arith.cmpi ne, %rem3A_1482, %ne3A_1483 : i32
      %lt3A_1485 = arith.constant 0 : i32
      %lt3A_1486 = arith.cmpi slt, %rem3A_1482, %lt3A_1485 : i32
      %lt3A_1487 = arith.constant 0 : i32
      %lt3A_1488 = arith.cmpi slt, %select_n3A_1481, %lt3A_1487 : i32
      %ne3A_1489 = arith.xori %lt3A_1486, %lt3A_1488 : i1
      %and3A_1490 = arith.andi %ne3A_1489, %ne3A_1484 : i1
      %add3A_1491 = arith.addi %rem3A_1482, %select_n3A_1481 : i32
      %select_n3A_1492 = arith.select %and3A_1490, %add3A_1491, %rem3A_1482 : i32
      %mul3A_1493 = arith.constant 8 : i32
      %mul3A_1494 = arith.muli %select_n3A_1476, %mul3A_1493 : i32
      %add3A_1495 = arith.addi %mul3A_1494, %select_n3A_1452 : i32
      %mul3A_1496 = arith.constant 128 : i32
      %mul3A_1497 = arith.muli %select_n3A_1492, %mul3A_1496 : i32
      %dma_start3A_1498 = arith.constant 4 : i32
      %dma_start3A_1499 = arith.constant 0 : i32
      %dma_start3A_1500 = arith.constant 0 : i32
      %dma_start3A_1501 = tpu.memref_slice %arg6[%dma_start3A_1498, %dma_start3A_1499, %dma_start3A_1500] : memref<8x128x64xf32, #tpu.memory_space<vmem>> -> memref<1x128x64xf32, #tpu.memory_space<vmem>>
      %dma_start3A_1502 = tpu.memref_squeeze %dma_start3A_1501 : memref<1x128x64xf32, #tpu.memory_space<vmem>> -> memref<128x64xf32, #tpu.memory_space<vmem>>
      %dma_start3A_1503 = arith.constant 0 : i32
      %dma_start3A_1504 = tpu.memref_slice %arg4[%mul3A_1497, %add3A_1495, %dma_start3A_1503] : memref<4096x200x128xf32, #tpu.memory_space<hbm>> -> memref<128x1x64xf32, #tpu.memory_space<hbm>>
      %dma_start3A_1505 = tpu.memref_squeeze %dma_start3A_1504 : memref<128x1x64xf32, #tpu.memory_space<hbm>> -> memref<128x64xf32, #tpu.memory_space<hbm>>
      %dma_start3A_1506 = arith.constant 0 : i32
      %dma_start3A_1507 = tpu.memref_slice %arg4[%mul3A_1497, %add3A_1495, %dma_start3A_1506] : memref<4096x200x128xf32, #tpu.memory_space<hbm>> -> memref<128x1x64xf32, #tpu.memory_space<hbm>>
      %dma_start3A_1508 = tpu.memref_squeeze %dma_start3A_1507 : memref<128x1x64xf32, #tpu.memory_space<hbm>> -> memref<128x64xf32, #tpu.memory_space<hbm>>
      %dma_start3A_1509 = arith.constant 0 : i32
      %dma_start3A_1510 = arith.constant 0 : i32
      %dma_start3A_1511 = tpu.memref_slice %arg6[%dma_start3A_1498, %dma_start3A_1509, %dma_start3A_1510] : memref<8x128x64xf32, #tpu.memory_space<vmem>> -> memref<1x128x64xf32, #tpu.memory_space<vmem>>
      %dma_start3A_1512 = tpu.memref_squeeze %dma_start3A_1511 : memref<1x128x64xf32, #tpu.memory_space<vmem>> -> memref<128x64xf32, #tpu.memory_space<vmem>>
      tpu.enqueue_dma source(%dma_start3A_1512 : memref<128x64xf32, #tpu.memory_space<vmem>>) target(%dma_start3A_1508 : memref<128x64xf32, #tpu.memory_space<hbm>>) target_semaphore(%arg19 : memref<!tpu.dma_semaphore, #tpu.memory_space<semaphore_mem>>)
      %add3A_1513 = arith.constant 4 : i32
      %add3A_1514 = arith.addi %add3A_1393, %add3A_1513 : i32
      %lt3A_1515 = arith.constant 200 : i32
      %lt3A_1516 = arith.cmpi slt, %add3A_1514, %lt3A_1515 : i32
      %convert_element_type3A_1517 = arith.extui %lt3A_1516 : i1 to i32
      %cond3A_1518 = arith.constant 0 : i32
      %cond3A_1519 = arith.cmpi ne, %convert_element_type3A_1517, %cond3A_1518 : i32
      scf.if %cond3A_1519 {
        %ge3A = arith.constant 8 : i32
        %ge3A_1904 = arith.cmpi sge, %add3A_1514, %ge3A : i32
        %convert_element_type3A_1905 = arith.extui %ge3A_1904 : i1 to i32
        %cond3A_1906 = arith.constant 0 : i32
        %cond3A_1907 = arith.cmpi ne, %convert_element_type3A_1905, %cond3A_1906 : i32
        scf.if %cond3A_1907 {
          %sub3A_1919 = arith.constant 8 : i32
          %sub3A_1920 = arith.subi %add3A_1514, %sub3A_1919 : i32
          %mul3A_1921 = arith.constant 200 : i32
          %mul3A_1922 = arith.muli %add3A, %mul3A_1921 : i32
          %add3A_1923 = arith.addi %mul3A_1922, %sub3A_1920 : i32
          %jit3A_1924 = arith.constant 8 : i32
          %div3A_1925 = arith.divsi %add3A_1923, %jit3A_1924 : i32
          %sign3A_1926 = arith.constant 0 : i32
          %sign3A_1927 = arith.cmpi sgt, %add3A_1923, %sign3A_1926 : i32
          %sign3A_1928 = arith.extui %sign3A_1927 : i1 to i32
          %sign3A_1929 = arith.constant 0 : i32
          %sign3A_1930 = arith.cmpi slt, %add3A_1923, %sign3A_1929 : i32
          %sign3A_1931 = arith.extui %sign3A_1930 : i1 to i32
          %sign3A_1932 = arith.subi %sign3A_1928, %sign3A_1931 : i32
          %sign3A_1933 = arith.constant 0 : i32
          %sign3A_1934 = arith.cmpi sgt, %jit3A_1924, %sign3A_1933 : i32
          %sign3A_1935 = arith.extui %sign3A_1934 : i1 to i32
          %sign3A_1936 = arith.constant 0 : i32
          %sign3A_1937 = arith.cmpi slt, %jit3A_1924, %sign3A_1936 : i32
          %sign3A_1938 = arith.extui %sign3A_1937 : i1 to i32
          %sign3A_1939 = arith.subi %sign3A_1935, %sign3A_1938 : i32
          %ne3A_1940 = arith.cmpi ne, %sign3A_1932, %sign3A_1939 : i32
          %rem3A_1941 = arith.remsi %add3A_1923, %jit3A_1924 : i32
          %ne3A_1942 = arith.constant 0 : i32
          %ne3A_1943 = arith.cmpi ne, %rem3A_1941, %ne3A_1942 : i32
          %and3A_1944 = arith.andi %ne3A_1940, %ne3A_1943 : i1
          %sub3A_1945 = arith.constant 1 : i32
          %sub3A_1946 = arith.subi %div3A_1925, %sub3A_1945 : i32
          %select_n3A_1947 = arith.select %and3A_1944, %sub3A_1946, %div3A_1925 : i32
          %jit3A_1948 = arith.constant 8 : i32
          %eq3A_1949 = arith.constant 0 : i32
          %eq3A_1950 = arith.cmpi eq, %jit3A_1948, %eq3A_1949 : i32
          %jit3A_1951 = arith.constant 1 : i32
          %select_n3A_1952 = arith.select %eq3A_1950, %jit3A_1951, %jit3A_1948 : i32
          %rem3A_1953 = arith.remsi %add3A_1923, %select_n3A_1952 : i32
          %ne3A_1954 = arith.constant 0 : i32
          %ne3A_1955 = arith.cmpi ne, %rem3A_1953, %ne3A_1954 : i32
          %lt3A_1956 = arith.constant 0 : i32
          %lt3A_1957 = arith.cmpi slt, %rem3A_1953, %lt3A_1956 : i32
          %lt3A_1958 = arith.constant 0 : i32
          %lt3A_1959 = arith.cmpi slt, %select_n3A_1952, %lt3A_1958 : i32
          %ne3A_1960 = arith.xori %lt3A_1957, %lt3A_1959 : i1
          %and3A_1961 = arith.andi %ne3A_1960, %ne3A_1955 : i1
          %add3A_1962 = arith.addi %rem3A_1953, %select_n3A_1952 : i32
          %select_n3A_1963 = arith.select %and3A_1961, %add3A_1962, %rem3A_1953 : i32
          %jit3A_1964 = arith.constant 32 : i32
          %div3A_1965 = arith.divsi %select_n3A_1947, %jit3A_1964 : i32
          %sign3A_1966 = arith.constant 0 : i32
          %sign3A_1967 = arith.cmpi sgt, %select_n3A_1947, %sign3A_1966 : i32
          %sign3A_1968 = arith.extui %sign3A_1967 : i1 to i32
          %sign3A_1969 = arith.constant 0 : i32
          %sign3A_1970 = arith.cmpi slt, %select_n3A_1947, %sign3A_1969 : i32
          %sign3A_1971 = arith.extui %sign3A_1970 : i1 to i32
          %sign3A_1972 = arith.subi %sign3A_1968, %sign3A_1971 : i32
          %sign3A_1973 = arith.constant 0 : i32
          %sign3A_1974 = arith.cmpi sgt, %jit3A_1964, %sign3A_1973 : i32
          %sign3A_1975 = arith.extui %sign3A_1974 : i1 to i32
          %sign3A_1976 = arith.constant 0 : i32
          %sign3A_1977 = arith.cmpi slt, %jit3A_1964, %sign3A_1976 : i32
          %sign3A_1978 = arith.extui %sign3A_1977 : i1 to i32
          %sign3A_1979 = arith.subi %sign3A_1975, %sign3A_1978 : i32
          %ne3A_1980 = arith.cmpi ne, %sign3A_1972, %sign3A_1979 : i32
          %rem3A_1981 = arith.remsi %select_n3A_1947, %jit3A_1964 : i32
          %ne3A_1982 = arith.constant 0 : i32
          %ne3A_1983 = arith.cmpi ne, %rem3A_1981, %ne3A_1982 : i32
          %and3A_1984 = arith.andi %ne3A_1980, %ne3A_1983 : i1
          %sub3A_1985 = arith.constant 1 : i32
          %sub3A_1986 = arith.subi %div3A_1965, %sub3A_1985 : i32
          %select_n3A_1987 = arith.select %and3A_1984, %sub3A_1986, %div3A_1965 : i32
          %jit3A_1988 = arith.constant 32 : i32
          %eq3A_1989 = arith.constant 0 : i32
          %eq3A_1990 = arith.cmpi eq, %jit3A_1988, %eq3A_1989 : i32
          %jit3A_1991 = arith.constant 1 : i32
          %select_n3A_1992 = arith.select %eq3A_1990, %jit3A_1991, %jit3A_1988 : i32
          %rem3A_1993 = arith.remsi %select_n3A_1947, %select_n3A_1992 : i32
          %ne3A_1994 = arith.constant 0 : i32
          %ne3A_1995 = arith.cmpi ne, %rem3A_1993, %ne3A_1994 : i32
          %lt3A_1996 = arith.constant 0 : i32
          %lt3A_1997 = arith.cmpi slt, %rem3A_1993, %lt3A_1996 : i32
          %lt3A_1998 = arith.constant 0 : i32
          %lt3A_1999 = arith.cmpi slt, %select_n3A_1992, %lt3A_1998 : i32
          %ne3A_2000 = arith.xori %lt3A_1997, %lt3A_1999 : i1
          %and3A_2001 = arith.andi %ne3A_2000, %ne3A_1995 : i1
          %add3A_2002 = arith.addi %rem3A_1993, %select_n3A_1992 : i32
          %select_n3A_2003 = arith.select %and3A_2001, %add3A_2002, %rem3A_1993 : i32
          %mul3A_2004 = arith.constant 8 : i32
          %mul3A_2005 = arith.muli %select_n3A_1987, %mul3A_2004 : i32
          %add3A_2006 = arith.addi %mul3A_2005, %select_n3A_1963 : i32
          %mul3A_2007 = arith.constant 128 : i32
          %mul3A_2008 = arith.muli %select_n3A_2003, %mul3A_2007 : i32
          %dma_wait3A_2009 = arith.constant 0 : i32
          %dma_wait3A_2010 = arith.constant 0 : i32
          %dma_wait3A_2011 = arith.constant 0 : i32
          %dma_wait3A_2012 = tpu.memref_slice %arg6[%dma_wait3A_2009, %dma_wait3A_2010, %dma_wait3A_2011] : memref<8x128x64xf32, #tpu.memory_space<vmem>> -> memref<1x128x64xf32, #tpu.memory_space<vmem>>
          %dma_wait3A_2013 = tpu.memref_squeeze %dma_wait3A_2012 : memref<1x128x64xf32, #tpu.memory_space<vmem>> -> memref<128x64xf32, #tpu.memory_space<vmem>>
          %dma_wait3A_2014 = arith.constant 0 : i32
          %dma_wait3A_2015 = tpu.memref_slice %arg4[%mul3A_2008, %add3A_2006, %dma_wait3A_2014] : memref<4096x200x128xf32, #tpu.memory_space<hbm>> -> memref<128x1x64xf32, #tpu.memory_space<hbm>>
          %dma_wait3A_2016 = tpu.memref_squeeze %dma_wait3A_2015 : memref<128x1x64xf32, #tpu.memory_space<hbm>> -> memref<128x64xf32, #tpu.memory_space<hbm>>
          %dma_wait3A_2017 = arith.constant 0 : i32
          %dma_wait3A_2018 = tpu.memref_slice %arg4[%mul3A_2008, %add3A_2006, %dma_wait3A_2017] : memref<4096x200x128xf32, #tpu.memory_space<hbm>> -> memref<128x1x64xf32, #tpu.memory_space<hbm>>
          %dma_wait3A_2019 = tpu.memref_squeeze %dma_wait3A_2018 : memref<128x1x64xf32, #tpu.memory_space<hbm>> -> memref<128x64xf32, #tpu.memory_space<hbm>>
          %dma_wait3A_2020 = arith.constant 0 : i32
          %dma_wait3A_2021 = arith.constant 0 : i32
          %dma_wait3A_2022 = tpu.memref_slice %arg6[%dma_wait3A_2009, %dma_wait3A_2020, %dma_wait3A_2021] : memref<8x128x64xf32, #tpu.memory_space<vmem>> -> memref<1x128x64xf32, #tpu.memory_space<vmem>>
          %dma_wait3A_2023 = tpu.memref_squeeze %dma_wait3A_2022 : memref<1x128x64xf32, #tpu.memory_space<vmem>> -> memref<128x64xf32, #tpu.memory_space<vmem>>
          tpu.wait_dma2 semaphore(%arg15 : memref<!tpu.dma_semaphore, #tpu.memory_space<semaphore_mem>>) src(%dma_wait3A_2023 : memref<128x64xf32, #tpu.memory_space<vmem>>) dst(%dma_wait3A_2019 : memref<128x64xf32, #tpu.memory_space<hbm>>)
        } else {
        }
        %dma_start3A_1908 = arith.constant 0 : i32
        %dma_start3A_1909 = arith.constant 0 : i32
        %dma_start3A_1910 = arith.constant 0 : i32
        %dma_start3A_1911 = tpu.memref_slice %arg6[%dma_start3A_1908, %dma_start3A_1909, %dma_start3A_1910] : memref<8x128x64xf32, #tpu.memory_space<vmem>> -> memref<1x128x64xf32, #tpu.memory_space<vmem>>
        %dma_start3A_1912 = tpu.memref_squeeze %dma_start3A_1911 : memref<1x128x64xf32, #tpu.memory_space<vmem>> -> memref<128x64xf32, #tpu.memory_space<vmem>>
        %dma_start3A_1913 = arith.constant 0 : i32
        %dma_start3A_1914 = tpu.memref_slice %arg5[%add3A_1514, %dma_start3A_1913] : memref<200x128xi32, #tpu.memory_space<vmem>> -> memref<1x128xi32, #tpu.memory_space<vmem>>
        %dma_start3A_1915 = tpu.memref_squeeze %dma_start3A_1914 : memref<1x128xi32, #tpu.memory_space<vmem>> -> memref<128xi32, #tpu.memory_space<vmem>>
        %dma_start3A_1916 = arith.constant 0 : i32
        %dma_start3A_1917 = arith.constant 0 : i32
        %dma_start3A_1918 = tpu.memref_slice %arg3[%dma_start3A_1916, %dma_start3A_1917] : memref<1000000x64xf32, #tpu.memory_space<hbm>> -> memref<1000000x64xf32, #tpu.memory_space<hbm>>
        tpu.enqueue_indirect_dma source(%dma_start3A_1918 : memref<1000000x64xf32, #tpu.memory_space<hbm>>) target(%dma_start3A_1912 : memref<128x64xf32, #tpu.memory_space<vmem>>) offsets(%dma_start3A_1915 : memref<128xi32, #tpu.memory_space<vmem>>) semaphore(%arg7 : memref<!tpu.dma_semaphore, #tpu.memory_space<semaphore_mem>>)
      } else {
      }
      %add3A_1520 = arith.constant 5 : i32
      %add3A_1521 = arith.addi %add3A_881, %add3A_1520 : i32
      %dma_wait3A_1522 = arith.constant 5 : i32
      %dma_wait3A_1523 = arith.constant 0 : i32
      %dma_wait3A_1524 = arith.constant 0 : i32
      %dma_wait3A_1525 = tpu.memref_slice %arg6[%dma_wait3A_1522, %dma_wait3A_1523, %dma_wait3A_1524] : memref<8x128x64xf32, #tpu.memory_space<vmem>> -> memref<1x128x64xf32, #tpu.memory_space<vmem>>
      %dma_wait3A_1526 = tpu.memref_squeeze %dma_wait3A_1525 : memref<1x128x64xf32, #tpu.memory_space<vmem>> -> memref<128x64xf32, #tpu.memory_space<vmem>>
      %dma_wait3A_1527 = arith.constant 0 : i32
      %dma_wait3A_1528 = tpu.memref_slice %arg5[%add3A_1521, %dma_wait3A_1527] : memref<200x128xi32, #tpu.memory_space<vmem>> -> memref<1x128xi32, #tpu.memory_space<vmem>>
      %dma_wait3A_1529 = tpu.memref_squeeze %dma_wait3A_1528 : memref<1x128xi32, #tpu.memory_space<vmem>> -> memref<128xi32, #tpu.memory_space<vmem>>
      %dma_wait3A_1530 = arith.constant 0 : i32
      %dma_wait3A_1531 = arith.constant 0 : i32
      %dma_wait3A_1532 = tpu.memref_slice %arg3[%dma_wait3A_1530, %dma_wait3A_1531] : memref<1000000x64xf32, #tpu.memory_space<hbm>> -> memref<1000000x64xf32, #tpu.memory_space<hbm>>
      tpu.wait_indirect_dma semaphore(%arg12 : memref<!tpu.dma_semaphore, #tpu.memory_space<semaphore_mem>>) src(%dma_wait3A_1532 : memref<1000000x64xf32, #tpu.memory_space<hbm>>) dst(%dma_wait3A_1526 : memref<128x64xf32, #tpu.memory_space<vmem>>)
      %scan3A_1533 = arith.constant 0 : i32
      %scan3A_1534 = arith.constant 128 : i32
      %scan3A_1535 = arith.addi %scan3A_1533, %scan3A_1534 : i32
      %scan3A_1536 = arith.constant 4 : i32
      scf.for %scan3A_1904 = %scan3A_1533 to %scan3A_1535 step %scan3A_1536  : i32 {
        %mul3A_1905 = arith.constant 1 : i32
        %mul3A_1906 = arith.muli %scan3A_1904, %mul3A_1905 : i32
        %add3A_1907 = arith.constant 0 : i32
        %add3A_1908 = arith.addi %add3A_1907, %mul3A_1906 : i32
        %get3A = arith.constant 5 : i32
        %get3A_1909 = arith.index_cast %get3A : i32 to index
        %get3A_1910 = arith.index_cast %add3A_1908 : i32 to index
        %get3A_1911 = arith.constant 0 : index
        %get3A_1912 = tpu.vector_load %arg6[%get3A_1909, %get3A_1910, %get3A_1911] {strides = array<i32>} : memref<8x128x64xf32, #tpu.memory_space<vmem>>, vector<1x1x16xf32>,
        %get3A_1913 = vector.shape_cast %get3A_1912 : vector<1x1x16xf32> to vector<16xf32>
        %mul3A_1914 = arith.constant 8.000000e+00 : f32
        %mul3A_1915 = vector.broadcast %mul3A_1914 : f32 to vector<16xf32>
        %mul3A_1916 = arith.mulf %get3A_1913, %mul3A_1915 : vector<16xf32>
        %swap3A = arith.constant 5 : i32
        %swap3A_1917 = arith.index_cast %swap3A : i32 to index
        %swap3A_1918 = arith.index_cast %add3A_1908 : i32 to index
        %swap3A_1919 = arith.constant 0 : index
        %swap3A_1920 = tpu.vector_load %arg6[%swap3A_1917, %swap3A_1918, %swap3A_1919] {strides = array<i32>} : memref<8x128x64xf32, #tpu.memory_space<vmem>>, vector<1x1x16xf32>,
        %swap3A_1921 = vector.shape_cast %swap3A_1920 : vector<1x1x16xf32> to vector<16xf32>
        %swap3A_1922 = vector.shape_cast %mul3A_1916 : vector<16xf32> to vector<1x1x16xf32>
        tpu.vector_store %arg6[%swap3A_1917, %swap3A_1918, %swap3A_1919], %swap3A_1922 {strides = array<i32>} : memref<8x128x64xf32, #tpu.memory_space<vmem>>, vector<1x1x16xf32>,
        %get3A_1923 = arith.constant 5 : i32
        %get3A_1924 = arith.index_cast %get3A_1923 : i32 to index
        %get3A_1925 = arith.index_cast %add3A_1908 : i32 to index
        %get3A_1926 = arith.constant 16 : index
        %get3A_1927 = tpu.vector_load %arg6[%get3A_1924, %get3A_1925, %get3A_1926] {strides = array<i32>} : memref<8x128x64xf32, #tpu.memory_space<vmem>>, vector<1x1x16xf32>,
        %get3A_1928 = vector.shape_cast %get3A_1927 : vector<1x1x16xf32> to vector<16xf32>
        %mul3A_1929 = arith.constant 8.000000e+00 : f32
        %mul3A_1930 = vector.broadcast %mul3A_1929 : f32 to vector<16xf32>
        %mul3A_1931 = arith.mulf %get3A_1928, %mul3A_1930 : vector<16xf32>
        %swap3A_1932 = arith.constant 5 : i32
        %swap3A_1933 = arith.index_cast %swap3A_1932 : i32 to index
        %swap3A_1934 = arith.index_cast %add3A_1908 : i32 to index
        %swap3A_1935 = arith.constant 16 : index
        %swap3A_1936 = tpu.vector_load %arg6[%swap3A_1933, %swap3A_1934, %swap3A_1935] {strides = array<i32>} : memref<8x128x64xf32, #tpu.memory_space<vmem>>, vector<1x1x16xf32>,
        %swap3A_1937 = vector.shape_cast %swap3A_1936 : vector<1x1x16xf32> to vector<16xf32>
        %swap3A_1938 = vector.shape_cast %mul3A_1931 : vector<16xf32> to vector<1x1x16xf32>
        tpu.vector_store %arg6[%swap3A_1933, %swap3A_1934, %swap3A_1935], %swap3A_1938 {strides = array<i32>} : memref<8x128x64xf32, #tpu.memory_space<vmem>>, vector<1x1x16xf32>,
        %get3A_1939 = arith.constant 5 : i32
        %get3A_1940 = arith.index_cast %get3A_1939 : i32 to index
        %get3A_1941 = arith.index_cast %add3A_1908 : i32 to index
        %get3A_1942 = arith.constant 32 : index
        %get3A_1943 = tpu.vector_load %arg6[%get3A_1940, %get3A_1941, %get3A_1942] {strides = array<i32>} : memref<8x128x64xf32, #tpu.memory_space<vmem>>, vector<1x1x16xf32>,
        %get3A_1944 = vector.shape_cast %get3A_1943 : vector<1x1x16xf32> to vector<16xf32>
        %mul3A_1945 = arith.constant 8.000000e+00 : f32
        %mul3A_1946 = vector.broadcast %mul3A_1945 : f32 to vector<16xf32>
        %mul3A_1947 = arith.mulf %get3A_1944, %mul3A_1946 : vector<16xf32>
        %swap3A_1948 = arith.constant 5 : i32
        %swap3A_1949 = arith.index_cast %swap3A_1948 : i32 to index
        %swap3A_1950 = arith.index_cast %add3A_1908 : i32 to index
        %swap3A_1951 = arith.constant 32 : index
        %swap3A_1952 = tpu.vector_load %arg6[%swap3A_1949, %swap3A_1950, %swap3A_1951] {strides = array<i32>} : memref<8x128x64xf32, #tpu.memory_space<vmem>>, vector<1x1x16xf32>,
        %swap3A_1953 = vector.shape_cast %swap3A_1952 : vector<1x1x16xf32> to vector<16xf32>
        %swap3A_1954 = vector.shape_cast %mul3A_1947 : vector<16xf32> to vector<1x1x16xf32>
        tpu.vector_store %arg6[%swap3A_1949, %swap3A_1950, %swap3A_1951], %swap3A_1954 {strides = array<i32>} : memref<8x128x64xf32, #tpu.memory_space<vmem>>, vector<1x1x16xf32>,
        %get3A_1955 = arith.constant 5 : i32
        %get3A_1956 = arith.index_cast %get3A_1955 : i32 to index
        %get3A_1957 = arith.index_cast %add3A_1908 : i32 to index
        %get3A_1958 = arith.constant 48 : index
        %get3A_1959 = tpu.vector_load %arg6[%get3A_1956, %get3A_1957, %get3A_1958] {strides = array<i32>} : memref<8x128x64xf32, #tpu.memory_space<vmem>>, vector<1x1x16xf32>,
        %get3A_1960 = vector.shape_cast %get3A_1959 : vector<1x1x16xf32> to vector<16xf32>
        %mul3A_1961 = arith.constant 8.000000e+00 : f32
        %mul3A_1962 = vector.broadcast %mul3A_1961 : f32 to vector<16xf32>
        %mul3A_1963 = arith.mulf %get3A_1960, %mul3A_1962 : vector<16xf32>
        %swap3A_1964 = arith.constant 5 : i32
        %swap3A_1965 = arith.index_cast %swap3A_1964 : i32 to index
        %swap3A_1966 = arith.index_cast %add3A_1908 : i32 to index
        %swap3A_1967 = arith.constant 48 : index
        %swap3A_1968 = tpu.vector_load %arg6[%swap3A_1965, %swap3A_1966, %swap3A_1967] {strides = array<i32>} : memref<8x128x64xf32, #tpu.memory_space<vmem>>, vector<1x1x16xf32>,
        %swap3A_1969 = vector.shape_cast %swap3A_1968 : vector<1x1x16xf32> to vector<16xf32>
        %swap3A_1970 = vector.shape_cast %mul3A_1963 : vector<16xf32> to vector<1x1x16xf32>
        tpu.vector_store %arg6[%swap3A_1965, %swap3A_1966, %swap3A_1967], %swap3A_1970 {strides = array<i32>} : memref<8x128x64xf32, #tpu.memory_space<vmem>>, vector<1x1x16xf32>,
        %scan3A_1971 = arith.constant 1 : i32
        %scan3A_1972 = arith.addi %scan3A_1904, %scan3A_1971 : i32
        %mul3A_1973 = arith.constant 1 : i32
        %mul3A_1974 = arith.muli %scan3A_1972, %mul3A_1973 : i32
        %add3A_1975 = arith.constant 0 : i32
        %add3A_1976 = arith.addi %add3A_1975, %mul3A_1974 : i32
        %get3A_1977 = arith.constant 5 : i32
        %get3A_1978 = arith.index_cast %get3A_1977 : i32 to index
        %get3A_1979 = arith.index_cast %add3A_1976 : i32 to index
        %get3A_1980 = arith.constant 0 : index
        %get3A_1981 = tpu.vector_load %arg6[%get3A_1978, %get3A_1979, %get3A_1980] {strides = array<i32>} : memref<8x128x64xf32, #tpu.memory_space<vmem>>, vector<1x1x16xf32>,
        %get3A_1982 = vector.shape_cast %get3A_1981 : vector<1x1x16xf32> to vector<16xf32>
        %mul3A_1983 = arith.constant 8.000000e+00 : f32
        %mul3A_1984 = vector.broadcast %mul3A_1983 : f32 to vector<16xf32>
        %mul3A_1985 = arith.mulf %get3A_1982, %mul3A_1984 : vector<16xf32>
        %swap3A_1986 = arith.constant 5 : i32
        %swap3A_1987 = arith.index_cast %swap3A_1986 : i32 to index
        %swap3A_1988 = arith.index_cast %add3A_1976 : i32 to index
        %swap3A_1989 = arith.constant 0 : index
        %swap3A_1990 = tpu.vector_load %arg6[%swap3A_1987, %swap3A_1988, %swap3A_1989] {strides = array<i32>} : memref<8x128x64xf32, #tpu.memory_space<vmem>>, vector<1x1x16xf32>,
        %swap3A_1991 = vector.shape_cast %swap3A_1990 : vector<1x1x16xf32> to vector<16xf32>
        %swap3A_1992 = vector.shape_cast %mul3A_1985 : vector<16xf32> to vector<1x1x16xf32>
        tpu.vector_store %arg6[%swap3A_1987, %swap3A_1988, %swap3A_1989], %swap3A_1992 {strides = array<i32>} : memref<8x128x64xf32, #tpu.memory_space<vmem>>, vector<1x1x16xf32>,
        %get3A_1993 = arith.constant 5 : i32
        %get3A_1994 = arith.index_cast %get3A_1993 : i32 to index
        %get3A_1995 = arith.index_cast %add3A_1976 : i32 to index
        %get3A_1996 = arith.constant 16 : index
        %get3A_1997 = tpu.vector_load %arg6[%get3A_1994, %get3A_1995, %get3A_1996] {strides = array<i32>} : memref<8x128x64xf32, #tpu.memory_space<vmem>>, vector<1x1x16xf32>,
        %get3A_1998 = vector.shape_cast %get3A_1997 : vector<1x1x16xf32> to vector<16xf32>
        %mul3A_1999 = arith.constant 8.000000e+00 : f32
        %mul3A_2000 = vector.broadcast %mul3A_1999 : f32 to vector<16xf32>
        %mul3A_2001 = arith.mulf %get3A_1998, %mul3A_2000 : vector<16xf32>
        %swap3A_2002 = arith.constant 5 : i32
        %swap3A_2003 = arith.index_cast %swap3A_2002 : i32 to index
        %swap3A_2004 = arith.index_cast %add3A_1976 : i32 to index
        %swap3A_2005 = arith.constant 16 : index
        %swap3A_2006 = tpu.vector_load %arg6[%swap3A_2003, %swap3A_2004, %swap3A_2005] {strides = array<i32>} : memref<8x128x64xf32, #tpu.memory_space<vmem>>, vector<1x1x16xf32>,
        %swap3A_2007 = vector.shape_cast %swap3A_2006 : vector<1x1x16xf32> to vector<16xf32>
        %swap3A_2008 = vector.shape_cast %mul3A_2001 : vector<16xf32> to vector<1x1x16xf32>
        tpu.vector_store %arg6[%swap3A_2003, %swap3A_2004, %swap3A_2005], %swap3A_2008 {strides = array<i32>} : memref<8x128x64xf32, #tpu.memory_space<vmem>>, vector<1x1x16xf32>,
        %get3A_2009 = arith.constant 5 : i32
        %get3A_2010 = arith.index_cast %get3A_2009 : i32 to index
        %get3A_2011 = arith.index_cast %add3A_1976 : i32 to index
        %get3A_2012 = arith.constant 32 : index
        %get3A_2013 = tpu.vector_load %arg6[%get3A_2010, %get3A_2011, %get3A_2012] {strides = array<i32>} : memref<8x128x64xf32, #tpu.memory_space<vmem>>, vector<1x1x16xf32>,
        %get3A_2014 = vector.shape_cast %get3A_2013 : vector<1x1x16xf32> to vector<16xf32>
        %mul3A_2015 = arith.constant 8.000000e+00 : f32
        %mul3A_2016 = vector.broadcast %mul3A_2015 : f32 to vector<16xf32>
        %mul3A_2017 = arith.mulf %get3A_2014, %mul3A_2016 : vector<16xf32>
        %swap3A_2018 = arith.constant 5 : i32
        %swap3A_2019 = arith.index_cast %swap3A_2018 : i32 to index
        %swap3A_2020 = arith.index_cast %add3A_1976 : i32 to index
        %swap3A_2021 = arith.constant 32 : index
        %swap3A_2022 = tpu.vector_load %arg6[%swap3A_2019, %swap3A_2020, %swap3A_2021] {strides = array<i32>} : memref<8x128x64xf32, #tpu.memory_space<vmem>>, vector<1x1x16xf32>,
        %swap3A_2023 = vector.shape_cast %swap3A_2022 : vector<1x1x16xf32> to vector<16xf32>
        %swap3A_2024 = vector.shape_cast %mul3A_2017 : vector<16xf32> to vector<1x1x16xf32>
        tpu.vector_store %arg6[%swap3A_2019, %swap3A_2020, %swap3A_2021], %swap3A_2024 {strides = array<i32>} : memref<8x128x64xf32, #tpu.memory_space<vmem>>, vector<1x1x16xf32>,
        %get3A_2025 = arith.constant 5 : i32
        %get3A_2026 = arith.index_cast %get3A_2025 : i32 to index
        %get3A_2027 = arith.index_cast %add3A_1976 : i32 to index
        %get3A_2028 = arith.constant 48 : index
        %get3A_2029 = tpu.vector_load %arg6[%get3A_2026, %get3A_2027, %get3A_2028] {strides = array<i32>} : memref<8x128x64xf32, #tpu.memory_space<vmem>>, vector<1x1x16xf32>,
        %get3A_2030 = vector.shape_cast %get3A_2029 : vector<1x1x16xf32> to vector<16xf32>
        %mul3A_2031 = arith.constant 8.000000e+00 : f32
        %mul3A_2032 = vector.broadcast %mul3A_2031 : f32 to vector<16xf32>
        %mul3A_2033 = arith.mulf %get3A_2030, %mul3A_2032 : vector<16xf32>
        %swap3A_2034 = arith.constant 5 : i32
        %swap3A_2035 = arith.index_cast %swap3A_2034 : i32 to index
        %swap3A_2036 = arith.index_cast %add3A_1976 : i32 to index
        %swap3A_2037 = arith.constant 48 : index
        %swap3A_2038 = tpu.vector_load %arg6[%swap3A_2035, %swap3A_2036, %swap3A_2037] {strides = array<i32>} : memref<8x128x64xf32, #tpu.memory_space<vmem>>, vector<1x1x16xf32>,
        %swap3A_2039 = vector.shape_cast %swap3A_2038 : vector<1x1x16xf32> to vector<16xf32>
        %swap3A_2040 = vector.shape_cast %mul3A_2033 : vector<16xf32> to vector<1x1x16xf32>
        tpu.vector_store %arg6[%swap3A_2035, %swap3A_2036, %swap3A_2037], %swap3A_2040 {strides = array<i32>} : memref<8x128x64xf32, #tpu.memory_space<vmem>>, vector<1x1x16xf32>,
        %scan3A_2041 = arith.constant 2 : i32
        %scan3A_2042 = arith.addi %scan3A_1904, %scan3A_2041 : i32
        %mul3A_2043 = arith.constant 1 : i32
        %mul3A_2044 = arith.muli %scan3A_2042, %mul3A_2043 : i32
        %add3A_2045 = arith.constant 0 : i32
        %add3A_2046 = arith.addi %add3A_2045, %mul3A_2044 : i32
        %get3A_2047 = arith.constant 5 : i32
        %get3A_2048 = arith.index_cast %get3A_2047 : i32 to index
        %get3A_2049 = arith.index_cast %add3A_2046 : i32 to index
        %get3A_2050 = arith.constant 0 : index
        %get3A_2051 = tpu.vector_load %arg6[%get3A_2048, %get3A_2049, %get3A_2050] {strides = array<i32>} : memref<8x128x64xf32, #tpu.memory_space<vmem>>, vector<1x1x16xf32>,
        %get3A_2052 = vector.shape_cast %get3A_2051 : vector<1x1x16xf32> to vector<16xf32>
        %mul3A_2053 = arith.constant 8.000000e+00 : f32
        %mul3A_2054 = vector.broadcast %mul3A_2053 : f32 to vector<16xf32>
        %mul3A_2055 = arith.mulf %get3A_2052, %mul3A_2054 : vector<16xf32>
        %swap3A_2056 = arith.constant 5 : i32
        %swap3A_2057 = arith.index_cast %swap3A_2056 : i32 to index
        %swap3A_2058 = arith.index_cast %add3A_2046 : i32 to index
        %swap3A_2059 = arith.constant 0 : index
        %swap3A_2060 = tpu.vector_load %arg6[%swap3A_2057, %swap3A_2058, %swap3A_2059] {strides = array<i32>} : memref<8x128x64xf32, #tpu.memory_space<vmem>>, vector<1x1x16xf32>,
        %swap3A_2061 = vector.shape_cast %swap3A_2060 : vector<1x1x16xf32> to vector<16xf32>
        %swap3A_2062 = vector.shape_cast %mul3A_2055 : vector<16xf32> to vector<1x1x16xf32>
        tpu.vector_store %arg6[%swap3A_2057, %swap3A_2058, %swap3A_2059], %swap3A_2062 {strides = array<i32>} : memref<8x128x64xf32, #tpu.memory_space<vmem>>, vector<1x1x16xf32>,
        %get3A_2063 = arith.constant 5 : i32
        %get3A_2064 = arith.index_cast %get3A_2063 : i32 to index
        %get3A_2065 = arith.index_cast %add3A_2046 : i32 to index
        %get3A_2066 = arith.constant 16 : index
        %get3A_2067 = tpu.vector_load %arg6[%get3A_2064, %get3A_2065, %get3A_2066] {strides = array<i32>} : memref<8x128x64xf32, #tpu.memory_space<vmem>>, vector<1x1x16xf32>,
        %get3A_2068 = vector.shape_cast %get3A_2067 : vector<1x1x16xf32> to vector<16xf32>
        %mul3A_2069 = arith.constant 8.000000e+00 : f32
        %mul3A_2070 = vector.broadcast %mul3A_2069 : f32 to vector<16xf32>
        %mul3A_2071 = arith.mulf %get3A_2068, %mul3A_2070 : vector<16xf32>
        %swap3A_2072 = arith.constant 5 : i32
        %swap3A_2073 = arith.index_cast %swap3A_2072 : i32 to index
        %swap3A_2074 = arith.index_cast %add3A_2046 : i32 to index
        %swap3A_2075 = arith.constant 16 : index
        %swap3A_2076 = tpu.vector_load %arg6[%swap3A_2073, %swap3A_2074, %swap3A_2075] {strides = array<i32>} : memref<8x128x64xf32, #tpu.memory_space<vmem>>, vector<1x1x16xf32>,
        %swap3A_2077 = vector.shape_cast %swap3A_2076 : vector<1x1x16xf32> to vector<16xf32>
        %swap3A_2078 = vector.shape_cast %mul3A_2071 : vector<16xf32> to vector<1x1x16xf32>
        tpu.vector_store %arg6[%swap3A_2073, %swap3A_2074, %swap3A_2075], %swap3A_2078 {strides = array<i32>} : memref<8x128x64xf32, #tpu.memory_space<vmem>>, vector<1x1x16xf32>,
        %get3A_2079 = arith.constant 5 : i32
        %get3A_2080 = arith.index_cast %get3A_2079 : i32 to index
        %get3A_2081 = arith.index_cast %add3A_2046 : i32 to index
        %get3A_2082 = arith.constant 32 : index
        %get3A_2083 = tpu.vector_load %arg6[%get3A_2080, %get3A_2081, %get3A_2082] {strides = array<i32>} : memref<8x128x64xf32, #tpu.memory_space<vmem>>, vector<1x1x16xf32>,
        %get3A_2084 = vector.shape_cast %get3A_2083 : vector<1x1x16xf32> to vector<16xf32>
        %mul3A_2085 = arith.constant 8.000000e+00 : f32
        %mul3A_2086 = vector.broadcast %mul3A_2085 : f32 to vector<16xf32>
        %mul3A_2087 = arith.mulf %get3A_2084, %mul3A_2086 : vector<16xf32>
        %swap3A_2088 = arith.constant 5 : i32
        %swap3A_2089 = arith.index_cast %swap3A_2088 : i32 to index
        %swap3A_2090 = arith.index_cast %add3A_2046 : i32 to index
        %swap3A_2091 = arith.constant 32 : index
        %swap3A_2092 = tpu.vector_load %arg6[%swap3A_2089, %swap3A_2090, %swap3A_2091] {strides = array<i32>} : memref<8x128x64xf32, #tpu.memory_space<vmem>>, vector<1x1x16xf32>,
        %swap3A_2093 = vector.shape_cast %swap3A_2092 : vector<1x1x16xf32> to vector<16xf32>
        %swap3A_2094 = vector.shape_cast %mul3A_2087 : vector<16xf32> to vector<1x1x16xf32>
        tpu.vector_store %arg6[%swap3A_2089, %swap3A_2090, %swap3A_2091], %swap3A_2094 {strides = array<i32>} : memref<8x128x64xf32, #tpu.memory_space<vmem>>, vector<1x1x16xf32>,
        %get3A_2095 = arith.constant 5 : i32
        %get3A_2096 = arith.index_cast %get3A_2095 : i32 to index
        %get3A_2097 = arith.index_cast %add3A_2046 : i32 to index
        %get3A_2098 = arith.constant 48 : index
        %get3A_2099 = tpu.vector_load %arg6[%get3A_2096, %get3A_2097, %get3A_2098] {strides = array<i32>} : memref<8x128x64xf32, #tpu.memory_space<vmem>>, vector<1x1x16xf32>,
        %get3A_2100 = vector.shape_cast %get3A_2099 : vector<1x1x16xf32> to vector<16xf32>
        %mul3A_2101 = arith.constant 8.000000e+00 : f32
        %mul3A_2102 = vector.broadcast %mul3A_2101 : f32 to vector<16xf32>
        %mul3A_2103 = arith.mulf %get3A_2100, %mul3A_2102 : vector<16xf32>
        %swap3A_2104 = arith.constant 5 : i32
        %swap3A_2105 = arith.index_cast %swap3A_2104 : i32 to index
        %swap3A_2106 = arith.index_cast %add3A_2046 : i32 to index
        %swap3A_2107 = arith.constant 48 : index
        %swap3A_2108 = tpu.vector_load %arg6[%swap3A_2105, %swap3A_2106, %swap3A_2107] {strides = array<i32>} : memref<8x128x64xf32, #tpu.memory_space<vmem>>, vector<1x1x16xf32>,
        %swap3A_2109 = vector.shape_cast %swap3A_2108 : vector<1x1x16xf32> to vector<16xf32>
        %swap3A_2110 = vector.shape_cast %mul3A_2103 : vector<16xf32> to vector<1x1x16xf32>
        tpu.vector_store %arg6[%swap3A_2105, %swap3A_2106, %swap3A_2107], %swap3A_2110 {strides = array<i32>} : memref<8x128x64xf32, #tpu.memory_space<vmem>>, vector<1x1x16xf32>,
        %scan3A_2111 = arith.constant 3 : i32
        %scan3A_2112 = arith.addi %scan3A_1904, %scan3A_2111 : i32
        %mul3A_2113 = arith.constant 1 : i32
        %mul3A_2114 = arith.muli %scan3A_2112, %mul3A_2113 : i32
        %add3A_2115 = arith.constant 0 : i32
        %add3A_2116 = arith.addi %add3A_2115, %mul3A_2114 : i32
        %get3A_2117 = arith.constant 5 : i32
        %get3A_2118 = arith.index_cast %get3A_2117 : i32 to index
        %get3A_2119 = arith.index_cast %add3A_2116 : i32 to index
        %get3A_2120 = arith.constant 0 : index
        %get3A_2121 = tpu.vector_load %arg6[%get3A_2118, %get3A_2119, %get3A_2120] {strides = array<i32>} : memref<8x128x64xf32, #tpu.memory_space<vmem>>, vector<1x1x16xf32>,
        %get3A_2122 = vector.shape_cast %get3A_2121 : vector<1x1x16xf32> to vector<16xf32>
        %mul3A_2123 = arith.constant 8.000000e+00 : f32
        %mul3A_2124 = vector.broadcast %mul3A_2123 : f32 to vector<16xf32>
        %mul3A_2125 = arith.mulf %get3A_2122, %mul3A_2124 : vector<16xf32>
        %swap3A_2126 = arith.constant 5 : i32
        %swap3A_2127 = arith.index_cast %swap3A_2126 : i32 to index
        %swap3A_2128 = arith.index_cast %add3A_2116 : i32 to index
        %swap3A_2129 = arith.constant 0 : index
        %swap3A_2130 = tpu.vector_load %arg6[%swap3A_2127, %swap3A_2128, %swap3A_2129] {strides = array<i32>} : memref<8x128x64xf32, #tpu.memory_space<vmem>>, vector<1x1x16xf32>,
        %swap3A_2131 = vector.shape_cast %swap3A_2130 : vector<1x1x16xf32> to vector<16xf32>
        %swap3A_2132 = vector.shape_cast %mul3A_2125 : vector<16xf32> to vector<1x1x16xf32>
        tpu.vector_store %arg6[%swap3A_2127, %swap3A_2128, %swap3A_2129], %swap3A_2132 {strides = array<i32>} : memref<8x128x64xf32, #tpu.memory_space<vmem>>, vector<1x1x16xf32>,
        %get3A_2133 = arith.constant 5 : i32
        %get3A_2134 = arith.index_cast %get3A_2133 : i32 to index
        %get3A_2135 = arith.index_cast %add3A_2116 : i32 to index
        %get3A_2136 = arith.constant 16 : index
        %get3A_2137 = tpu.vector_load %arg6[%get3A_2134, %get3A_2135, %get3A_2136] {strides = array<i32>} : memref<8x128x64xf32, #tpu.memory_space<vmem>>, vector<1x1x16xf32>,
        %get3A_2138 = vector.shape_cast %get3A_2137 : vector<1x1x16xf32> to vector<16xf32>
        %mul3A_2139 = arith.constant 8.000000e+00 : f32
        %mul3A_2140 = vector.broadcast %mul3A_2139 : f32 to vector<16xf32>
        %mul3A_2141 = arith.mulf %get3A_2138, %mul3A_2140 : vector<16xf32>
        %swap3A_2142 = arith.constant 5 : i32
        %swap3A_2143 = arith.index_cast %swap3A_2142 : i32 to index
        %swap3A_2144 = arith.index_cast %add3A_2116 : i32 to index
        %swap3A_2145 = arith.constant 16 : index
        %swap3A_2146 = tpu.vector_load %arg6[%swap3A_2143, %swap3A_2144, %swap3A_2145] {strides = array<i32>} : memref<8x128x64xf32, #tpu.memory_space<vmem>>, vector<1x1x16xf32>,
        %swap3A_2147 = vector.shape_cast %swap3A_2146 : vector<1x1x16xf32> to vector<16xf32>
        %swap3A_2148 = vector.shape_cast %mul3A_2141 : vector<16xf32> to vector<1x1x16xf32>
        tpu.vector_store %arg6[%swap3A_2143, %swap3A_2144, %swap3A_2145], %swap3A_2148 {strides = array<i32>} : memref<8x128x64xf32, #tpu.memory_space<vmem>>, vector<1x1x16xf32>,
        %get3A_2149 = arith.constant 5 : i32
        %get3A_2150 = arith.index_cast %get3A_2149 : i32 to index
        %get3A_2151 = arith.index_cast %add3A_2116 : i32 to index
        %get3A_2152 = arith.constant 32 : index
        %get3A_2153 = tpu.vector_load %arg6[%get3A_2150, %get3A_2151, %get3A_2152] {strides = array<i32>} : memref<8x128x64xf32, #tpu.memory_space<vmem>>, vector<1x1x16xf32>,
        %get3A_2154 = vector.shape_cast %get3A_2153 : vector<1x1x16xf32> to vector<16xf32>
        %mul3A_2155 = arith.constant 8.000000e+00 : f32
        %mul3A_2156 = vector.broadcast %mul3A_2155 : f32 to vector<16xf32>
        %mul3A_2157 = arith.mulf %get3A_2154, %mul3A_2156 : vector<16xf32>
        %swap3A_2158 = arith.constant 5 : i32
        %swap3A_2159 = arith.index_cast %swap3A_2158 : i32 to index
        %swap3A_2160 = arith.index_cast %add3A_2116 : i32 to index
        %swap3A_2161 = arith.constant 32 : index
        %swap3A_2162 = tpu.vector_load %arg6[%swap3A_2159, %swap3A_2160, %swap3A_2161] {strides = array<i32>} : memref<8x128x64xf32, #tpu.memory_space<vmem>>, vector<1x1x16xf32>,
        %swap3A_2163 = vector.shape_cast %swap3A_2162 : vector<1x1x16xf32> to vector<16xf32>
        %swap3A_2164 = vector.shape_cast %mul3A_2157 : vector<16xf32> to vector<1x1x16xf32>
        tpu.vector_store %arg6[%swap3A_2159, %swap3A_2160, %swap3A_2161], %swap3A_2164 {strides = array<i32>} : memref<8x128x64xf32, #tpu.memory_space<vmem>>, vector<1x1x16xf32>,
        %get3A_2165 = arith.constant 5 : i32
        %get3A_2166 = arith.index_cast %get3A_2165 : i32 to index
        %get3A_2167 = arith.index_cast %add3A_2116 : i32 to index
        %get3A_2168 = arith.constant 48 : index
        %get3A_2169 = tpu.vector_load %arg6[%get3A_2166, %get3A_2167, %get3A_2168] {strides = array<i32>} : memref<8x128x64xf32, #tpu.memory_space<vmem>>, vector<1x1x16xf32>,
        %get3A_2170 = vector.shape_cast %get3A_2169 : vector<1x1x16xf32> to vector<16xf32>
        %mul3A_2171 = arith.constant 8.000000e+00 : f32
        %mul3A_2172 = vector.broadcast %mul3A_2171 : f32 to vector<16xf32>
        %mul3A_2173 = arith.mulf %get3A_2170, %mul3A_2172 : vector<16xf32>
        %swap3A_2174 = arith.constant 5 : i32
        %swap3A_2175 = arith.index_cast %swap3A_2174 : i32 to index
        %swap3A_2176 = arith.index_cast %add3A_2116 : i32 to index
        %swap3A_2177 = arith.constant 48 : index
        %swap3A_2178 = tpu.vector_load %arg6[%swap3A_2175, %swap3A_2176, %swap3A_2177] {strides = array<i32>} : memref<8x128x64xf32, #tpu.memory_space<vmem>>, vector<1x1x16xf32>,
        %swap3A_2179 = vector.shape_cast %swap3A_2178 : vector<1x1x16xf32> to vector<16xf32>
        %swap3A_2180 = vector.shape_cast %mul3A_2173 : vector<16xf32> to vector<1x1x16xf32>
        tpu.vector_store %arg6[%swap3A_2175, %swap3A_2176, %swap3A_2177], %swap3A_2180 {strides = array<i32>} : memref<8x128x64xf32, #tpu.memory_space<vmem>>, vector<1x1x16xf32>,
      }
      %scan3A_1537 = arith.constant 128 : i32
      %mul3A_1538 = arith.constant 200 : i32
      %mul3A_1539 = arith.muli %add3A, %mul3A_1538 : i32
      %add3A_1540 = arith.addi %mul3A_1539, %add3A_1521 : i32
      %jit3A_1541 = arith.constant 8 : i32
      %div3A_1542 = arith.divsi %add3A_1540, %jit3A_1541 : i32
      %sign3A_1543 = arith.constant 0 : i32
      %sign3A_1544 = arith.cmpi sgt, %add3A_1540, %sign3A_1543 : i32
      %sign3A_1545 = arith.extui %sign3A_1544 : i1 to i32
      %sign3A_1546 = arith.constant 0 : i32
      %sign3A_1547 = arith.cmpi slt, %add3A_1540, %sign3A_1546 : i32
      %sign3A_1548 = arith.extui %sign3A_1547 : i1 to i32
      %sign3A_1549 = arith.subi %sign3A_1545, %sign3A_1548 : i32
      %sign3A_1550 = arith.constant 0 : i32
      %sign3A_1551 = arith.cmpi sgt, %jit3A_1541, %sign3A_1550 : i32
      %sign3A_1552 = arith.extui %sign3A_1551 : i1 to i32
      %sign3A_1553 = arith.constant 0 : i32
      %sign3A_1554 = arith.cmpi slt, %jit3A_1541, %sign3A_1553 : i32
      %sign3A_1555 = arith.extui %sign3A_1554 : i1 to i32
      %sign3A_1556 = arith.subi %sign3A_1552, %sign3A_1555 : i32
      %ne3A_1557 = arith.cmpi ne, %sign3A_1549, %sign3A_1556 : i32
      %rem3A_1558 = arith.remsi %add3A_1540, %jit3A_1541 : i32
      %ne3A_1559 = arith.constant 0 : i32
      %ne3A_1560 = arith.cmpi ne, %rem3A_1558, %ne3A_1559 : i32
      %and3A_1561 = arith.andi %ne3A_1557, %ne3A_1560 : i1
      %sub3A_1562 = arith.constant 1 : i32
      %sub3A_1563 = arith.subi %div3A_1542, %sub3A_1562 : i32
      %select_n3A_1564 = arith.select %and3A_1561, %sub3A_1563, %div3A_1542 : i32
      %jit3A_1565 = arith.constant 8 : i32
      %eq3A_1566 = arith.constant 0 : i32
      %eq3A_1567 = arith.cmpi eq, %jit3A_1565, %eq3A_1566 : i32
      %jit3A_1568 = arith.constant 1 : i32
      %select_n3A_1569 = arith.select %eq3A_1567, %jit3A_1568, %jit3A_1565 : i32
      %rem3A_1570 = arith.remsi %add3A_1540, %select_n3A_1569 : i32
      %ne3A_1571 = arith.constant 0 : i32
      %ne3A_1572 = arith.cmpi ne, %rem3A_1570, %ne3A_1571 : i32
      %lt3A_1573 = arith.constant 0 : i32
      %lt3A_1574 = arith.cmpi slt, %rem3A_1570, %lt3A_1573 : i32
      %lt3A_1575 = arith.constant 0 : i32
      %lt3A_1576 = arith.cmpi slt, %select_n3A_1569, %lt3A_1575 : i32
      %ne3A_1577 = arith.xori %lt3A_1574, %lt3A_1576 : i1
      %and3A_1578 = arith.andi %ne3A_1577, %ne3A_1572 : i1
      %add3A_1579 = arith.addi %rem3A_1570, %select_n3A_1569 : i32
      %select_n3A_1580 = arith.select %and3A_1578, %add3A_1579, %rem3A_1570 : i32
      %jit3A_1581 = arith.constant 32 : i32
      %div3A_1582 = arith.divsi %select_n3A_1564, %jit3A_1581 : i32
      %sign3A_1583 = arith.constant 0 : i32
      %sign3A_1584 = arith.cmpi sgt, %select_n3A_1564, %sign3A_1583 : i32
      %sign3A_1585 = arith.extui %sign3A_1584 : i1 to i32
      %sign3A_1586 = arith.constant 0 : i32
      %sign3A_1587 = arith.cmpi slt, %select_n3A_1564, %sign3A_1586 : i32
      %sign3A_1588 = arith.extui %sign3A_1587 : i1 to i32
      %sign3A_1589 = arith.subi %sign3A_1585, %sign3A_1588 : i32
      %sign3A_1590 = arith.constant 0 : i32
      %sign3A_1591 = arith.cmpi sgt, %jit3A_1581, %sign3A_1590 : i32
      %sign3A_1592 = arith.extui %sign3A_1591 : i1 to i32
      %sign3A_1593 = arith.constant 0 : i32
      %sign3A_1594 = arith.cmpi slt, %jit3A_1581, %sign3A_1593 : i32
      %sign3A_1595 = arith.extui %sign3A_1594 : i1 to i32
      %sign3A_1596 = arith.subi %sign3A_1592, %sign3A_1595 : i32
      %ne3A_1597 = arith.cmpi ne, %sign3A_1589, %sign3A_1596 : i32
      %rem3A_1598 = arith.remsi %select_n3A_1564, %jit3A_1581 : i32
      %ne3A_1599 = arith.constant 0 : i32
      %ne3A_1600 = arith.cmpi ne, %rem3A_1598, %ne3A_1599 : i32
      %and3A_1601 = arith.andi %ne3A_1597, %ne3A_1600 : i1
      %sub3A_1602 = arith.constant 1 : i32
      %sub3A_1603 = arith.subi %div3A_1582, %sub3A_1602 : i32
      %select_n3A_1604 = arith.select %and3A_1601, %sub3A_1603, %div3A_1582 : i32
      %jit3A_1605 = arith.constant 32 : i32
      %eq3A_1606 = arith.constant 0 : i32
      %eq3A_1607 = arith.cmpi eq, %jit3A_1605, %eq3A_1606 : i32
      %jit3A_1608 = arith.constant 1 : i32
      %select_n3A_1609 = arith.select %eq3A_1607, %jit3A_1608, %jit3A_1605 : i32
      %rem3A_1610 = arith.remsi %select_n3A_1564, %select_n3A_1609 : i32
      %ne3A_1611 = arith.constant 0 : i32
      %ne3A_1612 = arith.cmpi ne, %rem3A_1610, %ne3A_1611 : i32
      %lt3A_1613 = arith.constant 0 : i32
      %lt3A_1614 = arith.cmpi slt, %rem3A_1610, %lt3A_1613 : i32
      %lt3A_1615 = arith.constant 0 : i32
      %lt3A_1616 = arith.cmpi slt, %select_n3A_1609, %lt3A_1615 : i32
      %ne3A_1617 = arith.xori %lt3A_1614, %lt3A_1616 : i1
      %and3A_1618 = arith.andi %ne3A_1617, %ne3A_1612 : i1
      %add3A_1619 = arith.addi %rem3A_1610, %select_n3A_1609 : i32
      %select_n3A_1620 = arith.select %and3A_1618, %add3A_1619, %rem3A_1610 : i32
      %mul3A_1621 = arith.constant 8 : i32
      %mul3A_1622 = arith.muli %select_n3A_1604, %mul3A_1621 : i32
      %add3A_1623 = arith.addi %mul3A_1622, %select_n3A_1580 : i32
      %mul3A_1624 = arith.constant 128 : i32
      %mul3A_1625 = arith.muli %select_n3A_1620, %mul3A_1624 : i32
      %dma_start3A_1626 = arith.constant 5 : i32
      %dma_start3A_1627 = arith.constant 0 : i32
      %dma_start3A_1628 = arith.constant 0 : i32
      %dma_start3A_1629 = tpu.memref_slice %arg6[%dma_start3A_1626, %dma_start3A_1627, %dma_start3A_1628] : memref<8x128x64xf32, #tpu.memory_space<vmem>> -> memref<1x128x64xf32, #tpu.memory_space<vmem>>
      %dma_start3A_1630 = tpu.memref_squeeze %dma_start3A_1629 : memref<1x128x64xf32, #tpu.memory_space<vmem>> -> memref<128x64xf32, #tpu.memory_space<vmem>>
      %dma_start3A_1631 = arith.constant 0 : i32
      %dma_start3A_1632 = tpu.memref_slice %arg4[%mul3A_1625, %add3A_1623, %dma_start3A_1631] : memref<4096x200x128xf32, #tpu.memory_space<hbm>> -> memref<128x1x64xf32, #tpu.memory_space<hbm>>
      %dma_start3A_1633 = tpu.memref_squeeze %dma_start3A_1632 : memref<128x1x64xf32, #tpu.memory_space<hbm>> -> memref<128x64xf32, #tpu.memory_space<hbm>>
      %dma_start3A_1634 = arith.constant 0 : i32
      %dma_start3A_1635 = tpu.memref_slice %arg4[%mul3A_1625, %add3A_1623, %dma_start3A_1634] : memref<4096x200x128xf32, #tpu.memory_space<hbm>> -> memref<128x1x64xf32, #tpu.memory_space<hbm>>
      %dma_start3A_1636 = tpu.memref_squeeze %dma_start3A_1635 : memref<128x1x64xf32, #tpu.memory_space<hbm>> -> memref<128x64xf32, #tpu.memory_space<hbm>>
      %dma_start3A_1637 = arith.constant 0 : i32
      %dma_start3A_1638 = arith.constant 0 : i32
      %dma_start3A_1639 = tpu.memref_slice %arg6[%dma_start3A_1626, %dma_start3A_1637, %dma_start3A_1638] : memref<8x128x64xf32, #tpu.memory_space<vmem>> -> memref<1x128x64xf32, #tpu.memory_space<vmem>>
      %dma_start3A_1640 = tpu.memref_squeeze %dma_start3A_1639 : memref<1x128x64xf32, #tpu.memory_space<vmem>> -> memref<128x64xf32, #tpu.memory_space<vmem>>
      tpu.enqueue_dma source(%dma_start3A_1640 : memref<128x64xf32, #tpu.memory_space<vmem>>) target(%dma_start3A_1636 : memref<128x64xf32, #tpu.memory_space<hbm>>) target_semaphore(%arg20 : memref<!tpu.dma_semaphore, #tpu.memory_space<semaphore_mem>>)
      %add3A_1641 = arith.constant 4 : i32
      %add3A_1642 = arith.addi %add3A_1521, %add3A_1641 : i32
      %lt3A_1643 = arith.constant 200 : i32
      %lt3A_1644 = arith.cmpi slt, %add3A_1642, %lt3A_1643 : i32
      %convert_element_type3A_1645 = arith.extui %lt3A_1644 : i1 to i32
      %cond3A_1646 = arith.constant 0 : i32
      %cond3A_1647 = arith.cmpi ne, %convert_element_type3A_1645, %cond3A_1646 : i32
      scf.if %cond3A_1647 {
        %ge3A = arith.constant 8 : i32
        %ge3A_1904 = arith.cmpi sge, %add3A_1642, %ge3A : i32
        %convert_element_type3A_1905 = arith.extui %ge3A_1904 : i1 to i32
        %cond3A_1906 = arith.constant 0 : i32
        %cond3A_1907 = arith.cmpi ne, %convert_element_type3A_1905, %cond3A_1906 : i32
        scf.if %cond3A_1907 {
          %sub3A_1919 = arith.constant 8 : i32
          %sub3A_1920 = arith.subi %add3A_1642, %sub3A_1919 : i32
          %mul3A_1921 = arith.constant 200 : i32
          %mul3A_1922 = arith.muli %add3A, %mul3A_1921 : i32
          %add3A_1923 = arith.addi %mul3A_1922, %sub3A_1920 : i32
          %jit3A_1924 = arith.constant 8 : i32
          %div3A_1925 = arith.divsi %add3A_1923, %jit3A_1924 : i32
          %sign3A_1926 = arith.constant 0 : i32
          %sign3A_1927 = arith.cmpi sgt, %add3A_1923, %sign3A_1926 : i32
          %sign3A_1928 = arith.extui %sign3A_1927 : i1 to i32
          %sign3A_1929 = arith.constant 0 : i32
          %sign3A_1930 = arith.cmpi slt, %add3A_1923, %sign3A_1929 : i32
          %sign3A_1931 = arith.extui %sign3A_1930 : i1 to i32
          %sign3A_1932 = arith.subi %sign3A_1928, %sign3A_1931 : i32
          %sign3A_1933 = arith.constant 0 : i32
          %sign3A_1934 = arith.cmpi sgt, %jit3A_1924, %sign3A_1933 : i32
          %sign3A_1935 = arith.extui %sign3A_1934 : i1 to i32
          %sign3A_1936 = arith.constant 0 : i32
          %sign3A_1937 = arith.cmpi slt, %jit3A_1924, %sign3A_1936 : i32
          %sign3A_1938 = arith.extui %sign3A_1937 : i1 to i32
          %sign3A_1939 = arith.subi %sign3A_1935, %sign3A_1938 : i32
          %ne3A_1940 = arith.cmpi ne, %sign3A_1932, %sign3A_1939 : i32
          %rem3A_1941 = arith.remsi %add3A_1923, %jit3A_1924 : i32
          %ne3A_1942 = arith.constant 0 : i32
          %ne3A_1943 = arith.cmpi ne, %rem3A_1941, %ne3A_1942 : i32
          %and3A_1944 = arith.andi %ne3A_1940, %ne3A_1943 : i1
          %sub3A_1945 = arith.constant 1 : i32
          %sub3A_1946 = arith.subi %div3A_1925, %sub3A_1945 : i32
          %select_n3A_1947 = arith.select %and3A_1944, %sub3A_1946, %div3A_1925 : i32
          %jit3A_1948 = arith.constant 8 : i32
          %eq3A_1949 = arith.constant 0 : i32
          %eq3A_1950 = arith.cmpi eq, %jit3A_1948, %eq3A_1949 : i32
          %jit3A_1951 = arith.constant 1 : i32
          %select_n3A_1952 = arith.select %eq3A_1950, %jit3A_1951, %jit3A_1948 : i32
          %rem3A_1953 = arith.remsi %add3A_1923, %select_n3A_1952 : i32
          %ne3A_1954 = arith.constant 0 : i32
          %ne3A_1955 = arith.cmpi ne, %rem3A_1953, %ne3A_1954 : i32
          %lt3A_1956 = arith.constant 0 : i32
          %lt3A_1957 = arith.cmpi slt, %rem3A_1953, %lt3A_1956 : i32
          %lt3A_1958 = arith.constant 0 : i32
          %lt3A_1959 = arith.cmpi slt, %select_n3A_1952, %lt3A_1958 : i32
          %ne3A_1960 = arith.xori %lt3A_1957, %lt3A_1959 : i1
          %and3A_1961 = arith.andi %ne3A_1960, %ne3A_1955 : i1
          %add3A_1962 = arith.addi %rem3A_1953, %select_n3A_1952 : i32
          %select_n3A_1963 = arith.select %and3A_1961, %add3A_1962, %rem3A_1953 : i32
          %jit3A_1964 = arith.constant 32 : i32
          %div3A_1965 = arith.divsi %select_n3A_1947, %jit3A_1964 : i32
          %sign3A_1966 = arith.constant 0 : i32
          %sign3A_1967 = arith.cmpi sgt, %select_n3A_1947, %sign3A_1966 : i32
          %sign3A_1968 = arith.extui %sign3A_1967 : i1 to i32
          %sign3A_1969 = arith.constant 0 : i32
          %sign3A_1970 = arith.cmpi slt, %select_n3A_1947, %sign3A_1969 : i32
          %sign3A_1971 = arith.extui %sign3A_1970 : i1 to i32
          %sign3A_1972 = arith.subi %sign3A_1968, %sign3A_1971 : i32
          %sign3A_1973 = arith.constant 0 : i32
          %sign3A_1974 = arith.cmpi sgt, %jit3A_1964, %sign3A_1973 : i32
          %sign3A_1975 = arith.extui %sign3A_1974 : i1 to i32
          %sign3A_1976 = arith.constant 0 : i32
          %sign3A_1977 = arith.cmpi slt, %jit3A_1964, %sign3A_1976 : i32
          %sign3A_1978 = arith.extui %sign3A_1977 : i1 to i32
          %sign3A_1979 = arith.subi %sign3A_1975, %sign3A_1978 : i32
          %ne3A_1980 = arith.cmpi ne, %sign3A_1972, %sign3A_1979 : i32
          %rem3A_1981 = arith.remsi %select_n3A_1947, %jit3A_1964 : i32
          %ne3A_1982 = arith.constant 0 : i32
          %ne3A_1983 = arith.cmpi ne, %rem3A_1981, %ne3A_1982 : i32
          %and3A_1984 = arith.andi %ne3A_1980, %ne3A_1983 : i1
          %sub3A_1985 = arith.constant 1 : i32
          %sub3A_1986 = arith.subi %div3A_1965, %sub3A_1985 : i32
          %select_n3A_1987 = arith.select %and3A_1984, %sub3A_1986, %div3A_1965 : i32
          %jit3A_1988 = arith.constant 32 : i32
          %eq3A_1989 = arith.constant 0 : i32
          %eq3A_1990 = arith.cmpi eq, %jit3A_1988, %eq3A_1989 : i32
          %jit3A_1991 = arith.constant 1 : i32
          %select_n3A_1992 = arith.select %eq3A_1990, %jit3A_1991, %jit3A_1988 : i32
          %rem3A_1993 = arith.remsi %select_n3A_1947, %select_n3A_1992 : i32
          %ne3A_1994 = arith.constant 0 : i32
          %ne3A_1995 = arith.cmpi ne, %rem3A_1993, %ne3A_1994 : i32
          %lt3A_1996 = arith.constant 0 : i32
          %lt3A_1997 = arith.cmpi slt, %rem3A_1993, %lt3A_1996 : i32
          %lt3A_1998 = arith.constant 0 : i32
          %lt3A_1999 = arith.cmpi slt, %select_n3A_1992, %lt3A_1998 : i32
          %ne3A_2000 = arith.xori %lt3A_1997, %lt3A_1999 : i1
          %and3A_2001 = arith.andi %ne3A_2000, %ne3A_1995 : i1
          %add3A_2002 = arith.addi %rem3A_1993, %select_n3A_1992 : i32
          %select_n3A_2003 = arith.select %and3A_2001, %add3A_2002, %rem3A_1993 : i32
          %mul3A_2004 = arith.constant 8 : i32
          %mul3A_2005 = arith.muli %select_n3A_1987, %mul3A_2004 : i32
          %add3A_2006 = arith.addi %mul3A_2005, %select_n3A_1963 : i32
          %mul3A_2007 = arith.constant 128 : i32
          %mul3A_2008 = arith.muli %select_n3A_2003, %mul3A_2007 : i32
          %dma_wait3A_2009 = arith.constant 1 : i32
          %dma_wait3A_2010 = arith.constant 0 : i32
          %dma_wait3A_2011 = arith.constant 0 : i32
          %dma_wait3A_2012 = tpu.memref_slice %arg6[%dma_wait3A_2009, %dma_wait3A_2010, %dma_wait3A_2011] : memref<8x128x64xf32, #tpu.memory_space<vmem>> -> memref<1x128x64xf32, #tpu.memory_space<vmem>>
          %dma_wait3A_2013 = tpu.memref_squeeze %dma_wait3A_2012 : memref<1x128x64xf32, #tpu.memory_space<vmem>> -> memref<128x64xf32, #tpu.memory_space<vmem>>
          %dma_wait3A_2014 = arith.constant 0 : i32
          %dma_wait3A_2015 = tpu.memref_slice %arg4[%mul3A_2008, %add3A_2006, %dma_wait3A_2014] : memref<4096x200x128xf32, #tpu.memory_space<hbm>> -> memref<128x1x64xf32, #tpu.memory_space<hbm>>
          %dma_wait3A_2016 = tpu.memref_squeeze %dma_wait3A_2015 : memref<128x1x64xf32, #tpu.memory_space<hbm>> -> memref<128x64xf32, #tpu.memory_space<hbm>>
          %dma_wait3A_2017 = arith.constant 0 : i32
          %dma_wait3A_2018 = tpu.memref_slice %arg4[%mul3A_2008, %add3A_2006, %dma_wait3A_2017] : memref<4096x200x128xf32, #tpu.memory_space<hbm>> -> memref<128x1x64xf32, #tpu.memory_space<hbm>>
          %dma_wait3A_2019 = tpu.memref_squeeze %dma_wait3A_2018 : memref<128x1x64xf32, #tpu.memory_space<hbm>> -> memref<128x64xf32, #tpu.memory_space<hbm>>
          %dma_wait3A_2020 = arith.constant 0 : i32
          %dma_wait3A_2021 = arith.constant 0 : i32
          %dma_wait3A_2022 = tpu.memref_slice %arg6[%dma_wait3A_2009, %dma_wait3A_2020, %dma_wait3A_2021] : memref<8x128x64xf32, #tpu.memory_space<vmem>> -> memref<1x128x64xf32, #tpu.memory_space<vmem>>
          %dma_wait3A_2023 = tpu.memref_squeeze %dma_wait3A_2022 : memref<1x128x64xf32, #tpu.memory_space<vmem>> -> memref<128x64xf32, #tpu.memory_space<vmem>>
          tpu.wait_dma2 semaphore(%arg16 : memref<!tpu.dma_semaphore, #tpu.memory_space<semaphore_mem>>) src(%dma_wait3A_2023 : memref<128x64xf32, #tpu.memory_space<vmem>>) dst(%dma_wait3A_2019 : memref<128x64xf32, #tpu.memory_space<hbm>>)
        } else {
        }
        %dma_start3A_1908 = arith.constant 1 : i32
        %dma_start3A_1909 = arith.constant 0 : i32
        %dma_start3A_1910 = arith.constant 0 : i32
        %dma_start3A_1911 = tpu.memref_slice %arg6[%dma_start3A_1908, %dma_start3A_1909, %dma_start3A_1910] : memref<8x128x64xf32, #tpu.memory_space<vmem>> -> memref<1x128x64xf32, #tpu.memory_space<vmem>>
        %dma_start3A_1912 = tpu.memref_squeeze %dma_start3A_1911 : memref<1x128x64xf32, #tpu.memory_space<vmem>> -> memref<128x64xf32, #tpu.memory_space<vmem>>
        %dma_start3A_1913 = arith.constant 0 : i32
        %dma_start3A_1914 = tpu.memref_slice %arg5[%add3A_1642, %dma_start3A_1913] : memref<200x128xi32, #tpu.memory_space<vmem>> -> memref<1x128xi32, #tpu.memory_space<vmem>>
        %dma_start3A_1915 = tpu.memref_squeeze %dma_start3A_1914 : memref<1x128xi32, #tpu.memory_space<vmem>> -> memref<128xi32, #tpu.memory_space<vmem>>
        %dma_start3A_1916 = arith.constant 0 : i32
        %dma_start3A_1917 = arith.constant 0 : i32
        %dma_start3A_1918 = tpu.memref_slice %arg3[%dma_start3A_1916, %dma_start3A_1917] : memref<1000000x64xf32, #tpu.memory_space<hbm>> -> memref<1000000x64xf32, #tpu.memory_space<hbm>>
        tpu.enqueue_indirect_dma source(%dma_start3A_1918 : memref<1000000x64xf32, #tpu.memory_space<hbm>>) target(%dma_start3A_1912 : memref<128x64xf32, #tpu.memory_space<vmem>>) offsets(%dma_start3A_1915 : memref<128xi32, #tpu.memory_space<vmem>>) semaphore(%arg8 : memref<!tpu.dma_semaphore, #tpu.memory_space<semaphore_mem>>)
      } else {
      }
      %add3A_1648 = arith.constant 6 : i32
      %add3A_1649 = arith.addi %add3A_881, %add3A_1648 : i32
      %dma_wait3A_1650 = arith.constant 6 : i32
      %dma_wait3A_1651 = arith.constant 0 : i32
      %dma_wait3A_1652 = arith.constant 0 : i32
      %dma_wait3A_1653 = tpu.memref_slice %arg6[%dma_wait3A_1650, %dma_wait3A_1651, %dma_wait3A_1652] : memref<8x128x64xf32, #tpu.memory_space<vmem>> -> memref<1x128x64xf32, #tpu.memory_space<vmem>>
      %dma_wait3A_1654 = tpu.memref_squeeze %dma_wait3A_1653 : memref<1x128x64xf32, #tpu.memory_space<vmem>> -> memref<128x64xf32, #tpu.memory_space<vmem>>
      %dma_wait3A_1655 = arith.constant 0 : i32
      %dma_wait3A_1656 = tpu.memref_slice %arg5[%add3A_1649, %dma_wait3A_1655] : memref<200x128xi32, #tpu.memory_space<vmem>> -> memref<1x128xi32, #tpu.memory_space<vmem>>
      %dma_wait3A_1657 = tpu.memref_squeeze %dma_wait3A_1656 : memref<1x128xi32, #tpu.memory_space<vmem>> -> memref<128xi32, #tpu.memory_space<vmem>>
      %dma_wait3A_1658 = arith.constant 0 : i32
      %dma_wait3A_1659 = arith.constant 0 : i32
      %dma_wait3A_1660 = tpu.memref_slice %arg3[%dma_wait3A_1658, %dma_wait3A_1659] : memref<1000000x64xf32, #tpu.memory_space<hbm>> -> memref<1000000x64xf32, #tpu.memory_space<hbm>>
      tpu.wait_indirect_dma semaphore(%arg13 : memref<!tpu.dma_semaphore, #tpu.memory_space<semaphore_mem>>) src(%dma_wait3A_1660 : memref<1000000x64xf32, #tpu.memory_space<hbm>>) dst(%dma_wait3A_1654 : memref<128x64xf32, #tpu.memory_space<vmem>>)
      %scan3A_1661 = arith.constant 0 : i32
      %scan3A_1662 = arith.constant 128 : i32
      %scan3A_1663 = arith.addi %scan3A_1661, %scan3A_1662 : i32
      %scan3A_1664 = arith.constant 4 : i32
      scf.for %scan3A_1904 = %scan3A_1661 to %scan3A_1663 step %scan3A_1664  : i32 {
        %mul3A_1905 = arith.constant 1 : i32
        %mul3A_1906 = arith.muli %scan3A_1904, %mul3A_1905 : i32
        %add3A_1907 = arith.constant 0 : i32
        %add3A_1908 = arith.addi %add3A_1907, %mul3A_1906 : i32
        %get3A = arith.constant 6 : i32
        %get3A_1909 = arith.index_cast %get3A : i32 to index
        %get3A_1910 = arith.index_cast %add3A_1908 : i32 to index
        %get3A_1911 = arith.constant 0 : index
        %get3A_1912 = tpu.vector_load %arg6[%get3A_1909, %get3A_1910, %get3A_1911] {strides = array<i32>} : memref<8x128x64xf32, #tpu.memory_space<vmem>>, vector<1x1x16xf32>,
        %get3A_1913 = vector.shape_cast %get3A_1912 : vector<1x1x16xf32> to vector<16xf32>
        %mul3A_1914 = arith.constant 8.000000e+00 : f32
        %mul3A_1915 = vector.broadcast %mul3A_1914 : f32 to vector<16xf32>
        %mul3A_1916 = arith.mulf %get3A_1913, %mul3A_1915 : vector<16xf32>
        %swap3A = arith.constant 6 : i32
        %swap3A_1917 = arith.index_cast %swap3A : i32 to index
        %swap3A_1918 = arith.index_cast %add3A_1908 : i32 to index
        %swap3A_1919 = arith.constant 0 : index
        %swap3A_1920 = tpu.vector_load %arg6[%swap3A_1917, %swap3A_1918, %swap3A_1919] {strides = array<i32>} : memref<8x128x64xf32, #tpu.memory_space<vmem>>, vector<1x1x16xf32>,
        %swap3A_1921 = vector.shape_cast %swap3A_1920 : vector<1x1x16xf32> to vector<16xf32>
        %swap3A_1922 = vector.shape_cast %mul3A_1916 : vector<16xf32> to vector<1x1x16xf32>
        tpu.vector_store %arg6[%swap3A_1917, %swap3A_1918, %swap3A_1919], %swap3A_1922 {strides = array<i32>} : memref<8x128x64xf32, #tpu.memory_space<vmem>>, vector<1x1x16xf32>,
        %get3A_1923 = arith.constant 6 : i32
        %get3A_1924 = arith.index_cast %get3A_1923 : i32 to index
        %get3A_1925 = arith.index_cast %add3A_1908 : i32 to index
        %get3A_1926 = arith.constant 16 : index
        %get3A_1927 = tpu.vector_load %arg6[%get3A_1924, %get3A_1925, %get3A_1926] {strides = array<i32>} : memref<8x128x64xf32, #tpu.memory_space<vmem>>, vector<1x1x16xf32>,
        %get3A_1928 = vector.shape_cast %get3A_1927 : vector<1x1x16xf32> to vector<16xf32>
        %mul3A_1929 = arith.constant 8.000000e+00 : f32
        %mul3A_1930 = vector.broadcast %mul3A_1929 : f32 to vector<16xf32>
        %mul3A_1931 = arith.mulf %get3A_1928, %mul3A_1930 : vector<16xf32>
        %swap3A_1932 = arith.constant 6 : i32
        %swap3A_1933 = arith.index_cast %swap3A_1932 : i32 to index
        %swap3A_1934 = arith.index_cast %add3A_1908 : i32 to index
        %swap3A_1935 = arith.constant 16 : index
        %swap3A_1936 = tpu.vector_load %arg6[%swap3A_1933, %swap3A_1934, %swap3A_1935] {strides = array<i32>} : memref<8x128x64xf32, #tpu.memory_space<vmem>>, vector<1x1x16xf32>,
        %swap3A_1937 = vector.shape_cast %swap3A_1936 : vector<1x1x16xf32> to vector<16xf32>
        %swap3A_1938 = vector.shape_cast %mul3A_1931 : vector<16xf32> to vector<1x1x16xf32>
        tpu.vector_store %arg6[%swap3A_1933, %swap3A_1934, %swap3A_1935], %swap3A_1938 {strides = array<i32>} : memref<8x128x64xf32, #tpu.memory_space<vmem>>, vector<1x1x16xf32>,
        %get3A_1939 = arith.constant 6 : i32
        %get3A_1940 = arith.index_cast %get3A_1939 : i32 to index
        %get3A_1941 = arith.index_cast %add3A_1908 : i32 to index
        %get3A_1942 = arith.constant 32 : index
        %get3A_1943 = tpu.vector_load %arg6[%get3A_1940, %get3A_1941, %get3A_1942] {strides = array<i32>} : memref<8x128x64xf32, #tpu.memory_space<vmem>>, vector<1x1x16xf32>,
        %get3A_1944 = vector.shape_cast %get3A_1943 : vector<1x1x16xf32> to vector<16xf32>
        %mul3A_1945 = arith.constant 8.000000e+00 : f32
        %mul3A_1946 = vector.broadcast %mul3A_1945 : f32 to vector<16xf32>
        %mul3A_1947 = arith.mulf %get3A_1944, %mul3A_1946 : vector<16xf32>
        %swap3A_1948 = arith.constant 6 : i32
        %swap3A_1949 = arith.index_cast %swap3A_1948 : i32 to index
        %swap3A_1950 = arith.index_cast %add3A_1908 : i32 to index
        %swap3A_1951 = arith.constant 32 : index
        %swap3A_1952 = tpu.vector_load %arg6[%swap3A_1949, %swap3A_1950, %swap3A_1951] {strides = array<i32>} : memref<8x128x64xf32, #tpu.memory_space<vmem>>, vector<1x1x16xf32>,
        %swap3A_1953 = vector.shape_cast %swap3A_1952 : vector<1x1x16xf32> to vector<16xf32>
        %swap3A_1954 = vector.shape_cast %mul3A_1947 : vector<16xf32> to vector<1x1x16xf32>
        tpu.vector_store %arg6[%swap3A_1949, %swap3A_1950, %swap3A_1951], %swap3A_1954 {strides = array<i32>} : memref<8x128x64xf32, #tpu.memory_space<vmem>>, vector<1x1x16xf32>,
        %get3A_1955 = arith.constant 6 : i32
        %get3A_1956 = arith.index_cast %get3A_1955 : i32 to index
        %get3A_1957 = arith.index_cast %add3A_1908 : i32 to index
        %get3A_1958 = arith.constant 48 : index
        %get3A_1959 = tpu.vector_load %arg6[%get3A_1956, %get3A_1957, %get3A_1958] {strides = array<i32>} : memref<8x128x64xf32, #tpu.memory_space<vmem>>, vector<1x1x16xf32>,
        %get3A_1960 = vector.shape_cast %get3A_1959 : vector<1x1x16xf32> to vector<16xf32>
        %mul3A_1961 = arith.constant 8.000000e+00 : f32
        %mul3A_1962 = vector.broadcast %mul3A_1961 : f32 to vector<16xf32>
        %mul3A_1963 = arith.mulf %get3A_1960, %mul3A_1962 : vector<16xf32>
        %swap3A_1964 = arith.constant 6 : i32
        %swap3A_1965 = arith.index_cast %swap3A_1964 : i32 to index
        %swap3A_1966 = arith.index_cast %add3A_1908 : i32 to index
        %swap3A_1967 = arith.constant 48 : index
        %swap3A_1968 = tpu.vector_load %arg6[%swap3A_1965, %swap3A_1966, %swap3A_1967] {strides = array<i32>} : memref<8x128x64xf32, #tpu.memory_space<vmem>>, vector<1x1x16xf32>,
        %swap3A_1969 = vector.shape_cast %swap3A_1968 : vector<1x1x16xf32> to vector<16xf32>
        %swap3A_1970 = vector.shape_cast %mul3A_1963 : vector<16xf32> to vector<1x1x16xf32>
        tpu.vector_store %arg6[%swap3A_1965, %swap3A_1966, %swap3A_1967], %swap3A_1970 {strides = array<i32>} : memref<8x128x64xf32, #tpu.memory_space<vmem>>, vector<1x1x16xf32>,
        %scan3A_1971 = arith.constant 1 : i32
        %scan3A_1972 = arith.addi %scan3A_1904, %scan3A_1971 : i32
        %mul3A_1973 = arith.constant 1 : i32
        %mul3A_1974 = arith.muli %scan3A_1972, %mul3A_1973 : i32
        %add3A_1975 = arith.constant 0 : i32
        %add3A_1976 = arith.addi %add3A_1975, %mul3A_1974 : i32
        %get3A_1977 = arith.constant 6 : i32
        %get3A_1978 = arith.index_cast %get3A_1977 : i32 to index
        %get3A_1979 = arith.index_cast %add3A_1976 : i32 to index
        %get3A_1980 = arith.constant 0 : index
        %get3A_1981 = tpu.vector_load %arg6[%get3A_1978, %get3A_1979, %get3A_1980] {strides = array<i32>} : memref<8x128x64xf32, #tpu.memory_space<vmem>>, vector<1x1x16xf32>,
        %get3A_1982 = vector.shape_cast %get3A_1981 : vector<1x1x16xf32> to vector<16xf32>
        %mul3A_1983 = arith.constant 8.000000e+00 : f32
        %mul3A_1984 = vector.broadcast %mul3A_1983 : f32 to vector<16xf32>
        %mul3A_1985 = arith.mulf %get3A_1982, %mul3A_1984 : vector<16xf32>
        %swap3A_1986 = arith.constant 6 : i32
        %swap3A_1987 = arith.index_cast %swap3A_1986 : i32 to index
        %swap3A_1988 = arith.index_cast %add3A_1976 : i32 to index
        %swap3A_1989 = arith.constant 0 : index
        %swap3A_1990 = tpu.vector_load %arg6[%swap3A_1987, %swap3A_1988, %swap3A_1989] {strides = array<i32>} : memref<8x128x64xf32, #tpu.memory_space<vmem>>, vector<1x1x16xf32>,
        %swap3A_1991 = vector.shape_cast %swap3A_1990 : vector<1x1x16xf32> to vector<16xf32>
        %swap3A_1992 = vector.shape_cast %mul3A_1985 : vector<16xf32> to vector<1x1x16xf32>
        tpu.vector_store %arg6[%swap3A_1987, %swap3A_1988, %swap3A_1989], %swap3A_1992 {strides = array<i32>} : memref<8x128x64xf32, #tpu.memory_space<vmem>>, vector<1x1x16xf32>,
        %get3A_1993 = arith.constant 6 : i32
        %get3A_1994 = arith.index_cast %get3A_1993 : i32 to index
        %get3A_1995 = arith.index_cast %add3A_1976 : i32 to index
        %get3A_1996 = arith.constant 16 : index
        %get3A_1997 = tpu.vector_load %arg6[%get3A_1994, %get3A_1995, %get3A_1996] {strides = array<i32>} : memref<8x128x64xf32, #tpu.memory_space<vmem>>, vector<1x1x16xf32>,
        %get3A_1998 = vector.shape_cast %get3A_1997 : vector<1x1x16xf32> to vector<16xf32>
        %mul3A_1999 = arith.constant 8.000000e+00 : f32
        %mul3A_2000 = vector.broadcast %mul3A_1999 : f32 to vector<16xf32>
        %mul3A_2001 = arith.mulf %get3A_1998, %mul3A_2000 : vector<16xf32>
        %swap3A_2002 = arith.constant 6 : i32
        %swap3A_2003 = arith.index_cast %swap3A_2002 : i32 to index
        %swap3A_2004 = arith.index_cast %add3A_1976 : i32 to index
        %swap3A_2005 = arith.constant 16 : index
        %swap3A_2006 = tpu.vector_load %arg6[%swap3A_2003, %swap3A_2004, %swap3A_2005] {strides = array<i32>} : memref<8x128x64xf32, #tpu.memory_space<vmem>>, vector<1x1x16xf32>,
        %swap3A_2007 = vector.shape_cast %swap3A_2006 : vector<1x1x16xf32> to vector<16xf32>
        %swap3A_2008 = vector.shape_cast %mul3A_2001 : vector<16xf32> to vector<1x1x16xf32>
        tpu.vector_store %arg6[%swap3A_2003, %swap3A_2004, %swap3A_2005], %swap3A_2008 {strides = array<i32>} : memref<8x128x64xf32, #tpu.memory_space<vmem>>, vector<1x1x16xf32>,
        %get3A_2009 = arith.constant 6 : i32
        %get3A_2010 = arith.index_cast %get3A_2009 : i32 to index
        %get3A_2011 = arith.index_cast %add3A_1976 : i32 to index
        %get3A_2012 = arith.constant 32 : index
        %get3A_2013 = tpu.vector_load %arg6[%get3A_2010, %get3A_2011, %get3A_2012] {strides = array<i32>} : memref<8x128x64xf32, #tpu.memory_space<vmem>>, vector<1x1x16xf32>,
        %get3A_2014 = vector.shape_cast %get3A_2013 : vector<1x1x16xf32> to vector<16xf32>
        %mul3A_2015 = arith.constant 8.000000e+00 : f32
        %mul3A_2016 = vector.broadcast %mul3A_2015 : f32 to vector<16xf32>
        %mul3A_2017 = arith.mulf %get3A_2014, %mul3A_2016 : vector<16xf32>
        %swap3A_2018 = arith.constant 6 : i32
        %swap3A_2019 = arith.index_cast %swap3A_2018 : i32 to index
        %swap3A_2020 = arith.index_cast %add3A_1976 : i32 to index
        %swap3A_2021 = arith.constant 32 : index
        %swap3A_2022 = tpu.vector_load %arg6[%swap3A_2019, %swap3A_2020, %swap3A_2021] {strides = array<i32>} : memref<8x128x64xf32, #tpu.memory_space<vmem>>, vector<1x1x16xf32>,
        %swap3A_2023 = vector.shape_cast %swap3A_2022 : vector<1x1x16xf32> to vector<16xf32>
        %swap3A_2024 = vector.shape_cast %mul3A_2017 : vector<16xf32> to vector<1x1x16xf32>
        tpu.vector_store %arg6[%swap3A_2019, %swap3A_2020, %swap3A_2021], %swap3A_2024 {strides = array<i32>} : memref<8x128x64xf32, #tpu.memory_space<vmem>>, vector<1x1x16xf32>,
        %get3A_2025 = arith.constant 6 : i32
        %get3A_2026 = arith.index_cast %get3A_2025 : i32 to index
        %get3A_2027 = arith.index_cast %add3A_1976 : i32 to index
        %get3A_2028 = arith.constant 48 : index
        %get3A_2029 = tpu.vector_load %arg6[%get3A_2026, %get3A_2027, %get3A_2028] {strides = array<i32>} : memref<8x128x64xf32, #tpu.memory_space<vmem>>, vector<1x1x16xf32>,
        %get3A_2030 = vector.shape_cast %get3A_2029 : vector<1x1x16xf32> to vector<16xf32>
        %mul3A_2031 = arith.constant 8.000000e+00 : f32
        %mul3A_2032 = vector.broadcast %mul3A_2031 : f32 to vector<16xf32>
        %mul3A_2033 = arith.mulf %get3A_2030, %mul3A_2032 : vector<16xf32>
        %swap3A_2034 = arith.constant 6 : i32
        %swap3A_2035 = arith.index_cast %swap3A_2034 : i32 to index
        %swap3A_2036 = arith.index_cast %add3A_1976 : i32 to index
        %swap3A_2037 = arith.constant 48 : index
        %swap3A_2038 = tpu.vector_load %arg6[%swap3A_2035, %swap3A_2036, %swap3A_2037] {strides = array<i32>} : memref<8x128x64xf32, #tpu.memory_space<vmem>>, vector<1x1x16xf32>,
        %swap3A_2039 = vector.shape_cast %swap3A_2038 : vector<1x1x16xf32> to vector<16xf32>
        %swap3A_2040 = vector.shape_cast %mul3A_2033 : vector<16xf32> to vector<1x1x16xf32>
        tpu.vector_store %arg6[%swap3A_2035, %swap3A_2036, %swap3A_2037], %swap3A_2040 {strides = array<i32>} : memref<8x128x64xf32, #tpu.memory_space<vmem>>, vector<1x1x16xf32>,
        %scan3A_2041 = arith.constant 2 : i32
        %scan3A_2042 = arith.addi %scan3A_1904, %scan3A_2041 : i32
        %mul3A_2043 = arith.constant 1 : i32
        %mul3A_2044 = arith.muli %scan3A_2042, %mul3A_2043 : i32
        %add3A_2045 = arith.constant 0 : i32
        %add3A_2046 = arith.addi %add3A_2045, %mul3A_2044 : i32
        %get3A_2047 = arith.constant 6 : i32
        %get3A_2048 = arith.index_cast %get3A_2047 : i32 to index
        %get3A_2049 = arith.index_cast %add3A_2046 : i32 to index
        %get3A_2050 = arith.constant 0 : index
        %get3A_2051 = tpu.vector_load %arg6[%get3A_2048, %get3A_2049, %get3A_2050] {strides = array<i32>} : memref<8x128x64xf32, #tpu.memory_space<vmem>>, vector<1x1x16xf32>,
        %get3A_2052 = vector.shape_cast %get3A_2051 : vector<1x1x16xf32> to vector<16xf32>
        %mul3A_2053 = arith.constant 8.000000e+00 : f32
        %mul3A_2054 = vector.broadcast %mul3A_2053 : f32 to vector<16xf32>
        %mul3A_2055 = arith.mulf %get3A_2052, %mul3A_2054 : vector<16xf32>
        %swap3A_2056 = arith.constant 6 : i32
        %swap3A_2057 = arith.index_cast %swap3A_2056 : i32 to index
        %swap3A_2058 = arith.index_cast %add3A_2046 : i32 to index
        %swap3A_2059 = arith.constant 0 : index
        %swap3A_2060 = tpu.vector_load %arg6[%swap3A_2057, %swap3A_2058, %swap3A_2059] {strides = array<i32>} : memref<8x128x64xf32, #tpu.memory_space<vmem>>, vector<1x1x16xf32>,
        %swap3A_2061 = vector.shape_cast %swap3A_2060 : vector<1x1x16xf32> to vector<16xf32>
        %swap3A_2062 = vector.shape_cast %mul3A_2055 : vector<16xf32> to vector<1x1x16xf32>
        tpu.vector_store %arg6[%swap3A_2057, %swap3A_2058, %swap3A_2059], %swap3A_2062 {strides = array<i32>} : memref<8x128x64xf32, #tpu.memory_space<vmem>>, vector<1x1x16xf32>,
        %get3A_2063 = arith.constant 6 : i32
        %get3A_2064 = arith.index_cast %get3A_2063 : i32 to index
        %get3A_2065 = arith.index_cast %add3A_2046 : i32 to index
        %get3A_2066 = arith.constant 16 : index
        %get3A_2067 = tpu.vector_load %arg6[%get3A_2064, %get3A_2065, %get3A_2066] {strides = array<i32>} : memref<8x128x64xf32, #tpu.memory_space<vmem>>, vector<1x1x16xf32>,
        %get3A_2068 = vector.shape_cast %get3A_2067 : vector<1x1x16xf32> to vector<16xf32>
        %mul3A_2069 = arith.constant 8.000000e+00 : f32
        %mul3A_2070 = vector.broadcast %mul3A_2069 : f32 to vector<16xf32>
        %mul3A_2071 = arith.mulf %get3A_2068, %mul3A_2070 : vector<16xf32>
        %swap3A_2072 = arith.constant 6 : i32
        %swap3A_2073 = arith.index_cast %swap3A_2072 : i32 to index
        %swap3A_2074 = arith.index_cast %add3A_2046 : i32 to index
        %swap3A_2075 = arith.constant 16 : index
        %swap3A_2076 = tpu.vector_load %arg6[%swap3A_2073, %swap3A_2074, %swap3A_2075] {strides = array<i32>} : memref<8x128x64xf32, #tpu.memory_space<vmem>>, vector<1x1x16xf32>,
        %swap3A_2077 = vector.shape_cast %swap3A_2076 : vector<1x1x16xf32> to vector<16xf32>
        %swap3A_2078 = vector.shape_cast %mul3A_2071 : vector<16xf32> to vector<1x1x16xf32>
        tpu.vector_store %arg6[%swap3A_2073, %swap3A_2074, %swap3A_2075], %swap3A_2078 {strides = array<i32>} : memref<8x128x64xf32, #tpu.memory_space<vmem>>, vector<1x1x16xf32>,
        %get3A_2079 = arith.constant 6 : i32
        %get3A_2080 = arith.index_cast %get3A_2079 : i32 to index
        %get3A_2081 = arith.index_cast %add3A_2046 : i32 to index
        %get3A_2082 = arith.constant 32 : index
        %get3A_2083 = tpu.vector_load %arg6[%get3A_2080, %get3A_2081, %get3A_2082] {strides = array<i32>} : memref<8x128x64xf32, #tpu.memory_space<vmem>>, vector<1x1x16xf32>,
        %get3A_2084 = vector.shape_cast %get3A_2083 : vector<1x1x16xf32> to vector<16xf32>
        %mul3A_2085 = arith.constant 8.000000e+00 : f32
        %mul3A_2086 = vector.broadcast %mul3A_2085 : f32 to vector<16xf32>
        %mul3A_2087 = arith.mulf %get3A_2084, %mul3A_2086 : vector<16xf32>
        %swap3A_2088 = arith.constant 6 : i32
        %swap3A_2089 = arith.index_cast %swap3A_2088 : i32 to index
        %swap3A_2090 = arith.index_cast %add3A_2046 : i32 to index
        %swap3A_2091 = arith.constant 32 : index
        %swap3A_2092 = tpu.vector_load %arg6[%swap3A_2089, %swap3A_2090, %swap3A_2091] {strides = array<i32>} : memref<8x128x64xf32, #tpu.memory_space<vmem>>, vector<1x1x16xf32>,
        %swap3A_2093 = vector.shape_cast %swap3A_2092 : vector<1x1x16xf32> to vector<16xf32>
        %swap3A_2094 = vector.shape_cast %mul3A_2087 : vector<16xf32> to vector<1x1x16xf32>
        tpu.vector_store %arg6[%swap3A_2089, %swap3A_2090, %swap3A_2091], %swap3A_2094 {strides = array<i32>} : memref<8x128x64xf32, #tpu.memory_space<vmem>>, vector<1x1x16xf32>,
        %get3A_2095 = arith.constant 6 : i32
        %get3A_2096 = arith.index_cast %get3A_2095 : i32 to index
        %get3A_2097 = arith.index_cast %add3A_2046 : i32 to index
        %get3A_2098 = arith.constant 48 : index
        %get3A_2099 = tpu.vector_load %arg6[%get3A_2096, %get3A_2097, %get3A_2098] {strides = array<i32>} : memref<8x128x64xf32, #tpu.memory_space<vmem>>, vector<1x1x16xf32>,
        %get3A_2100 = vector.shape_cast %get3A_2099 : vector<1x1x16xf32> to vector<16xf32>
        %mul3A_2101 = arith.constant 8.000000e+00 : f32
        %mul3A_2102 = vector.broadcast %mul3A_2101 : f32 to vector<16xf32>
        %mul3A_2103 = arith.mulf %get3A_2100, %mul3A_2102 : vector<16xf32>
        %swap3A_2104 = arith.constant 6 : i32
        %swap3A_2105 = arith.index_cast %swap3A_2104 : i32 to index
        %swap3A_2106 = arith.index_cast %add3A_2046 : i32 to index
        %swap3A_2107 = arith.constant 48 : index
        %swap3A_2108 = tpu.vector_load %arg6[%swap3A_2105, %swap3A_2106, %swap3A_2107] {strides = array<i32>} : memref<8x128x64xf32, #tpu.memory_space<vmem>>, vector<1x1x16xf32>,
        %swap3A_2109 = vector.shape_cast %swap3A_2108 : vector<1x1x16xf32> to vector<16xf32>
        %swap3A_2110 = vector.shape_cast %mul3A_2103 : vector<16xf32> to vector<1x1x16xf32>
        tpu.vector_store %arg6[%swap3A_2105, %swap3A_2106, %swap3A_2107], %swap3A_2110 {strides = array<i32>} : memref<8x128x64xf32, #tpu.memory_space<vmem>>, vector<1x1x16xf32>,
        %scan3A_2111 = arith.constant 3 : i32
        %scan3A_2112 = arith.addi %scan3A_1904, %scan3A_2111 : i32
        %mul3A_2113 = arith.constant 1 : i32
        %mul3A_2114 = arith.muli %scan3A_2112, %mul3A_2113 : i32
        %add3A_2115 = arith.constant 0 : i32
        %add3A_2116 = arith.addi %add3A_2115, %mul3A_2114 : i32
        %get3A_2117 = arith.constant 6 : i32
        %get3A_2118 = arith.index_cast %get3A_2117 : i32 to index
        %get3A_2119 = arith.index_cast %add3A_2116 : i32 to index
        %get3A_2120 = arith.constant 0 : index
        %get3A_2121 = tpu.vector_load %arg6[%get3A_2118, %get3A_2119, %get3A_2120] {strides = array<i32>} : memref<8x128x64xf32, #tpu.memory_space<vmem>>, vector<1x1x16xf32>,
        %get3A_2122 = vector.shape_cast %get3A_2121 : vector<1x1x16xf32> to vector<16xf32>
        %mul3A_2123 = arith.constant 8.000000e+00 : f32
        %mul3A_2124 = vector.broadcast %mul3A_2123 : f32 to vector<16xf32>
        %mul3A_2125 = arith.mulf %get3A_2122, %mul3A_2124 : vector<16xf32>
        %swap3A_2126 = arith.constant 6 : i32
        %swap3A_2127 = arith.index_cast %swap3A_2126 : i32 to index
        %swap3A_2128 = arith.index_cast %add3A_2116 : i32 to index
        %swap3A_2129 = arith.constant 0 : index
        %swap3A_2130 = tpu.vector_load %arg6[%swap3A_2127, %swap3A_2128, %swap3A_2129] {strides = array<i32>} : memref<8x128x64xf32, #tpu.memory_space<vmem>>, vector<1x1x16xf32>,
        %swap3A_2131 = vector.shape_cast %swap3A_2130 : vector<1x1x16xf32> to vector<16xf32>
        %swap3A_2132 = vector.shape_cast %mul3A_2125 : vector<16xf32> to vector<1x1x16xf32>
        tpu.vector_store %arg6[%swap3A_2127, %swap3A_2128, %swap3A_2129], %swap3A_2132 {strides = array<i32>} : memref<8x128x64xf32, #tpu.memory_space<vmem>>, vector<1x1x16xf32>,
        %get3A_2133 = arith.constant 6 : i32
        %get3A_2134 = arith.index_cast %get3A_2133 : i32 to index
        %get3A_2135 = arith.index_cast %add3A_2116 : i32 to index
        %get3A_2136 = arith.constant 16 : index
        %get3A_2137 = tpu.vector_load %arg6[%get3A_2134, %get3A_2135, %get3A_2136] {strides = array<i32>} : memref<8x128x64xf32, #tpu.memory_space<vmem>>, vector<1x1x16xf32>,
        %get3A_2138 = vector.shape_cast %get3A_2137 : vector<1x1x16xf32> to vector<16xf32>
        %mul3A_2139 = arith.constant 8.000000e+00 : f32
        %mul3A_2140 = vector.broadcast %mul3A_2139 : f32 to vector<16xf32>
        %mul3A_2141 = arith.mulf %get3A_2138, %mul3A_2140 : vector<16xf32>
        %swap3A_2142 = arith.constant 6 : i32
        %swap3A_2143 = arith.index_cast %swap3A_2142 : i32 to index
        %swap3A_2144 = arith.index_cast %add3A_2116 : i32 to index
        %swap3A_2145 = arith.constant 16 : index
        %swap3A_2146 = tpu.vector_load %arg6[%swap3A_2143, %swap3A_2144, %swap3A_2145] {strides = array<i32>} : memref<8x128x64xf32, #tpu.memory_space<vmem>>, vector<1x1x16xf32>,
        %swap3A_2147 = vector.shape_cast %swap3A_2146 : vector<1x1x16xf32> to vector<16xf32>
        %swap3A_2148 = vector.shape_cast %mul3A_2141 : vector<16xf32> to vector<1x1x16xf32>
        tpu.vector_store %arg6[%swap3A_2143, %swap3A_2144, %swap3A_2145], %swap3A_2148 {strides = array<i32>} : memref<8x128x64xf32, #tpu.memory_space<vmem>>, vector<1x1x16xf32>,
        %get3A_2149 = arith.constant 6 : i32
        %get3A_2150 = arith.index_cast %get3A_2149 : i32 to index
        %get3A_2151 = arith.index_cast %add3A_2116 : i32 to index
        %get3A_2152 = arith.constant 32 : index
        %get3A_2153 = tpu.vector_load %arg6[%get3A_2150, %get3A_2151, %get3A_2152] {strides = array<i32>} : memref<8x128x64xf32, #tpu.memory_space<vmem>>, vector<1x1x16xf32>,
        %get3A_2154 = vector.shape_cast %get3A_2153 : vector<1x1x16xf32> to vector<16xf32>
        %mul3A_2155 = arith.constant 8.000000e+00 : f32
        %mul3A_2156 = vector.broadcast %mul3A_2155 : f32 to vector<16xf32>
        %mul3A_2157 = arith.mulf %get3A_2154, %mul3A_2156 : vector<16xf32>
        %swap3A_2158 = arith.constant 6 : i32
        %swap3A_2159 = arith.index_cast %swap3A_2158 : i32 to index
        %swap3A_2160 = arith.index_cast %add3A_2116 : i32 to index
        %swap3A_2161 = arith.constant 32 : index
        %swap3A_2162 = tpu.vector_load %arg6[%swap3A_2159, %swap3A_2160, %swap3A_2161] {strides = array<i32>} : memref<8x128x64xf32, #tpu.memory_space<vmem>>, vector<1x1x16xf32>,
        %swap3A_2163 = vector.shape_cast %swap3A_2162 : vector<1x1x16xf32> to vector<16xf32>
        %swap3A_2164 = vector.shape_cast %mul3A_2157 : vector<16xf32> to vector<1x1x16xf32>
        tpu.vector_store %arg6[%swap3A_2159, %swap3A_2160, %swap3A_2161], %swap3A_2164 {strides = array<i32>} : memref<8x128x64xf32, #tpu.memory_space<vmem>>, vector<1x1x16xf32>,
        %get3A_2165 = arith.constant 6 : i32
        %get3A_2166 = arith.index_cast %get3A_2165 : i32 to index
        %get3A_2167 = arith.index_cast %add3A_2116 : i32 to index
        %get3A_2168 = arith.constant 48 : index
        %get3A_2169 = tpu.vector_load %arg6[%get3A_2166, %get3A_2167, %get3A_2168] {strides = array<i32>} : memref<8x128x64xf32, #tpu.memory_space<vmem>>, vector<1x1x16xf32>,
        %get3A_2170 = vector.shape_cast %get3A_2169 : vector<1x1x16xf32> to vector<16xf32>
        %mul3A_2171 = arith.constant 8.000000e+00 : f32
        %mul3A_2172 = vector.broadcast %mul3A_2171 : f32 to vector<16xf32>
        %mul3A_2173 = arith.mulf %get3A_2170, %mul3A_2172 : vector<16xf32>
        %swap3A_2174 = arith.constant 6 : i32
        %swap3A_2175 = arith.index_cast %swap3A_2174 : i32 to index
        %swap3A_2176 = arith.index_cast %add3A_2116 : i32 to index
        %swap3A_2177 = arith.constant 48 : index
        %swap3A_2178 = tpu.vector_load %arg6[%swap3A_2175, %swap3A_2176, %swap3A_2177] {strides = array<i32>} : memref<8x128x64xf32, #tpu.memory_space<vmem>>, vector<1x1x16xf32>,
        %swap3A_2179 = vector.shape_cast %swap3A_2178 : vector<1x1x16xf32> to vector<16xf32>
        %swap3A_2180 = vector.shape_cast %mul3A_2173 : vector<16xf32> to vector<1x1x16xf32>
        tpu.vector_store %arg6[%swap3A_2175, %swap3A_2176, %swap3A_2177], %swap3A_2180 {strides = array<i32>} : memref<8x128x64xf32, #tpu.memory_space<vmem>>, vector<1x1x16xf32>,
      }
      %scan3A_1665 = arith.constant 128 : i32
      %mul3A_1666 = arith.constant 200 : i32
      %mul3A_1667 = arith.muli %add3A, %mul3A_1666 : i32
      %add3A_1668 = arith.addi %mul3A_1667, %add3A_1649 : i32
      %jit3A_1669 = arith.constant 8 : i32
      %div3A_1670 = arith.divsi %add3A_1668, %jit3A_1669 : i32
      %sign3A_1671 = arith.constant 0 : i32
      %sign3A_1672 = arith.cmpi sgt, %add3A_1668, %sign3A_1671 : i32
      %sign3A_1673 = arith.extui %sign3A_1672 : i1 to i32
      %sign3A_1674 = arith.constant 0 : i32
      %sign3A_1675 = arith.cmpi slt, %add3A_1668, %sign3A_1674 : i32
      %sign3A_1676 = arith.extui %sign3A_1675 : i1 to i32
      %sign3A_1677 = arith.subi %sign3A_1673, %sign3A_1676 : i32
      %sign3A_1678 = arith.constant 0 : i32
      %sign3A_1679 = arith.cmpi sgt, %jit3A_1669, %sign3A_1678 : i32
      %sign3A_1680 = arith.extui %sign3A_1679 : i1 to i32
      %sign3A_1681 = arith.constant 0 : i32
      %sign3A_1682 = arith.cmpi slt, %jit3A_1669, %sign3A_1681 : i32
      %sign3A_1683 = arith.extui %sign3A_1682 : i1 to i32
      %sign3A_1684 = arith.subi %sign3A_1680, %sign3A_1683 : i32
      %ne3A_1685 = arith.cmpi ne, %sign3A_1677, %sign3A_1684 : i32
      %rem3A_1686 = arith.remsi %add3A_1668, %jit3A_1669 : i32
      %ne3A_1687 = arith.constant 0 : i32
      %ne3A_1688 = arith.cmpi ne, %rem3A_1686, %ne3A_1687 : i32
      %and3A_1689 = arith.andi %ne3A_1685, %ne3A_1688 : i1
      %sub3A_1690 = arith.constant 1 : i32
      %sub3A_1691 = arith.subi %div3A_1670, %sub3A_1690 : i32
      %select_n3A_1692 = arith.select %and3A_1689, %sub3A_1691, %div3A_1670 : i32
      %jit3A_1693 = arith.constant 8 : i32
      %eq3A_1694 = arith.constant 0 : i32
      %eq3A_1695 = arith.cmpi eq, %jit3A_1693, %eq3A_1694 : i32
      %jit3A_1696 = arith.constant 1 : i32
      %select_n3A_1697 = arith.select %eq3A_1695, %jit3A_1696, %jit3A_1693 : i32
      %rem3A_1698 = arith.remsi %add3A_1668, %select_n3A_1697 : i32
      %ne3A_1699 = arith.constant 0 : i32
      %ne3A_1700 = arith.cmpi ne, %rem3A_1698, %ne3A_1699 : i32
      %lt3A_1701 = arith.constant 0 : i32
      %lt3A_1702 = arith.cmpi slt, %rem3A_1698, %lt3A_1701 : i32
      %lt3A_1703 = arith.constant 0 : i32
      %lt3A_1704 = arith.cmpi slt, %select_n3A_1697, %lt3A_1703 : i32
      %ne3A_1705 = arith.xori %lt3A_1702, %lt3A_1704 : i1
      %and3A_1706 = arith.andi %ne3A_1705, %ne3A_1700 : i1
      %add3A_1707 = arith.addi %rem3A_1698, %select_n3A_1697 : i32
      %select_n3A_1708 = arith.select %and3A_1706, %add3A_1707, %rem3A_1698 : i32
      %jit3A_1709 = arith.constant 32 : i32
      %div3A_1710 = arith.divsi %select_n3A_1692, %jit3A_1709 : i32
      %sign3A_1711 = arith.constant 0 : i32
      %sign3A_1712 = arith.cmpi sgt, %select_n3A_1692, %sign3A_1711 : i32
      %sign3A_1713 = arith.extui %sign3A_1712 : i1 to i32
      %sign3A_1714 = arith.constant 0 : i32
      %sign3A_1715 = arith.cmpi slt, %select_n3A_1692, %sign3A_1714 : i32
      %sign3A_1716 = arith.extui %sign3A_1715 : i1 to i32
      %sign3A_1717 = arith.subi %sign3A_1713, %sign3A_1716 : i32
      %sign3A_1718 = arith.constant 0 : i32
      %sign3A_1719 = arith.cmpi sgt, %jit3A_1709, %sign3A_1718 : i32
      %sign3A_1720 = arith.extui %sign3A_1719 : i1 to i32
      %sign3A_1721 = arith.constant 0 : i32
      %sign3A_1722 = arith.cmpi slt, %jit3A_1709, %sign3A_1721 : i32
      %sign3A_1723 = arith.extui %sign3A_1722 : i1 to i32
      %sign3A_1724 = arith.subi %sign3A_1720, %sign3A_1723 : i32
      %ne3A_1725 = arith.cmpi ne, %sign3A_1717, %sign3A_1724 : i32
      %rem3A_1726 = arith.remsi %select_n3A_1692, %jit3A_1709 : i32
      %ne3A_1727 = arith.constant 0 : i32
      %ne3A_1728 = arith.cmpi ne, %rem3A_1726, %ne3A_1727 : i32
      %and3A_1729 = arith.andi %ne3A_1725, %ne3A_1728 : i1
      %sub3A_1730 = arith.constant 1 : i32
      %sub3A_1731 = arith.subi %div3A_1710, %sub3A_1730 : i32
      %select_n3A_1732 = arith.select %and3A_1729, %sub3A_1731, %div3A_1710 : i32
      %jit3A_1733 = arith.constant 32 : i32
      %eq3A_1734 = arith.constant 0 : i32
      %eq3A_1735 = arith.cmpi eq, %jit3A_1733, %eq3A_1734 : i32
      %jit3A_1736 = arith.constant 1 : i32
      %select_n3A_1737 = arith.select %eq3A_1735, %jit3A_1736, %jit3A_1733 : i32
      %rem3A_1738 = arith.remsi %select_n3A_1692, %select_n3A_1737 : i32
      %ne3A_1739 = arith.constant 0 : i32
      %ne3A_1740 = arith.cmpi ne, %rem3A_1738, %ne3A_1739 : i32
      %lt3A_1741 = arith.constant 0 : i32
      %lt3A_1742 = arith.cmpi slt, %rem3A_1738, %lt3A_1741 : i32
      %lt3A_1743 = arith.constant 0 : i32
      %lt3A_1744 = arith.cmpi slt, %select_n3A_1737, %lt3A_1743 : i32
      %ne3A_1745 = arith.xori %lt3A_1742, %lt3A_1744 : i1
      %and3A_1746 = arith.andi %ne3A_1745, %ne3A_1740 : i1
      %add3A_1747 = arith.addi %rem3A_1738, %select_n3A_1737 : i32
      %select_n3A_1748 = arith.select %and3A_1746, %add3A_1747, %rem3A_1738 : i32
      %mul3A_1749 = arith.constant 8 : i32
      %mul3A_1750 = arith.muli %select_n3A_1732, %mul3A_1749 : i32
      %add3A_1751 = arith.addi %mul3A_1750, %select_n3A_1708 : i32
      %mul3A_1752 = arith.constant 128 : i32
      %mul3A_1753 = arith.muli %select_n3A_1748, %mul3A_1752 : i32
      %dma_start3A_1754 = arith.constant 6 : i32
      %dma_start3A_1755 = arith.constant 0 : i32
      %dma_start3A_1756 = arith.constant 0 : i32
      %dma_start3A_1757 = tpu.memref_slice %arg6[%dma_start3A_1754, %dma_start3A_1755, %dma_start3A_1756] : memref<8x128x64xf32, #tpu.memory_space<vmem>> -> memref<1x128x64xf32, #tpu.memory_space<vmem>>
      %dma_start3A_1758 = tpu.memref_squeeze %dma_start3A_1757 : memref<1x128x64xf32, #tpu.memory_space<vmem>> -> memref<128x64xf32, #tpu.memory_space<vmem>>
      %dma_start3A_1759 = arith.constant 0 : i32
      %dma_start3A_1760 = tpu.memref_slice %arg4[%mul3A_1753, %add3A_1751, %dma_start3A_1759] : memref<4096x200x128xf32, #tpu.memory_space<hbm>> -> memref<128x1x64xf32, #tpu.memory_space<hbm>>
      %dma_start3A_1761 = tpu.memref_squeeze %dma_start3A_1760 : memref<128x1x64xf32, #tpu.memory_space<hbm>> -> memref<128x64xf32, #tpu.memory_space<hbm>>
      %dma_start3A_1762 = arith.constant 0 : i32
      %dma_start3A_1763 = tpu.memref_slice %arg4[%mul3A_1753, %add3A_1751, %dma_start3A_1762] : memref<4096x200x128xf32, #tpu.memory_space<hbm>> -> memref<128x1x64xf32, #tpu.memory_space<hbm>>
      %dma_start3A_1764 = tpu.memref_squeeze %dma_start3A_1763 : memref<128x1x64xf32, #tpu.memory_space<hbm>> -> memref<128x64xf32, #tpu.memory_space<hbm>>
      %dma_start3A_1765 = arith.constant 0 : i32
      %dma_start3A_1766 = arith.constant 0 : i32
      %dma_start3A_1767 = tpu.memref_slice %arg6[%dma_start3A_1754, %dma_start3A_1765, %dma_start3A_1766] : memref<8x128x64xf32, #tpu.memory_space<vmem>> -> memref<1x128x64xf32, #tpu.memory_space<vmem>>
      %dma_start3A_1768 = tpu.memref_squeeze %dma_start3A_1767 : memref<1x128x64xf32, #tpu.memory_space<vmem>> -> memref<128x64xf32, #tpu.memory_space<vmem>>
      tpu.enqueue_dma source(%dma_start3A_1768 : memref<128x64xf32, #tpu.memory_space<vmem>>) target(%dma_start3A_1764 : memref<128x64xf32, #tpu.memory_space<hbm>>) target_semaphore(%arg21 : memref<!tpu.dma_semaphore, #tpu.memory_space<semaphore_mem>>)
      %add3A_1769 = arith.constant 4 : i32
      %add3A_1770 = arith.addi %add3A_1649, %add3A_1769 : i32
      %lt3A_1771 = arith.constant 200 : i32
      %lt3A_1772 = arith.cmpi slt, %add3A_1770, %lt3A_1771 : i32
      %convert_element_type3A_1773 = arith.extui %lt3A_1772 : i1 to i32
      %cond3A_1774 = arith.constant 0 : i32
      %cond3A_1775 = arith.cmpi ne, %convert_element_type3A_1773, %cond3A_1774 : i32
      scf.if %cond3A_1775 {
        %ge3A = arith.constant 8 : i32
        %ge3A_1904 = arith.cmpi sge, %add3A_1770, %ge3A : i32
        %convert_element_type3A_1905 = arith.extui %ge3A_1904 : i1 to i32
        %cond3A_1906 = arith.constant 0 : i32
        %cond3A_1907 = arith.cmpi ne, %convert_element_type3A_1905, %cond3A_1906 : i32
        scf.if %cond3A_1907 {
          %sub3A_1919 = arith.constant 8 : i32
          %sub3A_1920 = arith.subi %add3A_1770, %sub3A_1919 : i32
          %mul3A_1921 = arith.constant 200 : i32
          %mul3A_1922 = arith.muli %add3A, %mul3A_1921 : i32
          %add3A_1923 = arith.addi %mul3A_1922, %sub3A_1920 : i32
          %jit3A_1924 = arith.constant 8 : i32
          %div3A_1925 = arith.divsi %add3A_1923, %jit3A_1924 : i32
          %sign3A_1926 = arith.constant 0 : i32
          %sign3A_1927 = arith.cmpi sgt, %add3A_1923, %sign3A_1926 : i32
          %sign3A_1928 = arith.extui %sign3A_1927 : i1 to i32
          %sign3A_1929 = arith.constant 0 : i32
          %sign3A_1930 = arith.cmpi slt, %add3A_1923, %sign3A_1929 : i32
          %sign3A_1931 = arith.extui %sign3A_1930 : i1 to i32
          %sign3A_1932 = arith.subi %sign3A_1928, %sign3A_1931 : i32
          %sign3A_1933 = arith.constant 0 : i32
          %sign3A_1934 = arith.cmpi sgt, %jit3A_1924, %sign3A_1933 : i32
          %sign3A_1935 = arith.extui %sign3A_1934 : i1 to i32
          %sign3A_1936 = arith.constant 0 : i32
          %sign3A_1937 = arith.cmpi slt, %jit3A_1924, %sign3A_1936 : i32
          %sign3A_1938 = arith.extui %sign3A_1937 : i1 to i32
          %sign3A_1939 = arith.subi %sign3A_1935, %sign3A_1938 : i32
          %ne3A_1940 = arith.cmpi ne, %sign3A_1932, %sign3A_1939 : i32
          %rem3A_1941 = arith.remsi %add3A_1923, %jit3A_1924 : i32
          %ne3A_1942 = arith.constant 0 : i32
          %ne3A_1943 = arith.cmpi ne, %rem3A_1941, %ne3A_1942 : i32
          %and3A_1944 = arith.andi %ne3A_1940, %ne3A_1943 : i1
          %sub3A_1945 = arith.constant 1 : i32
          %sub3A_1946 = arith.subi %div3A_1925, %sub3A_1945 : i32
          %select_n3A_1947 = arith.select %and3A_1944, %sub3A_1946, %div3A_1925 : i32
          %jit3A_1948 = arith.constant 8 : i32
          %eq3A_1949 = arith.constant 0 : i32
          %eq3A_1950 = arith.cmpi eq, %jit3A_1948, %eq3A_1949 : i32
          %jit3A_1951 = arith.constant 1 : i32
          %select_n3A_1952 = arith.select %eq3A_1950, %jit3A_1951, %jit3A_1948 : i32
          %rem3A_1953 = arith.remsi %add3A_1923, %select_n3A_1952 : i32
          %ne3A_1954 = arith.constant 0 : i32
          %ne3A_1955 = arith.cmpi ne, %rem3A_1953, %ne3A_1954 : i32
          %lt3A_1956 = arith.constant 0 : i32
          %lt3A_1957 = arith.cmpi slt, %rem3A_1953, %lt3A_1956 : i32
          %lt3A_1958 = arith.constant 0 : i32
          %lt3A_1959 = arith.cmpi slt, %select_n3A_1952, %lt3A_1958 : i32
          %ne3A_1960 = arith.xori %lt3A_1957, %lt3A_1959 : i1
          %and3A_1961 = arith.andi %ne3A_1960, %ne3A_1955 : i1
          %add3A_1962 = arith.addi %rem3A_1953, %select_n3A_1952 : i32
          %select_n3A_1963 = arith.select %and3A_1961, %add3A_1962, %rem3A_1953 : i32
          %jit3A_1964 = arith.constant 32 : i32
          %div3A_1965 = arith.divsi %select_n3A_1947, %jit3A_1964 : i32
          %sign3A_1966 = arith.constant 0 : i32
          %sign3A_1967 = arith.cmpi sgt, %select_n3A_1947, %sign3A_1966 : i32
          %sign3A_1968 = arith.extui %sign3A_1967 : i1 to i32
          %sign3A_1969 = arith.constant 0 : i32
          %sign3A_1970 = arith.cmpi slt, %select_n3A_1947, %sign3A_1969 : i32
          %sign3A_1971 = arith.extui %sign3A_1970 : i1 to i32
          %sign3A_1972 = arith.subi %sign3A_1968, %sign3A_1971 : i32
          %sign3A_1973 = arith.constant 0 : i32
          %sign3A_1974 = arith.cmpi sgt, %jit3A_1964, %sign3A_1973 : i32
          %sign3A_1975 = arith.extui %sign3A_1974 : i1 to i32
          %sign3A_1976 = arith.constant 0 : i32
          %sign3A_1977 = arith.cmpi slt, %jit3A_1964, %sign3A_1976 : i32
          %sign3A_1978 = arith.extui %sign3A_1977 : i1 to i32
          %sign3A_1979 = arith.subi %sign3A_1975, %sign3A_1978 : i32
          %ne3A_1980 = arith.cmpi ne, %sign3A_1972, %sign3A_1979 : i32
          %rem3A_1981 = arith.remsi %select_n3A_1947, %jit3A_1964 : i32
          %ne3A_1982 = arith.constant 0 : i32
          %ne3A_1983 = arith.cmpi ne, %rem3A_1981, %ne3A_1982 : i32
          %and3A_1984 = arith.andi %ne3A_1980, %ne3A_1983 : i1
          %sub3A_1985 = arith.constant 1 : i32
          %sub3A_1986 = arith.subi %div3A_1965, %sub3A_1985 : i32
          %select_n3A_1987 = arith.select %and3A_1984, %sub3A_1986, %div3A_1965 : i32
          %jit3A_1988 = arith.constant 32 : i32
          %eq3A_1989 = arith.constant 0 : i32
          %eq3A_1990 = arith.cmpi eq, %jit3A_1988, %eq3A_1989 : i32
          %jit3A_1991 = arith.constant 1 : i32
          %select_n3A_1992 = arith.select %eq3A_1990, %jit3A_1991, %jit3A_1988 : i32
          %rem3A_1993 = arith.remsi %select_n3A_1947, %select_n3A_1992 : i32
          %ne3A_1994 = arith.constant 0 : i32
          %ne3A_1995 = arith.cmpi ne, %rem3A_1993, %ne3A_1994 : i32
          %lt3A_1996 = arith.constant 0 : i32
          %lt3A_1997 = arith.cmpi slt, %rem3A_1993, %lt3A_1996 : i32
          %lt3A_1998 = arith.constant 0 : i32
          %lt3A_1999 = arith.cmpi slt, %select_n3A_1992, %lt3A_1998 : i32
          %ne3A_2000 = arith.xori %lt3A_1997, %lt3A_1999 : i1
          %and3A_2001 = arith.andi %ne3A_2000, %ne3A_1995 : i1
          %add3A_2002 = arith.addi %rem3A_1993, %select_n3A_1992 : i32
          %select_n3A_2003 = arith.select %and3A_2001, %add3A_2002, %rem3A_1993 : i32
          %mul3A_2004 = arith.constant 8 : i32
          %mul3A_2005 = arith.muli %select_n3A_1987, %mul3A_2004 : i32
          %add3A_2006 = arith.addi %mul3A_2005, %select_n3A_1963 : i32
          %mul3A_2007 = arith.constant 128 : i32
          %mul3A_2008 = arith.muli %select_n3A_2003, %mul3A_2007 : i32
          %dma_wait3A_2009 = arith.constant 2 : i32
          %dma_wait3A_2010 = arith.constant 0 : i32
          %dma_wait3A_2011 = arith.constant 0 : i32
          %dma_wait3A_2012 = tpu.memref_slice %arg6[%dma_wait3A_2009, %dma_wait3A_2010, %dma_wait3A_2011] : memref<8x128x64xf32, #tpu.memory_space<vmem>> -> memref<1x128x64xf32, #tpu.memory_space<vmem>>
          %dma_wait3A_2013 = tpu.memref_squeeze %dma_wait3A_2012 : memref<1x128x64xf32, #tpu.memory_space<vmem>> -> memref<128x64xf32, #tpu.memory_space<vmem>>
          %dma_wait3A_2014 = arith.constant 0 : i32
          %dma_wait3A_2015 = tpu.memref_slice %arg4[%mul3A_2008, %add3A_2006, %dma_wait3A_2014] : memref<4096x200x128xf32, #tpu.memory_space<hbm>> -> memref<128x1x64xf32, #tpu.memory_space<hbm>>
          %dma_wait3A_2016 = tpu.memref_squeeze %dma_wait3A_2015 : memref<128x1x64xf32, #tpu.memory_space<hbm>> -> memref<128x64xf32, #tpu.memory_space<hbm>>
          %dma_wait3A_2017 = arith.constant 0 : i32
          %dma_wait3A_2018 = tpu.memref_slice %arg4[%mul3A_2008, %add3A_2006, %dma_wait3A_2017] : memref<4096x200x128xf32, #tpu.memory_space<hbm>> -> memref<128x1x64xf32, #tpu.memory_space<hbm>>
          %dma_wait3A_2019 = tpu.memref_squeeze %dma_wait3A_2018 : memref<128x1x64xf32, #tpu.memory_space<hbm>> -> memref<128x64xf32, #tpu.memory_space<hbm>>
          %dma_wait3A_2020 = arith.constant 0 : i32
          %dma_wait3A_2021 = arith.constant 0 : i32
          %dma_wait3A_2022 = tpu.memref_slice %arg6[%dma_wait3A_2009, %dma_wait3A_2020, %dma_wait3A_2021] : memref<8x128x64xf32, #tpu.memory_space<vmem>> -> memref<1x128x64xf32, #tpu.memory_space<vmem>>
          %dma_wait3A_2023 = tpu.memref_squeeze %dma_wait3A_2022 : memref<1x128x64xf32, #tpu.memory_space<vmem>> -> memref<128x64xf32, #tpu.memory_space<vmem>>
          tpu.wait_dma2 semaphore(%arg17 : memref<!tpu.dma_semaphore, #tpu.memory_space<semaphore_mem>>) src(%dma_wait3A_2023 : memref<128x64xf32, #tpu.memory_space<vmem>>) dst(%dma_wait3A_2019 : memref<128x64xf32, #tpu.memory_space<hbm>>)
        } else {
        }
        %dma_start3A_1908 = arith.constant 2 : i32
        %dma_start3A_1909 = arith.constant 0 : i32
        %dma_start3A_1910 = arith.constant 0 : i32
        %dma_start3A_1911 = tpu.memref_slice %arg6[%dma_start3A_1908, %dma_start3A_1909, %dma_start3A_1910] : memref<8x128x64xf32, #tpu.memory_space<vmem>> -> memref<1x128x64xf32, #tpu.memory_space<vmem>>
        %dma_start3A_1912 = tpu.memref_squeeze %dma_start3A_1911 : memref<1x128x64xf32, #tpu.memory_space<vmem>> -> memref<128x64xf32, #tpu.memory_space<vmem>>
        %dma_start3A_1913 = arith.constant 0 : i32
        %dma_start3A_1914 = tpu.memref_slice %arg5[%add3A_1770, %dma_start3A_1913] : memref<200x128xi32, #tpu.memory_space<vmem>> -> memref<1x128xi32, #tpu.memory_space<vmem>>
        %dma_start3A_1915 = tpu.memref_squeeze %dma_start3A_1914 : memref<1x128xi32, #tpu.memory_space<vmem>> -> memref<128xi32, #tpu.memory_space<vmem>>
        %dma_start3A_1916 = arith.constant 0 : i32
        %dma_start3A_1917 = arith.constant 0 : i32
        %dma_start3A_1918 = tpu.memref_slice %arg3[%dma_start3A_1916, %dma_start3A_1917] : memref<1000000x64xf32, #tpu.memory_space<hbm>> -> memref<1000000x64xf32, #tpu.memory_space<hbm>>
        tpu.enqueue_indirect_dma source(%dma_start3A_1918 : memref<1000000x64xf32, #tpu.memory_space<hbm>>) target(%dma_start3A_1912 : memref<128x64xf32, #tpu.memory_space<vmem>>) offsets(%dma_start3A_1915 : memref<128xi32, #tpu.memory_space<vmem>>) semaphore(%arg9 : memref<!tpu.dma_semaphore, #tpu.memory_space<semaphore_mem>>)
      } else {
      }
      %add3A_1776 = arith.constant 7 : i32
      %add3A_1777 = arith.addi %add3A_881, %add3A_1776 : i32
      %dma_wait3A_1778 = arith.constant 7 : i32
      %dma_wait3A_1779 = arith.constant 0 : i32
      %dma_wait3A_1780 = arith.constant 0 : i32
      %dma_wait3A_1781 = tpu.memref_slice %arg6[%dma_wait3A_1778, %dma_wait3A_1779, %dma_wait3A_1780] : memref<8x128x64xf32, #tpu.memory_space<vmem>> -> memref<1x128x64xf32, #tpu.memory_space<vmem>>
      %dma_wait3A_1782 = tpu.memref_squeeze %dma_wait3A_1781 : memref<1x128x64xf32, #tpu.memory_space<vmem>> -> memref<128x64xf32, #tpu.memory_space<vmem>>
      %dma_wait3A_1783 = arith.constant 0 : i32
      %dma_wait3A_1784 = tpu.memref_slice %arg5[%add3A_1777, %dma_wait3A_1783] : memref<200x128xi32, #tpu.memory_space<vmem>> -> memref<1x128xi32, #tpu.memory_space<vmem>>
      %dma_wait3A_1785 = tpu.memref_squeeze %dma_wait3A_1784 : memref<1x128xi32, #tpu.memory_space<vmem>> -> memref<128xi32, #tpu.memory_space<vmem>>
      %dma_wait3A_1786 = arith.constant 0 : i32
      %dma_wait3A_1787 = arith.constant 0 : i32
      %dma_wait3A_1788 = tpu.memref_slice %arg3[%dma_wait3A_1786, %dma_wait3A_1787] : memref<1000000x64xf32, #tpu.memory_space<hbm>> -> memref<1000000x64xf32, #tpu.memory_space<hbm>>
      tpu.wait_indirect_dma semaphore(%arg14 : memref<!tpu.dma_semaphore, #tpu.memory_space<semaphore_mem>>) src(%dma_wait3A_1788 : memref<1000000x64xf32, #tpu.memory_space<hbm>>) dst(%dma_wait3A_1782 : memref<128x64xf32, #tpu.memory_space<vmem>>)
      %scan3A_1789 = arith.constant 0 : i32
      %scan3A_1790 = arith.constant 128 : i32
      %scan3A_1791 = arith.addi %scan3A_1789, %scan3A_1790 : i32
      %scan3A_1792 = arith.constant 4 : i32
      scf.for %scan3A_1904 = %scan3A_1789 to %scan3A_1791 step %scan3A_1792  : i32 {
        %mul3A_1905 = arith.constant 1 : i32
        %mul3A_1906 = arith.muli %scan3A_1904, %mul3A_1905 : i32
        %add3A_1907 = arith.constant 0 : i32
        %add3A_1908 = arith.addi %add3A_1907, %mul3A_1906 : i32
        %get3A = arith.constant 7 : i32
        %get3A_1909 = arith.index_cast %get3A : i32 to index
        %get3A_1910 = arith.index_cast %add3A_1908 : i32 to index
        %get3A_1911 = arith.constant 0 : index
        %get3A_1912 = tpu.vector_load %arg6[%get3A_1909, %get3A_1910, %get3A_1911] {strides = array<i32>} : memref<8x128x64xf32, #tpu.memory_space<vmem>>, vector<1x1x16xf32>,
        %get3A_1913 = vector.shape_cast %get3A_1912 : vector<1x1x16xf32> to vector<16xf32>
        %mul3A_1914 = arith.constant 8.000000e+00 : f32
        %mul3A_1915 = vector.broadcast %mul3A_1914 : f32 to vector<16xf32>
        %mul3A_1916 = arith.mulf %get3A_1913, %mul3A_1915 : vector<16xf32>
        %swap3A = arith.constant 7 : i32
        %swap3A_1917 = arith.index_cast %swap3A : i32 to index
        %swap3A_1918 = arith.index_cast %add3A_1908 : i32 to index
        %swap3A_1919 = arith.constant 0 : index
        %swap3A_1920 = tpu.vector_load %arg6[%swap3A_1917, %swap3A_1918, %swap3A_1919] {strides = array<i32>} : memref<8x128x64xf32, #tpu.memory_space<vmem>>, vector<1x1x16xf32>,
        %swap3A_1921 = vector.shape_cast %swap3A_1920 : vector<1x1x16xf32> to vector<16xf32>
        %swap3A_1922 = vector.shape_cast %mul3A_1916 : vector<16xf32> to vector<1x1x16xf32>
        tpu.vector_store %arg6[%swap3A_1917, %swap3A_1918, %swap3A_1919], %swap3A_1922 {strides = array<i32>} : memref<8x128x64xf32, #tpu.memory_space<vmem>>, vector<1x1x16xf32>,
        %get3A_1923 = arith.constant 7 : i32
        %get3A_1924 = arith.index_cast %get3A_1923 : i32 to index
        %get3A_1925 = arith.index_cast %add3A_1908 : i32 to index
        %get3A_1926 = arith.constant 16 : index
        %get3A_1927 = tpu.vector_load %arg6[%get3A_1924, %get3A_1925, %get3A_1926] {strides = array<i32>} : memref<8x128x64xf32, #tpu.memory_space<vmem>>, vector<1x1x16xf32>,
        %get3A_1928 = vector.shape_cast %get3A_1927 : vector<1x1x16xf32> to vector<16xf32>
        %mul3A_1929 = arith.constant 8.000000e+00 : f32
        %mul3A_1930 = vector.broadcast %mul3A_1929 : f32 to vector<16xf32>
        %mul3A_1931 = arith.mulf %get3A_1928, %mul3A_1930 : vector<16xf32>
        %swap3A_1932 = arith.constant 7 : i32
        %swap3A_1933 = arith.index_cast %swap3A_1932 : i32 to index
        %swap3A_1934 = arith.index_cast %add3A_1908 : i32 to index
        %swap3A_1935 = arith.constant 16 : index
        %swap3A_1936 = tpu.vector_load %arg6[%swap3A_1933, %swap3A_1934, %swap3A_1935] {strides = array<i32>} : memref<8x128x64xf32, #tpu.memory_space<vmem>>, vector<1x1x16xf32>,
        %swap3A_1937 = vector.shape_cast %swap3A_1936 : vector<1x1x16xf32> to vector<16xf32>
        %swap3A_1938 = vector.shape_cast %mul3A_1931 : vector<16xf32> to vector<1x1x16xf32>
        tpu.vector_store %arg6[%swap3A_1933, %swap3A_1934, %swap3A_1935], %swap3A_1938 {strides = array<i32>} : memref<8x128x64xf32, #tpu.memory_space<vmem>>, vector<1x1x16xf32>,
        %get3A_1939 = arith.constant 7 : i32
        %get3A_1940 = arith.index_cast %get3A_1939 : i32 to index
        %get3A_1941 = arith.index_cast %add3A_1908 : i32 to index
        %get3A_1942 = arith.constant 32 : index
        %get3A_1943 = tpu.vector_load %arg6[%get3A_1940, %get3A_1941, %get3A_1942] {strides = array<i32>} : memref<8x128x64xf32, #tpu.memory_space<vmem>>, vector<1x1x16xf32>,
        %get3A_1944 = vector.shape_cast %get3A_1943 : vector<1x1x16xf32> to vector<16xf32>
        %mul3A_1945 = arith.constant 8.000000e+00 : f32
        %mul3A_1946 = vector.broadcast %mul3A_1945 : f32 to vector<16xf32>
        %mul3A_1947 = arith.mulf %get3A_1944, %mul3A_1946 : vector<16xf32>
        %swap3A_1948 = arith.constant 7 : i32
        %swap3A_1949 = arith.index_cast %swap3A_1948 : i32 to index
        %swap3A_1950 = arith.index_cast %add3A_1908 : i32 to index
        %swap3A_1951 = arith.constant 32 : index
        %swap3A_1952 = tpu.vector_load %arg6[%swap3A_1949, %swap3A_1950, %swap3A_1951] {strides = array<i32>} : memref<8x128x64xf32, #tpu.memory_space<vmem>>, vector<1x1x16xf32>,
        %swap3A_1953 = vector.shape_cast %swap3A_1952 : vector<1x1x16xf32> to vector<16xf32>
        %swap3A_1954 = vector.shape_cast %mul3A_1947 : vector<16xf32> to vector<1x1x16xf32>
        tpu.vector_store %arg6[%swap3A_1949, %swap3A_1950, %swap3A_1951], %swap3A_1954 {strides = array<i32>} : memref<8x128x64xf32, #tpu.memory_space<vmem>>, vector<1x1x16xf32>,
        %get3A_1955 = arith.constant 7 : i32
        %get3A_1956 = arith.index_cast %get3A_1955 : i32 to index
        %get3A_1957 = arith.index_cast %add3A_1908 : i32 to index
        %get3A_1958 = arith.constant 48 : index
        %get3A_1959 = tpu.vector_load %arg6[%get3A_1956, %get3A_1957, %get3A_1958] {strides = array<i32>} : memref<8x128x64xf32, #tpu.memory_space<vmem>>, vector<1x1x16xf32>,
        %get3A_1960 = vector.shape_cast %get3A_1959 : vector<1x1x16xf32> to vector<16xf32>
        %mul3A_1961 = arith.constant 8.000000e+00 : f32
        %mul3A_1962 = vector.broadcast %mul3A_1961 : f32 to vector<16xf32>
        %mul3A_1963 = arith.mulf %get3A_1960, %mul3A_1962 : vector<16xf32>
        %swap3A_1964 = arith.constant 7 : i32
        %swap3A_1965 = arith.index_cast %swap3A_1964 : i32 to index
        %swap3A_1966 = arith.index_cast %add3A_1908 : i32 to index
        %swap3A_1967 = arith.constant 48 : index
        %swap3A_1968 = tpu.vector_load %arg6[%swap3A_1965, %swap3A_1966, %swap3A_1967] {strides = array<i32>} : memref<8x128x64xf32, #tpu.memory_space<vmem>>, vector<1x1x16xf32>,
        %swap3A_1969 = vector.shape_cast %swap3A_1968 : vector<1x1x16xf32> to vector<16xf32>
        %swap3A_1970 = vector.shape_cast %mul3A_1963 : vector<16xf32> to vector<1x1x16xf32>
        tpu.vector_store %arg6[%swap3A_1965, %swap3A_1966, %swap3A_1967], %swap3A_1970 {strides = array<i32>} : memref<8x128x64xf32, #tpu.memory_space<vmem>>, vector<1x1x16xf32>,
        %scan3A_1971 = arith.constant 1 : i32
        %scan3A_1972 = arith.addi %scan3A_1904, %scan3A_1971 : i32
        %mul3A_1973 = arith.constant 1 : i32
        %mul3A_1974 = arith.muli %scan3A_1972, %mul3A_1973 : i32
        %add3A_1975 = arith.constant 0 : i32
        %add3A_1976 = arith.addi %add3A_1975, %mul3A_1974 : i32
        %get3A_1977 = arith.constant 7 : i32
        %get3A_1978 = arith.index_cast %get3A_1977 : i32 to index
        %get3A_1979 = arith.index_cast %add3A_1976 : i32 to index
        %get3A_1980 = arith.constant 0 : index
        %get3A_1981 = tpu.vector_load %arg6[%get3A_1978, %get3A_1979, %get3A_1980] {strides = array<i32>} : memref<8x128x64xf32, #tpu.memory_space<vmem>>, vector<1x1x16xf32>,
        %get3A_1982 = vector.shape_cast %get3A_1981 : vector<1x1x16xf32> to vector<16xf32>
        %mul3A_1983 = arith.constant 8.000000e+00 : f32
        %mul3A_1984 = vector.broadcast %mul3A_1983 : f32 to vector<16xf32>
        %mul3A_1985 = arith.mulf %get3A_1982, %mul3A_1984 : vector<16xf32>
        %swap3A_1986 = arith.constant 7 : i32
        %swap3A_1987 = arith.index_cast %swap3A_1986 : i32 to index
        %swap3A_1988 = arith.index_cast %add3A_1976 : i32 to index
        %swap3A_1989 = arith.constant 0 : index
        %swap3A_1990 = tpu.vector_load %arg6[%swap3A_1987, %swap3A_1988, %swap3A_1989] {strides = array<i32>} : memref<8x128x64xf32, #tpu.memory_space<vmem>>, vector<1x1x16xf32>,
        %swap3A_1991 = vector.shape_cast %swap3A_1990 : vector<1x1x16xf32> to vector<16xf32>
        %swap3A_1992 = vector.shape_cast %mul3A_1985 : vector<16xf32> to vector<1x1x16xf32>
        tpu.vector_store %arg6[%swap3A_1987, %swap3A_1988, %swap3A_1989], %swap3A_1992 {strides = array<i32>} : memref<8x128x64xf32, #tpu.memory_space<vmem>>, vector<1x1x16xf32>,
        %get3A_1993 = arith.constant 7 : i32
        %get3A_1994 = arith.index_cast %get3A_1993 : i32 to index
        %get3A_1995 = arith.index_cast %add3A_1976 : i32 to index
        %get3A_1996 = arith.constant 16 : index
        %get3A_1997 = tpu.vector_load %arg6[%get3A_1994, %get3A_1995, %get3A_1996] {strides = array<i32>} : memref<8x128x64xf32, #tpu.memory_space<vmem>>, vector<1x1x16xf32>,
        %get3A_1998 = vector.shape_cast %get3A_1997 : vector<1x1x16xf32> to vector<16xf32>
        %mul3A_1999 = arith.constant 8.000000e+00 : f32
        %mul3A_2000 = vector.broadcast %mul3A_1999 : f32 to vector<16xf32>
        %mul3A_2001 = arith.mulf %get3A_1998, %mul3A_2000 : vector<16xf32>
        %swap3A_2002 = arith.constant 7 : i32
        %swap3A_2003 = arith.index_cast %swap3A_2002 : i32 to index
        %swap3A_2004 = arith.index_cast %add3A_1976 : i32 to index
        %swap3A_2005 = arith.constant 16 : index
        %swap3A_2006 = tpu.vector_load %arg6[%swap3A_2003, %swap3A_2004, %swap3A_2005] {strides = array<i32>} : memref<8x128x64xf32, #tpu.memory_space<vmem>>, vector<1x1x16xf32>,
        %swap3A_2007 = vector.shape_cast %swap3A_2006 : vector<1x1x16xf32> to vector<16xf32>
        %swap3A_2008 = vector.shape_cast %mul3A_2001 : vector<16xf32> to vector<1x1x16xf32>
        tpu.vector_store %arg6[%swap3A_2003, %swap3A_2004, %swap3A_2005], %swap3A_2008 {strides = array<i32>} : memref<8x128x64xf32, #tpu.memory_space<vmem>>, vector<1x1x16xf32>,
        %get3A_2009 = arith.constant 7 : i32
        %get3A_2010 = arith.index_cast %get3A_2009 : i32 to index
        %get3A_2011 = arith.index_cast %add3A_1976 : i32 to index
        %get3A_2012 = arith.constant 32 : index
        %get3A_2013 = tpu.vector_load %arg6[%get3A_2010, %get3A_2011, %get3A_2012] {strides = array<i32>} : memref<8x128x64xf32, #tpu.memory_space<vmem>>, vector<1x1x16xf32>,
        %get3A_2014 = vector.shape_cast %get3A_2013 : vector<1x1x16xf32> to vector<16xf32>
        %mul3A_2015 = arith.constant 8.000000e+00 : f32
        %mul3A_2016 = vector.broadcast %mul3A_2015 : f32 to vector<16xf32>
        %mul3A_2017 = arith.mulf %get3A_2014, %mul3A_2016 : vector<16xf32>
        %swap3A_2018 = arith.constant 7 : i32
        %swap3A_2019 = arith.index_cast %swap3A_2018 : i32 to index
        %swap3A_2020 = arith.index_cast %add3A_1976 : i32 to index
        %swap3A_2021 = arith.constant 32 : index
        %swap3A_2022 = tpu.vector_load %arg6[%swap3A_2019, %swap3A_2020, %swap3A_2021] {strides = array<i32>} : memref<8x128x64xf32, #tpu.memory_space<vmem>>, vector<1x1x16xf32>,
        %swap3A_2023 = vector.shape_cast %swap3A_2022 : vector<1x1x16xf32> to vector<16xf32>
        %swap3A_2024 = vector.shape_cast %mul3A_2017 : vector<16xf32> to vector<1x1x16xf32>
        tpu.vector_store %arg6[%swap3A_2019, %swap3A_2020, %swap3A_2021], %swap3A_2024 {strides = array<i32>} : memref<8x128x64xf32, #tpu.memory_space<vmem>>, vector<1x1x16xf32>,
        %get3A_2025 = arith.constant 7 : i32
        %get3A_2026 = arith.index_cast %get3A_2025 : i32 to index
        %get3A_2027 = arith.index_cast %add3A_1976 : i32 to index
        %get3A_2028 = arith.constant 48 : index
        %get3A_2029 = tpu.vector_load %arg6[%get3A_2026, %get3A_2027, %get3A_2028] {strides = array<i32>} : memref<8x128x64xf32, #tpu.memory_space<vmem>>, vector<1x1x16xf32>,
        %get3A_2030 = vector.shape_cast %get3A_2029 : vector<1x1x16xf32> to vector<16xf32>
        %mul3A_2031 = arith.constant 8.000000e+00 : f32
        %mul3A_2032 = vector.broadcast %mul3A_2031 : f32 to vector<16xf32>
        %mul3A_2033 = arith.mulf %get3A_2030, %mul3A_2032 : vector<16xf32>
        %swap3A_2034 = arith.constant 7 : i32
        %swap3A_2035 = arith.index_cast %swap3A_2034 : i32 to index
        %swap3A_2036 = arith.index_cast %add3A_1976 : i32 to index
        %swap3A_2037 = arith.constant 48 : index
        %swap3A_2038 = tpu.vector_load %arg6[%swap3A_2035, %swap3A_2036, %swap3A_2037] {strides = array<i32>} : memref<8x128x64xf32, #tpu.memory_space<vmem>>, vector<1x1x16xf32>,
        %swap3A_2039 = vector.shape_cast %swap3A_2038 : vector<1x1x16xf32> to vector<16xf32>
        %swap3A_2040 = vector.shape_cast %mul3A_2033 : vector<16xf32> to vector<1x1x16xf32>
        tpu.vector_store %arg6[%swap3A_2035, %swap3A_2036, %swap3A_2037], %swap3A_2040 {strides = array<i32>} : memref<8x128x64xf32, #tpu.memory_space<vmem>>, vector<1x1x16xf32>,
        %scan3A_2041 = arith.constant 2 : i32
        %scan3A_2042 = arith.addi %scan3A_1904, %scan3A_2041 : i32
        %mul3A_2043 = arith.constant 1 : i32
        %mul3A_2044 = arith.muli %scan3A_2042, %mul3A_2043 : i32
        %add3A_2045 = arith.constant 0 : i32
        %add3A_2046 = arith.addi %add3A_2045, %mul3A_2044 : i32
        %get3A_2047 = arith.constant 7 : i32
        %get3A_2048 = arith.index_cast %get3A_2047 : i32 to index
        %get3A_2049 = arith.index_cast %add3A_2046 : i32 to index
        %get3A_2050 = arith.constant 0 : index
        %get3A_2051 = tpu.vector_load %arg6[%get3A_2048, %get3A_2049, %get3A_2050] {strides = array<i32>} : memref<8x128x64xf32, #tpu.memory_space<vmem>>, vector<1x1x16xf32>,
        %get3A_2052 = vector.shape_cast %get3A_2051 : vector<1x1x16xf32> to vector<16xf32>
        %mul3A_2053 = arith.constant 8.000000e+00 : f32
        %mul3A_2054 = vector.broadcast %mul3A_2053 : f32 to vector<16xf32>
        %mul3A_2055 = arith.mulf %get3A_2052, %mul3A_2054 : vector<16xf32>
        %swap3A_2056 = arith.constant 7 : i32
        %swap3A_2057 = arith.index_cast %swap3A_2056 : i32 to index
        %swap3A_2058 = arith.index_cast %add3A_2046 : i32 to index
        %swap3A_2059 = arith.constant 0 : index
        %swap3A_2060 = tpu.vector_load %arg6[%swap3A_2057, %swap3A_2058, %swap3A_2059] {strides = array<i32>} : memref<8x128x64xf32, #tpu.memory_space<vmem>>, vector<1x1x16xf32>,
        %swap3A_2061 = vector.shape_cast %swap3A_2060 : vector<1x1x16xf32> to vector<16xf32>
        %swap3A_2062 = vector.shape_cast %mul3A_2055 : vector<16xf32> to vector<1x1x16xf32>
        tpu.vector_store %arg6[%swap3A_2057, %swap3A_2058, %swap3A_2059], %swap3A_2062 {strides = array<i32>} : memref<8x128x64xf32, #tpu.memory_space<vmem>>, vector<1x1x16xf32>,
        %get3A_2063 = arith.constant 7 : i32
        %get3A_2064 = arith.index_cast %get3A_2063 : i32 to index
        %get3A_2065 = arith.index_cast %add3A_2046 : i32 to index
        %get3A_2066 = arith.constant 16 : index
        %get3A_2067 = tpu.vector_load %arg6[%get3A_2064, %get3A_2065, %get3A_2066] {strides = array<i32>} : memref<8x128x64xf32, #tpu.memory_space<vmem>>, vector<1x1x16xf32>,
        %get3A_2068 = vector.shape_cast %get3A_2067 : vector<1x1x16xf32> to vector<16xf32>
        %mul3A_2069 = arith.constant 8.000000e+00 : f32
        %mul3A_2070 = vector.broadcast %mul3A_2069 : f32 to vector<16xf32>
        %mul3A_2071 = arith.mulf %get3A_2068, %mul3A_2070 : vector<16xf32>
        %swap3A_2072 = arith.constant 7 : i32
        %swap3A_2073 = arith.index_cast %swap3A_2072 : i32 to index
        %swap3A_2074 = arith.index_cast %add3A_2046 : i32 to index
        %swap3A_2075 = arith.constant 16 : index
        %swap3A_2076 = tpu.vector_load %arg6[%swap3A_2073, %swap3A_2074, %swap3A_2075] {strides = array<i32>} : memref<8x128x64xf32, #tpu.memory_space<vmem>>, vector<1x1x16xf32>,
        %swap3A_2077 = vector.shape_cast %swap3A_2076 : vector<1x1x16xf32> to vector<16xf32>
        %swap3A_2078 = vector.shape_cast %mul3A_2071 : vector<16xf32> to vector<1x1x16xf32>
        tpu.vector_store %arg6[%swap3A_2073, %swap3A_2074, %swap3A_2075], %swap3A_2078 {strides = array<i32>} : memref<8x128x64xf32, #tpu.memory_space<vmem>>, vector<1x1x16xf32>,
        %get3A_2079 = arith.constant 7 : i32
        %get3A_2080 = arith.index_cast %get3A_2079 : i32 to index
        %get3A_2081 = arith.index_cast %add3A_2046 : i32 to index
        %get3A_2082 = arith.constant 32 : index
        %get3A_2083 = tpu.vector_load %arg6[%get3A_2080, %get3A_2081, %get3A_2082] {strides = array<i32>} : memref<8x128x64xf32, #tpu.memory_space<vmem>>, vector<1x1x16xf32>,
        %get3A_2084 = vector.shape_cast %get3A_2083 : vector<1x1x16xf32> to vector<16xf32>
        %mul3A_2085 = arith.constant 8.000000e+00 : f32
        %mul3A_2086 = vector.broadcast %mul3A_2085 : f32 to vector<16xf32>
        %mul3A_2087 = arith.mulf %get3A_2084, %mul3A_2086 : vector<16xf32>
        %swap3A_2088 = arith.constant 7 : i32
        %swap3A_2089 = arith.index_cast %swap3A_2088 : i32 to index
        %swap3A_2090 = arith.index_cast %add3A_2046 : i32 to index
        %swap3A_2091 = arith.constant 32 : index
        %swap3A_2092 = tpu.vector_load %arg6[%swap3A_2089, %swap3A_2090, %swap3A_2091] {strides = array<i32>} : memref<8x128x64xf32, #tpu.memory_space<vmem>>, vector<1x1x16xf32>,
        %swap3A_2093 = vector.shape_cast %swap3A_2092 : vector<1x1x16xf32> to vector<16xf32>
        %swap3A_2094 = vector.shape_cast %mul3A_2087 : vector<16xf32> to vector<1x1x16xf32>
        tpu.vector_store %arg6[%swap3A_2089, %swap3A_2090, %swap3A_2091], %swap3A_2094 {strides = array<i32>} : memref<8x128x64xf32, #tpu.memory_space<vmem>>, vector<1x1x16xf32>,
        %get3A_2095 = arith.constant 7 : i32
        %get3A_2096 = arith.index_cast %get3A_2095 : i32 to index
        %get3A_2097 = arith.index_cast %add3A_2046 : i32 to index
        %get3A_2098 = arith.constant 48 : index
        %get3A_2099 = tpu.vector_load %arg6[%get3A_2096, %get3A_2097, %get3A_2098] {strides = array<i32>} : memref<8x128x64xf32, #tpu.memory_space<vmem>>, vector<1x1x16xf32>,
        %get3A_2100 = vector.shape_cast %get3A_2099 : vector<1x1x16xf32> to vector<16xf32>
        %mul3A_2101 = arith.constant 8.000000e+00 : f32
        %mul3A_2102 = vector.broadcast %mul3A_2101 : f32 to vector<16xf32>
        %mul3A_2103 = arith.mulf %get3A_2100, %mul3A_2102 : vector<16xf32>
        %swap3A_2104 = arith.constant 7 : i32
        %swap3A_2105 = arith.index_cast %swap3A_2104 : i32 to index
        %swap3A_2106 = arith.index_cast %add3A_2046 : i32 to index
        %swap3A_2107 = arith.constant 48 : index
        %swap3A_2108 = tpu.vector_load %arg6[%swap3A_2105, %swap3A_2106, %swap3A_2107] {strides = array<i32>} : memref<8x128x64xf32, #tpu.memory_space<vmem>>, vector<1x1x16xf32>,
        %swap3A_2109 = vector.shape_cast %swap3A_2108 : vector<1x1x16xf32> to vector<16xf32>
        %swap3A_2110 = vector.shape_cast %mul3A_2103 : vector<16xf32> to vector<1x1x16xf32>
        tpu.vector_store %arg6[%swap3A_2105, %swap3A_2106, %swap3A_2107], %swap3A_2110 {strides = array<i32>} : memref<8x128x64xf32, #tpu.memory_space<vmem>>, vector<1x1x16xf32>,
        %scan3A_2111 = arith.constant 3 : i32
        %scan3A_2112 = arith.addi %scan3A_1904, %scan3A_2111 : i32
        %mul3A_2113 = arith.constant 1 : i32
        %mul3A_2114 = arith.muli %scan3A_2112, %mul3A_2113 : i32
        %add3A_2115 = arith.constant 0 : i32
        %add3A_2116 = arith.addi %add3A_2115, %mul3A_2114 : i32
        %get3A_2117 = arith.constant 7 : i32
        %get3A_2118 = arith.index_cast %get3A_2117 : i32 to index
        %get3A_2119 = arith.index_cast %add3A_2116 : i32 to index
        %get3A_2120 = arith.constant 0 : index
        %get3A_2121 = tpu.vector_load %arg6[%get3A_2118, %get3A_2119, %get3A_2120] {strides = array<i32>} : memref<8x128x64xf32, #tpu.memory_space<vmem>>, vector<1x1x16xf32>,
        %get3A_2122 = vector.shape_cast %get3A_2121 : vector<1x1x16xf32> to vector<16xf32>
        %mul3A_2123 = arith.constant 8.000000e+00 : f32
        %mul3A_2124 = vector.broadcast %mul3A_2123 : f32 to vector<16xf32>
        %mul3A_2125 = arith.mulf %get3A_2122, %mul3A_2124 : vector<16xf32>
        %swap3A_2126 = arith.constant 7 : i32
        %swap3A_2127 = arith.index_cast %swap3A_2126 : i32 to index
        %swap3A_2128 = arith.index_cast %add3A_2116 : i32 to index
        %swap3A_2129 = arith.constant 0 : index
        %swap3A_2130 = tpu.vector_load %arg6[%swap3A_2127, %swap3A_2128, %swap3A_2129] {strides = array<i32>} : memref<8x128x64xf32, #tpu.memory_space<vmem>>, vector<1x1x16xf32>,
        %swap3A_2131 = vector.shape_cast %swap3A_2130 : vector<1x1x16xf32> to vector<16xf32>
        %swap3A_2132 = vector.shape_cast %mul3A_2125 : vector<16xf32> to vector<1x1x16xf32>
        tpu.vector_store %arg6[%swap3A_2127, %swap3A_2128, %swap3A_2129], %swap3A_2132 {strides = array<i32>} : memref<8x128x64xf32, #tpu.memory_space<vmem>>, vector<1x1x16xf32>,
        %get3A_2133 = arith.constant 7 : i32
        %get3A_2134 = arith.index_cast %get3A_2133 : i32 to index
        %get3A_2135 = arith.index_cast %add3A_2116 : i32 to index
        %get3A_2136 = arith.constant 16 : index
        %get3A_2137 = tpu.vector_load %arg6[%get3A_2134, %get3A_2135, %get3A_2136] {strides = array<i32>} : memref<8x128x64xf32, #tpu.memory_space<vmem>>, vector<1x1x16xf32>,
        %get3A_2138 = vector.shape_cast %get3A_2137 : vector<1x1x16xf32> to vector<16xf32>
        %mul3A_2139 = arith.constant 8.000000e+00 : f32
        %mul3A_2140 = vector.broadcast %mul3A_2139 : f32 to vector<16xf32>
        %mul3A_2141 = arith.mulf %get3A_2138, %mul3A_2140 : vector<16xf32>
        %swap3A_2142 = arith.constant 7 : i32
        %swap3A_2143 = arith.index_cast %swap3A_2142 : i32 to index
        %swap3A_2144 = arith.index_cast %add3A_2116 : i32 to index
        %swap3A_2145 = arith.constant 16 : index
        %swap3A_2146 = tpu.vector_load %arg6[%swap3A_2143, %swap3A_2144, %swap3A_2145] {strides = array<i32>} : memref<8x128x64xf32, #tpu.memory_space<vmem>>, vector<1x1x16xf32>,
        %swap3A_2147 = vector.shape_cast %swap3A_2146 : vector<1x1x16xf32> to vector<16xf32>
        %swap3A_2148 = vector.shape_cast %mul3A_2141 : vector<16xf32> to vector<1x1x16xf32>
        tpu.vector_store %arg6[%swap3A_2143, %swap3A_2144, %swap3A_2145], %swap3A_2148 {strides = array<i32>} : memref<8x128x64xf32, #tpu.memory_space<vmem>>, vector<1x1x16xf32>,
        %get3A_2149 = arith.constant 7 : i32
        %get3A_2150 = arith.index_cast %get3A_2149 : i32 to index
        %get3A_2151 = arith.index_cast %add3A_2116 : i32 to index
        %get3A_2152 = arith.constant 32 : index
        %get3A_2153 = tpu.vector_load %arg6[%get3A_2150, %get3A_2151, %get3A_2152] {strides = array<i32>} : memref<8x128x64xf32, #tpu.memory_space<vmem>>, vector<1x1x16xf32>,
        %get3A_2154 = vector.shape_cast %get3A_2153 : vector<1x1x16xf32> to vector<16xf32>
        %mul3A_2155 = arith.constant 8.000000e+00 : f32
        %mul3A_2156 = vector.broadcast %mul3A_2155 : f32 to vector<16xf32>
        %mul3A_2157 = arith.mulf %get3A_2154, %mul3A_2156 : vector<16xf32>
        %swap3A_2158 = arith.constant 7 : i32
        %swap3A_2159 = arith.index_cast %swap3A_2158 : i32 to index
        %swap3A_2160 = arith.index_cast %add3A_2116 : i32 to index
        %swap3A_2161 = arith.constant 32 : index
        %swap3A_2162 = tpu.vector_load %arg6[%swap3A_2159, %swap3A_2160, %swap3A_2161] {strides = array<i32>} : memref<8x128x64xf32, #tpu.memory_space<vmem>>, vector<1x1x16xf32>,
        %swap3A_2163 = vector.shape_cast %swap3A_2162 : vector<1x1x16xf32> to vector<16xf32>
        %swap3A_2164 = vector.shape_cast %mul3A_2157 : vector<16xf32> to vector<1x1x16xf32>
        tpu.vector_store %arg6[%swap3A_2159, %swap3A_2160, %swap3A_2161], %swap3A_2164 {strides = array<i32>} : memref<8x128x64xf32, #tpu.memory_space<vmem>>, vector<1x1x16xf32>,
        %get3A_2165 = arith.constant 7 : i32
        %get3A_2166 = arith.index_cast %get3A_2165 : i32 to index
        %get3A_2167 = arith.index_cast %add3A_2116 : i32 to index
        %get3A_2168 = arith.constant 48 : index
        %get3A_2169 = tpu.vector_load %arg6[%get3A_2166, %get3A_2167, %get3A_2168] {strides = array<i32>} : memref<8x128x64xf32, #tpu.memory_space<vmem>>, vector<1x1x16xf32>,
        %get3A_2170 = vector.shape_cast %get3A_2169 : vector<1x1x16xf32> to vector<16xf32>
        %mul3A_2171 = arith.constant 8.000000e+00 : f32
        %mul3A_2172 = vector.broadcast %mul3A_2171 : f32 to vector<16xf32>
        %mul3A_2173 = arith.mulf %get3A_2170, %mul3A_2172 : vector<16xf32>
        %swap3A_2174 = arith.constant 7 : i32
        %swap3A_2175 = arith.index_cast %swap3A_2174 : i32 to index
        %swap3A_2176 = arith.index_cast %add3A_2116 : i32 to index
        %swap3A_2177 = arith.constant 48 : index
        %swap3A_2178 = tpu.vector_load %arg6[%swap3A_2175, %swap3A_2176, %swap3A_2177] {strides = array<i32>} : memref<8x128x64xf32, #tpu.memory_space<vmem>>, vector<1x1x16xf32>,
        %swap3A_2179 = vector.shape_cast %swap3A_2178 : vector<1x1x16xf32> to vector<16xf32>
        %swap3A_2180 = vector.shape_cast %mul3A_2173 : vector<16xf32> to vector<1x1x16xf32>
        tpu.vector_store %arg6[%swap3A_2175, %swap3A_2176, %swap3A_2177], %swap3A_2180 {strides = array<i32>} : memref<8x128x64xf32, #tpu.memory_space<vmem>>, vector<1x1x16xf32>,
      }
      %scan3A_1793 = arith.constant 128 : i32
      %mul3A_1794 = arith.constant 200 : i32
      %mul3A_1795 = arith.muli %add3A, %mul3A_1794 : i32
      %add3A_1796 = arith.addi %mul3A_1795, %add3A_1777 : i32
      %jit3A_1797 = arith.constant 8 : i32
      %div3A_1798 = arith.divsi %add3A_1796, %jit3A_1797 : i32
      %sign3A_1799 = arith.constant 0 : i32
      %sign3A_1800 = arith.cmpi sgt, %add3A_1796, %sign3A_1799 : i32
      %sign3A_1801 = arith.extui %sign3A_1800 : i1 to i32
      %sign3A_1802 = arith.constant 0 : i32
      %sign3A_1803 = arith.cmpi slt, %add3A_1796, %sign3A_1802 : i32
      %sign3A_1804 = arith.extui %sign3A_1803 : i1 to i32
      %sign3A_1805 = arith.subi %sign3A_1801, %sign3A_1804 : i32
      %sign3A_1806 = arith.constant 0 : i32
      %sign3A_1807 = arith.cmpi sgt, %jit3A_1797, %sign3A_1806 : i32
      %sign3A_1808 = arith.extui %sign3A_1807 : i1 to i32
      %sign3A_1809 = arith.constant 0 : i32
      %sign3A_1810 = arith.cmpi slt, %jit3A_1797, %sign3A_1809 : i32
      %sign3A_1811 = arith.extui %sign3A_1810 : i1 to i32
      %sign3A_1812 = arith.subi %sign3A_1808, %sign3A_1811 : i32
      %ne3A_1813 = arith.cmpi ne, %sign3A_1805, %sign3A_1812 : i32
      %rem3A_1814 = arith.remsi %add3A_1796, %jit3A_1797 : i32
      %ne3A_1815 = arith.constant 0 : i32
      %ne3A_1816 = arith.cmpi ne, %rem3A_1814, %ne3A_1815 : i32
      %and3A_1817 = arith.andi %ne3A_1813, %ne3A_1816 : i1
      %sub3A_1818 = arith.constant 1 : i32
      %sub3A_1819 = arith.subi %div3A_1798, %sub3A_1818 : i32
      %select_n3A_1820 = arith.select %and3A_1817, %sub3A_1819, %div3A_1798 : i32
      %jit3A_1821 = arith.constant 8 : i32
      %eq3A_1822 = arith.constant 0 : i32
      %eq3A_1823 = arith.cmpi eq, %jit3A_1821, %eq3A_1822 : i32
      %jit3A_1824 = arith.constant 1 : i32
      %select_n3A_1825 = arith.select %eq3A_1823, %jit3A_1824, %jit3A_1821 : i32
      %rem3A_1826 = arith.remsi %add3A_1796, %select_n3A_1825 : i32
      %ne3A_1827 = arith.constant 0 : i32
      %ne3A_1828 = arith.cmpi ne, %rem3A_1826, %ne3A_1827 : i32
      %lt3A_1829 = arith.constant 0 : i32
      %lt3A_1830 = arith.cmpi slt, %rem3A_1826, %lt3A_1829 : i32
      %lt3A_1831 = arith.constant 0 : i32
      %lt3A_1832 = arith.cmpi slt, %select_n3A_1825, %lt3A_1831 : i32
      %ne3A_1833 = arith.xori %lt3A_1830, %lt3A_1832 : i1
      %and3A_1834 = arith.andi %ne3A_1833, %ne3A_1828 : i1
      %add3A_1835 = arith.addi %rem3A_1826, %select_n3A_1825 : i32
      %select_n3A_1836 = arith.select %and3A_1834, %add3A_1835, %rem3A_1826 : i32
      %jit3A_1837 = arith.constant 32 : i32
      %div3A_1838 = arith.divsi %select_n3A_1820, %jit3A_1837 : i32
      %sign3A_1839 = arith.constant 0 : i32
      %sign3A_1840 = arith.cmpi sgt, %select_n3A_1820, %sign3A_1839 : i32
      %sign3A_1841 = arith.extui %sign3A_1840 : i1 to i32
      %sign3A_1842 = arith.constant 0 : i32
      %sign3A_1843 = arith.cmpi slt, %select_n3A_1820, %sign3A_1842 : i32
      %sign3A_1844 = arith.extui %sign3A_1843 : i1 to i32
      %sign3A_1845 = arith.subi %sign3A_1841, %sign3A_1844 : i32
      %sign3A_1846 = arith.constant 0 : i32
      %sign3A_1847 = arith.cmpi sgt, %jit3A_1837, %sign3A_1846 : i32
      %sign3A_1848 = arith.extui %sign3A_1847 : i1 to i32
      %sign3A_1849 = arith.constant 0 : i32
      %sign3A_1850 = arith.cmpi slt, %jit3A_1837, %sign3A_1849 : i32
      %sign3A_1851 = arith.extui %sign3A_1850 : i1 to i32
      %sign3A_1852 = arith.subi %sign3A_1848, %sign3A_1851 : i32
      %ne3A_1853 = arith.cmpi ne, %sign3A_1845, %sign3A_1852 : i32
      %rem3A_1854 = arith.remsi %select_n3A_1820, %jit3A_1837 : i32
      %ne3A_1855 = arith.constant 0 : i32
      %ne3A_1856 = arith.cmpi ne, %rem3A_1854, %ne3A_1855 : i32
      %and3A_1857 = arith.andi %ne3A_1853, %ne3A_1856 : i1
      %sub3A_1858 = arith.constant 1 : i32
      %sub3A_1859 = arith.subi %div3A_1838, %sub3A_1858 : i32
      %select_n3A_1860 = arith.select %and3A_1857, %sub3A_1859, %div3A_1838 : i32
      %jit3A_1861 = arith.constant 32 : i32
      %eq3A_1862 = arith.constant 0 : i32
      %eq3A_1863 = arith.cmpi eq, %jit3A_1861, %eq3A_1862 : i32
      %jit3A_1864 = arith.constant 1 : i32
      %select_n3A_1865 = arith.select %eq3A_1863, %jit3A_1864, %jit3A_1861 : i32
      %rem3A_1866 = arith.remsi %select_n3A_1820, %select_n3A_1865 : i32
      %ne3A_1867 = arith.constant 0 : i32
      %ne3A_1868 = arith.cmpi ne, %rem3A_1866, %ne3A_1867 : i32
      %lt3A_1869 = arith.constant 0 : i32
      %lt3A_1870 = arith.cmpi slt, %rem3A_1866, %lt3A_1869 : i32
      %lt3A_1871 = arith.constant 0 : i32
      %lt3A_1872 = arith.cmpi slt, %select_n3A_1865, %lt3A_1871 : i32
      %ne3A_1873 = arith.xori %lt3A_1870, %lt3A_1872 : i1
      %and3A_1874 = arith.andi %ne3A_1873, %ne3A_1868 : i1
      %add3A_1875 = arith.addi %rem3A_1866, %select_n3A_1865 : i32
      %select_n3A_1876 = arith.select %and3A_1874, %add3A_1875, %rem3A_1866 : i32
      %mul3A_1877 = arith.constant 8 : i32
      %mul3A_1878 = arith.muli %select_n3A_1860, %mul3A_1877 : i32
      %add3A_1879 = arith.addi %mul3A_1878, %select_n3A_1836 : i32
      %mul3A_1880 = arith.constant 128 : i32
      %mul3A_1881 = arith.muli %select_n3A_1876, %mul3A_1880 : i32
      %dma_start3A_1882 = arith.constant 7 : i32
      %dma_start3A_1883 = arith.constant 0 : i32
      %dma_start3A_1884 = arith.constant 0 : i32
      %dma_start3A_1885 = tpu.memref_slice %arg6[%dma_start3A_1882, %dma_start3A_1883, %dma_start3A_1884] : memref<8x128x64xf32, #tpu.memory_space<vmem>> -> memref<1x128x64xf32, #tpu.memory_space<vmem>>
      %dma_start3A_1886 = tpu.memref_squeeze %dma_start3A_1885 : memref<1x128x64xf32, #tpu.memory_space<vmem>> -> memref<128x64xf32, #tpu.memory_space<vmem>>
      %dma_start3A_1887 = arith.constant 0 : i32
      %dma_start3A_1888 = tpu.memref_slice %arg4[%mul3A_1881, %add3A_1879, %dma_start3A_1887] : memref<4096x200x128xf32, #tpu.memory_space<hbm>> -> memref<128x1x64xf32, #tpu.memory_space<hbm>>
      %dma_start3A_1889 = tpu.memref_squeeze %dma_start3A_1888 : memref<128x1x64xf32, #tpu.memory_space<hbm>> -> memref<128x64xf32, #tpu.memory_space<hbm>>
      %dma_start3A_1890 = arith.constant 0 : i32
      %dma_start3A_1891 = tpu.memref_slice %arg4[%mul3A_1881, %add3A_1879, %dma_start3A_1890] : memref<4096x200x128xf32, #tpu.memory_space<hbm>> -> memref<128x1x64xf32, #tpu.memory_space<hbm>>
      %dma_start3A_1892 = tpu.memref_squeeze %dma_start3A_1891 : memref<128x1x64xf32, #tpu.memory_space<hbm>> -> memref<128x64xf32, #tpu.memory_space<hbm>>
      %dma_start3A_1893 = arith.constant 0 : i32
      %dma_start3A_1894 = arith.constant 0 : i32
      %dma_start3A_1895 = tpu.memref_slice %arg6[%dma_start3A_1882, %dma_start3A_1893, %dma_start3A_1894] : memref<8x128x64xf32, #tpu.memory_space<vmem>> -> memref<1x128x64xf32, #tpu.memory_space<vmem>>
      %dma_start3A_1896 = tpu.memref_squeeze %dma_start3A_1895 : memref<1x128x64xf32, #tpu.memory_space<vmem>> -> memref<128x64xf32, #tpu.memory_space<vmem>>
      tpu.enqueue_dma source(%dma_start3A_1896 : memref<128x64xf32, #tpu.memory_space<vmem>>) target(%dma_start3A_1892 : memref<128x64xf32, #tpu.memory_space<hbm>>) target_semaphore(%arg22 : memref<!tpu.dma_semaphore, #tpu.memory_space<semaphore_mem>>)
      %add3A_1897 = arith.constant 4 : i32
      %add3A_1898 = arith.addi %add3A_1777, %add3A_1897 : i32
      %lt3A_1899 = arith.constant 200 : i32
      %lt3A_1900 = arith.cmpi slt, %add3A_1898, %lt3A_1899 : i32
      %convert_element_type3A_1901 = arith.extui %lt3A_1900 : i1 to i32
      %cond3A_1902 = arith.constant 0 : i32
      %cond3A_1903 = arith.cmpi ne, %convert_element_type3A_1901, %cond3A_1902 : i32
      scf.if %cond3A_1903 {
        %ge3A = arith.constant 8 : i32
        %ge3A_1904 = arith.cmpi sge, %add3A_1898, %ge3A : i32
        %convert_element_type3A_1905 = arith.extui %ge3A_1904 : i1 to i32
        %cond3A_1906 = arith.constant 0 : i32
        %cond3A_1907 = arith.cmpi ne, %convert_element_type3A_1905, %cond3A_1906 : i32
        scf.if %cond3A_1907 {
          %sub3A_1919 = arith.constant 8 : i32
          %sub3A_1920 = arith.subi %add3A_1898, %sub3A_1919 : i32
          %mul3A_1921 = arith.constant 200 : i32
          %mul3A_1922 = arith.muli %add3A, %mul3A_1921 : i32
          %add3A_1923 = arith.addi %mul3A_1922, %sub3A_1920 : i32
          %jit3A_1924 = arith.constant 8 : i32
          %div3A_1925 = arith.divsi %add3A_1923, %jit3A_1924 : i32
          %sign3A_1926 = arith.constant 0 : i32
          %sign3A_1927 = arith.cmpi sgt, %add3A_1923, %sign3A_1926 : i32
          %sign3A_1928 = arith.extui %sign3A_1927 : i1 to i32
          %sign3A_1929 = arith.constant 0 : i32
          %sign3A_1930 = arith.cmpi slt, %add3A_1923, %sign3A_1929 : i32
          %sign3A_1931 = arith.extui %sign3A_1930 : i1 to i32
          %sign3A_1932 = arith.subi %sign3A_1928, %sign3A_1931 : i32
          %sign3A_1933 = arith.constant 0 : i32
          %sign3A_1934 = arith.cmpi sgt, %jit3A_1924, %sign3A_1933 : i32
          %sign3A_1935 = arith.extui %sign3A_1934 : i1 to i32
          %sign3A_1936 = arith.constant 0 : i32
          %sign3A_1937 = arith.cmpi slt, %jit3A_1924, %sign3A_1936 : i32
          %sign3A_1938 = arith.extui %sign3A_1937 : i1 to i32
          %sign3A_1939 = arith.subi %sign3A_1935, %sign3A_1938 : i32
          %ne3A_1940 = arith.cmpi ne, %sign3A_1932, %sign3A_1939 : i32
          %rem3A_1941 = arith.remsi %add3A_1923, %jit3A_1924 : i32
          %ne3A_1942 = arith.constant 0 : i32
          %ne3A_1943 = arith.cmpi ne, %rem3A_1941, %ne3A_1942 : i32
          %and3A_1944 = arith.andi %ne3A_1940, %ne3A_1943 : i1
          %sub3A_1945 = arith.constant 1 : i32
          %sub3A_1946 = arith.subi %div3A_1925, %sub3A_1945 : i32
          %select_n3A_1947 = arith.select %and3A_1944, %sub3A_1946, %div3A_1925 : i32
          %jit3A_1948 = arith.constant 8 : i32
          %eq3A_1949 = arith.constant 0 : i32
          %eq3A_1950 = arith.cmpi eq, %jit3A_1948, %eq3A_1949 : i32
          %jit3A_1951 = arith.constant 1 : i32
          %select_n3A_1952 = arith.select %eq3A_1950, %jit3A_1951, %jit3A_1948 : i32
          %rem3A_1953 = arith.remsi %add3A_1923, %select_n3A_1952 : i32
          %ne3A_1954 = arith.constant 0 : i32
          %ne3A_1955 = arith.cmpi ne, %rem3A_1953, %ne3A_1954 : i32
          %lt3A_1956 = arith.constant 0 : i32
          %lt3A_1957 = arith.cmpi slt, %rem3A_1953, %lt3A_1956 : i32
          %lt3A_1958 = arith.constant 0 : i32
          %lt3A_1959 = arith.cmpi slt, %select_n3A_1952, %lt3A_1958 : i32
          %ne3A_1960 = arith.xori %lt3A_1957, %lt3A_1959 : i1
          %and3A_1961 = arith.andi %ne3A_1960, %ne3A_1955 : i1
          %add3A_1962 = arith.addi %rem3A_1953, %select_n3A_1952 : i32
          %select_n3A_1963 = arith.select %and3A_1961, %add3A_1962, %rem3A_1953 : i32
          %jit3A_1964 = arith.constant 32 : i32
          %div3A_1965 = arith.divsi %select_n3A_1947, %jit3A_1964 : i32
          %sign3A_1966 = arith.constant 0 : i32
          %sign3A_1967 = arith.cmpi sgt, %select_n3A_1947, %sign3A_1966 : i32
          %sign3A_1968 = arith.extui %sign3A_1967 : i1 to i32
          %sign3A_1969 = arith.constant 0 : i32
          %sign3A_1970 = arith.cmpi slt, %select_n3A_1947, %sign3A_1969 : i32
          %sign3A_1971 = arith.extui %sign3A_1970 : i1 to i32
          %sign3A_1972 = arith.subi %sign3A_1968, %sign3A_1971 : i32
          %sign3A_1973 = arith.constant 0 : i32
          %sign3A_1974 = arith.cmpi sgt, %jit3A_1964, %sign3A_1973 : i32
          %sign3A_1975 = arith.extui %sign3A_1974 : i1 to i32
          %sign3A_1976 = arith.constant 0 : i32
          %sign3A_1977 = arith.cmpi slt, %jit3A_1964, %sign3A_1976 : i32
          %sign3A_1978 = arith.extui %sign3A_1977 : i1 to i32
          %sign3A_1979 = arith.subi %sign3A_1975, %sign3A_1978 : i32
          %ne3A_1980 = arith.cmpi ne, %sign3A_1972, %sign3A_1979 : i32
          %rem3A_1981 = arith.remsi %select_n3A_1947, %jit3A_1964 : i32
          %ne3A_1982 = arith.constant 0 : i32
          %ne3A_1983 = arith.cmpi ne, %rem3A_1981, %ne3A_1982 : i32
          %and3A_1984 = arith.andi %ne3A_1980, %ne3A_1983 : i1
          %sub3A_1985 = arith.constant 1 : i32
          %sub3A_1986 = arith.subi %div3A_1965, %sub3A_1985 : i32
          %select_n3A_1987 = arith.select %and3A_1984, %sub3A_1986, %div3A_1965 : i32
          %jit3A_1988 = arith.constant 32 : i32
          %eq3A_1989 = arith.constant 0 : i32
          %eq3A_1990 = arith.cmpi eq, %jit3A_1988, %eq3A_1989 : i32
          %jit3A_1991 = arith.constant 1 : i32
          %select_n3A_1992 = arith.select %eq3A_1990, %jit3A_1991, %jit3A_1988 : i32
          %rem3A_1993 = arith.remsi %select_n3A_1947, %select_n3A_1992 : i32
          %ne3A_1994 = arith.constant 0 : i32
          %ne3A_1995 = arith.cmpi ne, %rem3A_1993, %ne3A_1994 : i32
          %lt3A_1996 = arith.constant 0 : i32
          %lt3A_1997 = arith.cmpi slt, %rem3A_1993, %lt3A_1996 : i32
          %lt3A_1998 = arith.constant 0 : i32
          %lt3A_1999 = arith.cmpi slt, %select_n3A_1992, %lt3A_1998 : i32
          %ne3A_2000 = arith.xori %lt3A_1997, %lt3A_1999 : i1
          %and3A_2001 = arith.andi %ne3A_2000, %ne3A_1995 : i1
          %add3A_2002 = arith.addi %rem3A_1993, %select_n3A_1992 : i32
          %select_n3A_2003 = arith.select %and3A_2001, %add3A_2002, %rem3A_1993 : i32
          %mul3A_2004 = arith.constant 8 : i32
          %mul3A_2005 = arith.muli %select_n3A_1987, %mul3A_2004 : i32
          %add3A_2006 = arith.addi %mul3A_2005, %select_n3A_1963 : i32
          %mul3A_2007 = arith.constant 128 : i32
          %mul3A_2008 = arith.muli %select_n3A_2003, %mul3A_2007 : i32
          %dma_wait3A_2009 = arith.constant 3 : i32
          %dma_wait3A_2010 = arith.constant 0 : i32
          %dma_wait3A_2011 = arith.constant 0 : i32
          %dma_wait3A_2012 = tpu.memref_slice %arg6[%dma_wait3A_2009, %dma_wait3A_2010, %dma_wait3A_2011] : memref<8x128x64xf32, #tpu.memory_space<vmem>> -> memref<1x128x64xf32, #tpu.memory_space<vmem>>
          %dma_wait3A_2013 = tpu.memref_squeeze %dma_wait3A_2012 : memref<1x128x64xf32, #tpu.memory_space<vmem>> -> memref<128x64xf32, #tpu.memory_space<vmem>>
          %dma_wait3A_2014 = arith.constant 0 : i32
          %dma_wait3A_2015 = tpu.memref_slice %arg4[%mul3A_2008, %add3A_2006, %dma_wait3A_2014] : memref<4096x200x128xf32, #tpu.memory_space<hbm>> -> memref<128x1x64xf32, #tpu.memory_space<hbm>>
          %dma_wait3A_2016 = tpu.memref_squeeze %dma_wait3A_2015 : memref<128x1x64xf32, #tpu.memory_space<hbm>> -> memref<128x64xf32, #tpu.memory_space<hbm>>
          %dma_wait3A_2017 = arith.constant 0 : i32
          %dma_wait3A_2018 = tpu.memref_slice %arg4[%mul3A_2008, %add3A_2006, %dma_wait3A_2017] : memref<4096x200x128xf32, #tpu.memory_space<hbm>> -> memref<128x1x64xf32, #tpu.memory_space<hbm>>
          %dma_wait3A_2019 = tpu.memref_squeeze %dma_wait3A_2018 : memref<128x1x64xf32, #tpu.memory_space<hbm>> -> memref<128x64xf32, #tpu.memory_space<hbm>>
          %dma_wait3A_2020 = arith.constant 0 : i32
          %dma_wait3A_2021 = arith.constant 0 : i32
          %dma_wait3A_2022 = tpu.memref_slice %arg6[%dma_wait3A_2009, %dma_wait3A_2020, %dma_wait3A_2021] : memref<8x128x64xf32, #tpu.memory_space<vmem>> -> memref<1x128x64xf32, #tpu.memory_space<vmem>>
          %dma_wait3A_2023 = tpu.memref_squeeze %dma_wait3A_2022 : memref<1x128x64xf32, #tpu.memory_space<vmem>> -> memref<128x64xf32, #tpu.memory_space<vmem>>
          tpu.wait_dma2 semaphore(%arg18 : memref<!tpu.dma_semaphore, #tpu.memory_space<semaphore_mem>>) src(%dma_wait3A_2023 : memref<128x64xf32, #tpu.memory_space<vmem>>) dst(%dma_wait3A_2019 : memref<128x64xf32, #tpu.memory_space<hbm>>)
        } else {
        }
        %dma_start3A_1908 = arith.constant 3 : i32
        %dma_start3A_1909 = arith.constant 0 : i32
        %dma_start3A_1910 = arith.constant 0 : i32
        %dma_start3A_1911 = tpu.memref_slice %arg6[%dma_start3A_1908, %dma_start3A_1909, %dma_start3A_1910] : memref<8x128x64xf32, #tpu.memory_space<vmem>> -> memref<1x128x64xf32, #tpu.memory_space<vmem>>
        %dma_start3A_1912 = tpu.memref_squeeze %dma_start3A_1911 : memref<1x128x64xf32, #tpu.memory_space<vmem>> -> memref<128x64xf32, #tpu.memory_space<vmem>>
        %dma_start3A_1913 = arith.constant 0 : i32
        %dma_start3A_1914 = tpu.memref_slice %arg5[%add3A_1898, %dma_start3A_1913] : memref<200x128xi32, #tpu.memory_space<vmem>> -> memref<1x128xi32, #tpu.memory_space<vmem>>
        %dma_start3A_1915 = tpu.memref_squeeze %dma_start3A_1914 : memref<1x128xi32, #tpu.memory_space<vmem>> -> memref<128xi32, #tpu.memory_space<vmem>>
        %dma_start3A_1916 = arith.constant 0 : i32
        %dma_start3A_1917 = arith.constant 0 : i32
        %dma_start3A_1918 = tpu.memref_slice %arg3[%dma_start3A_1916, %dma_start3A_1917] : memref<1000000x64xf32, #tpu.memory_space<hbm>> -> memref<1000000x64xf32, #tpu.memory_space<hbm>>
        tpu.enqueue_indirect_dma source(%dma_start3A_1918 : memref<1000000x64xf32, #tpu.memory_space<hbm>>) target(%dma_start3A_1912 : memref<128x64xf32, #tpu.memory_space<vmem>>) offsets(%dma_start3A_1915 : memref<128xi32, #tpu.memory_space<vmem>>) semaphore(%arg10 : memref<!tpu.dma_semaphore, #tpu.memory_space<semaphore_mem>>)
      } else {
      }
    }
    %scan3A_55 = arith.constant 25 : i32
    %mul3A_56 = arith.constant 200 : i32
    %mul3A_57 = arith.muli %add3A, %mul3A_56 : i32
    %add3A_58 = arith.constant 192 : i32
    %add3A_59 = arith.addi %mul3A_57, %add3A_58 : i32
    %jit3A = arith.constant 8 : i32
    %div3A = arith.divsi %add3A_59, %jit3A : i32
    %sign3A = arith.constant 0 : i32
    %sign3A_60 = arith.cmpi sgt, %add3A_59, %sign3A : i32
    %sign3A_61 = arith.extui %sign3A_60 : i1 to i32
    %sign3A_62 = arith.constant 0 : i32
    %sign3A_63 = arith.cmpi slt, %add3A_59, %sign3A_62 : i32
    %sign3A_64 = arith.extui %sign3A_63 : i1 to i32
    %sign3A_65 = arith.subi %sign3A_61, %sign3A_64 : i32
    %sign3A_66 = arith.constant 0 : i32
    %sign3A_67 = arith.cmpi sgt, %jit3A, %sign3A_66 : i32
    %sign3A_68 = arith.extui %sign3A_67 : i1 to i32
    %sign3A_69 = arith.constant 0 : i32
    %sign3A_70 = arith.cmpi slt, %jit3A, %sign3A_69 : i32
    %sign3A_71 = arith.extui %sign3A_70 : i1 to i32
    %sign3A_72 = arith.subi %sign3A_68, %sign3A_71 : i32
    %ne3A = arith.cmpi ne, %sign3A_65, %sign3A_72 : i32
    %rem3A = arith.remsi %add3A_59, %jit3A : i32
    %ne3A_73 = arith.constant 0 : i32
    %ne3A_74 = arith.cmpi ne, %rem3A, %ne3A_73 : i32
    %and3A = arith.andi %ne3A, %ne3A_74 : i1
    %sub3A = arith.constant 1 : i32
    %sub3A_75 = arith.subi %div3A, %sub3A : i32
    %select_n3A = arith.select %and3A, %sub3A_75, %div3A : i32
    %jit3A_76 = arith.constant 8 : i32
    %eq3A = arith.constant 0 : i32
    %eq3A_77 = arith.cmpi eq, %jit3A_76, %eq3A : i32
    %jit3A_78 = arith.constant 1 : i32
    %select_n3A_79 = arith.select %eq3A_77, %jit3A_78, %jit3A_76 : i32
    %rem3A_80 = arith.remsi %add3A_59, %select_n3A_79 : i32
    %ne3A_81 = arith.constant 0 : i32
    %ne3A_82 = arith.cmpi ne, %rem3A_80, %ne3A_81 : i32
    %lt3A = arith.constant 0 : i32
    %lt3A_83 = arith.cmpi slt, %rem3A_80, %lt3A : i32
    %lt3A_84 = arith.constant 0 : i32
    %lt3A_85 = arith.cmpi slt, %select_n3A_79, %lt3A_84 : i32
    %ne3A_86 = arith.xori %lt3A_83, %lt3A_85 : i1
    %and3A_87 = arith.andi %ne3A_86, %ne3A_82 : i1
    %add3A_88 = arith.addi %rem3A_80, %select_n3A_79 : i32
    %select_n3A_89 = arith.select %and3A_87, %add3A_88, %rem3A_80 : i32
    %jit3A_90 = arith.constant 32 : i32
    %div3A_91 = arith.divsi %select_n3A, %jit3A_90 : i32
    %sign3A_92 = arith.constant 0 : i32
    %sign3A_93 = arith.cmpi sgt, %select_n3A, %sign3A_92 : i32
    %sign3A_94 = arith.extui %sign3A_93 : i1 to i32
    %sign3A_95 = arith.constant 0 : i32
    %sign3A_96 = arith.cmpi slt, %select_n3A, %sign3A_95 : i32
    %sign3A_97 = arith.extui %sign3A_96 : i1 to i32
    %sign3A_98 = arith.subi %sign3A_94, %sign3A_97 : i32
    %sign3A_99 = arith.constant 0 : i32
    %sign3A_100 = arith.cmpi sgt, %jit3A_90, %sign3A_99 : i32
    %sign3A_101 = arith.extui %sign3A_100 : i1 to i32
    %sign3A_102 = arith.constant 0 : i32
    %sign3A_103 = arith.cmpi slt, %jit3A_90, %sign3A_102 : i32
    %sign3A_104 = arith.extui %sign3A_103 : i1 to i32
    %sign3A_105 = arith.subi %sign3A_101, %sign3A_104 : i32
    %ne3A_106 = arith.cmpi ne, %sign3A_98, %sign3A_105 : i32
    %rem3A_107 = arith.remsi %select_n3A, %jit3A_90 : i32
    %ne3A_108 = arith.constant 0 : i32
    %ne3A_109 = arith.cmpi ne, %rem3A_107, %ne3A_108 : i32
    %and3A_110 = arith.andi %ne3A_106, %ne3A_109 : i1
    %sub3A_111 = arith.constant 1 : i32
    %sub3A_112 = arith.subi %div3A_91, %sub3A_111 : i32
    %select_n3A_113 = arith.select %and3A_110, %sub3A_112, %div3A_91 : i32
    %jit3A_114 = arith.constant 32 : i32
    %eq3A_115 = arith.constant 0 : i32
    %eq3A_116 = arith.cmpi eq, %jit3A_114, %eq3A_115 : i32
    %jit3A_117 = arith.constant 1 : i32
    %select_n3A_118 = arith.select %eq3A_116, %jit3A_117, %jit3A_114 : i32
    %rem3A_119 = arith.remsi %select_n3A, %select_n3A_118 : i32
    %ne3A_120 = arith.constant 0 : i32
    %ne3A_121 = arith.cmpi ne, %rem3A_119, %ne3A_120 : i32
    %lt3A_122 = arith.constant 0 : i32
    %lt3A_123 = arith.cmpi slt, %rem3A_119, %lt3A_122 : i32
    %lt3A_124 = arith.constant 0 : i32
    %lt3A_125 = arith.cmpi slt, %select_n3A_118, %lt3A_124 : i32
    %ne3A_126 = arith.xori %lt3A_123, %lt3A_125 : i1
    %and3A_127 = arith.andi %ne3A_126, %ne3A_121 : i1
    %add3A_128 = arith.addi %rem3A_119, %select_n3A_118 : i32
    %select_n3A_129 = arith.select %and3A_127, %add3A_128, %rem3A_119 : i32
    %mul3A_130 = arith.constant 8 : i32
    %mul3A_131 = arith.muli %select_n3A_113, %mul3A_130 : i32
    %add3A_132 = arith.addi %mul3A_131, %select_n3A_89 : i32
    %mul3A_133 = arith.constant 128 : i32
    %mul3A_134 = arith.muli %select_n3A_129, %mul3A_133 : i32
    %dma_wait3A = arith.constant 0 : i32
    %dma_wait3A_135 = arith.constant 0 : i32
    %dma_wait3A_136 = arith.constant 0 : i32
    %dma_wait3A_137 = tpu.memref_slice %arg6[%dma_wait3A, %dma_wait3A_135, %dma_wait3A_136] : memref<8x128x64xf32, #tpu.memory_space<vmem>> -> memref<1x128x64xf32, #tpu.memory_space<vmem>>
    %dma_wait3A_138 = tpu.memref_squeeze %dma_wait3A_137 : memref<1x128x64xf32, #tpu.memory_space<vmem>> -> memref<128x64xf32, #tpu.memory_space<vmem>>
    %dma_wait3A_139 = arith.constant 0 : i32
    %dma_wait3A_140 = tpu.memref_slice %arg4[%mul3A_134, %add3A_132, %dma_wait3A_139] : memref<4096x200x128xf32, #tpu.memory_space<hbm>> -> memref<128x1x64xf32, #tpu.memory_space<hbm>>
    %dma_wait3A_141 = tpu.memref_squeeze %dma_wait3A_140 : memref<128x1x64xf32, #tpu.memory_space<hbm>> -> memref<128x64xf32, #tpu.memory_space<hbm>>
    %dma_wait3A_142 = arith.constant 0 : i32
    %dma_wait3A_143 = tpu.memref_slice %arg4[%mul3A_134, %add3A_132, %dma_wait3A_142] : memref<4096x200x128xf32, #tpu.memory_space<hbm>> -> memref<128x1x64xf32, #tpu.memory_space<hbm>>
    %dma_wait3A_144 = tpu.memref_squeeze %dma_wait3A_143 : memref<128x1x64xf32, #tpu.memory_space<hbm>> -> memref<128x64xf32, #tpu.memory_space<hbm>>
    %dma_wait3A_145 = arith.constant 0 : i32
    %dma_wait3A_146 = arith.constant 0 : i32
    %dma_wait3A_147 = tpu.memref_slice %arg6[%dma_wait3A, %dma_wait3A_145, %dma_wait3A_146] : memref<8x128x64xf32, #tpu.memory_space<vmem>> -> memref<1x128x64xf32, #tpu.memory_space<vmem>>
    %dma_wait3A_148 = tpu.memref_squeeze %dma_wait3A_147 : memref<1x128x64xf32, #tpu.memory_space<vmem>> -> memref<128x64xf32, #tpu.memory_space<vmem>>
    tpu.wait_dma2 semaphore(%arg15 : memref<!tpu.dma_semaphore, #tpu.memory_space<semaphore_mem>>) src(%dma_wait3A_148 : memref<128x64xf32, #tpu.memory_space<vmem>>) dst(%dma_wait3A_144 : memref<128x64xf32, #tpu.memory_space<hbm>>)
    %mul3A_149 = arith.constant 200 : i32
    %mul3A_150 = arith.muli %add3A, %mul3A_149 : i32
    %add3A_151 = arith.constant 193 : i32
    %add3A_152 = arith.addi %mul3A_150, %add3A_151 : i32
    %jit3A_153 = arith.constant 8 : i32
    %div3A_154 = arith.divsi %add3A_152, %jit3A_153 : i32
    %sign3A_155 = arith.constant 0 : i32
    %sign3A_156 = arith.cmpi sgt, %add3A_152, %sign3A_155 : i32
    %sign3A_157 = arith.extui %sign3A_156 : i1 to i32
    %sign3A_158 = arith.constant 0 : i32
    %sign3A_159 = arith.cmpi slt, %add3A_152, %sign3A_158 : i32
    %sign3A_160 = arith.extui %sign3A_159 : i1 to i32
    %sign3A_161 = arith.subi %sign3A_157, %sign3A_160 : i32
    %sign3A_162 = arith.constant 0 : i32
    %sign3A_163 = arith.cmpi sgt, %jit3A_153, %sign3A_162 : i32
    %sign3A_164 = arith.extui %sign3A_163 : i1 to i32
    %sign3A_165 = arith.constant 0 : i32
    %sign3A_166 = arith.cmpi slt, %jit3A_153, %sign3A_165 : i32
    %sign3A_167 = arith.extui %sign3A_166 : i1 to i32
    %sign3A_168 = arith.subi %sign3A_164, %sign3A_167 : i32
    %ne3A_169 = arith.cmpi ne, %sign3A_161, %sign3A_168 : i32
    %rem3A_170 = arith.remsi %add3A_152, %jit3A_153 : i32
    %ne3A_171 = arith.constant 0 : i32
    %ne3A_172 = arith.cmpi ne, %rem3A_170, %ne3A_171 : i32
    %and3A_173 = arith.andi %ne3A_169, %ne3A_172 : i1
    %sub3A_174 = arith.constant 1 : i32
    %sub3A_175 = arith.subi %div3A_154, %sub3A_174 : i32
    %select_n3A_176 = arith.select %and3A_173, %sub3A_175, %div3A_154 : i32
    %jit3A_177 = arith.constant 8 : i32
    %eq3A_178 = arith.constant 0 : i32
    %eq3A_179 = arith.cmpi eq, %jit3A_177, %eq3A_178 : i32
    %jit3A_180 = arith.constant 1 : i32
    %select_n3A_181 = arith.select %eq3A_179, %jit3A_180, %jit3A_177 : i32
    %rem3A_182 = arith.remsi %add3A_152, %select_n3A_181 : i32
    %ne3A_183 = arith.constant 0 : i32
    %ne3A_184 = arith.cmpi ne, %rem3A_182, %ne3A_183 : i32
    %lt3A_185 = arith.constant 0 : i32
    %lt3A_186 = arith.cmpi slt, %rem3A_182, %lt3A_185 : i32
    %lt3A_187 = arith.constant 0 : i32
    %lt3A_188 = arith.cmpi slt, %select_n3A_181, %lt3A_187 : i32
    %ne3A_189 = arith.xori %lt3A_186, %lt3A_188 : i1
    %and3A_190 = arith.andi %ne3A_189, %ne3A_184 : i1
    %add3A_191 = arith.addi %rem3A_182, %select_n3A_181 : i32
    %select_n3A_192 = arith.select %and3A_190, %add3A_191, %rem3A_182 : i32
    %jit3A_193 = arith.constant 32 : i32
    %div3A_194 = arith.divsi %select_n3A_176, %jit3A_193 : i32
    %sign3A_195 = arith.constant 0 : i32
    %sign3A_196 = arith.cmpi sgt, %select_n3A_176, %sign3A_195 : i32
    %sign3A_197 = arith.extui %sign3A_196 : i1 to i32
    %sign3A_198 = arith.constant 0 : i32
    %sign3A_199 = arith.cmpi slt, %select_n3A_176, %sign3A_198 : i32
    %sign3A_200 = arith.extui %sign3A_199 : i1 to i32
    %sign3A_201 = arith.subi %sign3A_197, %sign3A_200 : i32
    %sign3A_202 = arith.constant 0 : i32
    %sign3A_203 = arith.cmpi sgt, %jit3A_193, %sign3A_202 : i32
    %sign3A_204 = arith.extui %sign3A_203 : i1 to i32
    %sign3A_205 = arith.constant 0 : i32
    %sign3A_206 = arith.cmpi slt, %jit3A_193, %sign3A_205 : i32
    %sign3A_207 = arith.extui %sign3A_206 : i1 to i32
    %sign3A_208 = arith.subi %sign3A_204, %sign3A_207 : i32
    %ne3A_209 = arith.cmpi ne, %sign3A_201, %sign3A_208 : i32
    %rem3A_210 = arith.remsi %select_n3A_176, %jit3A_193 : i32
    %ne3A_211 = arith.constant 0 : i32
    %ne3A_212 = arith.cmpi ne, %rem3A_210, %ne3A_211 : i32
    %and3A_213 = arith.andi %ne3A_209, %ne3A_212 : i1
    %sub3A_214 = arith.constant 1 : i32
    %sub3A_215 = arith.subi %div3A_194, %sub3A_214 : i32
    %select_n3A_216 = arith.select %and3A_213, %sub3A_215, %div3A_194 : i32
    %jit3A_217 = arith.constant 32 : i32
    %eq3A_218 = arith.constant 0 : i32
    %eq3A_219 = arith.cmpi eq, %jit3A_217, %eq3A_218 : i32
    %jit3A_220 = arith.constant 1 : i32
    %select_n3A_221 = arith.select %eq3A_219, %jit3A_220, %jit3A_217 : i32
    %rem3A_222 = arith.remsi %select_n3A_176, %select_n3A_221 : i32
    %ne3A_223 = arith.constant 0 : i32
    %ne3A_224 = arith.cmpi ne, %rem3A_222, %ne3A_223 : i32
    %lt3A_225 = arith.constant 0 : i32
    %lt3A_226 = arith.cmpi slt, %rem3A_222, %lt3A_225 : i32
    %lt3A_227 = arith.constant 0 : i32
    %lt3A_228 = arith.cmpi slt, %select_n3A_221, %lt3A_227 : i32
    %ne3A_229 = arith.xori %lt3A_226, %lt3A_228 : i1
    %and3A_230 = arith.andi %ne3A_229, %ne3A_224 : i1
    %add3A_231 = arith.addi %rem3A_222, %select_n3A_221 : i32
    %select_n3A_232 = arith.select %and3A_230, %add3A_231, %rem3A_222 : i32
    %mul3A_233 = arith.constant 8 : i32
    %mul3A_234 = arith.muli %select_n3A_216, %mul3A_233 : i32
    %add3A_235 = arith.addi %mul3A_234, %select_n3A_192 : i32
    %mul3A_236 = arith.constant 128 : i32
    %mul3A_237 = arith.muli %select_n3A_232, %mul3A_236 : i32
    %dma_wait3A_238 = arith.constant 1 : i32
    %dma_wait3A_239 = arith.constant 0 : i32
    %dma_wait3A_240 = arith.constant 0 : i32
    %dma_wait3A_241 = tpu.memref_slice %arg6[%dma_wait3A_238, %dma_wait3A_239, %dma_wait3A_240] : memref<8x128x64xf32, #tpu.memory_space<vmem>> -> memref<1x128x64xf32, #tpu.memory_space<vmem>>
    %dma_wait3A_242 = tpu.memref_squeeze %dma_wait3A_241 : memref<1x128x64xf32, #tpu.memory_space<vmem>> -> memref<128x64xf32, #tpu.memory_space<vmem>>
    %dma_wait3A_243 = arith.constant 0 : i32
    %dma_wait3A_244 = tpu.memref_slice %arg4[%mul3A_237, %add3A_235, %dma_wait3A_243] : memref<4096x200x128xf32, #tpu.memory_space<hbm>> -> memref<128x1x64xf32, #tpu.memory_space<hbm>>
    %dma_wait3A_245 = tpu.memref_squeeze %dma_wait3A_244 : memref<128x1x64xf32, #tpu.memory_space<hbm>> -> memref<128x64xf32, #tpu.memory_space<hbm>>
    %dma_wait3A_246 = arith.constant 0 : i32
    %dma_wait3A_247 = tpu.memref_slice %arg4[%mul3A_237, %add3A_235, %dma_wait3A_246] : memref<4096x200x128xf32, #tpu.memory_space<hbm>> -> memref<128x1x64xf32, #tpu.memory_space<hbm>>
    %dma_wait3A_248 = tpu.memref_squeeze %dma_wait3A_247 : memref<128x1x64xf32, #tpu.memory_space<hbm>> -> memref<128x64xf32, #tpu.memory_space<hbm>>
    %dma_wait3A_249 = arith.constant 0 : i32
    %dma_wait3A_250 = arith.constant 0 : i32
    %dma_wait3A_251 = tpu.memref_slice %arg6[%dma_wait3A_238, %dma_wait3A_249, %dma_wait3A_250] : memref<8x128x64xf32, #tpu.memory_space<vmem>> -> memref<1x128x64xf32, #tpu.memory_space<vmem>>
    %dma_wait3A_252 = tpu.memref_squeeze %dma_wait3A_251 : memref<1x128x64xf32, #tpu.memory_space<vmem>> -> memref<128x64xf32, #tpu.memory_space<vmem>>
    tpu.wait_dma2 semaphore(%arg16 : memref<!tpu.dma_semaphore, #tpu.memory_space<semaphore_mem>>) src(%dma_wait3A_252 : memref<128x64xf32, #tpu.memory_space<vmem>>) dst(%dma_wait3A_248 : memref<128x64xf32, #tpu.memory_space<hbm>>)
    %mul3A_253 = arith.constant 200 : i32
    %mul3A_254 = arith.muli %add3A, %mul3A_253 : i32
    %add3A_255 = arith.constant 194 : i32
    %add3A_256 = arith.addi %mul3A_254, %add3A_255 : i32
    %jit3A_257 = arith.constant 8 : i32
    %div3A_258 = arith.divsi %add3A_256, %jit3A_257 : i32
    %sign3A_259 = arith.constant 0 : i32
    %sign3A_260 = arith.cmpi sgt, %add3A_256, %sign3A_259 : i32
    %sign3A_261 = arith.extui %sign3A_260 : i1 to i32
    %sign3A_262 = arith.constant 0 : i32
    %sign3A_263 = arith.cmpi slt, %add3A_256, %sign3A_262 : i32
    %sign3A_264 = arith.extui %sign3A_263 : i1 to i32
    %sign3A_265 = arith.subi %sign3A_261, %sign3A_264 : i32
    %sign3A_266 = arith.constant 0 : i32
    %sign3A_267 = arith.cmpi sgt, %jit3A_257, %sign3A_266 : i32
    %sign3A_268 = arith.extui %sign3A_267 : i1 to i32
    %sign3A_269 = arith.constant 0 : i32
    %sign3A_270 = arith.cmpi slt, %jit3A_257, %sign3A_269 : i32
    %sign3A_271 = arith.extui %sign3A_270 : i1 to i32
    %sign3A_272 = arith.subi %sign3A_268, %sign3A_271 : i32
    %ne3A_273 = arith.cmpi ne, %sign3A_265, %sign3A_272 : i32
    %rem3A_274 = arith.remsi %add3A_256, %jit3A_257 : i32
    %ne3A_275 = arith.constant 0 : i32
    %ne3A_276 = arith.cmpi ne, %rem3A_274, %ne3A_275 : i32
    %and3A_277 = arith.andi %ne3A_273, %ne3A_276 : i1
    %sub3A_278 = arith.constant 1 : i32
    %sub3A_279 = arith.subi %div3A_258, %sub3A_278 : i32
    %select_n3A_280 = arith.select %and3A_277, %sub3A_279, %div3A_258 : i32
    %jit3A_281 = arith.constant 8 : i32
    %eq3A_282 = arith.constant 0 : i32
    %eq3A_283 = arith.cmpi eq, %jit3A_281, %eq3A_282 : i32
    %jit3A_284 = arith.constant 1 : i32
    %select_n3A_285 = arith.select %eq3A_283, %jit3A_284, %jit3A_281 : i32
    %rem3A_286 = arith.remsi %add3A_256, %select_n3A_285 : i32
    %ne3A_287 = arith.constant 0 : i32
    %ne3A_288 = arith.cmpi ne, %rem3A_286, %ne3A_287 : i32
    %lt3A_289 = arith.constant 0 : i32
    %lt3A_290 = arith.cmpi slt, %rem3A_286, %lt3A_289 : i32
    %lt3A_291 = arith.constant 0 : i32
    %lt3A_292 = arith.cmpi slt, %select_n3A_285, %lt3A_291 : i32
    %ne3A_293 = arith.xori %lt3A_290, %lt3A_292 : i1
    %and3A_294 = arith.andi %ne3A_293, %ne3A_288 : i1
    %add3A_295 = arith.addi %rem3A_286, %select_n3A_285 : i32
    %select_n3A_296 = arith.select %and3A_294, %add3A_295, %rem3A_286 : i32
    %jit3A_297 = arith.constant 32 : i32
    %div3A_298 = arith.divsi %select_n3A_280, %jit3A_297 : i32
    %sign3A_299 = arith.constant 0 : i32
    %sign3A_300 = arith.cmpi sgt, %select_n3A_280, %sign3A_299 : i32
    %sign3A_301 = arith.extui %sign3A_300 : i1 to i32
    %sign3A_302 = arith.constant 0 : i32
    %sign3A_303 = arith.cmpi slt, %select_n3A_280, %sign3A_302 : i32
    %sign3A_304 = arith.extui %sign3A_303 : i1 to i32
    %sign3A_305 = arith.subi %sign3A_301, %sign3A_304 : i32
    %sign3A_306 = arith.constant 0 : i32
    %sign3A_307 = arith.cmpi sgt, %jit3A_297, %sign3A_306 : i32
    %sign3A_308 = arith.extui %sign3A_307 : i1 to i32
    %sign3A_309 = arith.constant 0 : i32
    %sign3A_310 = arith.cmpi slt, %jit3A_297, %sign3A_309 : i32
    %sign3A_311 = arith.extui %sign3A_310 : i1 to i32
    %sign3A_312 = arith.subi %sign3A_308, %sign3A_311 : i32
    %ne3A_313 = arith.cmpi ne, %sign3A_305, %sign3A_312 : i32
    %rem3A_314 = arith.remsi %select_n3A_280, %jit3A_297 : i32
    %ne3A_315 = arith.constant 0 : i32
    %ne3A_316 = arith.cmpi ne, %rem3A_314, %ne3A_315 : i32
    %and3A_317 = arith.andi %ne3A_313, %ne3A_316 : i1
    %sub3A_318 = arith.constant 1 : i32
    %sub3A_319 = arith.subi %div3A_298, %sub3A_318 : i32
    %select_n3A_320 = arith.select %and3A_317, %sub3A_319, %div3A_298 : i32
    %jit3A_321 = arith.constant 32 : i32
    %eq3A_322 = arith.constant 0 : i32
    %eq3A_323 = arith.cmpi eq, %jit3A_321, %eq3A_322 : i32
    %jit3A_324 = arith.constant 1 : i32
    %select_n3A_325 = arith.select %eq3A_323, %jit3A_324, %jit3A_321 : i32
    %rem3A_326 = arith.remsi %select_n3A_280, %select_n3A_325 : i32
    %ne3A_327 = arith.constant 0 : i32
    %ne3A_328 = arith.cmpi ne, %rem3A_326, %ne3A_327 : i32
    %lt3A_329 = arith.constant 0 : i32
    %lt3A_330 = arith.cmpi slt, %rem3A_326, %lt3A_329 : i32
    %lt3A_331 = arith.constant 0 : i32
    %lt3A_332 = arith.cmpi slt, %select_n3A_325, %lt3A_331 : i32
    %ne3A_333 = arith.xori %lt3A_330, %lt3A_332 : i1
    %and3A_334 = arith.andi %ne3A_333, %ne3A_328 : i1
    %add3A_335 = arith.addi %rem3A_326, %select_n3A_325 : i32
    %select_n3A_336 = arith.select %and3A_334, %add3A_335, %rem3A_326 : i32
    %mul3A_337 = arith.constant 8 : i32
    %mul3A_338 = arith.muli %select_n3A_320, %mul3A_337 : i32
    %add3A_339 = arith.addi %mul3A_338, %select_n3A_296 : i32
    %mul3A_340 = arith.constant 128 : i32
    %mul3A_341 = arith.muli %select_n3A_336, %mul3A_340 : i32
    %dma_wait3A_342 = arith.constant 2 : i32
    %dma_wait3A_343 = arith.constant 0 : i32
    %dma_wait3A_344 = arith.constant 0 : i32
    %dma_wait3A_345 = tpu.memref_slice %arg6[%dma_wait3A_342, %dma_wait3A_343, %dma_wait3A_344] : memref<8x128x64xf32, #tpu.memory_space<vmem>> -> memref<1x128x64xf32, #tpu.memory_space<vmem>>
    %dma_wait3A_346 = tpu.memref_squeeze %dma_wait3A_345 : memref<1x128x64xf32, #tpu.memory_space<vmem>> -> memref<128x64xf32, #tpu.memory_space<vmem>>
    %dma_wait3A_347 = arith.constant 0 : i32
    %dma_wait3A_348 = tpu.memref_slice %arg4[%mul3A_341, %add3A_339, %dma_wait3A_347] : memref<4096x200x128xf32, #tpu.memory_space<hbm>> -> memref<128x1x64xf32, #tpu.memory_space<hbm>>
    %dma_wait3A_349 = tpu.memref_squeeze %dma_wait3A_348 : memref<128x1x64xf32, #tpu.memory_space<hbm>> -> memref<128x64xf32, #tpu.memory_space<hbm>>
    %dma_wait3A_350 = arith.constant 0 : i32
    %dma_wait3A_351 = tpu.memref_slice %arg4[%mul3A_341, %add3A_339, %dma_wait3A_350] : memref<4096x200x128xf32, #tpu.memory_space<hbm>> -> memref<128x1x64xf32, #tpu.memory_space<hbm>>
    %dma_wait3A_352 = tpu.memref_squeeze %dma_wait3A_351 : memref<128x1x64xf32, #tpu.memory_space<hbm>> -> memref<128x64xf32, #tpu.memory_space<hbm>>
    %dma_wait3A_353 = arith.constant 0 : i32
    %dma_wait3A_354 = arith.constant 0 : i32
    %dma_wait3A_355 = tpu.memref_slice %arg6[%dma_wait3A_342, %dma_wait3A_353, %dma_wait3A_354] : memref<8x128x64xf32, #tpu.memory_space<vmem>> -> memref<1x128x64xf32, #tpu.memory_space<vmem>>
    %dma_wait3A_356 = tpu.memref_squeeze %dma_wait3A_355 : memref<1x128x64xf32, #tpu.memory_space<vmem>> -> memref<128x64xf32, #tpu.memory_space<vmem>>
    tpu.wait_dma2 semaphore(%arg17 : memref<!tpu.dma_semaphore, #tpu.memory_space<semaphore_mem>>) src(%dma_wait3A_356 : memref<128x64xf32, #tpu.memory_space<vmem>>) dst(%dma_wait3A_352 : memref<128x64xf32, #tpu.memory_space<hbm>>)
    %mul3A_357 = arith.constant 200 : i32
    %mul3A_358 = arith.muli %add3A, %mul3A_357 : i32
    %add3A_359 = arith.constant 195 : i32
    %add3A_360 = arith.addi %mul3A_358, %add3A_359 : i32
    %jit3A_361 = arith.constant 8 : i32
    %div3A_362 = arith.divsi %add3A_360, %jit3A_361 : i32
    %sign3A_363 = arith.constant 0 : i32
    %sign3A_364 = arith.cmpi sgt, %add3A_360, %sign3A_363 : i32
    %sign3A_365 = arith.extui %sign3A_364 : i1 to i32
    %sign3A_366 = arith.constant 0 : i32
    %sign3A_367 = arith.cmpi slt, %add3A_360, %sign3A_366 : i32
    %sign3A_368 = arith.extui %sign3A_367 : i1 to i32
    %sign3A_369 = arith.subi %sign3A_365, %sign3A_368 : i32
    %sign3A_370 = arith.constant 0 : i32
    %sign3A_371 = arith.cmpi sgt, %jit3A_361, %sign3A_370 : i32
    %sign3A_372 = arith.extui %sign3A_371 : i1 to i32
    %sign3A_373 = arith.constant 0 : i32
    %sign3A_374 = arith.cmpi slt, %jit3A_361, %sign3A_373 : i32
    %sign3A_375 = arith.extui %sign3A_374 : i1 to i32
    %sign3A_376 = arith.subi %sign3A_372, %sign3A_375 : i32
    %ne3A_377 = arith.cmpi ne, %sign3A_369, %sign3A_376 : i32
    %rem3A_378 = arith.remsi %add3A_360, %jit3A_361 : i32
    %ne3A_379 = arith.constant 0 : i32
    %ne3A_380 = arith.cmpi ne, %rem3A_378, %ne3A_379 : i32
    %and3A_381 = arith.andi %ne3A_377, %ne3A_380 : i1
    %sub3A_382 = arith.constant 1 : i32
    %sub3A_383 = arith.subi %div3A_362, %sub3A_382 : i32
    %select_n3A_384 = arith.select %and3A_381, %sub3A_383, %div3A_362 : i32
    %jit3A_385 = arith.constant 8 : i32
    %eq3A_386 = arith.constant 0 : i32
    %eq3A_387 = arith.cmpi eq, %jit3A_385, %eq3A_386 : i32
    %jit3A_388 = arith.constant 1 : i32
    %select_n3A_389 = arith.select %eq3A_387, %jit3A_388, %jit3A_385 : i32
    %rem3A_390 = arith.remsi %add3A_360, %select_n3A_389 : i32
    %ne3A_391 = arith.constant 0 : i32
    %ne3A_392 = arith.cmpi ne, %rem3A_390, %ne3A_391 : i32
    %lt3A_393 = arith.constant 0 : i32
    %lt3A_394 = arith.cmpi slt, %rem3A_390, %lt3A_393 : i32
    %lt3A_395 = arith.constant 0 : i32
    %lt3A_396 = arith.cmpi slt, %select_n3A_389, %lt3A_395 : i32
    %ne3A_397 = arith.xori %lt3A_394, %lt3A_396 : i1
    %and3A_398 = arith.andi %ne3A_397, %ne3A_392 : i1
    %add3A_399 = arith.addi %rem3A_390, %select_n3A_389 : i32
    %select_n3A_400 = arith.select %and3A_398, %add3A_399, %rem3A_390 : i32
    %jit3A_401 = arith.constant 32 : i32
    %div3A_402 = arith.divsi %select_n3A_384, %jit3A_401 : i32
    %sign3A_403 = arith.constant 0 : i32
    %sign3A_404 = arith.cmpi sgt, %select_n3A_384, %sign3A_403 : i32
    %sign3A_405 = arith.extui %sign3A_404 : i1 to i32
    %sign3A_406 = arith.constant 0 : i32
    %sign3A_407 = arith.cmpi slt, %select_n3A_384, %sign3A_406 : i32
    %sign3A_408 = arith.extui %sign3A_407 : i1 to i32
    %sign3A_409 = arith.subi %sign3A_405, %sign3A_408 : i32
    %sign3A_410 = arith.constant 0 : i32
    %sign3A_411 = arith.cmpi sgt, %jit3A_401, %sign3A_410 : i32
    %sign3A_412 = arith.extui %sign3A_411 : i1 to i32
    %sign3A_413 = arith.constant 0 : i32
    %sign3A_414 = arith.cmpi slt, %jit3A_401, %sign3A_413 : i32
    %sign3A_415 = arith.extui %sign3A_414 : i1 to i32
    %sign3A_416 = arith.subi %sign3A_412, %sign3A_415 : i32
    %ne3A_417 = arith.cmpi ne, %sign3A_409, %sign3A_416 : i32
    %rem3A_418 = arith.remsi %select_n3A_384, %jit3A_401 : i32
    %ne3A_419 = arith.constant 0 : i32
    %ne3A_420 = arith.cmpi ne, %rem3A_418, %ne3A_419 : i32
    %and3A_421 = arith.andi %ne3A_417, %ne3A_420 : i1
    %sub3A_422 = arith.constant 1 : i32
    %sub3A_423 = arith.subi %div3A_402, %sub3A_422 : i32
    %select_n3A_424 = arith.select %and3A_421, %sub3A_423, %div3A_402 : i32
    %jit3A_425 = arith.constant 32 : i32
    %eq3A_426 = arith.constant 0 : i32
    %eq3A_427 = arith.cmpi eq, %jit3A_425, %eq3A_426 : i32
    %jit3A_428 = arith.constant 1 : i32
    %select_n3A_429 = arith.select %eq3A_427, %jit3A_428, %jit3A_425 : i32
    %rem3A_430 = arith.remsi %select_n3A_384, %select_n3A_429 : i32
    %ne3A_431 = arith.constant 0 : i32
    %ne3A_432 = arith.cmpi ne, %rem3A_430, %ne3A_431 : i32
    %lt3A_433 = arith.constant 0 : i32
    %lt3A_434 = arith.cmpi slt, %rem3A_430, %lt3A_433 : i32
    %lt3A_435 = arith.constant 0 : i32
    %lt3A_436 = arith.cmpi slt, %select_n3A_429, %lt3A_435 : i32
    %ne3A_437 = arith.xori %lt3A_434, %lt3A_436 : i1
    %and3A_438 = arith.andi %ne3A_437, %ne3A_432 : i1
    %add3A_439 = arith.addi %rem3A_430, %select_n3A_429 : i32
    %select_n3A_440 = arith.select %and3A_438, %add3A_439, %rem3A_430 : i32
    %mul3A_441 = arith.constant 8 : i32
    %mul3A_442 = arith.muli %select_n3A_424, %mul3A_441 : i32
    %add3A_443 = arith.addi %mul3A_442, %select_n3A_400 : i32
    %mul3A_444 = arith.constant 128 : i32
    %mul3A_445 = arith.muli %select_n3A_440, %mul3A_444 : i32
    %dma_wait3A_446 = arith.constant 3 : i32
    %dma_wait3A_447 = arith.constant 0 : i32
    %dma_wait3A_448 = arith.constant 0 : i32
    %dma_wait3A_449 = tpu.memref_slice %arg6[%dma_wait3A_446, %dma_wait3A_447, %dma_wait3A_448] : memref<8x128x64xf32, #tpu.memory_space<vmem>> -> memref<1x128x64xf32, #tpu.memory_space<vmem>>
    %dma_wait3A_450 = tpu.memref_squeeze %dma_wait3A_449 : memref<1x128x64xf32, #tpu.memory_space<vmem>> -> memref<128x64xf32, #tpu.memory_space<vmem>>
    %dma_wait3A_451 = arith.constant 0 : i32
    %dma_wait3A_452 = tpu.memref_slice %arg4[%mul3A_445, %add3A_443, %dma_wait3A_451] : memref<4096x200x128xf32, #tpu.memory_space<hbm>> -> memref<128x1x64xf32, #tpu.memory_space<hbm>>
    %dma_wait3A_453 = tpu.memref_squeeze %dma_wait3A_452 : memref<128x1x64xf32, #tpu.memory_space<hbm>> -> memref<128x64xf32, #tpu.memory_space<hbm>>
    %dma_wait3A_454 = arith.constant 0 : i32
    %dma_wait3A_455 = tpu.memref_slice %arg4[%mul3A_445, %add3A_443, %dma_wait3A_454] : memref<4096x200x128xf32, #tpu.memory_space<hbm>> -> memref<128x1x64xf32, #tpu.memory_space<hbm>>
    %dma_wait3A_456 = tpu.memref_squeeze %dma_wait3A_455 : memref<128x1x64xf32, #tpu.memory_space<hbm>> -> memref<128x64xf32, #tpu.memory_space<hbm>>
    %dma_wait3A_457 = arith.constant 0 : i32
    %dma_wait3A_458 = arith.constant 0 : i32
    %dma_wait3A_459 = tpu.memref_slice %arg6[%dma_wait3A_446, %dma_wait3A_457, %dma_wait3A_458] : memref<8x128x64xf32, #tpu.memory_space<vmem>> -> memref<1x128x64xf32, #tpu.memory_space<vmem>>
    %dma_wait3A_460 = tpu.memref_squeeze %dma_wait3A_459 : memref<1x128x64xf32, #tpu.memory_space<vmem>> -> memref<128x64xf32, #tpu.memory_space<vmem>>
    tpu.wait_dma2 semaphore(%arg18 : memref<!tpu.dma_semaphore, #tpu.memory_space<semaphore_mem>>) src(%dma_wait3A_460 : memref<128x64xf32, #tpu.memory_space<vmem>>) dst(%dma_wait3A_456 : memref<128x64xf32, #tpu.memory_space<hbm>>)
    %mul3A_461 = arith.constant 200 : i32
    %mul3A_462 = arith.muli %add3A, %mul3A_461 : i32
    %add3A_463 = arith.constant 196 : i32
    %add3A_464 = arith.addi %mul3A_462, %add3A_463 : i32
    %jit3A_465 = arith.constant 8 : i32
    %div3A_466 = arith.divsi %add3A_464, %jit3A_465 : i32
    %sign3A_467 = arith.constant 0 : i32
    %sign3A_468 = arith.cmpi sgt, %add3A_464, %sign3A_467 : i32
    %sign3A_469 = arith.extui %sign3A_468 : i1 to i32
    %sign3A_470 = arith.constant 0 : i32
    %sign3A_471 = arith.cmpi slt, %add3A_464, %sign3A_470 : i32
    %sign3A_472 = arith.extui %sign3A_471 : i1 to i32
    %sign3A_473 = arith.subi %sign3A_469, %sign3A_472 : i32
    %sign3A_474 = arith.constant 0 : i32
    %sign3A_475 = arith.cmpi sgt, %jit3A_465, %sign3A_474 : i32
    %sign3A_476 = arith.extui %sign3A_475 : i1 to i32
    %sign3A_477 = arith.constant 0 : i32
    %sign3A_478 = arith.cmpi slt, %jit3A_465, %sign3A_477 : i32
    %sign3A_479 = arith.extui %sign3A_478 : i1 to i32
    %sign3A_480 = arith.subi %sign3A_476, %sign3A_479 : i32
    %ne3A_481 = arith.cmpi ne, %sign3A_473, %sign3A_480 : i32
    %rem3A_482 = arith.remsi %add3A_464, %jit3A_465 : i32
    %ne3A_483 = arith.constant 0 : i32
    %ne3A_484 = arith.cmpi ne, %rem3A_482, %ne3A_483 : i32
    %and3A_485 = arith.andi %ne3A_481, %ne3A_484 : i1
    %sub3A_486 = arith.constant 1 : i32
    %sub3A_487 = arith.subi %div3A_466, %sub3A_486 : i32
    %select_n3A_488 = arith.select %and3A_485, %sub3A_487, %div3A_466 : i32
    %jit3A_489 = arith.constant 8 : i32
    %eq3A_490 = arith.constant 0 : i32
    %eq3A_491 = arith.cmpi eq, %jit3A_489, %eq3A_490 : i32
    %jit3A_492 = arith.constant 1 : i32
    %select_n3A_493 = arith.select %eq3A_491, %jit3A_492, %jit3A_489 : i32
    %rem3A_494 = arith.remsi %add3A_464, %select_n3A_493 : i32
    %ne3A_495 = arith.constant 0 : i32
    %ne3A_496 = arith.cmpi ne, %rem3A_494, %ne3A_495 : i32
    %lt3A_497 = arith.constant 0 : i32
    %lt3A_498 = arith.cmpi slt, %rem3A_494, %lt3A_497 : i32
    %lt3A_499 = arith.constant 0 : i32
    %lt3A_500 = arith.cmpi slt, %select_n3A_493, %lt3A_499 : i32
    %ne3A_501 = arith.xori %lt3A_498, %lt3A_500 : i1
    %and3A_502 = arith.andi %ne3A_501, %ne3A_496 : i1
    %add3A_503 = arith.addi %rem3A_494, %select_n3A_493 : i32
    %select_n3A_504 = arith.select %and3A_502, %add3A_503, %rem3A_494 : i32
    %jit3A_505 = arith.constant 32 : i32
    %div3A_506 = arith.divsi %select_n3A_488, %jit3A_505 : i32
    %sign3A_507 = arith.constant 0 : i32
    %sign3A_508 = arith.cmpi sgt, %select_n3A_488, %sign3A_507 : i32
    %sign3A_509 = arith.extui %sign3A_508 : i1 to i32
    %sign3A_510 = arith.constant 0 : i32
    %sign3A_511 = arith.cmpi slt, %select_n3A_488, %sign3A_510 : i32
    %sign3A_512 = arith.extui %sign3A_511 : i1 to i32
    %sign3A_513 = arith.subi %sign3A_509, %sign3A_512 : i32
    %sign3A_514 = arith.constant 0 : i32
    %sign3A_515 = arith.cmpi sgt, %jit3A_505, %sign3A_514 : i32
    %sign3A_516 = arith.extui %sign3A_515 : i1 to i32
    %sign3A_517 = arith.constant 0 : i32
    %sign3A_518 = arith.cmpi slt, %jit3A_505, %sign3A_517 : i32
    %sign3A_519 = arith.extui %sign3A_518 : i1 to i32
    %sign3A_520 = arith.subi %sign3A_516, %sign3A_519 : i32
    %ne3A_521 = arith.cmpi ne, %sign3A_513, %sign3A_520 : i32
    %rem3A_522 = arith.remsi %select_n3A_488, %jit3A_505 : i32
    %ne3A_523 = arith.constant 0 : i32
    %ne3A_524 = arith.cmpi ne, %rem3A_522, %ne3A_523 : i32
    %and3A_525 = arith.andi %ne3A_521, %ne3A_524 : i1
    %sub3A_526 = arith.constant 1 : i32
    %sub3A_527 = arith.subi %div3A_506, %sub3A_526 : i32
    %select_n3A_528 = arith.select %and3A_525, %sub3A_527, %div3A_506 : i32
    %jit3A_529 = arith.constant 32 : i32
    %eq3A_530 = arith.constant 0 : i32
    %eq3A_531 = arith.cmpi eq, %jit3A_529, %eq3A_530 : i32
    %jit3A_532 = arith.constant 1 : i32
    %select_n3A_533 = arith.select %eq3A_531, %jit3A_532, %jit3A_529 : i32
    %rem3A_534 = arith.remsi %select_n3A_488, %select_n3A_533 : i32
    %ne3A_535 = arith.constant 0 : i32
    %ne3A_536 = arith.cmpi ne, %rem3A_534, %ne3A_535 : i32
    %lt3A_537 = arith.constant 0 : i32
    %lt3A_538 = arith.cmpi slt, %rem3A_534, %lt3A_537 : i32
    %lt3A_539 = arith.constant 0 : i32
    %lt3A_540 = arith.cmpi slt, %select_n3A_533, %lt3A_539 : i32
    %ne3A_541 = arith.xori %lt3A_538, %lt3A_540 : i1
    %and3A_542 = arith.andi %ne3A_541, %ne3A_536 : i1
    %add3A_543 = arith.addi %rem3A_534, %select_n3A_533 : i32
    %select_n3A_544 = arith.select %and3A_542, %add3A_543, %rem3A_534 : i32
    %mul3A_545 = arith.constant 8 : i32
    %mul3A_546 = arith.muli %select_n3A_528, %mul3A_545 : i32
    %add3A_547 = arith.addi %mul3A_546, %select_n3A_504 : i32
    %mul3A_548 = arith.constant 128 : i32
    %mul3A_549 = arith.muli %select_n3A_544, %mul3A_548 : i32
    %dma_wait3A_550 = arith.constant 4 : i32
    %dma_wait3A_551 = arith.constant 0 : i32
    %dma_wait3A_552 = arith.constant 0 : i32
    %dma_wait3A_553 = tpu.memref_slice %arg6[%dma_wait3A_550, %dma_wait3A_551, %dma_wait3A_552] : memref<8x128x64xf32, #tpu.memory_space<vmem>> -> memref<1x128x64xf32, #tpu.memory_space<vmem>>
    %dma_wait3A_554 = tpu.memref_squeeze %dma_wait3A_553 : memref<1x128x64xf32, #tpu.memory_space<vmem>> -> memref<128x64xf32, #tpu.memory_space<vmem>>
    %dma_wait3A_555 = arith.constant 0 : i32
    %dma_wait3A_556 = tpu.memref_slice %arg4[%mul3A_549, %add3A_547, %dma_wait3A_555] : memref<4096x200x128xf32, #tpu.memory_space<hbm>> -> memref<128x1x64xf32, #tpu.memory_space<hbm>>
    %dma_wait3A_557 = tpu.memref_squeeze %dma_wait3A_556 : memref<128x1x64xf32, #tpu.memory_space<hbm>> -> memref<128x64xf32, #tpu.memory_space<hbm>>
    %dma_wait3A_558 = arith.constant 0 : i32
    %dma_wait3A_559 = tpu.memref_slice %arg4[%mul3A_549, %add3A_547, %dma_wait3A_558] : memref<4096x200x128xf32, #tpu.memory_space<hbm>> -> memref<128x1x64xf32, #tpu.memory_space<hbm>>
    %dma_wait3A_560 = tpu.memref_squeeze %dma_wait3A_559 : memref<128x1x64xf32, #tpu.memory_space<hbm>> -> memref<128x64xf32, #tpu.memory_space<hbm>>
    %dma_wait3A_561 = arith.constant 0 : i32
    %dma_wait3A_562 = arith.constant 0 : i32
    %dma_wait3A_563 = tpu.memref_slice %arg6[%dma_wait3A_550, %dma_wait3A_561, %dma_wait3A_562] : memref<8x128x64xf32, #tpu.memory_space<vmem>> -> memref<1x128x64xf32, #tpu.memory_space<vmem>>
    %dma_wait3A_564 = tpu.memref_squeeze %dma_wait3A_563 : memref<1x128x64xf32, #tpu.memory_space<vmem>> -> memref<128x64xf32, #tpu.memory_space<vmem>>
    tpu.wait_dma2 semaphore(%arg19 : memref<!tpu.dma_semaphore, #tpu.memory_space<semaphore_mem>>) src(%dma_wait3A_564 : memref<128x64xf32, #tpu.memory_space<vmem>>) dst(%dma_wait3A_560 : memref<128x64xf32, #tpu.memory_space<hbm>>)
    %mul3A_565 = arith.constant 200 : i32
    %mul3A_566 = arith.muli %add3A, %mul3A_565 : i32
    %add3A_567 = arith.constant 197 : i32
    %add3A_568 = arith.addi %mul3A_566, %add3A_567 : i32
    %jit3A_569 = arith.constant 8 : i32
    %div3A_570 = arith.divsi %add3A_568, %jit3A_569 : i32
    %sign3A_571 = arith.constant 0 : i32
    %sign3A_572 = arith.cmpi sgt, %add3A_568, %sign3A_571 : i32
    %sign3A_573 = arith.extui %sign3A_572 : i1 to i32
    %sign3A_574 = arith.constant 0 : i32
    %sign3A_575 = arith.cmpi slt, %add3A_568, %sign3A_574 : i32
    %sign3A_576 = arith.extui %sign3A_575 : i1 to i32
    %sign3A_577 = arith.subi %sign3A_573, %sign3A_576 : i32
    %sign3A_578 = arith.constant 0 : i32
    %sign3A_579 = arith.cmpi sgt, %jit3A_569, %sign3A_578 : i32
    %sign3A_580 = arith.extui %sign3A_579 : i1 to i32
    %sign3A_581 = arith.constant 0 : i32
    %sign3A_582 = arith.cmpi slt, %jit3A_569, %sign3A_581 : i32
    %sign3A_583 = arith.extui %sign3A_582 : i1 to i32
    %sign3A_584 = arith.subi %sign3A_580, %sign3A_583 : i32
    %ne3A_585 = arith.cmpi ne, %sign3A_577, %sign3A_584 : i32
    %rem3A_586 = arith.remsi %add3A_568, %jit3A_569 : i32
    %ne3A_587 = arith.constant 0 : i32
    %ne3A_588 = arith.cmpi ne, %rem3A_586, %ne3A_587 : i32
    %and3A_589 = arith.andi %ne3A_585, %ne3A_588 : i1
    %sub3A_590 = arith.constant 1 : i32
    %sub3A_591 = arith.subi %div3A_570, %sub3A_590 : i32
    %select_n3A_592 = arith.select %and3A_589, %sub3A_591, %div3A_570 : i32
    %jit3A_593 = arith.constant 8 : i32
    %eq3A_594 = arith.constant 0 : i32
    %eq3A_595 = arith.cmpi eq, %jit3A_593, %eq3A_594 : i32
    %jit3A_596 = arith.constant 1 : i32
    %select_n3A_597 = arith.select %eq3A_595, %jit3A_596, %jit3A_593 : i32
    %rem3A_598 = arith.remsi %add3A_568, %select_n3A_597 : i32
    %ne3A_599 = arith.constant 0 : i32
    %ne3A_600 = arith.cmpi ne, %rem3A_598, %ne3A_599 : i32
    %lt3A_601 = arith.constant 0 : i32
    %lt3A_602 = arith.cmpi slt, %rem3A_598, %lt3A_601 : i32
    %lt3A_603 = arith.constant 0 : i32
    %lt3A_604 = arith.cmpi slt, %select_n3A_597, %lt3A_603 : i32
    %ne3A_605 = arith.xori %lt3A_602, %lt3A_604 : i1
    %and3A_606 = arith.andi %ne3A_605, %ne3A_600 : i1
    %add3A_607 = arith.addi %rem3A_598, %select_n3A_597 : i32
    %select_n3A_608 = arith.select %and3A_606, %add3A_607, %rem3A_598 : i32
    %jit3A_609 = arith.constant 32 : i32
    %div3A_610 = arith.divsi %select_n3A_592, %jit3A_609 : i32
    %sign3A_611 = arith.constant 0 : i32
    %sign3A_612 = arith.cmpi sgt, %select_n3A_592, %sign3A_611 : i32
    %sign3A_613 = arith.extui %sign3A_612 : i1 to i32
    %sign3A_614 = arith.constant 0 : i32
    %sign3A_615 = arith.cmpi slt, %select_n3A_592, %sign3A_614 : i32
    %sign3A_616 = arith.extui %sign3A_615 : i1 to i32
    %sign3A_617 = arith.subi %sign3A_613, %sign3A_616 : i32
    %sign3A_618 = arith.constant 0 : i32
    %sign3A_619 = arith.cmpi sgt, %jit3A_609, %sign3A_618 : i32
    %sign3A_620 = arith.extui %sign3A_619 : i1 to i32
    %sign3A_621 = arith.constant 0 : i32
    %sign3A_622 = arith.cmpi slt, %jit3A_609, %sign3A_621 : i32
    %sign3A_623 = arith.extui %sign3A_622 : i1 to i32
    %sign3A_624 = arith.subi %sign3A_620, %sign3A_623 : i32
    %ne3A_625 = arith.cmpi ne, %sign3A_617, %sign3A_624 : i32
    %rem3A_626 = arith.remsi %select_n3A_592, %jit3A_609 : i32
    %ne3A_627 = arith.constant 0 : i32
    %ne3A_628 = arith.cmpi ne, %rem3A_626, %ne3A_627 : i32
    %and3A_629 = arith.andi %ne3A_625, %ne3A_628 : i1
    %sub3A_630 = arith.constant 1 : i32
    %sub3A_631 = arith.subi %div3A_610, %sub3A_630 : i32
    %select_n3A_632 = arith.select %and3A_629, %sub3A_631, %div3A_610 : i32
    %jit3A_633 = arith.constant 32 : i32
    %eq3A_634 = arith.constant 0 : i32
    %eq3A_635 = arith.cmpi eq, %jit3A_633, %eq3A_634 : i32
    %jit3A_636 = arith.constant 1 : i32
    %select_n3A_637 = arith.select %eq3A_635, %jit3A_636, %jit3A_633 : i32
    %rem3A_638 = arith.remsi %select_n3A_592, %select_n3A_637 : i32
    %ne3A_639 = arith.constant 0 : i32
    %ne3A_640 = arith.cmpi ne, %rem3A_638, %ne3A_639 : i32
    %lt3A_641 = arith.constant 0 : i32
    %lt3A_642 = arith.cmpi slt, %rem3A_638, %lt3A_641 : i32
    %lt3A_643 = arith.constant 0 : i32
    %lt3A_644 = arith.cmpi slt, %select_n3A_637, %lt3A_643 : i32
    %ne3A_645 = arith.xori %lt3A_642, %lt3A_644 : i1
    %and3A_646 = arith.andi %ne3A_645, %ne3A_640 : i1
    %add3A_647 = arith.addi %rem3A_638, %select_n3A_637 : i32
    %select_n3A_648 = arith.select %and3A_646, %add3A_647, %rem3A_638 : i32
    %mul3A_649 = arith.constant 8 : i32
    %mul3A_650 = arith.muli %select_n3A_632, %mul3A_649 : i32
    %add3A_651 = arith.addi %mul3A_650, %select_n3A_608 : i32
    %mul3A_652 = arith.constant 128 : i32
    %mul3A_653 = arith.muli %select_n3A_648, %mul3A_652 : i32
    %dma_wait3A_654 = arith.constant 5 : i32
    %dma_wait3A_655 = arith.constant 0 : i32
    %dma_wait3A_656 = arith.constant 0 : i32
    %dma_wait3A_657 = tpu.memref_slice %arg6[%dma_wait3A_654, %dma_wait3A_655, %dma_wait3A_656] : memref<8x128x64xf32, #tpu.memory_space<vmem>> -> memref<1x128x64xf32, #tpu.memory_space<vmem>>
    %dma_wait3A_658 = tpu.memref_squeeze %dma_wait3A_657 : memref<1x128x64xf32, #tpu.memory_space<vmem>> -> memref<128x64xf32, #tpu.memory_space<vmem>>
    %dma_wait3A_659 = arith.constant 0 : i32
    %dma_wait3A_660 = tpu.memref_slice %arg4[%mul3A_653, %add3A_651, %dma_wait3A_659] : memref<4096x200x128xf32, #tpu.memory_space<hbm>> -> memref<128x1x64xf32, #tpu.memory_space<hbm>>
    %dma_wait3A_661 = tpu.memref_squeeze %dma_wait3A_660 : memref<128x1x64xf32, #tpu.memory_space<hbm>> -> memref<128x64xf32, #tpu.memory_space<hbm>>
    %dma_wait3A_662 = arith.constant 0 : i32
    %dma_wait3A_663 = tpu.memref_slice %arg4[%mul3A_653, %add3A_651, %dma_wait3A_662] : memref<4096x200x128xf32, #tpu.memory_space<hbm>> -> memref<128x1x64xf32, #tpu.memory_space<hbm>>
    %dma_wait3A_664 = tpu.memref_squeeze %dma_wait3A_663 : memref<128x1x64xf32, #tpu.memory_space<hbm>> -> memref<128x64xf32, #tpu.memory_space<hbm>>
    %dma_wait3A_665 = arith.constant 0 : i32
    %dma_wait3A_666 = arith.constant 0 : i32
    %dma_wait3A_667 = tpu.memref_slice %arg6[%dma_wait3A_654, %dma_wait3A_665, %dma_wait3A_666] : memref<8x128x64xf32, #tpu.memory_space<vmem>> -> memref<1x128x64xf32, #tpu.memory_space<vmem>>
    %dma_wait3A_668 = tpu.memref_squeeze %dma_wait3A_667 : memref<1x128x64xf32, #tpu.memory_space<vmem>> -> memref<128x64xf32, #tpu.memory_space<vmem>>
    tpu.wait_dma2 semaphore(%arg20 : memref<!tpu.dma_semaphore, #tpu.memory_space<semaphore_mem>>) src(%dma_wait3A_668 : memref<128x64xf32, #tpu.memory_space<vmem>>) dst(%dma_wait3A_664 : memref<128x64xf32, #tpu.memory_space<hbm>>)
    %mul3A_669 = arith.constant 200 : i32
    %mul3A_670 = arith.muli %add3A, %mul3A_669 : i32
    %add3A_671 = arith.constant 198 : i32
    %add3A_672 = arith.addi %mul3A_670, %add3A_671 : i32
    %jit3A_673 = arith.constant 8 : i32
    %div3A_674 = arith.divsi %add3A_672, %jit3A_673 : i32
    %sign3A_675 = arith.constant 0 : i32
    %sign3A_676 = arith.cmpi sgt, %add3A_672, %sign3A_675 : i32
    %sign3A_677 = arith.extui %sign3A_676 : i1 to i32
    %sign3A_678 = arith.constant 0 : i32
    %sign3A_679 = arith.cmpi slt, %add3A_672, %sign3A_678 : i32
    %sign3A_680 = arith.extui %sign3A_679 : i1 to i32
    %sign3A_681 = arith.subi %sign3A_677, %sign3A_680 : i32
    %sign3A_682 = arith.constant 0 : i32
    %sign3A_683 = arith.cmpi sgt, %jit3A_673, %sign3A_682 : i32
    %sign3A_684 = arith.extui %sign3A_683 : i1 to i32
    %sign3A_685 = arith.constant 0 : i32
    %sign3A_686 = arith.cmpi slt, %jit3A_673, %sign3A_685 : i32
    %sign3A_687 = arith.extui %sign3A_686 : i1 to i32
    %sign3A_688 = arith.subi %sign3A_684, %sign3A_687 : i32
    %ne3A_689 = arith.cmpi ne, %sign3A_681, %sign3A_688 : i32
    %rem3A_690 = arith.remsi %add3A_672, %jit3A_673 : i32
    %ne3A_691 = arith.constant 0 : i32
    %ne3A_692 = arith.cmpi ne, %rem3A_690, %ne3A_691 : i32
    %and3A_693 = arith.andi %ne3A_689, %ne3A_692 : i1
    %sub3A_694 = arith.constant 1 : i32
    %sub3A_695 = arith.subi %div3A_674, %sub3A_694 : i32
    %select_n3A_696 = arith.select %and3A_693, %sub3A_695, %div3A_674 : i32
    %jit3A_697 = arith.constant 8 : i32
    %eq3A_698 = arith.constant 0 : i32
    %eq3A_699 = arith.cmpi eq, %jit3A_697, %eq3A_698 : i32
    %jit3A_700 = arith.constant 1 : i32
    %select_n3A_701 = arith.select %eq3A_699, %jit3A_700, %jit3A_697 : i32
    %rem3A_702 = arith.remsi %add3A_672, %select_n3A_701 : i32
    %ne3A_703 = arith.constant 0 : i32
    %ne3A_704 = arith.cmpi ne, %rem3A_702, %ne3A_703 : i32
    %lt3A_705 = arith.constant 0 : i32
    %lt3A_706 = arith.cmpi slt, %rem3A_702, %lt3A_705 : i32
    %lt3A_707 = arith.constant 0 : i32
    %lt3A_708 = arith.cmpi slt, %select_n3A_701, %lt3A_707 : i32
    %ne3A_709 = arith.xori %lt3A_706, %lt3A_708 : i1
    %and3A_710 = arith.andi %ne3A_709, %ne3A_704 : i1
    %add3A_711 = arith.addi %rem3A_702, %select_n3A_701 : i32
    %select_n3A_712 = arith.select %and3A_710, %add3A_711, %rem3A_702 : i32
    %jit3A_713 = arith.constant 32 : i32
    %div3A_714 = arith.divsi %select_n3A_696, %jit3A_713 : i32
    %sign3A_715 = arith.constant 0 : i32
    %sign3A_716 = arith.cmpi sgt, %select_n3A_696, %sign3A_715 : i32
    %sign3A_717 = arith.extui %sign3A_716 : i1 to i32
    %sign3A_718 = arith.constant 0 : i32
    %sign3A_719 = arith.cmpi slt, %select_n3A_696, %sign3A_718 : i32
    %sign3A_720 = arith.extui %sign3A_719 : i1 to i32
    %sign3A_721 = arith.subi %sign3A_717, %sign3A_720 : i32
    %sign3A_722 = arith.constant 0 : i32
    %sign3A_723 = arith.cmpi sgt, %jit3A_713, %sign3A_722 : i32
    %sign3A_724 = arith.extui %sign3A_723 : i1 to i32
    %sign3A_725 = arith.constant 0 : i32
    %sign3A_726 = arith.cmpi slt, %jit3A_713, %sign3A_725 : i32
    %sign3A_727 = arith.extui %sign3A_726 : i1 to i32
    %sign3A_728 = arith.subi %sign3A_724, %sign3A_727 : i32
    %ne3A_729 = arith.cmpi ne, %sign3A_721, %sign3A_728 : i32
    %rem3A_730 = arith.remsi %select_n3A_696, %jit3A_713 : i32
    %ne3A_731 = arith.constant 0 : i32
    %ne3A_732 = arith.cmpi ne, %rem3A_730, %ne3A_731 : i32
    %and3A_733 = arith.andi %ne3A_729, %ne3A_732 : i1
    %sub3A_734 = arith.constant 1 : i32
    %sub3A_735 = arith.subi %div3A_714, %sub3A_734 : i32
    %select_n3A_736 = arith.select %and3A_733, %sub3A_735, %div3A_714 : i32
    %jit3A_737 = arith.constant 32 : i32
    %eq3A_738 = arith.constant 0 : i32
    %eq3A_739 = arith.cmpi eq, %jit3A_737, %eq3A_738 : i32
    %jit3A_740 = arith.constant 1 : i32
    %select_n3A_741 = arith.select %eq3A_739, %jit3A_740, %jit3A_737 : i32
    %rem3A_742 = arith.remsi %select_n3A_696, %select_n3A_741 : i32
    %ne3A_743 = arith.constant 0 : i32
    %ne3A_744 = arith.cmpi ne, %rem3A_742, %ne3A_743 : i32
    %lt3A_745 = arith.constant 0 : i32
    %lt3A_746 = arith.cmpi slt, %rem3A_742, %lt3A_745 : i32
    %lt3A_747 = arith.constant 0 : i32
    %lt3A_748 = arith.cmpi slt, %select_n3A_741, %lt3A_747 : i32
    %ne3A_749 = arith.xori %lt3A_746, %lt3A_748 : i1
    %and3A_750 = arith.andi %ne3A_749, %ne3A_744 : i1
    %add3A_751 = arith.addi %rem3A_742, %select_n3A_741 : i32
    %select_n3A_752 = arith.select %and3A_750, %add3A_751, %rem3A_742 : i32
    %mul3A_753 = arith.constant 8 : i32
    %mul3A_754 = arith.muli %select_n3A_736, %mul3A_753 : i32
    %add3A_755 = arith.addi %mul3A_754, %select_n3A_712 : i32
    %mul3A_756 = arith.constant 128 : i32
    %mul3A_757 = arith.muli %select_n3A_752, %mul3A_756 : i32
    %dma_wait3A_758 = arith.constant 6 : i32
    %dma_wait3A_759 = arith.constant 0 : i32
    %dma_wait3A_760 = arith.constant 0 : i32
    %dma_wait3A_761 = tpu.memref_slice %arg6[%dma_wait3A_758, %dma_wait3A_759, %dma_wait3A_760] : memref<8x128x64xf32, #tpu.memory_space<vmem>> -> memref<1x128x64xf32, #tpu.memory_space<vmem>>
    %dma_wait3A_762 = tpu.memref_squeeze %dma_wait3A_761 : memref<1x128x64xf32, #tpu.memory_space<vmem>> -> memref<128x64xf32, #tpu.memory_space<vmem>>
    %dma_wait3A_763 = arith.constant 0 : i32
    %dma_wait3A_764 = tpu.memref_slice %arg4[%mul3A_757, %add3A_755, %dma_wait3A_763] : memref<4096x200x128xf32, #tpu.memory_space<hbm>> -> memref<128x1x64xf32, #tpu.memory_space<hbm>>
    %dma_wait3A_765 = tpu.memref_squeeze %dma_wait3A_764 : memref<128x1x64xf32, #tpu.memory_space<hbm>> -> memref<128x64xf32, #tpu.memory_space<hbm>>
    %dma_wait3A_766 = arith.constant 0 : i32
    %dma_wait3A_767 = tpu.memref_slice %arg4[%mul3A_757, %add3A_755, %dma_wait3A_766] : memref<4096x200x128xf32, #tpu.memory_space<hbm>> -> memref<128x1x64xf32, #tpu.memory_space<hbm>>
    %dma_wait3A_768 = tpu.memref_squeeze %dma_wait3A_767 : memref<128x1x64xf32, #tpu.memory_space<hbm>> -> memref<128x64xf32, #tpu.memory_space<hbm>>
    %dma_wait3A_769 = arith.constant 0 : i32
    %dma_wait3A_770 = arith.constant 0 : i32
    %dma_wait3A_771 = tpu.memref_slice %arg6[%dma_wait3A_758, %dma_wait3A_769, %dma_wait3A_770] : memref<8x128x64xf32, #tpu.memory_space<vmem>> -> memref<1x128x64xf32, #tpu.memory_space<vmem>>
    %dma_wait3A_772 = tpu.memref_squeeze %dma_wait3A_771 : memref<1x128x64xf32, #tpu.memory_space<vmem>> -> memref<128x64xf32, #tpu.memory_space<vmem>>
    tpu.wait_dma2 semaphore(%arg21 : memref<!tpu.dma_semaphore, #tpu.memory_space<semaphore_mem>>) src(%dma_wait3A_772 : memref<128x64xf32, #tpu.memory_space<vmem>>) dst(%dma_wait3A_768 : memref<128x64xf32, #tpu.memory_space<hbm>>)
    %mul3A_773 = arith.constant 200 : i32
    %mul3A_774 = arith.muli %add3A, %mul3A_773 : i32
    %add3A_775 = arith.constant 199 : i32
    %add3A_776 = arith.addi %mul3A_774, %add3A_775 : i32
    %jit3A_777 = arith.constant 8 : i32
    %div3A_778 = arith.divsi %add3A_776, %jit3A_777 : i32
    %sign3A_779 = arith.constant 0 : i32
    %sign3A_780 = arith.cmpi sgt, %add3A_776, %sign3A_779 : i32
    %sign3A_781 = arith.extui %sign3A_780 : i1 to i32
    %sign3A_782 = arith.constant 0 : i32
    %sign3A_783 = arith.cmpi slt, %add3A_776, %sign3A_782 : i32
    %sign3A_784 = arith.extui %sign3A_783 : i1 to i32
    %sign3A_785 = arith.subi %sign3A_781, %sign3A_784 : i32
    %sign3A_786 = arith.constant 0 : i32
    %sign3A_787 = arith.cmpi sgt, %jit3A_777, %sign3A_786 : i32
    %sign3A_788 = arith.extui %sign3A_787 : i1 to i32
    %sign3A_789 = arith.constant 0 : i32
    %sign3A_790 = arith.cmpi slt, %jit3A_777, %sign3A_789 : i32
    %sign3A_791 = arith.extui %sign3A_790 : i1 to i32
    %sign3A_792 = arith.subi %sign3A_788, %sign3A_791 : i32
    %ne3A_793 = arith.cmpi ne, %sign3A_785, %sign3A_792 : i32
    %rem3A_794 = arith.remsi %add3A_776, %jit3A_777 : i32
    %ne3A_795 = arith.constant 0 : i32
    %ne3A_796 = arith.cmpi ne, %rem3A_794, %ne3A_795 : i32
    %and3A_797 = arith.andi %ne3A_793, %ne3A_796 : i1
    %sub3A_798 = arith.constant 1 : i32
    %sub3A_799 = arith.subi %div3A_778, %sub3A_798 : i32
    %select_n3A_800 = arith.select %and3A_797, %sub3A_799, %div3A_778 : i32
    %jit3A_801 = arith.constant 8 : i32
    %eq3A_802 = arith.constant 0 : i32
    %eq3A_803 = arith.cmpi eq, %jit3A_801, %eq3A_802 : i32
    %jit3A_804 = arith.constant 1 : i32
    %select_n3A_805 = arith.select %eq3A_803, %jit3A_804, %jit3A_801 : i32
    %rem3A_806 = arith.remsi %add3A_776, %select_n3A_805 : i32
    %ne3A_807 = arith.constant 0 : i32
    %ne3A_808 = arith.cmpi ne, %rem3A_806, %ne3A_807 : i32
    %lt3A_809 = arith.constant 0 : i32
    %lt3A_810 = arith.cmpi slt, %rem3A_806, %lt3A_809 : i32
    %lt3A_811 = arith.constant 0 : i32
    %lt3A_812 = arith.cmpi slt, %select_n3A_805, %lt3A_811 : i32
    %ne3A_813 = arith.xori %lt3A_810, %lt3A_812 : i1
    %and3A_814 = arith.andi %ne3A_813, %ne3A_808 : i1
    %add3A_815 = arith.addi %rem3A_806, %select_n3A_805 : i32
    %select_n3A_816 = arith.select %and3A_814, %add3A_815, %rem3A_806 : i32
    %jit3A_817 = arith.constant 32 : i32
    %div3A_818 = arith.divsi %select_n3A_800, %jit3A_817 : i32
    %sign3A_819 = arith.constant 0 : i32
    %sign3A_820 = arith.cmpi sgt, %select_n3A_800, %sign3A_819 : i32
    %sign3A_821 = arith.extui %sign3A_820 : i1 to i32
    %sign3A_822 = arith.constant 0 : i32
    %sign3A_823 = arith.cmpi slt, %select_n3A_800, %sign3A_822 : i32
    %sign3A_824 = arith.extui %sign3A_823 : i1 to i32
    %sign3A_825 = arith.subi %sign3A_821, %sign3A_824 : i32
    %sign3A_826 = arith.constant 0 : i32
    %sign3A_827 = arith.cmpi sgt, %jit3A_817, %sign3A_826 : i32
    %sign3A_828 = arith.extui %sign3A_827 : i1 to i32
    %sign3A_829 = arith.constant 0 : i32
    %sign3A_830 = arith.cmpi slt, %jit3A_817, %sign3A_829 : i32
    %sign3A_831 = arith.extui %sign3A_830 : i1 to i32
    %sign3A_832 = arith.subi %sign3A_828, %sign3A_831 : i32
    %ne3A_833 = arith.cmpi ne, %sign3A_825, %sign3A_832 : i32
    %rem3A_834 = arith.remsi %select_n3A_800, %jit3A_817 : i32
    %ne3A_835 = arith.constant 0 : i32
    %ne3A_836 = arith.cmpi ne, %rem3A_834, %ne3A_835 : i32
    %and3A_837 = arith.andi %ne3A_833, %ne3A_836 : i1
    %sub3A_838 = arith.constant 1 : i32
    %sub3A_839 = arith.subi %div3A_818, %sub3A_838 : i32
    %select_n3A_840 = arith.select %and3A_837, %sub3A_839, %div3A_818 : i32
    %jit3A_841 = arith.constant 32 : i32
    %eq3A_842 = arith.constant 0 : i32
    %eq3A_843 = arith.cmpi eq, %jit3A_841, %eq3A_842 : i32
    %jit3A_844 = arith.constant 1 : i32
    %select_n3A_845 = arith.select %eq3A_843, %jit3A_844, %jit3A_841 : i32
    %rem3A_846 = arith.remsi %select_n3A_800, %select_n3A_845 : i32
    %ne3A_847 = arith.constant 0 : i32
    %ne3A_848 = arith.cmpi ne, %rem3A_846, %ne3A_847 : i32
    %lt3A_849 = arith.constant 0 : i32
    %lt3A_850 = arith.cmpi slt, %rem3A_846, %lt3A_849 : i32
    %lt3A_851 = arith.constant 0 : i32
    %lt3A_852 = arith.cmpi slt, %select_n3A_845, %lt3A_851 : i32
    %ne3A_853 = arith.xori %lt3A_850, %lt3A_852 : i1
    %and3A_854 = arith.andi %ne3A_853, %ne3A_848 : i1
    %add3A_855 = arith.addi %rem3A_846, %select_n3A_845 : i32
    %select_n3A_856 = arith.select %and3A_854, %add3A_855, %rem3A_846 : i32
    %mul3A_857 = arith.constant 8 : i32
    %mul3A_858 = arith.muli %select_n3A_840, %mul3A_857 : i32
    %add3A_859 = arith.addi %mul3A_858, %select_n3A_816 : i32
    %mul3A_860 = arith.constant 128 : i32
    %mul3A_861 = arith.muli %select_n3A_856, %mul3A_860 : i32
    %dma_wait3A_862 = arith.constant 7 : i32
    %dma_wait3A_863 = arith.constant 0 : i32
    %dma_wait3A_864 = arith.constant 0 : i32
    %dma_wait3A_865 = tpu.memref_slice %arg6[%dma_wait3A_862, %dma_wait3A_863, %dma_wait3A_864] : memref<8x128x64xf32, #tpu.memory_space<vmem>> -> memref<1x128x64xf32, #tpu.memory_space<vmem>>
    %dma_wait3A_866 = tpu.memref_squeeze %dma_wait3A_865 : memref<1x128x64xf32, #tpu.memory_space<vmem>> -> memref<128x64xf32, #tpu.memory_space<vmem>>
    %dma_wait3A_867 = arith.constant 0 : i32
    %dma_wait3A_868 = tpu.memref_slice %arg4[%mul3A_861, %add3A_859, %dma_wait3A_867] : memref<4096x200x128xf32, #tpu.memory_space<hbm>> -> memref<128x1x64xf32, #tpu.memory_space<hbm>>
    %dma_wait3A_869 = tpu.memref_squeeze %dma_wait3A_868 : memref<128x1x64xf32, #tpu.memory_space<hbm>> -> memref<128x64xf32, #tpu.memory_space<hbm>>
    %dma_wait3A_870 = arith.constant 0 : i32
    %dma_wait3A_871 = tpu.memref_slice %arg4[%mul3A_861, %add3A_859, %dma_wait3A_870] : memref<4096x200x128xf32, #tpu.memory_space<hbm>> -> memref<128x1x64xf32, #tpu.memory_space<hbm>>
    %dma_wait3A_872 = tpu.memref_squeeze %dma_wait3A_871 : memref<128x1x64xf32, #tpu.memory_space<hbm>> -> memref<128x64xf32, #tpu.memory_space<hbm>>
    %dma_wait3A_873 = arith.constant 0 : i32
    %dma_wait3A_874 = arith.constant 0 : i32
    %dma_wait3A_875 = tpu.memref_slice %arg6[%dma_wait3A_862, %dma_wait3A_873, %dma_wait3A_874] : memref<8x128x64xf32, #tpu.memory_space<vmem>> -> memref<1x128x64xf32, #tpu.memory_space<vmem>>
    %dma_wait3A_876 = tpu.memref_squeeze %dma_wait3A_875 : memref<1x128x64xf32, #tpu.memory_space<vmem>> -> memref<128x64xf32, #tpu.memory_space<vmem>>
    tpu.wait_dma2 semaphore(%arg22 : memref<!tpu.dma_semaphore, #tpu.memory_space<semaphore_mem>>) src(%dma_wait3A_876 : memref<128x64xf32, #tpu.memory_space<vmem>>) dst(%dma_wait3A_872 : memref<128x64xf32, #tpu.memory_space<hbm>>)
    return
  }
}

</mosaic_0001>

<sc_bundles>
// kernel: kernel.3.cloned.1.call-start
scs
__scs_entry_jumppad:
0x0: {  	(pc) =	sbr.rel $0x88, $3  }
0x1: {  	(tag) =	ssettag $0x0;
	lr =	simm.s32 $0x1  }
0x2: {  	[smem:$0x3F9F] =	sst lr;
	_ =	strace $0xD0000000  }
0x3: {  	_ = 	snop  }
0x4: {  	_ = 	snop  }
0x5: {  	_ = 	snop  }
0x6: {  	_ = 	snop  }
0x7: {  	_ = 	snop  }
__scs_overlays_trampoline_lowered:
0x8: {  	[smem:$0x3FAE] =	sst s0  }
0x9: {  	[smem:$0x3FAF] =	sst s1  }
0xa: {  	[smem:$0x3FB0] =	sst s2  }
0xb: {  	[smem:$0x3FB1] =	sst s3  }
0xc: {  	[smem:$0x3FB2] =	sst s4  }
0xd: {  	[smem:$0x3FB3] =	sst s5  }
0xe: {  	[smem:$0x3FB4] =	sst s6  }
0xf: {  	[smem:$0x3FB5] =	sst s7  }
0x10: {  	[smem:$0x3FB6] =	sst s8  }
0x11: {  	[smem:$0x3FB7] =	sst s9;
	s0 =	simm.s32 @!p0 $0x0  }
0x12: {  	s1 =	sld [smem:$0x3F9D];
	s0 =	simm.s32 @p0 $0x1  }
0x13: {  	[smem:$0x3FB8] =	sst s0;
	s0 =	simm.s32 @!p1 $0x0  }
0x14: {  	s2 =	sld [smem:$0x3F9C];
	s0 =	simm.s32 @p1 $0x1  }
0x15: {  	[smem:$0x3FB9] =	sst s0;
	s0 =	simm.s32 @!p2 $0x0  }
0x16: {  	s3 =	sld [smem:$0x3FDB];
	s0 =	simm.s32 @p2 $0x1  }
0x17: {  	s4 =	simm.s32 $0x1BF5;
	[smem:$0x3FBB] =	sst s0  }
0x18: {  	s0 =	sld [smem:$0x3F9E];
	_ =	swait.ge [sflag:s4], $0x0  }
0x19: {  	s7 =	sld [smem:$0x3F9F]  }
0x1a: {  	s8 =	sadd.s32 $0xFFFFE003, lr  }
0x1b: {  	s9 =	sadd.s32 $0xFFFFFEF7, lr;
	s5 =	simm.s32 $0xFFFFFFFF;
	p2 =	slt.u32 s8, $0xFFFFF086  }
0x1c: {  	p1 =	slt.u32 s9, $0xF7A;
	s5 =	simm.s32 @!p2 $0x0  }
0x1d: {  	s5 =	simm.s32 @p1 $0x1;
	p0 =	seq.s32 s7, s2  }
0x1e: {  	s7 =	smul.u32 @!p0 $0xF7A, s2;
	p2 =	seq.s32 @!p0 s5, $0x0  }
0x1f: {  	s9 =	smul.u32 $0xF7A, s1;
	s8 =	simm.s32 @!p0 $0x1BF5;
	p2 =	por !p2, p0  }
0x20: {  	[sflag:s8] =	ssyncset.s32 @!p0 $0xFFFFF086;
	s6 =	sadd.s32 @!p0 s3, s7;
	s7 =	simm.s32 @!p0 $0x108  }
0x21: {  	s3 =	sadd.s32 s3, s9;
	s6 =	sadd.s32 @!p0 $0x88, s6;
	s7 =	simm.s32 @p2 $0x1082  }
0x22: {  	[simem:s7], [sflag:s8] =	dma.local @!p0 [hbm:s6], $0xF7A  }
0x23: {  	s9 =	sor.u32 $0xD0000000, s2;
	s6 =	simm.s32 $0x108;
	_ =	swait.ge @!p0 [sflag:s8], $0x0  }
0x24: {  	s3 =	sadd.s32 $0x88, s3;
	s6 =	simm.s32 @!p1 $0x1082;
	[sflag:s4] =	ssyncset.s32 $0xFFFFF086  }
0x25: {  	[simem:s6], [sflag:s4] =	dma.local [hbm:s3], $0xF7A  }
0x26: {  	[smem:$0x3F9F] =	sst s1;
	(tag) =	ssettag s2;
	_ =	strace s9  }
0x27: {  	s1 =	sld [smem:$0x3FAF]  }
0x28: {  	s2 =	sld [smem:$0x3FB0]  }
0x29: {  	s4 =	sld [smem:$0x3FB2]  }
0x2a: {  	p0 =	seq.s32 s5, $0x0;
	s5 =	sld [smem:$0x3FB3]  }
0x2b: {  	s6 =	sld [smem:$0x3FB4]  }
0x2c: {  	s7 =	sld [smem:$0x3FB5]  }
0x2d: {  	s3 =	simm.s32 $0x108;
	s8 =	sld [smem:$0x3FB6]  }
0x2e: {  	s3 =	simm.s32 @!p0 $0x1082;
	s9 =	sld [smem:$0x3FB7]  }
0x2f: {  	lr =	sadd.s32 s0, s3;
	s0 =	sld [smem:$0x3FAE]  }
0x30: {  	s3 =	sld [smem:$0x3FB1]  }
0x31: {  	[smem:$0x3FBA] =	sst s10  }
0x32: {  	s10 =	sld [smem:$0x3FB8];
	_ =	sdelay $0x3  }
0x33: {  	p0 =	seq.s32 s10, $0x1;
	s10 =	sld [smem:$0x3FBA];
	_ =	sdelay $0x3  }
0x34: {  	[smem:$0x3FBA] =	sst s10  }
0x35: {  	s10 =	sld [smem:$0x3FB9];
	_ =	sdelay $0x3  }
0x36: {  	p1 =	seq.s32 s10, $0x1;
	s10 =	sld [smem:$0x3FBA];
	_ =	sdelay $0x3  }
0x37: {  	[smem:$0x3FBA] =	sst s10  }
0x38: {  	s10 =	sld [smem:$0x3FBB]  }
0x39: {  	_ = 	snop;
	(pc) =	sbr.ind lr, $3  }
0x3a: {  	_ = 	snop  }
0x3b: {  	_ = 	snop  }
0x3c: {  	p2 =	seq.s32 s10, $0x1;
	s10 =	sld [smem:$0x3FBA]  }
0x3d: {  	_ =	shalt  }
0x3e: {  	_ =	shalt  }
0x3f: {  	_ =	shalt  }
0x40: {  	_ =	shalt  }
0x41: {  	_ =	shalt  }
0x42: {  	_ =	shalt  }
0x43: {  	_ =	shalt  }
0x44: {  	_ =	shalt  }
0x45: {  	_ =	shalt  }
0x46: {  	_ =	shalt  }
0x47: {  	_ =	shalt  }
0x48: {  	_ =	shalt  }
0x49: {  	_ =	shalt  }
0x4a: {  	_ =	shalt  }
0x4b: {  	_ =	shalt  }
0x4c: {  	_ =	shalt  }
0x4d: {  	_ =	shalt  }
0x4e: {  	_ =	shalt  }
0x4f: {  	_ =	shalt  }
0x50: {  	_ =	shalt  }
0x51: {  	_ =	shalt  }
0x52: {  	_ =	shalt  }
0x53: {  	_ =	shalt  }
0x54: {  	_ =	shalt  }
0x55: {  	_ =	shalt  }
0x56: {  	_ =	shalt  }
0x57: {  	_ =	shalt  }
0x58: {  	_ =	shalt  }
0x59: {  	_ =	shalt  }
0x5a: {  	_ =	shalt  }
0x5b: {  	_ =	shalt  }
0x5c: {  	_ =	shalt  }
0x5d: {  	_ =	shalt  }
0x5e: {  	_ =	shalt  }
0x5f: {  	_ =	shalt  }
0x60: {  	_ =	shalt  }
0x61: {  	_ =	shalt  }
0x62: {  	_ =	shalt  }
0x63: {  	_ =	shalt  }
0x64: {  	_ =	shalt  }
0x65: {  	_ =	shalt  }
0x66: {  	_ =	shalt  }
0x67: {  	_ =	shalt  }
0x68: {  	_ =	shalt  }
0x69: {  	_ =	shalt  }
0x6a: {  	_ =	shalt  }
0x6b: {  	_ =	shalt  }
0x6c: {  	_ =	shalt  }
0x6d: {  	_ =	shalt  }
0x6e: {  	_ =	shalt  }
0x6f: {  	_ =	shalt  }
0x70: {  	_ =	shalt  }
0x71: {  	_ =	shalt  }
0x72: {  	_ =	shalt  }
0x73: {  	_ =	shalt  }
0x74: {  	_ =	shalt  }
0x75: {  	_ =	shalt  }
0x76: {  	_ =	shalt  }
0x77: {  	_ =	shalt  }
0x78: {  	_ =	shalt  }
0x79: {  	_ =	shalt  }
0x7a: {  	_ =	shalt  }
0x7b: {  	_ =	shalt  }
0x7c: {  	_ =	shalt  }
0x7d: {  	_ =	shalt  }
0x7e: {  	_ =	shalt  }
0x7f: {  	_ =	shalt  }
0x80: {  	_ =	shalt  }
0x81: {  	_ =	shalt  }
0x82: {  	_ =	shalt  }
0x83: {  	_ =	shalt  }
0x84: {  	_ =	shalt  }
0x85: {  	_ =	shalt  }
0x86: {  	_ =	shalt  }
0x87: {  	_ =	shalt  }
.Lfunc_end0:
.L_simem_size_0:
called_computation.1_lowered:
.L_overlay_start_0:
0x88: {  	s2 =	sld [smem:$0x3FD9]  }
0x89: {  	s3 =	sld [smem:$0x3FFE];
	_ =	sdelay $0x1  }
0x8a: {  	s1 =	srdreg.scid  }
0x8b: {  	s0 =	sand.u32 $0x1, s1  }
0x8c: {  	s17 =	sshll.u32 s0, $0xA;
	s2 =	sadd.s32 s3, s2  }
0x8d: {  	s2 =	sadd.s32 s2, s17  }
0x8e: {  	[smem:$0x3FC6] =	sst s2  }
0x8f: {  	_ = 	snop  }
0x90: {  	s2 =	sld [smem:$0x3FC9];
	(tm) =	ssettm $0x1  }
0x91: {  	s18 =	sld [smem:$0x3FFB];
	_ =	sdelay $0x3  }
0x92: {  	_ =	strace s18  }
0x93: {  	s3 =	sld [smem:$0x3FFC];
	_ =	sdelay $0x3  }
0x94: {  	_ =	strace s3  }
0x95: {  	s3 =	sld [smem:$0x3FFD];
	_ =	sdelay $0x3  }
0x96: {  	_ =	strace s3  }
0x97: {  	_ =	strace $0x8FFFFFFF  }
0x98: {  	s19 =	sld [smem:$0x3FDB];
	_ =	sdelay $0x1  }
0x99: {  	s4 =	simm.s32 $_scs_section_size  }
0x9a: {  	s5 =	simm.s32 $_size__tile_overlayer_lowered;
	s6 =	simm.s32 $_tile_overlayer_lowered  }
0x9b: {  	s22 =	simm.s32 $0x1BFF;
	s21 =	sshll.u32 s6, $0x1;
	s3 =	sadd.s32 s4, s19  }
0x9c: {  	s7 =	simm.s32 $0x0;
	s20 =	sshll.u32 s5, $0x1;
	s5 =	sadd.s32 s21, s3  }
0x9d: {  	[timem:s7], [sflag:s22] =	dma.local [hbm:s5], s20  }
0x9e: {  	_ =	swait.ge [sflag:s22], s20  }
0x9f: {  	s4 =	ssub.s32 $0x0, s20;
	[sflag:s22] =	ssyncset.done $0x0  }
0xa0: {  	[sflag:s22] =	ssyncadd.s32 s4;
	_ =	sdelay $0x1  }
0xa1: {  	s23 =	simm.s32 $0x1B8B  }
0xa2: {  	_ =	swait.ge [sflag:s23], $0x1  }
0xa3: {  	[sflag:s23] =	ssyncset.done $0x0  }
0xa4: {  	s25 =	simm.s32 $0x1B8E;
	s24 =	sld [smem:$0x3FFE];
	[sflag:s23] =	ssyncadd.s32 $0xFFFFFFFF  }
0xa5: {  	s26 =	simm.s32 $execute0_lowered;
	[smem:$0x3FD2] =	sst s25  }
0xa6: {  	s5 =	sshll.u32 s26, $0x1;
	_ =	strace $0x80000046;
	[dreg:$0x1] =	wrdreg $0xFFFFFFFF  }
0xa7: {  	s28 =	simm.s32 $_size_execute0_lowered;
	s3 =	sadd.s32 s3, s5;
	[dreg:$0x0] =	wrdreg $0x0  }
0xa8: {  	s5 =	sshll.u32 s28, $0x1;
	[dreg:$0x2] =	wrdreg s3  }
0xa9: {  	[dreg:$0x3] =	wrdreg s5  }
0xaa: {  	[dreg:$0x4] =	wrdreg $0xC0  }
0xab: {  	_ =	task [dreg:s7], $0x5FFFF  }
0xac: {  	[dreg:$0x1] =	wrdreg $0xFFFFFFFF  }
0xad: {  	[dreg:$0x0] =	wrdreg $0x60  }
0xae: {  	[dreg:$0x2] =	wrdreg s2  }
0xaf: {  	[dreg:$0x3] =	wrdreg s24  }
0xb0: {  	[dreg:$0x4] =	wrdreg $0x9  }
0xb1: {  	_ =	task.clear_ibuf [dreg:s7], $0x5FFFF;
	_ =	strace $0x90000046  }
0xb2: {  	s29 =	simm.s32 $0x9;
	_ =	strace $0x80000048  }
0xb3: {  	_ =	swait.ge [sflag:s29], $0x1  }
0xb4: {  	[sflag:s29] =	ssyncadd.s32 $0xFFFFFFFF  }
0xb5: {  	_ =	strace $0x90000048  }
0xb6: {  	_ =	sfence  }
0xb7: {  	s30 =	sld [smem:$0x0];
	_ =	sdelay $0x2  }
0xb8: {  	s31 =	sshll.u32 s1, $0xD;
	s1 =	sshrl.u32 s1, $0x2  }
0xb9: {  	s3 =	sand.u32 $0x4000, s31;
	s1 =	sadd.s32 s1, s30  }
0xba: {  	s0 =	sor.u32 s3, s0;
	s1 =	sshll.u32 s1, $0x11  }
0xbb: {  	s0 =	sor.u32 s1, s0  }
0xbc: {  	s0 =	sadd.s32 $0x8F2B, s0  }
0xbd: {  	[sflag:s0] =	ssyncadd.remote.s32 $0x1  }
0xbe: {  	_ =	sfence.sel $0xFFFF  }
0xbf: {  	[dreg:$0x0] =	wrdreg $0xFFFFFFFF;
	(pc) =	sbr.abs _section_cstart, $3  }
0xc0: {  	[dreg:$0x1] =	wrdreg $0xFFFFFFFF  }
0xc1: {  	_ =	task.clear_ibuf [dreg:s7], $0x2FFFF;
	_ =	strace $0x9FFFFFFF  }
0xc2: {  	(tm) =	ssettm $0x7FFFFFFF  }
0xc3: {  	_ =	shalt  }
tec
execute0_lowered:
.L_overlay_start_1:
0x0: {  	(tag) =	ssettag $0x1  }
0x1: {  	s0 =	rddreg [dreg:$0x0]  }
0x2: {  	s1 =	rddreg [dreg:$0x1];
	s2 =	srdreg.scid  }
0x3: {  	s3 =	stileid.u32;
	s4 =	simm.s32 $0x0;
	s9 =	simm.s32 $0x80  }
0x4: {  	s10 =	simm.s32 $0x6400;
	s11 =	simm.s32 $0x8400;
	s13 =	simm.s32 $0xA400  }
0x5: {  	s15 =	simm.s32 $0xC400;
	s16 =	simm.s32 $0x1;
	s17 =	simm.s32 $0x40  }
0x6: {  	s18 =	simm.s32 $0xE400;
	s19 =	simm.s32 $0x2;
	s20 =	simm.s32 $0x10400  }
0x7: {  	s21 =	simm.s32 $0x3;
	s22 =	simm.s32 $0x12400;
	s23 =	simm.s32 $0x4  }
0x8: {  	s24 =	simm.s32 $0x14400;
	s2 =	sand.u32 $0x1, s2;
	s3 =	sshll.u32 s3, $0x1  }
0x9: {  	s25 =	simm.s32 $0x5;
	s5 =	ssub.s32 $0x2, s2;
	s2 =	sor.u32 s2, s3  }
0xa: {  	s26 =	simm.s32 $0x6;
	s28 =	simm.s32 $0x7;
	s7 =	smul.u32 $0xC80, s2  }
.Ltmp0:
0xb: {  	s29 =	simm.s32 $0x8;
	[smem:$0x7FF] =	sst s4;
	(pc) =	sbr.rel .LBB2_1-.Ltmp0, $4  }
0xc: {  	s4 =	sadd.s32 $0x800, s1;
	_ =	strace $0x80000047;
	s6 =	sshrl.u32 s5, $0x1  }
0xd: {  	s3 =	sadd.s32 $0xF42C00, s1;
	s30 =	ssub.s32 s5, s6;
	s0 =	sadd.s32 s0, s7  }
0xe: {  	s1 =	simm.s32 $0xC;
	s31 =	smax.u32 s30, $0x1;
	[dreg:$0x3] =	wrdreg s0  }
0xf: {  	s5 =	smul.u32 $0xC8, s2;
	s6 =	simm.s32 $0x0;
	[dreg:$0x4] =	wrdreg s31  }
.LBB2_20:
0x10: {  	s0 =	simm.s32 $0x9  }
0x11: {  	_ =	swait.ge [sflag:s0], $0x2000  }
0x12: {  	[sflag:s0] =	ssyncset.done $0x0  }
0x13: {  	s7 =	simm.s32 $0xA;
	[sflag:s0] =	ssyncadd.s32 $0xFFFFE000  }
0x14: {  	_ =	swait.ge [sflag:s7], $0x2000  }
0x15: {  	[sflag:s7] =	ssyncset.done $0x0  }
0x16: {  	s8 =	simm.s32 $0xB;
	[sflag:s7] =	ssyncadd.s32 $0xFFFFE000  }
0x17: {  	_ =	swait.ge [sflag:s8], $0x2000  }
0x18: {  	[sflag:s8] =	ssyncset.done $0x0  }
0x19: {  	[sflag:s8] =	ssyncadd.s32 $0xFFFFE000  }
0x1a: {  	_ =	swait.ge [sflag:s1], $0x2000  }
0x1b: {  	[sflag:s1] =	ssyncset.done $0x0  }
0x1c: {  	s12 =	simm.s32 $0xD;
	[sflag:s1] =	ssyncadd.s32 $0xFFFFE000  }
0x1d: {  	_ =	swait.ge [sflag:s12], $0x2000  }
0x1e: {  	[sflag:s12] =	ssyncset.done $0x0  }
0x1f: {  	s14 =	simm.s32 $0xE;
	[sflag:s12] =	ssyncadd.s32 $0xFFFFE000  }
0x20: {  	_ =	swait.ge [sflag:s14], $0x2000  }
0x21: {  	[sflag:s14] =	ssyncset.done $0x0  }
0x22: {  	s30 =	simm.s32 $0xF;
	[sflag:s14] =	ssyncadd.s32 $0xFFFFE000  }
0x23: {  	_ =	swait.ge [sflag:s30], $0x2000  }
0x24: {  	[sflag:s30] =	ssyncset.done $0x0  }
0x25: {  	s2 =	simm.s32 $0x10;
	[sflag:s30] =	ssyncadd.s32 $0xFFFFE000  }
0x26: {  	_ =	swait.ge [sflag:s2], $0x2000  }
0x27: {  	s6 =	rddreg [dreg:$0x5]  }
0x28: {  	s31 =	rddreg [dreg:$0x4];
	s6 =	sadd.s32 $0x1, s6  }
0x29: {  	p0 =	sne.s32 s6, s31  }
.Ltmp1:
0x2a: {  	_ = 	snop;
	(pc) =	sbr.rel @!p0 .LBB2_21-.Ltmp1, $3  }
0x2b: {  	_ =	sdelay $0x1  }
0x2c: {  	[sflag:s2] =	ssyncset.done $0x0  }
0x2d: {  	[sflag:s2] =	ssyncadd.s32 $0xFFFFE000  }
.LBB2_1:
0x2e: {  	[dreg:$0x5] =	wrdreg s6  }
0x2f: {  	s0 =	simm.s32 $0x0;
	s2 =	rddreg [dreg:$0x3];
	s14 =	simm.s32 $0x11  }
0x30: {  	[tilespmem:s0], [sflag:$0x11] =	stream.linear.gather [hbm4b:s2+s0], $0x6400, $0x38;
	[tilespmem:$0x16400] =	vst v63  }
0x31: {  	_ =	swait.ge [sflag:s14], $0x6400  }
0x32: {  	[sflag:s14] =	ssyncset.done $0x0  }
0x33: {  	[sflag:s14] =	ssyncadd.s32 $0xFFFF9C00  }
0x34: {  	[tilespmem:s10], [sflag:$0x1] =	stream.indirect.gather [hbm4b:s3+s9], $0x40, s0, s9, $0xb8;
	[tilespmem:$0x16400] =	vst v63  }
0x35: {  	_ = 	snop  }
0x36: {  	[tilespmem:s11], [sflag:$0x2] =	stream.indirect.gather [hbm4b:s3+s9], $0x40, s9, s9, $0xb8;
	[tilespmem:$0x16400] =	vst v63  }
0x37: {  	s30 =	simm.s32 $0x100  }
0x38: {  	[tilespmem:s13], [sflag:$0x3] =	stream.indirect.gather [hbm4b:s3+s9], $0x40, s30, s9, $0xb8;
	[tilespmem:$0x16400] =	vst v63  }
0x39: {  	s31 =	simm.s32 $0x180;
	s8 =	simm.s32 $0x0  }
0x3a: {  	[tilespmem:s15], [sflag:$0x4] =	stream.indirect.gather [hbm4b:s3+s9], $0x40, s31, s9, $0xb8;
	[tilespmem:$0x16400] =	vst v63  }
.LBB2_2:
0x3b: {  	_ =	swait.ge [sflag:s16], $0x2000  }
0x3c: {  	[sflag:s16] =	ssyncset.done $0x0  }
0x3d: {  	s0 =	simm.s32 $0x6480;
	[sflag:s16] =	ssyncadd.s32 $0xFFFFE000  }
0x3e: {  	v0 =	vld [tilespmem:s0+$0xFFFFFF80]  }
0x3f: {  	v1 =	vld [tilespmem:s0+$0xFFFFFF90]  }
0x40: {  	v2 =	vld [tilespmem:s0+$0xFFFFFFA0]  }
0x41: {  	v3 =	vld [tilespmem:s0+$0xFFFFFFB0]  }
0x42: {  	v4 =	vld [tilespmem:s0+$0xFFFFFFC0]  }
0x43: {  	v5 =	vld [tilespmem:s0+$0xFFFFFFD0];
	v0 =	vmul.f32 $8.000000000e+00, v0  }
0x44: {  	v6 =	vld [tilespmem:s0+$0xFFFFFFE0];
	v1 =	vmul.f32 $8.000000000e+00, v1  }
0x45: {  	[tilespmem:s0+$0xFFFFFF80] =	vst v0;
	v0 =	vmul.f32 $8.000000000e+00, v2;
	v2 =	vld [tilespmem:s0+$0x0]  }
0x46: {  	[tilespmem:s0+$0xFFFFFF90] =	vst v1;
	v1 =	vmul.f32 $8.000000000e+00, v3;
	v3 =	vld [tilespmem:s0+$0x10]  }
0x47: {  	[tilespmem:s0+$0xFFFFFFA0] =	vst v0;
	v0 =	vmul.f32 $8.000000000e+00, v4;
	v4 =	vld [tilespmem:s0+$0x20]  }
0x48: {  	v7 =	vld [tilespmem:s0+$0x30];
	v5 =	vmul.f32 $8.000000000e+00, v5;
	[tilespmem:s0+$0xFFFFFFB0] =	vst v1  }
0x49: {  	v1 =	vld [tilespmem:s0+$0x40];
	[tilespmem:s0+$0xFFFFFFC0] =	vst v0;
	v0 =	vmul.f32 $8.000000000e+00, v6  }
0x4a: {  	[tilespmem:s0+$0xFFFFFFD0] =	vst v5;
	v5 =	vmul.f32 $8.000000000e+00, v2;
	v2 =	vld [tilespmem:s0+$0x50]  }
0x4b: {  	v6 =	vmul.f32 $8.000000000e+00, v3;
	v3 =	vld [tilespmem:s0+$0x60];
	[tilespmem:s0+$0xFFFFFFE0] =	vst v0  }
0x4c: {  	[tilespmem:s0+$0x0] =	vst v5;
	v5 =	vmul.f32 $8.000000000e+00, v4;
	v4 =	vld [tilespmem:s0+$0x70]  }
0x4d: {  	s2 =	simm.s32 $0x0;
	s6 =	simm.s32 $0x6580;
	v0 =	vld [tilespmem:s0+$0xFFFFFFF0];
	[tilespmem:s0+$0x10] =	vst v6;
	v6 =	vmul.f32 $8.000000000e+00, v7  }
.LBB2_3:
0x4e: {  	v7 =	vld [tilespmem:s6+$0xFFFFFF80];
	[tilespmem:s0+$0x20] =	vst v5;
	v1 =	vmul.f32 $8.000000000e+00, v1  }
0x4f: {  	v5 =	vld [tilespmem:s6+$0xFFFFFF90];
	[tilespmem:s0+$0x30] =	vst v6;
	v2 =	vmul.f32 $8.000000000e+00, v2  }
0x50: {  	v6 =	vld [tilespmem:s6+$0xFFFFFFA0];
	[tilespmem:s0+$0x40] =	vst v1;
	v1 =	vmul.f32 $8.000000000e+00, v3  }
0x51: {  	v3 =	vld [tilespmem:s6+$0xFFFFFFB0];
	[tilespmem:s0+$0x50] =	vst v2;
	v2 =	vmul.f32 $8.000000000e+00, v4  }
0x52: {  	v4 =	vld [tilespmem:s6+$0xFFFFFFC0];
	v0 =	vmul.f32 $8.000000000e+00, v0;
	[tilespmem:s0+$0x60] =	vst v1  }
0x53: {  	v1 =	vmul.f32 $8.000000000e+00, v7;
	v7 =	vld [tilespmem:s6+$0xFFFFFFD0];
	[tilespmem:s0+$0x70] =	vst v2  }
0x54: {  	v2 =	vmul.f32 $8.000000000e+00, v5;
	v5 =	vld [tilespmem:s6+$0xFFFFFFE0];
	[tilespmem:s0+$0xFFFFFFF0] =	vst v0;
	s0 =	smov.u32 s6  }
0x55: {  	[tilespmem:s6+$0xFFFFFF80] =	vst v1;
	v0 =	vmul.f32 $8.000000000e+00, v6;
	v6 =	vld [tilespmem:s6+$0x0]  }
0x56: {  	[tilespmem:s6+$0xFFFFFF90] =	vst v2;
	v1 =	vmul.f32 $8.000000000e+00, v3;
	v3 =	vld [tilespmem:s6+$0x10]  }
0x57: {  	s2 =	sadd.s32 $0x4, s2;
	[tilespmem:s6+$0xFFFFFFA0] =	vst v0;
	v0 =	vmul.f32 $8.000000000e+00, v4;
	v4 =	vld [tilespmem:s6+$0x20]  }
0x58: {  	p0 =	slt.u32 s2, $0x7C;
	[tilespmem:s6+$0xFFFFFFB0] =	vst v1;
	v2 =	vmul.f32 $8.000000000e+00, v7;
	v7 =	vld [tilespmem:s6+$0x30]  }
.Ltmp2:
0x59: {  	[tilespmem:s6+$0xFFFFFFC0] =	vst v0;
	v0 =	vmul.f32 $8.000000000e+00, v5;
	v1 =	vld [tilespmem:s6+$0x40];
	(pc) =	sbr.rel @p0 .LBB2_3-.Ltmp2, $4  }
0x5a: {  	[tilespmem:s6+$0xFFFFFFD0] =	vst v2;
	v5 =	vmul.f32 $8.000000000e+00, v6;
	v2 =	vld [tilespmem:s6+$0x50]  }
0x5b: {  	[tilespmem:s6+$0xFFFFFFE0] =	vst v0;
	v6 =	vmul.f32 $8.000000000e+00, v3;
	v3 =	vld [tilespmem:s6+$0x60]  }
0x5c: {  	[tilespmem:s6+$0x0] =	vst v5;
	v5 =	vmul.f32 $8.000000000e+00, v4;
	v4 =	vld [tilespmem:s6+$0x70]  }
0x5d: {  	s6 =	sadd.s32 $0x100, s6;
	v0 =	vld [tilespmem:s0+$0xFFFFFFF0];
	[tilespmem:s0+$0x10] =	vst v6;
	v6 =	vmul.f32 $8.000000000e+00, v7  }
0x5e: {  	s30 =	sshll.u32 s8, $0x3  }
0x5f: {  	s2 =	sadd.s32 s5, s30  }
0x60: {  	[tilespmem:s0+$0x20] =	vst v5;
	v1 =	vmul.f32 $8.000000000e+00, v1;
	s6 =	sshll.u32 s2, $0x4  }
0x61: {  	[tilespmem:s0+$0x30] =	vst v6;
	v2 =	vmul.f32 $8.000000000e+00, v2;
	s6 =	sand.u32 $0xF80, s6  }
0x62: {  	[tilespmem:s0+$0x40] =	vst v1;
	v1 =	vmul.f32 $8.000000000e+00, v3;
	s2 =	sshll.u32 s2, $0x2;
	s6 =	smul.u32 $0x6400, s6  }
0x63: {  	[tilespmem:s0+$0x50] =	vst v2;
	v2 =	vmul.f32 $8.000000000e+00, v4;
	s2 =	sand.u32 $0x7FFFFC00, s2  }
0x64: {  	v0 =	vmul.f32 $8.000000000e+00, v0;
	[tilespmem:s0+$0x60] =	vst v1;
	s14 =	sadd.s32 s2, s6  }
0x65: {  	p0 =	seq.s32 s8, $0x0;
	[tilespmem:s0+$0x70] =	vst v2;
	s2 =	sshrl.u32 s14, $0x3  }
0x66: {  	[tilespmem:s0+$0xFFFFFFF0] =	vst v0;
	s0 =	simm.s32 @!p0 $0xD;
	s6 =	sadd.s32 s4, s2  }
0x67: {  	[hbm4b:s6+s17] =	stream.strided.scatter [tilespmem:s10], [sflag:$0x9], $0x2000, s10, s17, $0x38;
	[tilespmem:$0x16400] =	vst v63  }
0x68: {  	s12 =	sor.u32 $0x4, s30;
	_ =	swait.ge @!p0 [sflag:s0], $0x2000  }
0x69: {  	s7 =	sshll.u32 s12, $0x7;
	[sflag:s0] =	ssyncset.done @!p0 $0x0  }
0x6a: {  	s31 =	sand.u32 $0x3FFFFF80, s7;
	[sflag:s0] =	ssyncadd.s32 @!p0 $0xFFFFE000  }
0x6b: {  	[tilespmem:s18], [sflag:$0x5] =	stream.indirect.gather [hbm4b:s3+s9], $0x40, s31, s9, $0xb8;
	[tilespmem:$0x16400] =	vst v63  }
0x6c: {  	_ =	swait.ge [sflag:s19], $0x2000  }
0x6d: {  	[sflag:s19] =	ssyncset.done $0x0  }
0x6e: {  	s0 =	simm.s32 $0x84F0;
	[sflag:s19] =	ssyncadd.s32 $0xFFFFE000  }
0x6f: {  	v0 =	vld [tilespmem:s0+$0xFFFFFF10]  }
0x70: {  	v1 =	vld [tilespmem:s0+$0xFFFFFF20]  }
0x71: {  	v2 =	vld [tilespmem:s0+$0xFFFFFF30]  }
0x72: {  	v3 =	vld [tilespmem:s0+$0xFFFFFF40]  }
0x73: {  	v4 =	vld [tilespmem:s0+$0xFFFFFF50]  }
0x74: {  	v5 =	vld [tilespmem:s0+$0xFFFFFF60];
	v0 =	vmul.f32 $8.000000000e+00, v0  }
0x75: {  	v6 =	vld [tilespmem:s0+$0xFFFFFF70];
	v1 =	vmul.f32 $8.000000000e+00, v1  }
0x76: {  	[tilespmem:s0+$0xFFFFFF10] =	vst v0;
	v0 =	vmul.f32 $8.000000000e+00, v2;
	v2 =	vld [tilespmem:s0+$0xFFFFFF80]  }
0x77: {  	[tilespmem:s0+$0xFFFFFF20] =	vst v1;
	v1 =	vmul.f32 $8.000000000e+00, v3;
	v3 =	vld [tilespmem:s0+$0xFFFFFF90]  }
0x78: {  	[tilespmem:s0+$0xFFFFFF30] =	vst v0;
	v0 =	vmul.f32 $8.000000000e+00, v4;
	v4 =	vld [tilespmem:s0+$0xFFFFFFA0]  }
0x79: {  	v7 =	vld [tilespmem:s0+$0xFFFFFFB0];
	[tilespmem:s0+$0xFFFFFF40] =	vst v1;
	v1 =	vmul.f32 $8.000000000e+00, v5  }
0x7a: {  	v5 =	vmul.f32 $8.000000000e+00, v6;
	[tilespmem:s0+$0xFFFFFF50] =	vst v0;
	v0 =	vld [tilespmem:s0+$0xFFFFFFC0]  }
0x7b: {  	[tilespmem:s0+$0xFFFFFF60] =	vst v1;
	v1 =	vld [tilespmem:s0+$0xFFFFFFD0];
	v6 =	vmul.f32 $8.000000000e+00, v2  }
0x7c: {  	[tilespmem:s0+$0xFFFFFF70] =	vst v5;
	v8 =	vmul.f32 $8.000000000e+00, v3;
	v2 =	vld [tilespmem:s0+$0xFFFFFFE0]  }
0x7d: {  	v3 =	vld [tilespmem:s0+$0x0];
	[tilespmem:s0+$0xFFFFFF80] =	vst v6;
	v5 =	vmul.f32 $8.000000000e+00, v4  }
0x7e: {  	s2 =	simm.s32 $0x0;
	s6 =	simm.s32 $0x85F0;
	[tilespmem:s0+$0xFFFFFF90] =	vst v8;
	v6 =	vmul.f32 $8.000000000e+00, v7;
	v4 =	vld [tilespmem:s0+$0xFFFFFFF0]  }
.LBB2_5:
0x7f: {  	v7 =	vld [tilespmem:s6+$0xFFFFFF10];
	[tilespmem:s0+$0xFFFFFFA0] =	vst v5;
	v0 =	vmul.f32 $8.000000000e+00, v0  }
0x80: {  	v5 =	vld [tilespmem:s6+$0xFFFFFF20];
	[tilespmem:s0+$0xFFFFFFB0] =	vst v6;
	v1 =	vmul.f32 $8.000000000e+00, v1  }
0x81: {  	v6 =	vld [tilespmem:s6+$0xFFFFFF30];
	[tilespmem:s0+$0xFFFFFFC0] =	vst v0;
	v0 =	vmul.f32 $8.000000000e+00, v2  }
0x82: {  	v2 =	vld [tilespmem:s6+$0xFFFFFF40];
	[tilespmem:s0+$0xFFFFFFD0] =	vst v1;
	v1 =	vmul.f32 $8.000000000e+00, v3  }
0x83: {  	v3 =	vld [tilespmem:s6+$0xFFFFFF50];
	[tilespmem:s0+$0xFFFFFFE0] =	vst v0;
	v0 =	vmul.f32 $8.000000000e+00, v4  }
0x84: {  	v4 =	vmul.f32 $8.000000000e+00, v7;
	v7 =	vld [tilespmem:s6+$0xFFFFFF60];
	[tilespmem:s0+$0x0] =	vst v1  }
0x85: {  	v1 =	vmul.f32 $8.000000000e+00, v5;
	v5 =	vld [tilespmem:s6+$0xFFFFFF70];
	[tilespmem:s0+$0xFFFFFFF0] =	vst v0;
	s0 =	smov.u32 s6  }
0x86: {  	[tilespmem:s6+$0xFFFFFF10] =	vst v4;
	v0 =	vmul.f32 $8.000000000e+00, v6;
	v4 =	vld [tilespmem:s6+$0xFFFFFF80]  }
0x87: {  	[tilespmem:s6+$0xFFFFFF20] =	vst v1;
	v1 =	vmul.f32 $8.000000000e+00, v2;
	v2 =	vld [tilespmem:s6+$0xFFFFFF90]  }
0x88: {  	s2 =	sadd.s32 $0x4, s2;
	[tilespmem:s6+$0xFFFFFF30] =	vst v0;
	v0 =	vmul.f32 $8.000000000e+00, v3;
	v3 =	vld [tilespmem:s6+$0xFFFFFFA0]  }
0x89: {  	p1 =	slt.u32 s2, $0x7C;
	[tilespmem:s6+$0xFFFFFF40] =	vst v1;
	v1 =	vmul.f32 $8.000000000e+00, v7;
	v6 =	vld [tilespmem:s6+$0xFFFFFFB0]  }
.Ltmp3:
0x8a: {  	[tilespmem:s6+$0xFFFFFF50] =	vst v0;
	v5 =	vmul.f32 $8.000000000e+00, v5;
	v0 =	vld [tilespmem:s6+$0xFFFFFFC0];
	(pc) =	sbr.rel @p1 .LBB2_5-.Ltmp3, $4  }
0x8b: {  	[tilespmem:s6+$0xFFFFFF60] =	vst v1;
	v4 =	vmul.f32 $8.000000000e+00, v4;
	v1 =	vld [tilespmem:s6+$0xFFFFFFD0]  }
0x8c: {  	[tilespmem:s6+$0xFFFFFF70] =	vst v5;
	v7 =	vmul.f32 $8.000000000e+00, v2;
	v2 =	vld [tilespmem:s6+$0xFFFFFFE0]  }
0x8d: {  	[tilespmem:s6+$0xFFFFFF80] =	vst v4;
	v5 =	vmul.f32 $8.000000000e+00, v3;
	v3 =	vld [tilespmem:s6+$0x0]  }
0x8e: {  	s6 =	sadd.s32 $0x100, s6;
	[tilespmem:s0+$0xFFFFFF90] =	vst v7;
	v6 =	vmul.f32 $8.000000000e+00, v6;
	v4 =	vld [tilespmem:s0+$0xFFFFFFF0]  }
0x8f: {  	[tilespmem:s0+$0xFFFFFFA0] =	vst v5;
	v0 =	vmul.f32 $8.000000000e+00, v0  }
0x90: {  	[tilespmem:s0+$0xFFFFFFB0] =	vst v6;
	v1 =	vmul.f32 $8.000000000e+00, v1  }
0x91: {  	[tilespmem:s0+$0xFFFFFFC0] =	vst v0;
	v0 =	vmul.f32 $8.000000000e+00, v2  }
0x92: {  	[tilespmem:s0+$0xFFFFFFD0] =	vst v1;
	v1 =	vmul.f32 $8.000000000e+00, v3  }
0x93: {  	s2 =	sadd.s32 $0x80, s14;
	[tilespmem:s0+$0xFFFFFFE0] =	vst v0;
	v0 =	vmul.f32 $8.000000000e+00, v4  }
0x94: {  	s2 =	sshrl.u32 s2, $0x3;
	[tilespmem:s0+$0x0] =	vst v1  }
0x95: {  	s6 =	sadd.s32 s4, s2;
	s2 =	simm.s32 @!p0 $0xE;
	[tilespmem:s0+$0xFFFFFFF0] =	vst v0  }
0x96: {  	[hbm4b:s6+s17] =	stream.strided.scatter [tilespmem:s11], [sflag:$0xA], $0x2000, s10, s17, $0x38;
	[tilespmem:$0x16400] =	vst v63  }
0x97: {  	s0 =	sor.u32 $0x5, s30;
	_ =	swait.ge @!p0 [sflag:s2], $0x2000  }
0x98: {  	s6 =	sshll.u32 s0, $0x7;
	[sflag:s2] =	ssyncset.done @!p0 $0x0  }
0x99: {  	s7 =	sand.u32 $0x3FFFFF80, s6;
	[sflag:s2] =	ssyncadd.s32 @!p0 $0xFFFFE000  }
0x9a: {  	[tilespmem:s20], [sflag:$0x6] =	stream.indirect.gather [hbm4b:s3+s9], $0x40, s7, s9, $0xb8;
	[tilespmem:$0x16400] =	vst v63  }
0x9b: {  	_ =	swait.ge [sflag:s21], $0x2000  }
0x9c: {  	[sflag:s21] =	ssyncset.done $0x0  }
0x9d: {  	s31 =	simm.s32 $0xA400;
	[sflag:s21] =	ssyncadd.s32 $0xFFFFE000  }
0x9e: {  	v1 =	vld [tilespmem:s31+$0xA0]  }
0x9f: {  	v2 =	vld [tilespmem:s31+$0x40]  }
0xa0: {  	v3 =	vld [tilespmem:s31+$0xE0]  }
0xa1: {  	v4 =	vld [tilespmem:s31+$0xD0]  }
0xa2: {  	v5 =	vld [tilespmem:s31+$0x20]  }
0xa3: {  	v0 =	vld [tilespmem:s31+$0x90]  }
0xa4: {  	v8 =	vld [tilespmem:s31+$0xC0]  }
0xa5: {  	v7 =	vld [tilespmem:s31+$0x10]  }
0xa6: {  	v9 =	vld [tilespmem:s31+$0x0];
	v1 =	vmul.f32 $8.000000000e+00, v1  }
0xa7: {  	v11 =	vld [tilespmem:s31+$0x50];
	v4 =	vmul.f32 $8.000000000e+00, v4  }
0xa8: {  	v10 =	vld [tilespmem:s31+$0xB0];
	v12 =	vmul.f32 $8.000000000e+00, v5;
	[tilespmem:s31+$0xA0] =	vst v1  }
0xa9: {  	v6 =	vld [tilespmem:s31+$0xF0];
	v13 =	vmul.f32 $8.000000000e+00, v8;
	[tilespmem:s31+$0xD0] =	vst v4  }
0xaa: {  	v1 =	vmul.f32 $8.000000000e+00, v2;
	v2 =	vmul.f32 $8.000000000e+00, v3;
	v3 =	vld [tilespmem:s31+$0x80];
	[tilespmem:s31+$0x20] =	vst v12  }
0xab: {  	v4 =	vld [tilespmem:s31+$0x70];
	[tilespmem:s31+$0xC0] =	vst v13  }
0xac: {  	v8 =	vmul.f32 $8.000000000e+00, v9;
	v5 =	vld [tilespmem:s31+$0x60];
	v9 =	vmul.f32 $8.000000000e+00, v11;
	[tilespmem:s31+$0x40] =	vst v1  }
0xad: {  	s6 =	simm.s32 $0xA500;
	s2 =	simm.s32 $0x0;
	[tilespmem:s31+$0xE0] =	vst v2;
	v1 =	vmul.f32 $8.000000000e+00, v7;
	v7 =	vld [tilespmem:s31+$0x30];
	v2 =	vmul.f32 $8.000000000e+00, v10  }
.LBB2_7:
0xae: {  	v10 =	vld [tilespmem:s6+$0xA0];
	s2 =	sadd.s32 $0x4, s2;
	[tilespmem:s31+$0x0] =	vst v8;
	v0 =	vmul.f32 $8.000000000e+00, v0;
	v6 =	vmul.f32 $8.000000000e+00, v6  }
0xaf: {  	v8 =	vld [tilespmem:s6+$0x40];
	p1 =	slt.u32 s2, $0x7C;
	[tilespmem:s31+$0x50] =	vst v9;
	v3 =	vmul.f32 $8.000000000e+00, v3  }
0xb0: {  	v9 =	vld [tilespmem:s6+$0xE0];
	v4 =	vmul.f32 $8.000000000e+00, v4;
	[tilespmem:s31+$0xF0] =	vst v6  }
0xb1: {  	v11 =	vld [tilespmem:s6+$0x20];
	v5 =	vmul.f32 $8.000000000e+00, v5;
	[tilespmem:s31+$0x80] =	vst v3  }
0xb2: {  	v3 =	vld [tilespmem:s6+$0xD0];
	v6 =	vmul.f32 $8.000000000e+00, v7;
	[tilespmem:s31+$0x90] =	vst v0  }
0xb3: {  	v0 =	vld [tilespmem:s6+$0x90];
	v7 =	vmul.f32 $8.000000000e+00, v10;
	[tilespmem:s31+$0x10] =	vst v1  }
0xb4: {  	v1 =	vld [tilespmem:s6+$0x10];
	[tilespmem:s31+$0x30] =	vst v6  }
0xb5: {  	v10 =	vld [tilespmem:s6+$0xC0];
	v9 =	vmul.f32 $8.000000000e+00, v9;
	[tilespmem:s31+$0xB0] =	vst v2  }
0xb6: {  	v2 =	vld [tilespmem:s6+$0x0];
	[tilespmem:s31+$0x70] =	vst v4  }
0xb7: {  	v12 =	vld [tilespmem:s6+$0xB0];
	v3 =	vmul.f32 $8.000000000e+00, v3;
	[tilespmem:s31+$0x60] =	vst v5;
	s31 =	smov.u32 s6  }
0xb8: {  	v13 =	vld [tilespmem:s6+$0x50];
	[tilespmem:s6+$0xA0] =	vst v7  }
.Ltmp4:
0xb9: {  	v4 =	vmul.f32 $8.000000000e+00, v8;
	[tilespmem:s6+$0xD0] =	vst v3;
	v6 =	vld [tilespmem:s6+$0xF0];
	(pc) =	sbr.rel @p1 .LBB2_7-.Ltmp4, $4  }
0xba: {  	v3 =	vld [tilespmem:s6+$0x80];
	v7 =	vmul.f32 $8.000000000e+00, v10;
	[tilespmem:s6+$0xE0] =	vst v9  }
0xbb: {  	v9 =	vmul.f32 $8.000000000e+00, v11;
	[tilespmem:s6+$0x40] =	vst v4;
	v4 =	vld [tilespmem:s6+$0x70]  }
0xbc: {  	v1 =	vmul.f32 $8.000000000e+00, v1;
	v8 =	vmul.f32 $8.000000000e+00, v2;
	v5 =	vld [tilespmem:s6+$0x60];
	[tilespmem:s6+$0xC0] =	vst v7  }
0xbd: {  	v2 =	vmul.f32 $8.000000000e+00, v12;
	s6 =	sadd.s32 $0x100, s6;
	[tilespmem:s31+$0x20] =	vst v9;
	v7 =	vld [tilespmem:s31+$0x30];
	v9 =	vmul.f32 $8.000000000e+00, v13  }
0xbe: {  	[tilespmem:s31+$0x0] =	vst v8  }
0xbf: {  	[tilespmem:s31+$0x10] =	vst v1  }
0xc0: {  	v6 =	vmul.f32 $8.000000000e+00, v6;
	[tilespmem:s31+$0x50] =	vst v9  }
0xc1: {  	v0 =	vmul.f32 $8.000000000e+00, v0;
	[tilespmem:s31+$0xB0] =	vst v2  }
0xc2: {  	v3 =	vmul.f32 $8.000000000e+00, v3;
	[tilespmem:s31+$0xF0] =	vst v6  }
0xc3: {  	[tilespmem:s31+$0x90] =	vst v0;
	v0 =	vmul.f32 $8.000000000e+00, v4  }
0xc4: {  	[tilespmem:s31+$0x80] =	vst v3;
	v1 =	vmul.f32 $8.000000000e+00, v5  }
0xc5: {  	s2 =	sadd.s32 $0x100, s14;
	v3 =	vmul.f32 $8.000000000e+00, v7;
	[tilespmem:s31+$0x70] =	vst v0  }
0xc6: {  	s2 =	sshrl.u32 s2, $0x3;
	[tilespmem:s31+$0x60] =	vst v1  }
0xc7: {  	s2 =	sadd.s32 s4, s2;
	[tilespmem:s31+$0x30] =	vst v3  }
0xc8: {  	[hbm4b:s2+s17] =	stream.strided.scatter [tilespmem:s13], [sflag:$0xB], $0x2000, s10, s17, $0x38;
	[tilespmem:$0x16400] =	vst v63  }
0xc9: {  	s2 =	simm.s32 @!p0 $0xF  }
0xca: {  	s31 =	sor.u32 $0x6, s30;
	_ =	swait.ge @!p0 [sflag:s2], $0x2000  }
0xcb: {  	s6 =	sshll.u32 s31, $0x7;
	[sflag:s2] =	ssyncset.done @!p0 $0x0  }
0xcc: {  	s7 =	sand.u32 $0x3FFFFF80, s6;
	[sflag:s2] =	ssyncadd.s32 @!p0 $0xFFFFE000  }
0xcd: {  	[tilespmem:s22], [sflag:$0x7] =	stream.indirect.gather [hbm4b:s3+s9], $0x40, s7, s9, $0xb8;
	[tilespmem:$0x16400] =	vst v63  }
0xce: {  	_ =	swait.ge [sflag:s23], $0x2000  }
0xcf: {  	[sflag:s23] =	ssyncset.done $0x0  }
0xd0: {  	s2 =	simm.s32 $0xC400;
	[sflag:s23] =	ssyncadd.s32 $0xFFFFE000  }
0xd1: {  	v1 =	vld [tilespmem:s2+$0xA0]  }
0xd2: {  	v2 =	vld [tilespmem:s2+$0x40]  }
0xd3: {  	v3 =	vld [tilespmem:s2+$0xE0]  }
0xd4: {  	v4 =	vld [tilespmem:s2+$0xD0]  }
0xd5: {  	v5 =	vld [tilespmem:s2+$0x20]  }
0xd6: {  	v0 =	vld [tilespmem:s2+$0x90]  }
0xd7: {  	v8 =	vld [tilespmem:s2+$0xC0]  }
0xd8: {  	v7 =	vld [tilespmem:s2+$0x10]  }
0xd9: {  	v9 =	vld [tilespmem:s2+$0x0];
	v1 =	vmul.f32 $8.000000000e+00, v1  }
0xda: {  	v11 =	vld [tilespmem:s2+$0x50];
	v4 =	vmul.f32 $8.000000000e+00, v4  }
0xdb: {  	v10 =	vld [tilespmem:s2+$0xB0];
	v12 =	vmul.f32 $8.000000000e+00, v5;
	[tilespmem:s2+$0xA0] =	vst v1  }
0xdc: {  	v6 =	vld [tilespmem:s2+$0xF0];
	v13 =	vmul.f32 $8.000000000e+00, v8;
	[tilespmem:s2+$0xD0] =	vst v4  }
0xdd: {  	v1 =	vmul.f32 $8.000000000e+00, v2;
	v2 =	vmul.f32 $8.000000000e+00, v3;
	v3 =	vld [tilespmem:s2+$0x80];
	[tilespmem:s2+$0x20] =	vst v12  }
0xde: {  	v4 =	vld [tilespmem:s2+$0x70];
	[tilespmem:s2+$0xC0] =	vst v13  }
0xdf: {  	v8 =	vmul.f32 $8.000000000e+00, v9;
	v5 =	vld [tilespmem:s2+$0x60];
	v9 =	vmul.f32 $8.000000000e+00, v11;
	[tilespmem:s2+$0x40] =	vst v1  }
0xe0: {  	s6 =	simm.s32 $0x0;
	s7 =	simm.s32 $0xC500;
	[tilespmem:s2+$0xE0] =	vst v2;
	v1 =	vmul.f32 $8.000000000e+00, v7;
	v7 =	vld [tilespmem:s2+$0x30];
	v2 =	vmul.f32 $8.000000000e+00, v10  }
.LBB2_9:
0xe1: {  	v10 =	vld [tilespmem:s7+$0xA0];
	s6 =	sadd.s32 $0x4, s6;
	[tilespmem:s2+$0x0] =	vst v8;
	v0 =	vmul.f32 $8.000000000e+00, v0;
	v6 =	vmul.f32 $8.000000000e+00, v6  }
0xe2: {  	v8 =	vld [tilespmem:s7+$0x40];
	p1 =	slt.u32 s6, $0x7C;
	[tilespmem:s2+$0x50] =	vst v9;
	v3 =	vmul.f32 $8.000000000e+00, v3  }
0xe3: {  	v9 =	vld [tilespmem:s7+$0xE0];
	v4 =	vmul.f32 $8.000000000e+00, v4;
	[tilespmem:s2+$0xF0] =	vst v6  }
0xe4: {  	v11 =	vld [tilespmem:s7+$0x20];
	v5 =	vmul.f32 $8.000000000e+00, v5;
	[tilespmem:s2+$0x80] =	vst v3  }
0xe5: {  	v3 =	vld [tilespmem:s7+$0xD0];
	v6 =	vmul.f32 $8.000000000e+00, v7;
	[tilespmem:s2+$0x90] =	vst v0  }
0xe6: {  	v0 =	vld [tilespmem:s7+$0x90];
	v7 =	vmul.f32 $8.000000000e+00, v10;
	[tilespmem:s2+$0x10] =	vst v1  }
0xe7: {  	v1 =	vld [tilespmem:s7+$0x10];
	[tilespmem:s2+$0x30] =	vst v6  }
0xe8: {  	v10 =	vld [tilespmem:s7+$0xC0];
	v9 =	vmul.f32 $8.000000000e+00, v9;
	[tilespmem:s2+$0xB0] =	vst v2  }
0xe9: {  	v2 =	vld [tilespmem:s7+$0x0];
	[tilespmem:s2+$0x70] =	vst v4  }
0xea: {  	v12 =	vld [tilespmem:s7+$0xB0];
	v3 =	vmul.f32 $8.000000000e+00, v3;
	[tilespmem:s2+$0x60] =	vst v5;
	s2 =	smov.u32 s7  }
0xeb: {  	v13 =	vld [tilespmem:s7+$0x50];
	[tilespmem:s7+$0xA0] =	vst v7  }
.Ltmp5:
0xec: {  	v4 =	vmul.f32 $8.000000000e+00, v8;
	[tilespmem:s7+$0xD0] =	vst v3;
	v6 =	vld [tilespmem:s7+$0xF0];
	(pc) =	sbr.rel @p1 .LBB2_9-.Ltmp5, $4  }
0xed: {  	v3 =	vld [tilespmem:s7+$0x80];
	v7 =	vmul.f32 $8.000000000e+00, v10;
	[tilespmem:s7+$0xE0] =	vst v9  }
0xee: {  	v9 =	vmul.f32 $8.000000000e+00, v11;
	[tilespmem:s7+$0x40] =	vst v4;
	v4 =	vld [tilespmem:s7+$0x70]  }
0xef: {  	v1 =	vmul.f32 $8.000000000e+00, v1;
	v8 =	vmul.f32 $8.000000000e+00, v2;
	v5 =	vld [tilespmem:s7+$0x60];
	[tilespmem:s7+$0xC0] =	vst v7  }
0xf0: {  	v2 =	vmul.f32 $8.000000000e+00, v12;
	s7 =	sadd.s32 $0x100, s7;
	[tilespmem:s2+$0x20] =	vst v9;
	v7 =	vld [tilespmem:s2+$0x30];
	v9 =	vmul.f32 $8.000000000e+00, v13  }
0xf1: {  	[tilespmem:s2+$0x0] =	vst v8  }
0xf2: {  	[tilespmem:s2+$0x10] =	vst v1  }
0xf3: {  	v6 =	vmul.f32 $8.000000000e+00, v6;
	[tilespmem:s2+$0x50] =	vst v9  }
0xf4: {  	v0 =	vmul.f32 $8.000000000e+00, v0;
	[tilespmem:s2+$0xB0] =	vst v2  }
0xf5: {  	v3 =	vmul.f32 $8.000000000e+00, v3;
	[tilespmem:s2+$0xF0] =	vst v6  }
0xf6: {  	[tilespmem:s2+$0x90] =	vst v0;
	v0 =	vmul.f32 $8.000000000e+00, v4  }
0xf7: {  	[tilespmem:s2+$0x80] =	vst v3;
	v1 =	vmul.f32 $8.000000000e+00, v5  }
0xf8: {  	s6 =	sadd.s32 $0x180, s14;
	v3 =	vmul.f32 $8.000000000e+00, v7;
	[tilespmem:s2+$0x70] =	vst v0  }
0xf9: {  	s6 =	sshrl.u32 s6, $0x3;
	[tilespmem:s2+$0x60] =	vst v1  }
0xfa: {  	s6 =	sadd.s32 s4, s6;
	[tilespmem:s2+$0x30] =	vst v3;
	s2 =	simm.s32 @!p0 $0x10  }
0xfb: {  	[hbm4b:s6+s17] =	stream.strided.scatter [tilespmem:s15], [sflag:$0xC], $0x2000, s10, s17, $0x38;
	[tilespmem:$0x16400] =	vst v63  }
0xfc: {  	s30 =	sor.u32 $0x7, s30;
	_ =	swait.ge @!p0 [sflag:s2], $0x2000  }
0xfd: {  	s7 =	sshll.u32 s30, $0x7;
	[sflag:s2] =	ssyncset.done @!p0 $0x0  }
0xfe: {  	s14 =	sand.u32 $0x3FFFFF80, s7;
	[sflag:s2] =	ssyncadd.s32 @!p0 $0xFFFFE000  }
0xff: {  	[tilespmem:s24], [sflag:$0x8] =	stream.indirect.gather [hbm4b:s3+s9], $0x40, s14, s9, $0xb8;
	[tilespmem:$0x16400] =	vst v63  }
0x100: {  	_ =	swait.ge [sflag:s25], $0x2000  }
0x101: {  	[sflag:s25] =	ssyncset.done $0x0  }
0x102: {  	s14 =	simm.s32 $0xE400;
	[sflag:s25] =	ssyncadd.s32 $0xFFFFE000  }
0x103: {  	v1 =	vld [tilespmem:s14+$0xA0]  }
0x104: {  	v2 =	vld [tilespmem:s14+$0x40]  }
0x105: {  	v3 =	vld [tilespmem:s14+$0xE0]  }
0x106: {  	v4 =	vld [tilespmem:s14+$0xD0]  }
0x107: {  	v7 =	vld [tilespmem:s14+$0x20]  }
0x108: {  	v0 =	vld [tilespmem:s14+$0x90]  }
0x109: {  	v8 =	vld [tilespmem:s14+$0xC0]  }
0x10a: {  	v9 =	vld [tilespmem:s14+$0x10]  }
0x10b: {  	v10 =	vld [tilespmem:s14+$0xB0];
	v1 =	vmul.f32 $8.000000000e+00, v1  }
0x10c: {  	v11 =	vld [tilespmem:s14+$0x0];
	v4 =	vmul.f32 $8.000000000e+00, v4  }
0x10d: {  	v12 =	vld [tilespmem:s14+$0x50];
	v7 =	vmul.f32 $8.000000000e+00, v7;
	[tilespmem:s14+$0xA0] =	vst v1  }
0x10e: {  	v6 =	vld [tilespmem:s14+$0xF0];
	v13 =	vmul.f32 $8.000000000e+00, v8;
	[tilespmem:s14+$0xD0] =	vst v4  }
0x10f: {  	v5 =	vld [tilespmem:s14+$0x80];
	v1 =	vmul.f32 $8.000000000e+00, v2;
	[tilespmem:s14+$0x20] =	vst v7  }
0x110: {  	v2 =	vmul.f32 $8.000000000e+00, v3;
	v3 =	vld [tilespmem:s14+$0x70];
	[tilespmem:s14+$0xC0] =	vst v13  }
0x111: {  	v8 =	vmul.f32 $8.000000000e+00, v11;
	v4 =	vld [tilespmem:s14+$0x60];
	[tilespmem:s14+$0x40] =	vst v1;
	v1 =	vmul.f32 $8.000000000e+00, v9  }
0x112: {  	s6 =	simm.s32 $0xE500;
	s2 =	simm.s32 $0x0;
	v7 =	vld [tilespmem:s14+$0x30];
	[tilespmem:s14+$0xE0] =	vst v2;
	v9 =	vmul.f32 $8.000000000e+00, v12;
	v2 =	vmul.f32 $8.000000000e+00, v10  }
.LBB2_11:
0x113: {  	v10 =	vld [tilespmem:s6+$0xA0];
	s2 =	sadd.s32 $0x4, s2;
	[tilespmem:s14+$0x0] =	vst v8;
	v0 =	vmul.f32 $8.000000000e+00, v0;
	v6 =	vmul.f32 $8.000000000e+00, v6  }
0x114: {  	v8 =	vld [tilespmem:s6+$0x40];
	p0 =	slt.u32 s2, $0x7C;
	[tilespmem:s14+$0x50] =	vst v9;
	v5 =	vmul.f32 $8.000000000e+00, v5  }
0x115: {  	v9 =	vld [tilespmem:s6+$0xE0];
	v3 =	vmul.f32 $8.000000000e+00, v3;
	[tilespmem:s14+$0xF0] =	vst v6  }
0x116: {  	v11 =	vld [tilespmem:s6+$0x20];
	v4 =	vmul.f32 $8.000000000e+00, v4;
	[tilespmem:s14+$0x80] =	vst v5  }
0x117: {  	v5 =	vld [tilespmem:s6+$0xD0];
	v6 =	vmul.f32 $8.000000000e+00, v7;
	[tilespmem:s14+$0x90] =	vst v0  }
0x118: {  	v0 =	vld [tilespmem:s6+$0x90];
	v7 =	vmul.f32 $8.000000000e+00, v10;
	[tilespmem:s14+$0x10] =	vst v1  }
0x119: {  	v1 =	vld [tilespmem:s6+$0x10];
	[tilespmem:s14+$0x30] =	vst v6  }
0x11a: {  	v10 =	vld [tilespmem:s6+$0xC0];
	v9 =	vmul.f32 $8.000000000e+00, v9;
	[tilespmem:s14+$0xB0] =	vst v2  }
0x11b: {  	v2 =	vld [tilespmem:s6+$0x0];
	[tilespmem:s14+$0x70] =	vst v3  }
0x11c: {  	v12 =	vld [tilespmem:s6+$0xB0];
	v3 =	vmul.f32 $8.000000000e+00, v5;
	[tilespmem:s14+$0x60] =	vst v4;
	s14 =	smov.u32 s6  }
0x11d: {  	v13 =	vld [tilespmem:s6+$0x50];
	[tilespmem:s6+$0xA0] =	vst v7  }
.Ltmp6:
0x11e: {  	v4 =	vmul.f32 $8.000000000e+00, v8;
	[tilespmem:s6+$0xD0] =	vst v3;
	v6 =	vld [tilespmem:s6+$0xF0];
	(pc) =	sbr.rel @p0 .LBB2_11-.Ltmp6, $4  }
0x11f: {  	v5 =	vld [tilespmem:s6+$0x80];
	v7 =	vmul.f32 $8.000000000e+00, v10;
	[tilespmem:s6+$0xE0] =	vst v9  }
0x120: {  	v9 =	vmul.f32 $8.000000000e+00, v11;
	[tilespmem:s6+$0x40] =	vst v4;
	v3 =	vld [tilespmem:s6+$0x70]  }
0x121: {  	v1 =	vmul.f32 $8.000000000e+00, v1;
	v8 =	vmul.f32 $8.000000000e+00, v2;
	v4 =	vld [tilespmem:s6+$0x60];
	[tilespmem:s6+$0xC0] =	vst v7  }
0x122: {  	v2 =	vmul.f32 $8.000000000e+00, v12;
	s6 =	sadd.s32 $0x100, s6;
	[tilespmem:s14+$0x20] =	vst v9;
	v7 =	vld [tilespmem:s14+$0x30];
	v9 =	vmul.f32 $8.000000000e+00, v13  }
0x123: {  	[tilespmem:s14+$0x0] =	vst v8  }
0x124: {  	s2 =	sadd.s32 s5, s12;
	[tilespmem:s14+$0x10] =	vst v1  }
0x125: {  	v6 =	vmul.f32 $8.000000000e+00, v6;
	[tilespmem:s14+$0x50] =	vst v9;
	s6 =	sshll.u32 s2, $0x4  }
0x126: {  	v0 =	vmul.f32 $8.000000000e+00, v0;
	[tilespmem:s14+$0xB0] =	vst v2;
	s6 =	sand.u32 $0xF80, s6  }
0x127: {  	v5 =	vmul.f32 $8.000000000e+00, v5;
	s2 =	sshll.u32 s2, $0x2;
	[tilespmem:s14+$0xF0] =	vst v6;
	s6 =	smul.u32 $0x6400, s6  }
0x128: {  	[tilespmem:s14+$0x90] =	vst v0;
	s2 =	sand.u32 $0x7FFFFC00, s2;
	v0 =	vmul.f32 $8.000000000e+00, v3  }
0x129: {  	[tilespmem:s14+$0x80] =	vst v5;
	v1 =	vmul.f32 $8.000000000e+00, v4;
	s2 =	sadd.s32 s2, s6  }
0x12a: {  	v5 =	vmul.f32 $8.000000000e+00, v7;
	[tilespmem:s14+$0x70] =	vst v0;
	s2 =	sor.u32 $0x200, s2  }
0x12b: {  	[tilespmem:s14+$0x60] =	vst v1;
	s2 =	sshrl.u32 s2, $0x3  }
0x12c: {  	p0 =	seq.s32 s8, $0x18;
	[tilespmem:s14+$0x30] =	vst v5;
	s2 =	sadd.s32 s4, s2  }
0x12d: {  	[hbm4b:s2+s17] =	stream.strided.scatter [tilespmem:s18], [sflag:$0xD], $0x2000, s10, s17, $0x38;
	[tilespmem:$0x16400] =	vst v63  }
0x12e: {  	s2 =	simm.s32 @!p0 $0x9  }
0x12f: {  	s6 =	sshll.u32 @!p0 s8, $0xA;
	_ =	swait.ge @!p0 [sflag:s2], $0x2000  }
0x130: {  	s7 =	simm.s32 @!p0 $0x6400;
	s12 =	sand.u32 @!p0 $0x3FFFFC00, s6;
	[sflag:s2] =	ssyncset.done @!p0 $0x0  }
0x131: {  	s6 =	simm.s32 @!p0 $0x80;
	[sflag:s2] =	ssyncadd.s32 @!p0 $0xFFFFE000;
	s2 =	sadd.s32 @!p0 $0x400, s12  }
0x132: {  	[tilespmem:s7], [sflag:$0x1] =	stream.indirect.gather @!p0 [hbm4b:s3+s6], $0x40, s2, s6, $0xb8;
	[tilespmem:$0x16400] =	vst v63  }
0x133: {  	_ =	swait.ge [sflag:s26], $0x2000  }
0x134: {  	[sflag:s26] =	ssyncset.done $0x0  }
0x135: {  	s14 =	simm.s32 $0x10400;
	[sflag:s26] =	ssyncadd.s32 $0xFFFFE000  }
0x136: {  	v1 =	vld [tilespmem:s14+$0xA0]  }
0x137: {  	v2 =	vld [tilespmem:s14+$0x40]  }
0x138: {  	v3 =	vld [tilespmem:s14+$0xE0]  }
0x139: {  	v4 =	vld [tilespmem:s14+$0xD0]  }
0x13a: {  	v7 =	vld [tilespmem:s14+$0x20]  }
0x13b: {  	v0 =	vld [tilespmem:s14+$0x90]  }
0x13c: {  	v8 =	vld [tilespmem:s14+$0xC0]  }
0x13d: {  	v9 =	vld [tilespmem:s14+$0x10]  }
0x13e: {  	v10 =	vld [tilespmem:s14+$0xB0];
	v1 =	vmul.f32 $8.000000000e+00, v1  }
0x13f: {  	v11 =	vld [tilespmem:s14+$0x0];
	v4 =	vmul.f32 $8.000000000e+00, v4  }
0x140: {  	v12 =	vld [tilespmem:s14+$0x50];
	v7 =	vmul.f32 $8.000000000e+00, v7;
	[tilespmem:s14+$0xA0] =	vst v1  }
0x141: {  	v6 =	vld [tilespmem:s14+$0xF0];
	v13 =	vmul.f32 $8.000000000e+00, v8;
	[tilespmem:s14+$0xD0] =	vst v4  }
0x142: {  	v5 =	vld [tilespmem:s14+$0x80];
	v1 =	vmul.f32 $8.000000000e+00, v2;
	[tilespmem:s14+$0x20] =	vst v7  }
0x143: {  	v2 =	vmul.f32 $8.000000000e+00, v3;
	v3 =	vld [tilespmem:s14+$0x70];
	[tilespmem:s14+$0xC0] =	vst v13  }
0x144: {  	v8 =	vmul.f32 $8.000000000e+00, v11;
	v4 =	vld [tilespmem:s14+$0x60];
	[tilespmem:s14+$0x40] =	vst v1;
	v1 =	vmul.f32 $8.000000000e+00, v9  }
0x145: {  	s2 =	simm.s32 $0x0;
	s6 =	simm.s32 $0x10500;
	v7 =	vld [tilespmem:s14+$0x30];
	[tilespmem:s14+$0xE0] =	vst v2;
	v9 =	vmul.f32 $8.000000000e+00, v12;
	v2 =	vmul.f32 $8.000000000e+00, v10  }
.LBB2_13:
0x146: {  	v10 =	vld [tilespmem:s6+$0xA0];
	s2 =	sadd.s32 $0x4, s2;
	[tilespmem:s14+$0x0] =	vst v8;
	v0 =	vmul.f32 $8.000000000e+00, v0;
	v6 =	vmul.f32 $8.000000000e+00, v6  }
0x147: {  	v8 =	vld [tilespmem:s6+$0x40];
	p1 =	slt.u32 s2, $0x7C;
	[tilespmem:s14+$0x50] =	vst v9;
	v5 =	vmul.f32 $8.000000000e+00, v5  }
0x148: {  	v9 =	vld [tilespmem:s6+$0xE0];
	v3 =	vmul.f32 $8.000000000e+00, v3;
	[tilespmem:s14+$0xF0] =	vst v6  }
0x149: {  	v11 =	vld [tilespmem:s6+$0x20];
	v4 =	vmul.f32 $8.000000000e+00, v4;
	[tilespmem:s14+$0x80] =	vst v5  }
0x14a: {  	v5 =	vld [tilespmem:s6+$0xD0];
	v6 =	vmul.f32 $8.000000000e+00, v7;
	[tilespmem:s14+$0x90] =	vst v0  }
0x14b: {  	v0 =	vld [tilespmem:s6+$0x90];
	v7 =	vmul.f32 $8.000000000e+00, v10;
	[tilespmem:s14+$0x10] =	vst v1  }
0x14c: {  	v1 =	vld [tilespmem:s6+$0x10];
	[tilespmem:s14+$0x30] =	vst v6  }
0x14d: {  	v10 =	vld [tilespmem:s6+$0xC0];
	v9 =	vmul.f32 $8.000000000e+00, v9;
	[tilespmem:s14+$0xB0] =	vst v2  }
0x14e: {  	v2 =	vld [tilespmem:s6+$0x0];
	[tilespmem:s14+$0x70] =	vst v3  }
0x14f: {  	v12 =	vld [tilespmem:s6+$0xB0];
	v3 =	vmul.f32 $8.000000000e+00, v5;
	[tilespmem:s14+$0x60] =	vst v4;
	s14 =	smov.u32 s6  }
0x150: {  	v13 =	vld [tilespmem:s6+$0x50];
	[tilespmem:s6+$0xA0] =	vst v7  }
.Ltmp7:
0x151: {  	v4 =	vmul.f32 $8.000000000e+00, v8;
	[tilespmem:s6+$0xD0] =	vst v3;
	v6 =	vld [tilespmem:s6+$0xF0];
	(pc) =	sbr.rel @p1 .LBB2_13-.Ltmp7, $4  }
0x152: {  	v5 =	vld [tilespmem:s6+$0x80];
	v7 =	vmul.f32 $8.000000000e+00, v10;
	[tilespmem:s6+$0xE0] =	vst v9  }
0x153: {  	v9 =	vmul.f32 $8.000000000e+00, v11;
	[tilespmem:s6+$0x40] =	vst v4;
	v3 =	vld [tilespmem:s6+$0x70]  }
0x154: {  	v1 =	vmul.f32 $8.000000000e+00, v1;
	v8 =	vmul.f32 $8.000000000e+00, v2;
	v4 =	vld [tilespmem:s6+$0x60];
	[tilespmem:s6+$0xC0] =	vst v7  }
0x155: {  	v2 =	vmul.f32 $8.000000000e+00, v12;
	s6 =	sadd.s32 $0x100, s6;
	[tilespmem:s14+$0x20] =	vst v9;
	v7 =	vld [tilespmem:s14+$0x30];
	v9 =	vmul.f32 $8.000000000e+00, v13  }
0x156: {  	[tilespmem:s14+$0x0] =	vst v8  }
0x157: {  	s0 =	sadd.s32 s5, s0;
	[tilespmem:s14+$0x10] =	vst v1  }
0x158: {  	v6 =	vmul.f32 $8.000000000e+00, v6;
	[tilespmem:s14+$0x50] =	vst v9;
	s2 =	sshll.u32 s0, $0x4  }
0x159: {  	v0 =	vmul.f32 $8.000000000e+00, v0;
	[tilespmem:s14+$0xB0] =	vst v2;
	s2 =	sand.u32 $0xF80, s2  }
0x15a: {  	v5 =	vmul.f32 $8.000000000e+00, v5;
	s0 =	sshll.u32 s0, $0x2;
	[tilespmem:s14+$0xF0] =	vst v6;
	s2 =	smul.u32 $0x6400, s2  }
0x15b: {  	[tilespmem:s14+$0x90] =	vst v0;
	s0 =	sand.u32 $0x7FFFFC00, s0;
	v0 =	vmul.f32 $8.000000000e+00, v3  }
0x15c: {  	[tilespmem:s14+$0x80] =	vst v5;
	v1 =	vmul.f32 $8.000000000e+00, v4;
	s0 =	sadd.s32 s0, s2  }
0x15d: {  	v5 =	vmul.f32 $8.000000000e+00, v7;
	[tilespmem:s14+$0x70] =	vst v0;
	s0 =	sor.u32 $0x280, s0  }
0x15e: {  	[tilespmem:s14+$0x60] =	vst v1;
	s0 =	sshrl.u32 s0, $0x3  }
0x15f: {  	[tilespmem:s14+$0x30] =	vst v5;
	s0 =	sadd.s32 s4, s0  }
0x160: {  	[hbm4b:s0+s17] =	stream.strided.scatter [tilespmem:s20], [sflag:$0xE], $0x2000, s10, s17, $0x38;
	[tilespmem:$0x16400] =	vst v63  }
0x161: {  	s0 =	simm.s32 @!p0 $0xA  }
0x162: {  	_ =	swait.ge @!p0 [sflag:s0], $0x2000  }
0x163: {  	s6 =	simm.s32 @!p0 $0x8400;
	[sflag:s0] =	ssyncset.done @!p0 $0x0  }
0x164: {  	s2 =	simm.s32 @!p0 $0x80;
	[sflag:s0] =	ssyncadd.s32 @!p0 $0xFFFFE000;
	s0 =	sadd.s32 @!p0 $0x480, s12  }
0x165: {  	[tilespmem:s6], [sflag:$0x2] =	stream.indirect.gather @!p0 [hbm4b:s3+s2], $0x40, s0, s2, $0xb8;
	[tilespmem:$0x16400] =	vst v63  }
0x166: {  	_ =	swait.ge [sflag:s28], $0x2000  }
0x167: {  	[sflag:s28] =	ssyncset.done $0x0  }
0x168: {  	s0 =	simm.s32 $0x12400;
	[sflag:s28] =	ssyncadd.s32 $0xFFFFE000  }
0x169: {  	v1 =	vld [tilespmem:s0+$0xA0]  }
0x16a: {  	v2 =	vld [tilespmem:s0+$0x40]  }
0x16b: {  	v3 =	vld [tilespmem:s0+$0xE0]  }
0x16c: {  	v4 =	vld [tilespmem:s0+$0xD0]  }
0x16d: {  	v7 =	vld [tilespmem:s0+$0x20]  }
0x16e: {  	v0 =	vld [tilespmem:s0+$0x90]  }
0x16f: {  	v8 =	vld [tilespmem:s0+$0xC0]  }
0x170: {  	v9 =	vld [tilespmem:s0+$0x10]  }
0x171: {  	v10 =	vld [tilespmem:s0+$0xB0];
	v1 =	vmul.f32 $8.000000000e+00, v1  }
0x172: {  	v11 =	vld [tilespmem:s0+$0x0];
	v4 =	vmul.f32 $8.000000000e+00, v4  }
0x173: {  	v12 =	vld [tilespmem:s0+$0x50];
	v7 =	vmul.f32 $8.000000000e+00, v7;
	[tilespmem:s0+$0xA0] =	vst v1  }
0x174: {  	v6 =	vld [tilespmem:s0+$0xF0];
	v13 =	vmul.f32 $8.000000000e+00, v8;
	[tilespmem:s0+$0xD0] =	vst v4  }
0x175: {  	v5 =	vld [tilespmem:s0+$0x80];
	v1 =	vmul.f32 $8.000000000e+00, v2;
	[tilespmem:s0+$0x20] =	vst v7  }
0x176: {  	v2 =	vmul.f32 $8.000000000e+00, v3;
	v3 =	vld [tilespmem:s0+$0x70];
	[tilespmem:s0+$0xC0] =	vst v13  }
0x177: {  	v8 =	vmul.f32 $8.000000000e+00, v11;
	v4 =	vld [tilespmem:s0+$0x60];
	[tilespmem:s0+$0x40] =	vst v1;
	v1 =	vmul.f32 $8.000000000e+00, v9  }
0x178: {  	s2 =	simm.s32 $0x0;
	s6 =	simm.s32 $0x12500;
	v7 =	vld [tilespmem:s0+$0x30];
	[tilespmem:s0+$0xE0] =	vst v2;
	v9 =	vmul.f32 $8.000000000e+00, v12;
	v2 =	vmul.f32 $8.000000000e+00, v10  }
.LBB2_15:
0x179: {  	v10 =	vld [tilespmem:s6+$0xA0];
	s2 =	sadd.s32 $0x4, s2;
	[tilespmem:s0+$0x0] =	vst v8;
	v0 =	vmul.f32 $8.000000000e+00, v0;
	v6 =	vmul.f32 $8.000000000e+00, v6  }
0x17a: {  	v8 =	vld [tilespmem:s6+$0x40];
	p1 =	slt.u32 s2, $0x7C;
	[tilespmem:s0+$0x50] =	vst v9;
	v5 =	vmul.f32 $8.000000000e+00, v5  }
0x17b: {  	v9 =	vld [tilespmem:s6+$0xE0];
	v3 =	vmul.f32 $8.000000000e+00, v3;
	[tilespmem:s0+$0xF0] =	vst v6  }
0x17c: {  	v11 =	vld [tilespmem:s6+$0x20];
	v4 =	vmul.f32 $8.000000000e+00, v4;
	[tilespmem:s0+$0x80] =	vst v5  }
0x17d: {  	v5 =	vld [tilespmem:s6+$0xD0];
	v6 =	vmul.f32 $8.000000000e+00, v7;
	[tilespmem:s0+$0x90] =	vst v0  }
0x17e: {  	v0 =	vld [tilespmem:s6+$0x90];
	v7 =	vmul.f32 $8.000000000e+00, v10;
	[tilespmem:s0+$0x10] =	vst v1  }
0x17f: {  	v1 =	vld [tilespmem:s6+$0x10];
	[tilespmem:s0+$0x30] =	vst v6  }
0x180: {  	v10 =	vld [tilespmem:s6+$0xC0];
	v9 =	vmul.f32 $8.000000000e+00, v9;
	[tilespmem:s0+$0xB0] =	vst v2  }
0x181: {  	v2 =	vld [tilespmem:s6+$0x0];
	[tilespmem:s0+$0x70] =	vst v3  }
0x182: {  	v12 =	vld [tilespmem:s6+$0xB0];
	v3 =	vmul.f32 $8.000000000e+00, v5;
	[tilespmem:s0+$0x60] =	vst v4;
	s0 =	smov.u32 s6  }
0x183: {  	v13 =	vld [tilespmem:s6+$0x50];
	[tilespmem:s6+$0xA0] =	vst v7  }
.Ltmp8:
0x184: {  	v4 =	vmul.f32 $8.000000000e+00, v8;
	[tilespmem:s6+$0xD0] =	vst v3;
	v6 =	vld [tilespmem:s6+$0xF0];
	(pc) =	sbr.rel @p1 .LBB2_15-.Ltmp8, $4  }
0x185: {  	v5 =	vld [tilespmem:s6+$0x80];
	v7 =	vmul.f32 $8.000000000e+00, v10;
	[tilespmem:s6+$0xE0] =	vst v9  }
0x186: {  	v9 =	vmul.f32 $8.000000000e+00, v11;
	[tilespmem:s6+$0x40] =	vst v4;
	v3 =	vld [tilespmem:s6+$0x70]  }
0x187: {  	v1 =	vmul.f32 $8.000000000e+00, v1;
	v8 =	vmul.f32 $8.000000000e+00, v2;
	v4 =	vld [tilespmem:s6+$0x60];
	[tilespmem:s6+$0xC0] =	vst v7  }
0x188: {  	v2 =	vmul.f32 $8.000000000e+00, v12;
	s6 =	sadd.s32 $0x100, s6;
	[tilespmem:s0+$0x20] =	vst v9;
	v7 =	vld [tilespmem:s0+$0x30];
	v9 =	vmul.f32 $8.000000000e+00, v13  }
0x189: {  	[tilespmem:s0+$0x0] =	vst v8  }
0x18a: {  	s2 =	sadd.s32 s5, s31;
	[tilespmem:s0+$0x10] =	vst v1  }
0x18b: {  	v6 =	vmul.f32 $8.000000000e+00, v6;
	[tilespmem:s0+$0x50] =	vst v9;
	s6 =	sshll.u32 s2, $0x4  }
0x18c: {  	v0 =	vmul.f32 $8.000000000e+00, v0;
	[tilespmem:s0+$0xB0] =	vst v2;
	s6 =	sand.u32 $0xF80, s6  }
0x18d: {  	v5 =	vmul.f32 $8.000000000e+00, v5;
	s2 =	sshll.u32 s2, $0x2;
	[tilespmem:s0+$0xF0] =	vst v6;
	s6 =	smul.u32 $0x6400, s6  }
0x18e: {  	[tilespmem:s0+$0x90] =	vst v0;
	s2 =	sand.u32 $0x7FFFFC00, s2;
	v0 =	vmul.f32 $8.000000000e+00, v3  }
0x18f: {  	[tilespmem:s0+$0x80] =	vst v5;
	v1 =	vmul.f32 $8.000000000e+00, v4;
	s2 =	sadd.s32 s2, s6  }
0x190: {  	v5 =	vmul.f32 $8.000000000e+00, v7;
	[tilespmem:s0+$0x70] =	vst v0;
	s2 =	sor.u32 $0x300, s2  }
0x191: {  	[tilespmem:s0+$0x60] =	vst v1;
	s2 =	sshrl.u32 s2, $0x3  }
0x192: {  	[tilespmem:s0+$0x30] =	vst v5;
	s0 =	simm.s32 @!p0 $0xB;
	s31 =	sadd.s32 s4, s2  }
0x193: {  	[hbm4b:s31+s17] =	stream.strided.scatter [tilespmem:s22], [sflag:$0xF], $0x2000, s10, s17, $0x38;
	[tilespmem:$0x16400] =	vst v63  }
0x194: {  	_ =	swait.ge @!p0 [sflag:s0], $0x2000  }
0x195: {  	s6 =	simm.s32 @!p0 $0xA400;
	[sflag:s0] =	ssyncset.done @!p0 $0x0  }
0x196: {  	s2 =	simm.s32 @!p0 $0x80;
	[sflag:s0] =	ssyncadd.s32 @!p0 $0xFFFFE000;
	s0 =	sadd.s32 @!p0 $0x500, s12  }
0x197: {  	[tilespmem:s6], [sflag:$0x3] =	stream.indirect.gather @!p0 [hbm4b:s3+s2], $0x40, s0, s2, $0xb8;
	[tilespmem:$0x16400] =	vst v63  }
0x198: {  	_ =	swait.ge [sflag:s29], $0x2000  }
0x199: {  	[sflag:s29] =	ssyncset.done $0x0  }
0x19a: {  	s0 =	simm.s32 $0x14400;
	[sflag:s29] =	ssyncadd.s32 $0xFFFFE000  }
0x19b: {  	v1 =	vld [tilespmem:s0+$0xA0]  }
0x19c: {  	v2 =	vld [tilespmem:s0+$0x40]  }
0x19d: {  	v3 =	vld [tilespmem:s0+$0xE0]  }
0x19e: {  	v4 =	vld [tilespmem:s0+$0xD0]  }
0x19f: {  	v7 =	vld [tilespmem:s0+$0x20]  }
0x1a0: {  	v0 =	vld [tilespmem:s0+$0x90]  }
0x1a1: {  	v8 =	vld [tilespmem:s0+$0xC0]  }
0x1a2: {  	v9 =	vld [tilespmem:s0+$0x10]  }
0x1a3: {  	v10 =	vld [tilespmem:s0+$0xB0];
	v1 =	vmul.f32 $8.000000000e+00, v1  }
0x1a4: {  	v11 =	vld [tilespmem:s0+$0x0];
	v4 =	vmul.f32 $8.000000000e+00, v4  }
0x1a5: {  	v12 =	vld [tilespmem:s0+$0x50];
	v7 =	vmul.f32 $8.000000000e+00, v7;
	[tilespmem:s0+$0xA0] =	vst v1  }
0x1a6: {  	v6 =	vld [tilespmem:s0+$0xF0];
	v13 =	vmul.f32 $8.000000000e+00, v8;
	[tilespmem:s0+$0xD0] =	vst v4  }
0x1a7: {  	v5 =	vld [tilespmem:s0+$0x80];
	v1 =	vmul.f32 $8.000000000e+00, v2;
	[tilespmem:s0+$0x20] =	vst v7  }
0x1a8: {  	v2 =	vmul.f32 $8.000000000e+00, v3;
	v3 =	vld [tilespmem:s0+$0x70];
	[tilespmem:s0+$0xC0] =	vst v13  }
0x1a9: {  	v8 =	vmul.f32 $8.000000000e+00, v11;
	v4 =	vld [tilespmem:s0+$0x60];
	[tilespmem:s0+$0x40] =	vst v1;
	v1 =	vmul.f32 $8.000000000e+00, v9  }
0x1aa: {  	s2 =	simm.s32 $0x0;
	s6 =	simm.s32 $0x14500;
	v7 =	vld [tilespmem:s0+$0x30];
	[tilespmem:s0+$0xE0] =	vst v2;
	v9 =	vmul.f32 $8.000000000e+00, v12;
	v2 =	vmul.f32 $8.000000000e+00, v10  }
.LBB2_17:
0x1ab: {  	v10 =	vld [tilespmem:s6+$0xA0];
	s2 =	sadd.s32 $0x4, s2;
	[tilespmem:s0+$0x0] =	vst v8;
	v0 =	vmul.f32 $8.000000000e+00, v0;
	v6 =	vmul.f32 $8.000000000e+00, v6  }
0x1ac: {  	v8 =	vld [tilespmem:s6+$0x40];
	p1 =	slt.u32 s2, $0x7C;
	[tilespmem:s0+$0x50] =	vst v9;
	v5 =	vmul.f32 $8.000000000e+00, v5  }
0x1ad: {  	v9 =	vld [tilespmem:s6+$0xE0];
	v3 =	vmul.f32 $8.000000000e+00, v3;
	[tilespmem:s0+$0xF0] =	vst v6  }
0x1ae: {  	v11 =	vld [tilespmem:s6+$0x20];
	v4 =	vmul.f32 $8.000000000e+00, v4;
	[tilespmem:s0+$0x80] =	vst v5  }
0x1af: {  	v5 =	vld [tilespmem:s6+$0xD0];
	v6 =	vmul.f32 $8.000000000e+00, v7;
	[tilespmem:s0+$0x90] =	vst v0  }
0x1b0: {  	v0 =	vld [tilespmem:s6+$0x90];
	v7 =	vmul.f32 $8.000000000e+00, v10;
	[tilespmem:s0+$0x10] =	vst v1  }
0x1b1: {  	v1 =	vld [tilespmem:s6+$0x10];
	[tilespmem:s0+$0x30] =	vst v6  }
0x1b2: {  	v10 =	vld [tilespmem:s6+$0xC0];
	v9 =	vmul.f32 $8.000000000e+00, v9;
	[tilespmem:s0+$0xB0] =	vst v2  }
0x1b3: {  	v2 =	vld [tilespmem:s6+$0x0];
	[tilespmem:s0+$0x70] =	vst v3  }
0x1b4: {  	v12 =	vld [tilespmem:s6+$0xB0];
	v3 =	vmul.f32 $8.000000000e+00, v5;
	[tilespmem:s0+$0x60] =	vst v4;
	s0 =	smov.u32 s6  }
0x1b5: {  	v13 =	vld [tilespmem:s6+$0x50];
	[tilespmem:s6+$0xA0] =	vst v7  }
.Ltmp9:
0x1b6: {  	v4 =	vmul.f32 $8.000000000e+00, v8;
	[tilespmem:s6+$0xD0] =	vst v3;
	v6 =	vld [tilespmem:s6+$0xF0];
	(pc) =	sbr.rel @p1 .LBB2_17-.Ltmp9, $4  }
0x1b7: {  	v5 =	vld [tilespmem:s6+$0x80];
	v7 =	vmul.f32 $8.000000000e+00, v10;
	[tilespmem:s6+$0xE0] =	vst v9  }
0x1b8: {  	v9 =	vmul.f32 $8.000000000e+00, v11;
	[tilespmem:s6+$0x40] =	vst v4;
	v3 =	vld [tilespmem:s6+$0x70]  }
0x1b9: {  	v1 =	vmul.f32 $8.000000000e+00, v1;
	v8 =	vmul.f32 $8.000000000e+00, v2;
	v4 =	vld [tilespmem:s6+$0x60];
	[tilespmem:s6+$0xC0] =	vst v7  }
0x1ba: {  	v2 =	vmul.f32 $8.000000000e+00, v12;
	s6 =	sadd.s32 $0x100, s6;
	[tilespmem:s0+$0x20] =	vst v9;
	v7 =	vld [tilespmem:s0+$0x30];
	v9 =	vmul.f32 $8.000000000e+00, v13  }
0x1bb: {  	[tilespmem:s0+$0x0] =	vst v8  }
0x1bc: {  	s2 =	sadd.s32 s5, s30;
	[tilespmem:s0+$0x10] =	vst v1  }
0x1bd: {  	v6 =	vmul.f32 $8.000000000e+00, v6;
	[tilespmem:s0+$0x50] =	vst v9;
	s6 =	sshll.u32 s2, $0x4  }
0x1be: {  	v0 =	vmul.f32 $8.000000000e+00, v0;
	[tilespmem:s0+$0xB0] =	vst v2;
	s6 =	sand.u32 $0xF80, s6  }
0x1bf: {  	v5 =	vmul.f32 $8.000000000e+00, v5;
	s2 =	sshll.u32 s2, $0x2;
	[tilespmem:s0+$0xF0] =	vst v6;
	s6 =	smul.u32 $0x6400, s6  }
0x1c0: {  	[tilespmem:s0+$0x90] =	vst v0;
	s2 =	sand.u32 $0x7FFFFC00, s2;
	v62 =	vmul.f32 $8.000000000e+00, v3  }
.Ltmp10:
0x1c1: {  	[tilespmem:s0+$0x80] =	vst v5;
	v63 =	vmul.f32 $8.000000000e+00, v4;
	s2 =	sadd.s32 s2, s6;
	(pc) =	sbr.rel @p0 .LBB2_20-.Ltmp10, $4  }
0x1c2: {  	v61 =	vmul.f32 $8.000000000e+00, v7;
	[tilespmem:s0+$0x70] =	vst v62;
	s2 =	sor.u32 $0x380, s2  }
0x1c3: {  	[tilespmem:s0+$0x60] =	vst v63;
	s2 =	sshrl.u32 s2, $0x3  }
0x1c4: {  	[tilespmem:s0+$0x30] =	vst v61;
	s31 =	sadd.s32 s4, s2  }
0x1c5: {  	[hbm4b:s31+s17] =	stream.strided.scatter [tilespmem:s24], [sflag:$0x10], $0x2000, s10, s17, $0x38;
	[tilespmem:$0x16400] =	vst v63  }
.Ltmp11:
0x1c6: {  	(pc) =	sbr.rel .LBB2_2-.Ltmp11, $4  }
0x1c7: {  	_ =	swait.ge [sflag:s1], $0x2000;
	s0 =	sshll.u32 s8, $0xA  }
0x1c8: {  	[sflag:s1] =	ssyncset.done $0x0;
	s0 =	sand.u32 $0x3FFFFC00, s0  }
0x1c9: {  	s8 =	sadd.s32 $0x1, s8;
	[sflag:s1] =	ssyncadd.s32 $0xFFFFE000;
	s0 =	sadd.s32 $0x580, s0  }
0x1ca: {  	[tilespmem:s15], [sflag:$0x4] =	stream.indirect.gather [hbm4b:s3+s9], $0x40, s0, s9, $0xb8;
	[tilespmem:$0x16400] =	vst v63  }
.LBB2_21:
0x1cb: {  	_ =	sfence.sel $0x180000  }
0x1cc: {  	[bflag:$0x0] =	sbarrier.arrive $0xFFFF  }
0x1cd: {  	_ =	strace $0x90000047  }
0x1ce: {  	s0 =	stileid.u32;
	[bflag:$0x2] =	sbarrier.arrive $0xFFFF  }
0x1cf: {  	p0 =	sne.s32 s0, $0x0;
	s0 =	rddreg [dreg:$0x2]  }
0x1d0: {  	s0 =	sadd.s32 @!p0 $0x100000, s0  }
0x1d1: {  	[sflag:s0] =	ssyncadd.tile.s32 @!p0 $0x1;
	_ =	shalt  }
.Lfunc_end2:
_tile_overlayer_lowered:
.L_overlay_start_2:
0x1d2: {  	(tag) =	ssettag $0x2  }
0x1d3: {  	s0 =	rddreg [dreg:$0x0];
	s2 =	stileid.u32  }
0x1d4: {  	s1 =	rddreg [dreg:$0x1];
	p0 =	sne.s32 s2, $0x0  }
0x1d5: {  	s3 =	rddreg [dreg:$0x2];
	[bflag:$0x3] =	sbarrier.arrive $0xFFFF;
	s2 =	simm.s32 @!p0 $0x1C11  }
0x1d6: {  	[timem:s3], [sflag:s2] =	dma.local @!p0 [hbm:s0], s1  }
0x1d7: {  	s0 =	simm.s32 @!p0 $0x11  }
0x1d8: {  	_ =	swait.ge @!p0 [sflag:s0], s1  }
0x1d9: {  	s1 =	ssub.s32 @!p0 $0x0, s1;
	[sflag:s0] =	ssyncset.done @!p0 $0x0  }
0x1da: {  	[sflag:s0] =	ssyncadd.s32 @!p0 s1  }
0x1db: {  	[bflag:$0x3] =	sbarrier.arrive $0xFFFF  }
0x1dc: {  	_ =	shalt  }

// kernel: sparse-core-data-format-call.cloned.1.call-start
scs
called_computation_lowered:
.L_overlay_start_0:
0x0: {  	s2 =	sld [smem:$0x3FD9]  }
0x1: {  	s3 =	sld [smem:$0x3FFE];
	_ =	sdelay $0x1  }
0x2: {  	s1 =	srdreg.scid  }
0x3: {  	s0 =	sand.u32 $0x1, s1  }
0x4: {  	s18 =	sshll.u32 s0, $0xA;
	s2 =	sadd.s32 s3, s2  }
0x5: {  	s2 =	sadd.s32 s2, s18  }
0x6: {  	[smem:$0x3FC6] =	sst s2  }
0x7: {  	_ = 	snop  }
0x8: {  	s2 =	sld [smem:$0x3FD0];
	(tm) =	ssettm $0x1  }
0x9: {  	s19 =	sld [smem:$0x3FFB];
	_ =	sdelay $0x3  }
0xa: {  	_ =	strace s19  }
0xb: {  	s3 =	sld [smem:$0x3FFC];
	_ =	sdelay $0x3  }
0xc: {  	_ =	strace s3  }
0xd: {  	s3 =	sld [smem:$0x3FFD];
	_ =	sdelay $0x3  }
0xe: {  	_ =	strace s3  }
0xf: {  	_ =	strace $0x8FFFFFFF  }
0x10: {  	s20 =	sld [smem:$0x3FDB];
	_ =	sdelay $0x1  }
0x11: {  	s4 =	simm.s32 $_scs_section_size  }
0x12: {  	s5 =	simm.s32 $_size__tile_overlayer_lowered;
	s6 =	simm.s32 $_tile_overlayer_lowered  }
0x13: {  	s23 =	simm.s32 $0x1BFF;
	s22 =	sshll.u32 s6, $0x1;
	s3 =	sadd.s32 s4, s20  }
0x14: {  	s7 =	simm.s32 $0x0;
	s21 =	sshll.u32 s5, $0x1;
	s5 =	sadd.s32 s22, s3  }
0x15: {  	[timem:s7], [sflag:s23] =	dma.local [hbm:s5], s21  }
0x16: {  	_ =	swait.ge [sflag:s23], s21  }
0x17: {  	s4 =	ssub.s32 $0x0, s21;
	[sflag:s23] =	ssyncset.done $0x0  }
0x18: {  	[sflag:s23] =	ssyncadd.s32 s4;
	_ =	sdelay $0x1  }
0x19: {  	s24 =	simm.s32 $0x1B8B  }
0x1a: {  	_ =	swait.ge [sflag:s24], $0x1  }
0x1b: {  	[sflag:s24] =	ssyncset.done $0x0  }
0x1c: {  	s26 =	simm.s32 $0x1B8E;
	s25 =	sld [smem:$0x3FFE];
	[sflag:s24] =	ssyncadd.s32 $0xFFFFFFFF  }
0x1d: {  	s27 =	simm.s32 $execute0_lowered;
	[smem:$0x3FD2] =	sst s26  }
0x1e: {  	s5 =	sshll.u32 s27, $0x1;
	_ =	strace $0x80000049;
	[dreg:$0x1] =	wrdreg $0xFFFFFFFF  }
0x1f: {  	s28 =	simm.s32 $_size_execute0_lowered;
	s3 =	sadd.s32 s3, s5;
	[dreg:$0x0] =	wrdreg $0x0  }
0x20: {  	s5 =	sshll.u32 s28, $0x1;
	[dreg:$0x2] =	wrdreg s3  }
0x21: {  	[dreg:$0x3] =	wrdreg s5  }
0x22: {  	[dreg:$0x4] =	wrdreg $0xC0  }
0x23: {  	_ =	task [dreg:s7], $0x5FFFF  }
0x24: {  	[dreg:$0x1] =	wrdreg $0xFFFFFFFF  }
0x25: {  	[dreg:$0x0] =	wrdreg $0x60  }
0x26: {  	[dreg:$0x2] =	wrdreg s25  }
0x27: {  	[dreg:$0x3] =	wrdreg s2  }
0x28: {  	[dreg:$0x4] =	wrdreg $0x9  }
0x29: {  	_ =	task.clear_ibuf [dreg:s7], $0x5FFFF;
	_ =	strace $0x90000049  }
0x2a: {  	s29 =	simm.s32 $0x9;
	_ =	strace $0x8000004B  }
0x2b: {  	_ =	swait.ge [sflag:s29], $0x1  }
0x2c: {  	[sflag:s29] =	ssyncadd.s32 $0xFFFFFFFF  }
0x2d: {  	_ =	strace $0x9000004B  }
0x2e: {  	_ =	sfence  }
0x2f: {  	s30 =	sld [smem:$0x0];
	_ =	sdelay $0x2  }
0x30: {  	s31 =	sshll.u32 s1, $0xD;
	s1 =	sshrl.u32 s1, $0x2  }
0x31: {  	s3 =	sand.u32 $0x4000, s31;
	s1 =	sadd.s32 s1, s30  }
0x32: {  	s0 =	sor.u32 s3, s0;
	s1 =	sshll.u32 s1, $0x11  }
0x33: {  	s0 =	sor.u32 s1, s0  }
0x34: {  	s0 =	sadd.s32 $0x8F2B, s0  }
0x35: {  	[sflag:s0] =	ssyncadd.remote.s32 $0x1  }
0x36: {  	_ =	sfence.sel $0xFFFF  }
0x37: {  	[dreg:$0x0] =	wrdreg $0xFFFFFFFF;
	(pc) =	sbr.abs _section_cstart, $3  }
0x38: {  	[dreg:$0x1] =	wrdreg $0xFFFFFFFF  }
0x39: {  	_ =	task.clear_ibuf [dreg:s7], $0x2FFFF;
	_ =	strace $0x9FFFFFFF  }
0x3a: {  	(tm) =	ssettm $0x7FFFFFFF  }
0x3b: {  	_ =	shalt  }
tec
execute0_lowered:
.L_overlay_start_1:
0x0: {  	(tag) =	ssettag $0x1  }
0x1: {  	s0 =	srdreg.scid  }
0x2: {  	s1 =	sshll.u32 s0, $0x4  }
0x3: {  	s0 =	stileid.u32;
	s1 =	sand.u32 $0x10, s1  }
0x4: {  	s1 =	sor.u32 s0, s1  }
0x5: {  	s6 =	rddreg [dreg:$0x0];
	s4 =	simm.s32 $0x1;
	s2 =	sshll.u32 s1, $0x7  }
0x6: {  	s7 =	simm.s32 $0x2;
	s12 =	simm.s32 $0x0;
	s1 =	ssub.s32 $0x1000, s2  }
0x7: {  	s8 =	simm.s32 $0x8000;
	s13 =	simm.s32 $0x0;
	s3 =	sand.u32 $0xF80, s1  }
0x8: {  	s9 =	simm.s32 $0x0;
	s5 =	sshrl.u32 s1, $0xC;
	p0 =	sne.s32 s3, $0x0  }
.Ltmp0:
0x9: {  	s1 =	rddreg [dreg:$0x2];
	s4 =	simm.s32 @!p0 $0x0;
	(pc) =	sbr.rel .LBB1_1-.Ltmp0, $4  }
0xa: {  	s11 =	simm.s32 $0x0;
	s3 =	rddreg [dreg:$0x1];
	s5 =	sadd.s32 s4, s5  }
0xb: {  	_ =	strace $0x8000004A;
	s4 =	simm.s32 $0x1;
	s5 =	smul.u32 $0xC8, s5  }
0xc: {  	s6 =	sadd.s32 $0x800, s6;
	s10 =	smov.u32 s2;
	[sflag:s4] =	ssyncpa.u1 $0x0  }
0xd: {  	p0 =	por $0x0, $0x0;
	[sflag:s7] =	ssyncpa.u1 $0x0;
	s7 =	sor.u32 $0x1, s5  }
.LBB1_4:
0xe: {  	s16 =	sshll.u32 s13, $0x3;
	s17 =	sand.u32 $0x78, s13  }
0xf: {  	s30 =	sand.u32 $0x7E00, s13;
	s12 =	sshll.u32 s12, $0xF;
	s16 =	sand.u32 $0xC00, s16  }
0x10: {  	[tilespmem:s15+$0x810 ss:$0x81] =	vst.msk $0xffff, v2;
	s31 =	sand.u32 $0x7, s13;
	s16 =	sor.u32 s17, s16;
	s17 =	sadd.s32 s3, s30  }
0x11: {  	[tilespmem:s15+$0x1020 ss:$0x81] =	vst.msk $0xffff, v0;
	s13 =	sshll.u32 s31, $0x12;
	s12 =	sadd.s32 s12, s17;
	s16 =	sshrl.u32 s16, $0x3  }
0x12: {  	[tilespmem:s15+$0x0 ss:$0x81] =	vst.msk $0xffff, v1;
	s13 =	sor.u32 $0x400, s13;
	s12 =	sadd.s32 s16, s12  }
0x13: {  	[hbm4b:s12+s13] =	stream.strided.scatter [tilespmem:s14], [sflag:$0x2], $0x2000, s8, s13, $0x20;
	[tilespmem:$0x8080] =	vst v63  }
.LBB1_5:
0x14: {  	s14 =	sadd.s32 $0x1, s9  }
0x15: {  	s12 =	sadd.s32 $0x1000, s10;
	s16 =	smov.u32 s10;
	p2 =	sgt.s32 s14, $0xC7  }
0x16: {  	s16 =	smov.u32 @p2 s12  }
0x17: {  	s14 =	simm.s32 @p2 $0x0;
	p2 =	sgt.s32 s16, $0xFFF  }
0x18: {  	s16 =	smov.u32 @p2 s2;
	p2 =	sne.s32 s11, s7  }
.Ltmp1:
0x19: {  	p1 =	slt.u32 s11, $0x2;
	(pc) =	sbr.rel @!p2 .LBB1_6-.Ltmp1, $4  }
0x1a: {  	s15 =	simm.s32 @!p1 $0x2  }
0x1b: {  	s13 =	smov.u32 s10;
	p0 =	por !p0, !p0;
	_ =	swait.ge @!p1 [sflag:s15], $0x2000  }
0x1c: {  	s12 =	smov.u32 s9;
	[sflag:s15] =	ssyncset.done @!p1 $0x0;
	s9 =	smov.u32 s14  }
0x1d: {  	s11 =	sadd.s32 $0x1, s11;
	[sflag:s15] =	ssyncadd.s32 @!p1 $0xFFFFE000;
	s10 =	smov.u32 s16  }
.LBB1_1:
0x1e: {  	p1 =	sge.u32 s11, s5  }
0x1f: {  	s14 =	sand.u32 @!p1 $0x1FFFFFF, s9  }
0x20: {  	s15 =	smulhi.u32 @!p1 $0x147AE15, s14;
	_ =	sdelay $0x1  }
0x21: {  	s15 =	smul.u32 @!p1 $0xC8, s15  }
0x22: {  	s16 =	sxor.u32 @!p1 $0xFFFFFFFF, s11;
	s17 =	smul.u32 @!p1 $0xC80, s10  }
0x23: {  	s31 =	sadd.s32 $0xFFFFFFFF, s11;
	s16 =	sshll.u32 @!p1 s16, $0xD;
	s14 =	ssub.s32 @!p1 s14, s15  }
0x24: {  	s15 =	sand.u32 @!p1 $0x2000, s16;
	s16 =	sadd.s32 @!p1 s6, s17;
	s14 =	sshll.u32 @!p1 s14, $0x4  }
0x25: {  	s17 =	simm.s32 @!p1 $0x6400;
	s14 =	sadd.s32 @!p1 s14, s16;
	s16 =	simm.s32 @!p1 $0x40  }
0x26: {  	[tilespmem:s15], [sflag:$0x1] =	stream.strided.gather @!p1 [hbm4b:s14+s16], $0x2000, s17, s16, $0x38;
	[tilespmem:$0x8080] =	vst v63  }
0x27: {  	p1 =	sge.u32 s31, s5  }
.Ltmp2:
0x28: {  	_ = 	snop;
	(pc) =	sbr.rel @p1 .LBB1_5-.Ltmp2, $1  }
0x29: {  	_ =	sdelay $0x3  }
0x2a: {  	s14 =	simm.s32 $0x1  }
0x2b: {  	_ =	swait.ge [sflag:s4], $0x2000;
	s14 =	simm.s32 @!p0 $0x0  }
0x2c: {  	[sflag:s4] =	ssyncset.done $0x0;
	s15 =	sshll.u32 s14, $0xD  }
0x2d: {  	[sflag:s4] =	ssyncadd.s32 $0xFFFFE000;
	s18 =	sor.u32 $0x20, s15  }
0x2e: {  	s14 =	smul.u32 $0x8100, s14;
	v3 =	vld [tilespmem:s18+$0x10]  }
0x2f: {  	s30 =	sand.u32 $0x1, s11;
	v2 =	vld [tilespmem:s18+$0xFFFFFFF0]  }
0x30: {  	s15 =	smul.u32 $0x8100, s30;
	s14 =	sshrl.u32 s14, $0x2;
	v0 =	vld [tilespmem:s18+$0x0]  }
0x31: {  	v1 =	vld [tilespmem:s18+$0xFFFFFFE0];
	s16 =	sor.u32 $0x4000, s14  }
0x32: {  	s31 =	sshrl.u32 s15, $0x2;
	s15 =	sadd.s32 $0x0, s16  }
0x33: {  	s17 =	simm.s32 $0x4;
	s18 =	sadd.s32 $0x40, s18;
	s14 =	sor.u32 $0x4000, s31;
	[tilespmem:s15+$0x1830 ss:$0x81] =	vst.msk $0xffff, v3  }
.LBB1_3:
0x34: {  	v3 =	vld [tilespmem:s18+$0x10];
	p1 =	sne.s32 s17, $0x1FC;
	[tilespmem:s15+$0x810 ss:$0x81] =	vst.msk $0xffff, v2;
	s19 =	smov.u32 s17;
	s17 =	sadd.s32 $0x4, s17  }
.Ltmp3:
0x35: {  	v2 =	vld [tilespmem:s18+$0xFFFFFFF0];
	[tilespmem:s15+$0x1020 ss:$0x81] =	vst.msk $0xffff, v0;
	(pc) =	sbr.rel @p1 .LBB1_3-.Ltmp3, $4  }
0x36: {  	v0 =	vld [tilespmem:s18+$0x0];
	[tilespmem:s15+$0x0 ss:$0x81] =	vst.msk $0xffff, v1  }
0x37: {  	s15 =	sshra.s32 s19, $0x2;
	v1 =	vld [tilespmem:s18+$0xFFFFFFE0]  }
0x38: {  	s15 =	sadd.s32 s15, s16  }
0x39: {  	s18 =	sadd.s32 $0x40, s18;
	[tilespmem:s15+$0x1830 ss:$0x81] =	vst.msk $0xffff, v3  }
.Ltmp4:
0x3a: {  	_ = 	snop;
	(pc) =	sbr.rel .LBB1_4-.Ltmp4, $1  }
0x3b: {  	_ =	sdelay $0x3  }
.LBB1_6:
0x3c: {  	_ =	sfence.sel $0x180000  }
0x3d: {  	s2 =	simm.s32 $0x1;
	[bflag:$0x0] =	sbarrier.arrive $0xFFFF  }
0x3e: {  	s31 =	simm.s32 $0x2;
	[sflag:s2] =	ssyncpa.u1 $0x1  }
0x3f: {  	[sflag:s31] =	ssyncpa.u1 $0x1  }
0x40: {  	p0 =	sne.s32 s0, $0x0;
	_ =	strace $0x9000004A  }
0x41: {  	s0 =	sadd.s32 @!p0 $0x100000, s1;
	[bflag:$0x2] =	sbarrier.arrive $0xFFFF  }
0x42: {  	[sflag:s0] =	ssyncadd.tile.s32 @!p0 $0x1;
	_ =	shalt  }
.Lfunc_end1:
_tile_overlayer_lowered:
.L_overlay_start_2:
0x43: {  	(tag) =	ssettag $0x2  }
0x44: {  	s0 =	rddreg [dreg:$0x0];
	s2 =	stileid.u32  }
0x45: {  	s1 =	rddreg [dreg:$0x1];
	p0 =	sne.s32 s2, $0x0  }
0x46: {  	s3 =	rddreg [dreg:$0x2];
	[bflag:$0x3] =	sbarrier.arrive $0xFFFF;
	s2 =	simm.s32 @!p0 $0x1C01  }
0x47: {  	[timem:s3], [sflag:s2] =	dma.local @!p0 [hbm:s0], s1  }
0x48: {  	s0 =	simm.s32 @!p0 $0x1  }
0x49: {  	_ =	swait.ge @!p0 [sflag:s0], s1  }
0x4a: {  	s1 =	ssub.s32 @!p0 $0x0, s1;
	[sflag:s0] =	ssyncset.done @!p0 $0x0  }
0x4b: {  	[sflag:s0] =	ssyncadd.s32 @!p0 s1  }
0x4c: {  	[bflag:$0x3] =	sbarrier.arrive $0xFFFF  }
0x4d: {  	_ =	shalt  }

</sc_bundles>
